<compile_context>
chip_gen: v7x
topology: tpu7x:2x2x1
jax: 0.10.2.dev20260603
libtpu: 0.0.44.dev20260713+nightly
codegen_flags: <defaults>
</compile_context>

<pallas_src>
import functools

import jax
import jax.numpy as jnp
from jax import lax
from jax.experimental import pallas as pl
from jax.experimental.pallas import tpu as pltpu
from jax.experimental.pallas import tpu_sc as plsc

_PHI_LO = 8.5e-8
_PHI_HI = 16.635532

_NW = 32
_CHUNK = 64

_SC_MESH = plsc.VectorSubcoreMesh(core_axis_name="c", subcore_axis_name="s")


def _sc_gather(table, idx, e_pad, b):
    rows_pw = e_pad // _NW
    nchunk = rows_pw // _CHUNK

    @functools.partial(
        pl.kernel,
        mesh=_SC_MESH,
        out_type=jax.ShapeDtypeStruct((e_pad, b), jnp.float32),
        scratch_types=[
            pltpu.VMEM((rows_pw,), jnp.int32),
            pltpu.VMEM((_CHUNK, b), jnp.float32),
            pltpu.SemaphoreType.DMA,
        ],
    )
    def k(table_hbm, idx_hbm, out_hbm, idx_v, rows0, sem0):
        wid = lax.axis_index("s") * 2 + lax.axis_index("c")
        base = wid * rows_pw
        pltpu.sync_copy(idx_hbm.at[pl.ds(base, rows_pw)], idx_v)

        def start(i, buf, sem):
            return pltpu.async_copy(
                table_hbm.at[idx_v.at[pl.ds(i * _CHUNK, _CHUNK)]], buf, sem
            )

        def out(i, buf):
            pltpu.sync_copy(buf, out_hbm.at[pl.ds(base + i * _CHUNK, _CHUNK)])

        @pl.loop(0, nchunk)
        def _(i):
            start(i, rows0, sem0).wait()
            out(i, rows0)

    return k(table, idx)


_RCHUNK = 8


def _init_body(scale_ref, w_ref, w3_ref, llr_ref, msg_ref):
    scale = scale_ref[0, 0]
    nsteps = w_ref.shape[0] // _RCHUNK

    def step(i, _):
        sl = pl.ds(i * _RCHUNK, _RCHUNK)
        llr = scale * (1.0 + w_ref[sl, :])
        llr_ref[sl, :] = llr
        msg_ref[:, sl, :] = w3_ref[:, sl, :] * llr[None, :, :]
        return 0

    lax.fori_loop(0, nsteps, step, 0, unroll=False)


def _cn_body(x_ref, o_ref):
    nsteps = x_ref.shape[1] // _RCHUNK

    def step(i, _):
        sl = pl.ds(i * _RCHUNK, _RCHUNK)
        x = x_ref[:, sl, :]
        t = jnp.tanh(jnp.clip(jnp.abs(x), _PHI_LO, _PHI_HI) * 0.5)
        p = ((t[0:1] * t[1:2]) * (t[2:3] * t[3:4])) * (t[4:5] * t[5:6])
        num = t + p
        den = jnp.maximum(t - p, _PHI_LO * t)
        ext = jnp.log(num / den)
        sgn = jnp.where(x < 0.0, -1.0, 1.0)
        stot = ((sgn[0:1] * sgn[1:2]) * (sgn[2:3] * sgn[3:4])) * (
            sgn[4:5] * sgn[5:6]
        )
        o_ref[:, sl, :] = stot * sgn * ext
        return 0

    lax.fori_loop(0, nsteps, step, 0, unroll=False)


def _vn_body(t_ref, llr_ref, w3_ref, msg_ref, loss_ref):
    nsteps = llr_ref.shape[0] // _RCHUNK

    def step(i, acc):
        sl = pl.ds(i * _RCHUNK, _RCHUNK)
        t = t_ref[:, sl, :]
        llr_tot = llr_ref[sl, :] + ((t[0] + t[1]) + t[2])
        mlt = -llr_tot
        sp = jnp.maximum(mlt, 0.0) + jnp.log1p(jnp.exp(-jnp.abs(mlt)))
        msg_ref[:, sl, :] = w3_ref[:, sl, :] * (llr_tot[None, :, :] - t)
        return acc + sp

    acc0 = jnp.zeros((_RCHUNK, llr_ref.shape[1]), jnp.float32)
    acc = lax.fori_loop(0, nsteps, step, acc0, unroll=False)

    @pl.when(pl.program_id(0) == 0)
    def _():
        loss_ref[0, 0] = 0.0

    loss_ref[0, 0] += jnp.sum(acc)


def _vn_last_body(t_ref, llr_ref, chat_ref, loss_ref):
    nsteps = llr_ref.shape[0] // _RCHUNK

    def step(i, acc):
        sl = pl.ds(i * _RCHUNK, _RCHUNK)
        t = t_ref[:, sl, :]
        llr_tot = llr_ref[sl, :] + ((t[0] + t[1]) + t[2])
        mlt = -llr_tot
        sp = jnp.maximum(mlt, 0.0) + jnp.log1p(jnp.exp(-jnp.abs(mlt)))
        chat_ref[sl, :] = mlt
        return acc + sp

    acc0 = jnp.zeros((_RCHUNK, llr_ref.shape[1]), jnp.float32)
    acc = lax.fori_loop(0, nsteps, step, acc0, unroll=False)

    @pl.when(pl.program_id(0) == 0)
    def _():
        loss_ref[0, 0] = 0.0

    loss_ref[0, 0] += jnp.sum(acc)


def kernel(w_re, w_im, edge_weights, ebno_db, edge_vn, edge_cn):
    del w_im
    b, n = w_re.shape
    e = edge_vn.shape[0]
    m = e // 6
    align = _NW * _CHUNK * 3
    e_pad = -(-e // align) * align
    n_pad = e_pad // 3
    m_pad = e_pad // 6

    f32 = jnp.float32
    coderate = 1.0 - (m / n)
    scale = (4.0 * 2.0 * coderate) * (10.0 ** (ebno_db.astype(f32) / 10.0))
    scale = jnp.reshape(scale.astype(f32), (1, 1))

    ecn = edge_cn.astype(jnp.int32)
    k_sorted = jnp.argsort(ecn, stable=True).astype(jnp.int32)
    src_vn = (k_sorted % 3) * n_pad + (k_sorted // 3)
    cn_core = src_vn.reshape(m, 6).T
    cn_pad = jnp.arange(6 * (m_pad - m), dtype=jnp.int32) % n
    cn_idx = jnp.concatenate([cn_core, cn_pad.reshape(6, m_pad - m)], axis=1)
    cn_idx = cn_idx.reshape(e_pad)
    inv = jnp.argsort(k_sorted, stable=True).astype(jnp.int32)
    src_cn = (inv % 6) * m_pad + (inv // 6)
    vn_core = src_cn.reshape(n, 3).T
    vn_pad = jnp.arange(3 * (n_pad - n), dtype=jnp.int32) % m
    vn_idx = jnp.concatenate([vn_core, vn_pad.reshape(3, n_pad - n)], axis=1)
    vn_idx = vn_idx.reshape(e_pad)

    w3 = edge_weights.astype(f32).reshape(n, 3).T[:, :, None]
    w_t = w_re.astype(f32).T

    rn = 400
    rm = 200
    grid_n = n // rn
    grid_m = m // rm

    nsplit = 1
    bh = b // nsplit

    init_call = pl.pallas_call(
        _init_body,
        grid=(grid_n,),
        in_specs=[
            pl.BlockSpec(memory_space=pltpu.SMEM),
            pl.BlockSpec((rn, bh), lambda g: (g, 0)),
            pl.BlockSpec((3, rn, 1), lambda g: (0, g, 0)),
        ],
        out_specs=[
            pl.BlockSpec((rn, bh), lambda g: (g, 0)),
            pl.BlockSpec((3, rn, bh), lambda g: (0, g, 0)),
        ],
        out_shape=[
            jax.ShapeDtypeStruct((n, bh), f32),
            jax.ShapeDtypeStruct((3, n_pad, bh), f32),
        ],
    )

    cn_call = pl.pallas_call(
        _cn_body,
        grid=(grid_m,),
        in_specs=[pl.BlockSpec((6, rm, bh), lambda g: (0, g, 0))],
        out_specs=pl.BlockSpec((6, rm, bh), lambda g: (0, g, 0)),
        out_shape=jax.ShapeDtypeStruct((6, m_pad, bh), f32),
    )

    vn_call = pl.pallas_call(
        _vn_body,
        grid=(grid_n,),
        in_specs=[
            pl.BlockSpec((3, rn, bh), lambda g: (0, g, 0)),
            pl.BlockSpec((rn, bh), lambda g: (g, 0)),
            pl.BlockSpec((3, rn, 1), lambda g: (0, g, 0)),
        ],
        out_specs=[
            pl.BlockSpec((3, rn, bh), lambda g: (0, g, 0)),
            pl.BlockSpec(memory_space=pltpu.SMEM),
        ],
        out_shape=[
            jax.ShapeDtypeStruct((3, n_pad, bh), f32),
            jax.ShapeDtypeStruct((1, 1), f32),
        ],
    )

    vn_last_call = pl.pallas_call(
        _vn_last_body,
        grid=(grid_n,),
        in_specs=[
            pl.BlockSpec((3, rn, bh), lambda g: (0, g, 0)),
            pl.BlockSpec((rn, bh), lambda g: (g, 0)),
        ],
        out_specs=[
            pl.BlockSpec((rn, bh), lambda g: (g, 0)),
            pl.BlockSpec(memory_space=pltpu.SMEM),
        ],
        out_shape=[
            jax.ShapeDtypeStruct((n, bh), f32),
            jax.ShapeDtypeStruct((1, 1), f32),
        ],
    )

    num_iter = 5
    halves = range(nsplit)
    llr_t = [None] * nsplit
    msg = [None] * nsplit
    for h in halves:
        llr_t[h], msg[h] = init_call(scale, w_t[:, h * bh : (h + 1) * bh], w3)

    loss = jnp.zeros((), f32)
    chat_t = [None] * nsplit
    for it in range(num_iter):
        msg_cs = [
            _sc_gather(msg[h].reshape(e_pad, bh), cn_idx, e_pad, bh) for h in halves
        ]
        mcn = [cn_call(msg_cs[h].reshape(6, m_pad, bh)) for h in halves]
        t = [
            _sc_gather(mcn[h].reshape(e_pad, bh), vn_idx, e_pad, bh) for h in halves
        ]
        for h in halves:
            if it < num_iter - 1:
                msg[h], lp = vn_call(t[h].reshape(3, n_pad, bh), llr_t[h], w3)
            else:
                chat_t[h], lp = vn_last_call(t[h].reshape(3, n_pad, bh), llr_t[h])
            loss = loss + lp[0, 0]

    loss = loss / (num_iter * b * n)
    c = jnp.zeros((b, n), f32)
    c_hat = jnp.concatenate([ch.T for ch in chat_t], axis=0)
    return (c, c_hat, loss)

# --- scband reference (transcript-rebuilt; emitter-appended) ---
"""Pipeline reference for scband-weighted-bp-31997506355358 (READ-ONLY COPY).

The authoritative reference and input builder live on the scoring server;
editing this copy changes nothing except your own understanding.
"""

import jax, jax.numpy as jnp
import numpy as np

# Regular (3,6) LDPC code: n=10000 variable nodes, m=5000 check nodes, E=30000 Tanner-graph edges
N_VN = 10000
N_CN = 5000
VN_DEG = 3
CN_DEG = 6
N_EDGES = N_VN * VN_DEG  # 30000
BATCH = 1024
NUM_ITER = 5
NUM_BITS_PER_SYMBOL = 2
CODERATE = 1.0 - N_CN / N_VN  # 0.5
EBNO_DB = 1.0


def ebnodb2no(ebno_db):
    return 1.0 / (10.0 ** (ebno_db / 10.0) * NUM_BITS_PER_SYMBOL * CODERATE)


def _phi(x):
    # numerically stable boxplus kernel phi(x) = -log(tanh(x/2)) (self-inverse)
    x = jnp.clip(x, 8.5e-8, 16.635532)
    return -jnp.log(jnp.tanh(x / 2.0))


def setup_inputs(seed: int = 0) -> dict:
    key = jax.random.key(seed)
    k1, k2 = jax.random.split(key, 2)
    # Deterministic regular (3,6) Tanner graph (permutation construction, seed 0)
    rng = np.random.RandomState(0)
    edge_vn = jnp.asarray(np.repeat(np.arange(N_VN, dtype=np.int64), VN_DEG))
    edge_cn = jnp.asarray(rng.permutation(np.repeat(np.arange(N_CN, dtype=np.int64), CN_DEG)))
    # AWGN channel noise (no fading), all-zero codeword -> BPSK x = +1, h = 1
    no = ebnodb2no(EBNO_DB)
    n_std = float(np.sqrt(no / 2.0))
    w_re = jax.random.normal(k1, (BATCH, N_VN), dtype=jnp.float32) * n_std
    w_im = jax.random.normal(k2, (BATCH, N_VN), dtype=jnp.float32) * n_std
    # Trainable weighted-BP edge weights (init 1.0, as in Sionna's trainable LDPCBPDecoder)
    edge_weights = jnp.ones((N_EDGES,), dtype=jnp.float32)
    ebno_db = jnp.float32(EBNO_DB)
    return {"w_re": w_re, "w_im": w_im, "edge_weights": edge_weights,
            "ebno_db": ebno_db, "edge_vn": edge_vn, "edge_cn": edge_cn}


def reference(w_re, w_im, edge_weights, ebno_db, edge_vn, edge_cn):
    no = 1.0 / (10.0 ** (ebno_db / 10.0) * NUM_BITS_PER_SYMBOL * CODERATE)
    # y = h*x + w with h=1 (no fading), x=+1 (all-zero codeword)
    y_re = 1.0 + w_re
    llr_ch = 4.0 * y_re / no  # [B, N]
    c = jnp.zeros((BATCH, N_VN), dtype=jnp.float32)
    # initial VN->CN messages (weighted gather of channel LLRs to edges)
    msg_vn = edge_weights[None, :] * jnp.take(llr_ch, edge_vn, axis=1)  # [B, E]
    loss = 0.0
    c_hat = -llr_ch
    for _ in range(NUM_ITER):  # num_iter calls of the stateful 1-iteration decoder
        # ---- CN update (boxplus via phi, sign/magnitude decomposition) ----
        m = msg_vn.T  # [E, B]
        mag = _phi(jnp.abs(m))
        sgn = jnp.where(m < 0.0, -1.0, 1.0)
        mag_sum = jax.ops.segment_sum(mag, edge_cn, num_segments=N_CN)      # [M, B]
        neg_sum = jax.ops.segment_sum(jnp.where(m < 0.0, 1.0, 0.0), edge_cn, num_segments=N_CN)
        sign_tot = 1.0 - 2.0 * jnp.mod(neg_sum, 2.0)
        ext_mag = _phi(jnp.take(mag_sum, edge_cn, axis=0) - mag)
        msg_cn = (jnp.take(sign_tot, edge_cn, axis=0) * sgn * ext_mag).T    # [B, E]
        # ---- VN update (weighted extrinsic messages) ----
        s = jax.ops.segment_sum(msg_cn.T, edge_vn, num_segments=N_VN)       # [N, B]
        llr_tot = llr_ch + s.T
        msg_vn = edge_weights[None, :] * (jnp.take(llr_tot, edge_vn, axis=1) - msg_cn)
        # soft decoder output as logits of bit=1 (hard decision: llr < 0 -> 1)
        c_hat = -llr_tot
        # BinaryCrossentropy(from_logits=True) with labels c (all zeros) -> multi-loss
        loss = loss + jnp.mean(jax.nn.softplus(c_hat) - c * c_hat)
    loss = loss / NUM_ITER
    return (c, c_hat, loss)

if __name__ == "__main__":
    import jax
    _d = setup_inputs()
    print(jax.jit(kernel)(*tuple(_d.values())))

</pallas_src>

<mosaic_0001>
#map = affine_map<(d0, d1) -> (0, 0)>
#map1 = affine_map<(d0, d1) -> (0)>
module attributes {stable_mosaic.version = 14 : i64} {
  func.func @k(%arg0: i32, %arg1: i32, %arg2: memref<30720x1024xf32, #tpu.memory_space<hbm>>, %arg3: memref<30720xi32, #tpu.memory_space<hbm>>, %arg4: memref<30720x1024xf32, #tpu.memory_space<hbm>>, %arg5: memref<960xi32, #tpu.memory_space<vmem>>, %arg6: memref<64x1024xf32, #tpu.memory_space<vmem>>, %arg7: memref<!tpu.dma_semaphore, #tpu.memory_space<semaphore_mem>>) attributes {dimension_semantics = [#tpu.dimension_semantics<core_parallel>, #tpu.dimension_semantics<subcore_parallel>], iteration_bounds = array<i64: 2, 16>, scalar_prefetch = 0 : i64, scratch_operands = 3 : i64, tpu.core_type = #tpu.core_type<sc_vector_subcore>, window_params = [{transform_indices = #map}, {transform_indices = #map1}, {transform_indices = #map}]} {
    %mul3A = arith.constant 2 : i32
    %mul3A_0 = arith.muli %arg1, %mul3A : i32
    %add3A = arith.addi %mul3A_0, %arg0 : i32
    %mul3A_1 = arith.constant 960 : i32
    %mul3A_2 = arith.muli %add3A, %mul3A_1 : i32
    "tpu.region"() ({
      %run_scoped3A = tpu.sem_alloc : memref<!tpu.dma_semaphore, #tpu.memory_space<semaphore_mem>>
      %dma_start3A = tpu.memref_slice %arg3[%mul3A_2] : memref<30720xi32, #tpu.memory_space<hbm>> -> memref<960xi32, #tpu.memory_space<hbm>>
      %dma_start3A_7 = tpu.memref_slice %arg3[%mul3A_2] : memref<30720xi32, #tpu.memory_space<hbm>> -> memref<960xi32, #tpu.memory_space<hbm>>
      tpu.enqueue_dma source(%dma_start3A_7 : memref<960xi32, #tpu.memory_space<hbm>>) target(%arg5 : memref<960xi32, #tpu.memory_space<vmem>>) target_semaphore(%run_scoped3A : memref<!tpu.dma_semaphore, #tpu.memory_space<semaphore_mem>>)
      %dma_wait3A = tpu.memref_slice %arg3[%mul3A_2] : memref<30720xi32, #tpu.memory_space<hbm>> -> memref<960xi32, #tpu.memory_space<hbm>>
      %dma_wait3A_8 = tpu.memref_slice %arg3[%mul3A_2] : memref<30720xi32, #tpu.memory_space<hbm>> -> memref<960xi32, #tpu.memory_space<hbm>>
      tpu.wait_dma2 semaphore(%run_scoped3A : memref<!tpu.dma_semaphore, #tpu.memory_space<semaphore_mem>>) src(%dma_wait3A_8 : memref<960xi32, #tpu.memory_space<hbm>>) dst(%arg5 : memref<960xi32, #tpu.memory_space<vmem>>)
      tpu.yield
    }) : () -> ()
    %scan3A = arith.constant 0 : i32
    %scan3A_3 = arith.constant 15 : i32
    %scan3A_4 = arith.addi %scan3A, %scan3A_3 : i32
    %scan3A_5 = arith.constant 1 : i32
    scf.for %scan3A_7 = %scan3A to %scan3A_4 step %scan3A_5  : i32 {
      %mul3A_8 = arith.constant 1 : i32
      %mul3A_9 = arith.muli %scan3A_7, %mul3A_8 : i32
      %add3A_10 = arith.constant 0 : i32
      %add3A_11 = arith.addi %add3A_10, %mul3A_9 : i32
      %mul3A_12 = arith.constant 64 : i32
      %mul3A_13 = arith.muli %add3A_11, %mul3A_12 : i32
      %dma_start3A = tpu.memref_slice %arg5[%mul3A_13] : memref<960xi32, #tpu.memory_space<vmem>> -> memref<64xi32, #tpu.memory_space<vmem>>
      %dma_start3A_14 = arith.constant 0 : i32
      %dma_start3A_15 = arith.constant 0 : i32
      %dma_start3A_16 = tpu.memref_slice %arg2[%dma_start3A_14, %dma_start3A_15] : memref<30720x1024xf32, #tpu.memory_space<hbm>> -> memref<30720x1024xf32, #tpu.memory_space<hbm>>
      tpu.enqueue_indirect_dma source(%dma_start3A_16 : memref<30720x1024xf32, #tpu.memory_space<hbm>>) target(%arg6 : memref<64x1024xf32, #tpu.memory_space<vmem>>) offsets(%dma_start3A : memref<64xi32, #tpu.memory_space<vmem>>) semaphore(%arg7 : memref<!tpu.dma_semaphore, #tpu.memory_space<semaphore_mem>>)
      %dma_wait3A = tpu.memref_slice %arg5[%mul3A_13] : memref<960xi32, #tpu.memory_space<vmem>> -> memref<64xi32, #tpu.memory_space<vmem>>
      %dma_wait3A_17 = arith.constant 0 : i32
      %dma_wait3A_18 = arith.constant 0 : i32
      %dma_wait3A_19 = tpu.memref_slice %arg2[%dma_wait3A_17, %dma_wait3A_18] : memref<30720x1024xf32, #tpu.memory_space<hbm>> -> memref<30720x1024xf32, #tpu.memory_space<hbm>>
      tpu.wait_indirect_dma semaphore(%arg7 : memref<!tpu.dma_semaphore, #tpu.memory_space<semaphore_mem>>) src(%dma_wait3A_19 : memref<30720x1024xf32, #tpu.memory_space<hbm>>) dst(%arg6 : memref<64x1024xf32, #tpu.memory_space<vmem>>)
      %mul3A_20 = arith.constant 64 : i32
      %mul3A_21 = arith.muli %add3A_11, %mul3A_20 : i32
      %add3A_22 = arith.addi %mul3A_2, %mul3A_21 : i32
      "tpu.region"() ({
        %run_scoped3A = tpu.sem_alloc : memref<!tpu.dma_semaphore, #tpu.memory_space<semaphore_mem>>
        %dma_start3A_23 = arith.constant 0 : i32
        %dma_start3A_24 = tpu.memref_slice %arg4[%add3A_22, %dma_start3A_23] : memref<30720x1024xf32, #tpu.memory_space<hbm>> -> memref<64x1024xf32, #tpu.memory_space<hbm>>
        %dma_start3A_25 = arith.constant 0 : i32
        %dma_start3A_26 = tpu.memref_slice %arg4[%add3A_22, %dma_start3A_25] : memref<30720x1024xf32, #tpu.memory_space<hbm>> -> memref<64x1024xf32, #tpu.memory_space<hbm>>
        tpu.enqueue_dma source(%arg6 : memref<64x1024xf32, #tpu.memory_space<vmem>>) target(%dma_start3A_26 : memref<64x1024xf32, #tpu.memory_space<hbm>>) target_semaphore(%run_scoped3A : memref<!tpu.dma_semaphore, #tpu.memory_space<semaphore_mem>>)
        %dma_wait3A_27 = arith.constant 0 : i32
        %dma_wait3A_28 = tpu.memref_slice %arg4[%add3A_22, %dma_wait3A_27] : memref<30720x1024xf32, #tpu.memory_space<hbm>> -> memref<64x1024xf32, #tpu.memory_space<hbm>>
        %dma_wait3A_29 = arith.constant 0 : i32
        %dma_wait3A_30 = tpu.memref_slice %arg4[%add3A_22, %dma_wait3A_29] : memref<30720x1024xf32, #tpu.memory_space<hbm>> -> memref<64x1024xf32, #tpu.memory_space<hbm>>
        tpu.wait_dma2 semaphore(%run_scoped3A : memref<!tpu.dma_semaphore, #tpu.memory_space<semaphore_mem>>) src(%arg6 : memref<64x1024xf32, #tpu.memory_space<vmem>>) dst(%dma_wait3A_30 : memref<64x1024xf32, #tpu.memory_space<hbm>>)
        tpu.yield
      }) : () -> ()
    }
    %scan3A_6 = arith.constant 15 : i32
    return
  }
}

#map = affine_map<(d0, d1) -> (0, 0)>
#map1 = affine_map<(d0, d1) -> (0)>
module attributes {stable_mosaic.version = 14 : i64} {
  func.func @k(%arg0: i32, %arg1: i32, %arg2: memref<30720x1024xf32, #tpu.memory_space<hbm>>, %arg3: memref<30720xi32, #tpu.memory_space<hbm>>, %arg4: memref<30720x1024xf32, #tpu.memory_space<hbm>>, %arg5: memref<960xi32, #tpu.memory_space<vmem>>, %arg6: memref<64x1024xf32, #tpu.memory_space<vmem>>, %arg7: memref<!tpu.dma_semaphore, #tpu.memory_space<semaphore_mem>>) attributes {dimension_semantics = [#tpu.dimension_semantics<core_parallel>, #tpu.dimension_semantics<subcore_parallel>], iteration_bounds = array<i64: 2, 16>, scalar_prefetch = 0 : i64, scratch_operands = 3 : i64, tpu.core_type = #tpu.core_type<sc_vector_subcore>, window_params = [{transform_indices = #map}, {transform_indices = #map1}, {transform_indices = #map}]} {
    %mul3A = arith.constant 2 : i32
    %mul3A_0 = arith.muli %arg1, %mul3A : i32
    %add3A = arith.addi %mul3A_0, %arg0 : i32
    %mul3A_1 = arith.constant 960 : i32
    %mul3A_2 = arith.muli %add3A, %mul3A_1 : i32
    "tpu.region"() ({
      %run_scoped3A = tpu.sem_alloc : memref<!tpu.dma_semaphore, #tpu.memory_space<semaphore_mem>>
      %dma_start3A = tpu.memref_slice %arg3[%mul3A_2] : memref<30720xi32, #tpu.memory_space<hbm>> -> memref<960xi32, #tpu.memory_space<hbm>>
      %dma_start3A_7 = tpu.memref_slice %arg3[%mul3A_2] : memref<30720xi32, #tpu.memory_space<hbm>> -> memref<960xi32, #tpu.memory_space<hbm>>
      tpu.enqueue_dma source(%dma_start3A_7 : memref<960xi32, #tpu.memory_space<hbm>>) target(%arg5 : memref<960xi32, #tpu.memory_space<vmem>>) target_semaphore(%run_scoped3A : memref<!tpu.dma_semaphore, #tpu.memory_space<semaphore_mem>>)
      %dma_wait3A = tpu.memref_slice %arg3[%mul3A_2] : memref<30720xi32, #tpu.memory_space<hbm>> -> memref<960xi32, #tpu.memory_space<hbm>>
      %dma_wait3A_8 = tpu.memref_slice %arg3[%mul3A_2] : memref<30720xi32, #tpu.memory_space<hbm>> -> memref<960xi32, #tpu.memory_space<hbm>>
      tpu.wait_dma2 semaphore(%run_scoped3A : memref<!tpu.dma_semaphore, #tpu.memory_space<semaphore_mem>>) src(%dma_wait3A_8 : memref<960xi32, #tpu.memory_space<hbm>>) dst(%arg5 : memref<960xi32, #tpu.memory_space<vmem>>)
      tpu.yield
    }) : () -> ()
    %scan3A = arith.constant 0 : i32
    %scan3A_3 = arith.constant 15 : i32
    %scan3A_4 = arith.addi %scan3A, %scan3A_3 : i32
    %scan3A_5 = arith.constant 1 : i32
    scf.for %scan3A_7 = %scan3A to %scan3A_4 step %scan3A_5  : i32 {
      %mul3A_8 = arith.constant 1 : i32
      %mul3A_9 = arith.muli %scan3A_7, %mul3A_8 : i32
      %add3A_10 = arith.constant 0 : i32
      %add3A_11 = arith.addi %add3A_10, %mul3A_9 : i32
      %mul3A_12 = arith.constant 64 : i32
      %mul3A_13 = arith.muli %add3A_11, %mul3A_12 : i32
      %dma_start3A = tpu.memref_slice %arg5[%mul3A_13] : memref<960xi32, #tpu.memory_space<vmem>> -> memref<64xi32, #tpu.memory_space<vmem>>
      %dma_start3A_14 = arith.constant 0 : i32
      %dma_start3A_15 = arith.constant 0 : i32
      %dma_start3A_16 = tpu.memref_slice %arg2[%dma_start3A_14, %dma_start3A_15] : memref<30720x1024xf32, #tpu.memory_space<hbm>> -> memref<30720x1024xf32, #tpu.memory_space<hbm>>
      tpu.enqueue_indirect_dma source(%dma_start3A_16 : memref<30720x1024xf32, #tpu.memory_space<hbm>>) target(%arg6 : memref<64x1024xf32, #tpu.memory_space<vmem>>) offsets(%dma_start3A : memref<64xi32, #tpu.memory_space<vmem>>) semaphore(%arg7 : memref<!tpu.dma_semaphore, #tpu.memory_space<semaphore_mem>>)
      %dma_wait3A = tpu.memref_slice %arg5[%mul3A_13] : memref<960xi32, #tpu.memory_space<vmem>> -> memref<64xi32, #tpu.memory_space<vmem>>
      %dma_wait3A_17 = arith.constant 0 : i32
      %dma_wait3A_18 = arith.constant 0 : i32
      %dma_wait3A_19 = tpu.memref_slice %arg2[%dma_wait3A_17, %dma_wait3A_18] : memref<30720x1024xf32, #tpu.memory_space<hbm>> -> memref<30720x1024xf32, #tpu.memory_space<hbm>>
      tpu.wait_indirect_dma semaphore(%arg7 : memref<!tpu.dma_semaphore, #tpu.memory_space<semaphore_mem>>) src(%dma_wait3A_19 : memref<30720x1024xf32, #tpu.memory_space<hbm>>) dst(%arg6 : memref<64x1024xf32, #tpu.memory_space<vmem>>)
      %mul3A_20 = arith.constant 64 : i32
      %mul3A_21 = arith.muli %add3A_11, %mul3A_20 : i32
      %add3A_22 = arith.addi %mul3A_2, %mul3A_21 : i32
      "tpu.region"() ({
        %run_scoped3A = tpu.sem_alloc : memref<!tpu.dma_semaphore, #tpu.memory_space<semaphore_mem>>
        %dma_start3A_23 = arith.constant 0 : i32
        %dma_start3A_24 = tpu.memref_slice %arg4[%add3A_22, %dma_start3A_23] : memref<30720x1024xf32, #tpu.memory_space<hbm>> -> memref<64x1024xf32, #tpu.memory_space<hbm>>
        %dma_start3A_25 = arith.constant 0 : i32
        %dma_start3A_26 = tpu.memref_slice %arg4[%add3A_22, %dma_start3A_25] : memref<30720x1024xf32, #tpu.memory_space<hbm>> -> memref<64x1024xf32, #tpu.memory_space<hbm>>
        tpu.enqueue_dma source(%arg6 : memref<64x1024xf32, #tpu.memory_space<vmem>>) target(%dma_start3A_26 : memref<64x1024xf32, #tpu.memory_space<hbm>>) target_semaphore(%run_scoped3A : memref<!tpu.dma_semaphore, #tpu.memory_space<semaphore_mem>>)
        %dma_wait3A_27 = arith.constant 0 : i32
        %dma_wait3A_28 = tpu.memref_slice %arg4[%add3A_22, %dma_wait3A_27] : memref<30720x1024xf32, #tpu.memory_space<hbm>> -> memref<64x1024xf32, #tpu.memory_space<hbm>>
        %dma_wait3A_29 = arith.constant 0 : i32
        %dma_wait3A_30 = tpu.memref_slice %arg4[%add3A_22, %dma_wait3A_29] : memref<30720x1024xf32, #tpu.memory_space<hbm>> -> memref<64x1024xf32, #tpu.memory_space<hbm>>
        tpu.wait_dma2 semaphore(%run_scoped3A : memref<!tpu.dma_semaphore, #tpu.memory_space<semaphore_mem>>) src(%arg6 : memref<64x1024xf32, #tpu.memory_space<vmem>>) dst(%dma_wait3A_30 : memref<64x1024xf32, #tpu.memory_space<hbm>>)
        tpu.yield
      }) : () -> ()
    }
    %scan3A_6 = arith.constant 15 : i32
    return
  }
}

#map = affine_map<(d0, d1) -> (0, 0)>
#map1 = affine_map<(d0, d1) -> (0)>
module attributes {stable_mosaic.version = 14 : i64} {
  func.func @k(%arg0: i32, %arg1: i32, %arg2: memref<30720x1024xf32, #tpu.memory_space<hbm>>, %arg3: memref<30720xi32, #tpu.memory_space<hbm>>, %arg4: memref<30720x1024xf32, #tpu.memory_space<hbm>>, %arg5: memref<960xi32, #tpu.memory_space<vmem>>, %arg6: memref<64x1024xf32, #tpu.memory_space<vmem>>, %arg7: memref<!tpu.dma_semaphore, #tpu.memory_space<semaphore_mem>>) attributes {dimension_semantics = [#tpu.dimension_semantics<core_parallel>, #tpu.dimension_semantics<subcore_parallel>], iteration_bounds = array<i64: 2, 16>, scalar_prefetch = 0 : i64, scratch_operands = 3 : i64, tpu.core_type = #tpu.core_type<sc_vector_subcore>, window_params = [{transform_indices = #map}, {transform_indices = #map1}, {transform_indices = #map}]} {
    %mul3A = arith.constant 2 : i32
    %mul3A_0 = arith.muli %arg1, %mul3A : i32
    %add3A = arith.addi %mul3A_0, %arg0 : i32
    %mul3A_1 = arith.constant 960 : i32
    %mul3A_2 = arith.muli %add3A, %mul3A_1 : i32
    "tpu.region"() ({
      %run_scoped3A = tpu.sem_alloc : memref<!tpu.dma_semaphore, #tpu.memory_space<semaphore_mem>>
      %dma_start3A = tpu.memref_slice %arg3[%mul3A_2] : memref<30720xi32, #tpu.memory_space<hbm>> -> memref<960xi32, #tpu.memory_space<hbm>>
      %dma_start3A_7 = tpu.memref_slice %arg3[%mul3A_2] : memref<30720xi32, #tpu.memory_space<hbm>> -> memref<960xi32, #tpu.memory_space<hbm>>
      tpu.enqueue_dma source(%dma_start3A_7 : memref<960xi32, #tpu.memory_space<hbm>>) target(%arg5 : memref<960xi32, #tpu.memory_space<vmem>>) target_semaphore(%run_scoped3A : memref<!tpu.dma_semaphore, #tpu.memory_space<semaphore_mem>>)
      %dma_wait3A = tpu.memref_slice %arg3[%mul3A_2] : memref<30720xi32, #tpu.memory_space<hbm>> -> memref<960xi32, #tpu.memory_space<hbm>>
      %dma_wait3A_8 = tpu.memref_slice %arg3[%mul3A_2] : memref<30720xi32, #tpu.memory_space<hbm>> -> memref<960xi32, #tpu.memory_space<hbm>>
      tpu.wait_dma2 semaphore(%run_scoped3A : memref<!tpu.dma_semaphore, #tpu.memory_space<semaphore_mem>>) src(%dma_wait3A_8 : memref<960xi32, #tpu.memory_space<hbm>>) dst(%arg5 : memref<960xi32, #tpu.memory_space<vmem>>)
      tpu.yield
    }) : () -> ()
    %scan3A = arith.constant 0 : i32
    %scan3A_3 = arith.constant 15 : i32
    %scan3A_4 = arith.addi %scan3A, %scan3A_3 : i32
    %scan3A_5 = arith.constant 1 : i32
    scf.for %scan3A_7 = %scan3A to %scan3A_4 step %scan3A_5  : i32 {
      %mul3A_8 = arith.constant 1 : i32
      %mul3A_9 = arith.muli %scan3A_7, %mul3A_8 : i32
      %add3A_10 = arith.constant 0 : i32
      %add3A_11 = arith.addi %add3A_10, %mul3A_9 : i32
      %mul3A_12 = arith.constant 64 : i32
      %mul3A_13 = arith.muli %add3A_11, %mul3A_12 : i32
      %dma_start3A = tpu.memref_slice %arg5[%mul3A_13] : memref<960xi32, #tpu.memory_space<vmem>> -> memref<64xi32, #tpu.memory_space<vmem>>
      %dma_start3A_14 = arith.constant 0 : i32
      %dma_start3A_15 = arith.constant 0 : i32
      %dma_start3A_16 = tpu.memref_slice %arg2[%dma_start3A_14, %dma_start3A_15] : memref<30720x1024xf32, #tpu.memory_space<hbm>> -> memref<30720x1024xf32, #tpu.memory_space<hbm>>
      tpu.enqueue_indirect_dma source(%dma_start3A_16 : memref<30720x1024xf32, #tpu.memory_space<hbm>>) target(%arg6 : memref<64x1024xf32, #tpu.memory_space<vmem>>) offsets(%dma_start3A : memref<64xi32, #tpu.memory_space<vmem>>) semaphore(%arg7 : memref<!tpu.dma_semaphore, #tpu.memory_space<semaphore_mem>>)
      %dma_wait3A = tpu.memref_slice %arg5[%mul3A_13] : memref<960xi32, #tpu.memory_space<vmem>> -> memref<64xi32, #tpu.memory_space<vmem>>
      %dma_wait3A_17 = arith.constant 0 : i32
      %dma_wait3A_18 = arith.constant 0 : i32
      %dma_wait3A_19 = tpu.memref_slice %arg2[%dma_wait3A_17, %dma_wait3A_18] : memref<30720x1024xf32, #tpu.memory_space<hbm>> -> memref<30720x1024xf32, #tpu.memory_space<hbm>>
      tpu.wait_indirect_dma semaphore(%arg7 : memref<!tpu.dma_semaphore, #tpu.memory_space<semaphore_mem>>) src(%dma_wait3A_19 : memref<30720x1024xf32, #tpu.memory_space<hbm>>) dst(%arg6 : memref<64x1024xf32, #tpu.memory_space<vmem>>)
      %mul3A_20 = arith.constant 64 : i32
      %mul3A_21 = arith.muli %add3A_11, %mul3A_20 : i32
      %add3A_22 = arith.addi %mul3A_2, %mul3A_21 : i32
      "tpu.region"() ({
        %run_scoped3A = tpu.sem_alloc : memref<!tpu.dma_semaphore, #tpu.memory_space<semaphore_mem>>
        %dma_start3A_23 = arith.constant 0 : i32
        %dma_start3A_24 = tpu.memref_slice %arg4[%add3A_22, %dma_start3A_23] : memref<30720x1024xf32, #tpu.memory_space<hbm>> -> memref<64x1024xf32, #tpu.memory_space<hbm>>
        %dma_start3A_25 = arith.constant 0 : i32
        %dma_start3A_26 = tpu.memref_slice %arg4[%add3A_22, %dma_start3A_25] : memref<30720x1024xf32, #tpu.memory_space<hbm>> -> memref<64x1024xf32, #tpu.memory_space<hbm>>
        tpu.enqueue_dma source(%arg6 : memref<64x1024xf32, #tpu.memory_space<vmem>>) target(%dma_start3A_26 : memref<64x1024xf32, #tpu.memory_space<hbm>>) target_semaphore(%run_scoped3A : memref<!tpu.dma_semaphore, #tpu.memory_space<semaphore_mem>>)
        %dma_wait3A_27 = arith.constant 0 : i32
        %dma_wait3A_28 = tpu.memref_slice %arg4[%add3A_22, %dma_wait3A_27] : memref<30720x1024xf32, #tpu.memory_space<hbm>> -> memref<64x1024xf32, #tpu.memory_space<hbm>>
        %dma_wait3A_29 = arith.constant 0 : i32
        %dma_wait3A_30 = tpu.memref_slice %arg4[%add3A_22, %dma_wait3A_29] : memref<30720x1024xf32, #tpu.memory_space<hbm>> -> memref<64x1024xf32, #tpu.memory_space<hbm>>
        tpu.wait_dma2 semaphore(%run_scoped3A : memref<!tpu.dma_semaphore, #tpu.memory_space<semaphore_mem>>) src(%arg6 : memref<64x1024xf32, #tpu.memory_space<vmem>>) dst(%dma_wait3A_30 : memref<64x1024xf32, #tpu.memory_space<hbm>>)
        tpu.yield
      }) : () -> ()
    }
    %scan3A_6 = arith.constant 15 : i32
    return
  }
}

#map = affine_map<(d0, d1) -> (0, 0)>
#map1 = affine_map<(d0, d1) -> (0)>
module attributes {stable_mosaic.version = 14 : i64} {
  func.func @k(%arg0: i32, %arg1: i32, %arg2: memref<30720x1024xf32, #tpu.memory_space<hbm>>, %arg3: memref<30720xi32, #tpu.memory_space<hbm>>, %arg4: memref<30720x1024xf32, #tpu.memory_space<hbm>>, %arg5: memref<960xi32, #tpu.memory_space<vmem>>, %arg6: memref<64x1024xf32, #tpu.memory_space<vmem>>, %arg7: memref<!tpu.dma_semaphore, #tpu.memory_space<semaphore_mem>>) attributes {dimension_semantics = [#tpu.dimension_semantics<core_parallel>, #tpu.dimension_semantics<subcore_parallel>], iteration_bounds = array<i64: 2, 16>, scalar_prefetch = 0 : i64, scratch_operands = 3 : i64, tpu.core_type = #tpu.core_type<sc_vector_subcore>, window_params = [{transform_indices = #map}, {transform_indices = #map1}, {transform_indices = #map}]} {
    %mul3A = arith.constant 2 : i32
    %mul3A_0 = arith.muli %arg1, %mul3A : i32
    %add3A = arith.addi %mul3A_0, %arg0 : i32
    %mul3A_1 = arith.constant 960 : i32
    %mul3A_2 = arith.muli %add3A, %mul3A_1 : i32
    "tpu.region"() ({
      %run_scoped3A = tpu.sem_alloc : memref<!tpu.dma_semaphore, #tpu.memory_space<semaphore_mem>>
      %dma_start3A = tpu.memref_slice %arg3[%mul3A_2] : memref<30720xi32, #tpu.memory_space<hbm>> -> memref<960xi32, #tpu.memory_space<hbm>>
      %dma_start3A_7 = tpu.memref_slice %arg3[%mul3A_2] : memref<30720xi32, #tpu.memory_space<hbm>> -> memref<960xi32, #tpu.memory_space<hbm>>
      tpu.enqueue_dma source(%dma_start3A_7 : memref<960xi32, #tpu.memory_space<hbm>>) target(%arg5 : memref<960xi32, #tpu.memory_space<vmem>>) target_semaphore(%run_scoped3A : memref<!tpu.dma_semaphore, #tpu.memory_space<semaphore_mem>>)
      %dma_wait3A = tpu.memref_slice %arg3[%mul3A_2] : memref<30720xi32, #tpu.memory_space<hbm>> -> memref<960xi32, #tpu.memory_space<hbm>>
      %dma_wait3A_8 = tpu.memref_slice %arg3[%mul3A_2] : memref<30720xi32, #tpu.memory_space<hbm>> -> memref<960xi32, #tpu.memory_space<hbm>>
      tpu.wait_dma2 semaphore(%run_scoped3A : memref<!tpu.dma_semaphore, #tpu.memory_space<semaphore_mem>>) src(%dma_wait3A_8 : memref<960xi32, #tpu.memory_space<hbm>>) dst(%arg5 : memref<960xi32, #tpu.memory_space<vmem>>)
      tpu.yield
    }) : () -> ()
    %scan3A = arith.constant 0 : i32
    %scan3A_3 = arith.constant 15 : i32
    %scan3A_4 = arith.addi %scan3A, %scan3A_3 : i32
    %scan3A_5 = arith.constant 1 : i32
    scf.for %scan3A_7 = %scan3A to %scan3A_4 step %scan3A_5  : i32 {
      %mul3A_8 = arith.constant 1 : i32
      %mul3A_9 = arith.muli %scan3A_7, %mul3A_8 : i32
      %add3A_10 = arith.constant 0 : i32
      %add3A_11 = arith.addi %add3A_10, %mul3A_9 : i32
      %mul3A_12 = arith.constant 64 : i32
      %mul3A_13 = arith.muli %add3A_11, %mul3A_12 : i32
      %dma_start3A = tpu.memref_slice %arg5[%mul3A_13] : memref<960xi32, #tpu.memory_space<vmem>> -> memref<64xi32, #tpu.memory_space<vmem>>
      %dma_start3A_14 = arith.constant 0 : i32
      %dma_start3A_15 = arith.constant 0 : i32
      %dma_start3A_16 = tpu.memref_slice %arg2[%dma_start3A_14, %dma_start3A_15] : memref<30720x1024xf32, #tpu.memory_space<hbm>> -> memref<30720x1024xf32, #tpu.memory_space<hbm>>
      tpu.enqueue_indirect_dma source(%dma_start3A_16 : memref<30720x1024xf32, #tpu.memory_space<hbm>>) target(%arg6 : memref<64x1024xf32, #tpu.memory_space<vmem>>) offsets(%dma_start3A : memref<64xi32, #tpu.memory_space<vmem>>) semaphore(%arg7 : memref<!tpu.dma_semaphore, #tpu.memory_space<semaphore_mem>>)
      %dma_wait3A = tpu.memref_slice %arg5[%mul3A_13] : memref<960xi32, #tpu.memory_space<vmem>> -> memref<64xi32, #tpu.memory_space<vmem>>
      %dma_wait3A_17 = arith.constant 0 : i32
      %dma_wait3A_18 = arith.constant 0 : i32
      %dma_wait3A_19 = tpu.memref_slice %arg2[%dma_wait3A_17, %dma_wait3A_18] : memref<30720x1024xf32, #tpu.memory_space<hbm>> -> memref<30720x1024xf32, #tpu.memory_space<hbm>>
      tpu.wait_indirect_dma semaphore(%arg7 : memref<!tpu.dma_semaphore, #tpu.memory_space<semaphore_mem>>) src(%dma_wait3A_19 : memref<30720x1024xf32, #tpu.memory_space<hbm>>) dst(%arg6 : memref<64x1024xf32, #tpu.memory_space<vmem>>)
      %mul3A_20 = arith.constant 64 : i32
      %mul3A_21 = arith.muli %add3A_11, %mul3A_20 : i32
      %add3A_22 = arith.addi %mul3A_2, %mul3A_21 : i32
      "tpu.region"() ({
        %run_scoped3A = tpu.sem_alloc : memref<!tpu.dma_semaphore, #tpu.memory_space<semaphore_mem>>
        %dma_start3A_23 = arith.constant 0 : i32
        %dma_start3A_24 = tpu.memref_slice %arg4[%add3A_22, %dma_start3A_23] : memref<30720x1024xf32, #tpu.memory_space<hbm>> -> memref<64x1024xf32, #tpu.memory_space<hbm>>
        %dma_start3A_25 = arith.constant 0 : i32
        %dma_start3A_26 = tpu.memref_slice %arg4[%add3A_22, %dma_start3A_25] : memref<30720x1024xf32, #tpu.memory_space<hbm>> -> memref<64x1024xf32, #tpu.memory_space<hbm>>
        tpu.enqueue_dma source(%arg6 : memref<64x1024xf32, #tpu.memory_space<vmem>>) target(%dma_start3A_26 : memref<64x1024xf32, #tpu.memory_space<hbm>>) target_semaphore(%run_scoped3A : memref<!tpu.dma_semaphore, #tpu.memory_space<semaphore_mem>>)
        %dma_wait3A_27 = arith.constant 0 : i32
        %dma_wait3A_28 = tpu.memref_slice %arg4[%add3A_22, %dma_wait3A_27] : memref<30720x1024xf32, #tpu.memory_space<hbm>> -> memref<64x1024xf32, #tpu.memory_space<hbm>>
        %dma_wait3A_29 = arith.constant 0 : i32
        %dma_wait3A_30 = tpu.memref_slice %arg4[%add3A_22, %dma_wait3A_29] : memref<30720x1024xf32, #tpu.memory_space<hbm>> -> memref<64x1024xf32, #tpu.memory_space<hbm>>
        tpu.wait_dma2 semaphore(%run_scoped3A : memref<!tpu.dma_semaphore, #tpu.memory_space<semaphore_mem>>) src(%arg6 : memref<64x1024xf32, #tpu.memory_space<vmem>>) dst(%dma_wait3A_30 : memref<64x1024xf32, #tpu.memory_space<hbm>>)
        tpu.yield
      }) : () -> ()
    }
    %scan3A_6 = arith.constant 15 : i32
    return
  }
}

#map = affine_map<(d0, d1) -> (0, 0)>
#map1 = affine_map<(d0, d1) -> (0)>
module attributes {stable_mosaic.version = 14 : i64} {
  func.func @k(%arg0: i32, %arg1: i32, %arg2: memref<30720x1024xf32, #tpu.memory_space<hbm>>, %arg3: memref<30720xi32, #tpu.memory_space<hbm>>, %arg4: memref<30720x1024xf32, #tpu.memory_space<hbm>>, %arg5: memref<960xi32, #tpu.memory_space<vmem>>, %arg6: memref<64x1024xf32, #tpu.memory_space<vmem>>, %arg7: memref<!tpu.dma_semaphore, #tpu.memory_space<semaphore_mem>>) attributes {dimension_semantics = [#tpu.dimension_semantics<core_parallel>, #tpu.dimension_semantics<subcore_parallel>], iteration_bounds = array<i64: 2, 16>, scalar_prefetch = 0 : i64, scratch_operands = 3 : i64, tpu.core_type = #tpu.core_type<sc_vector_subcore>, window_params = [{transform_indices = #map}, {transform_indices = #map1}, {transform_indices = #map}]} {
    %mul3A = arith.constant 2 : i32
    %mul3A_0 = arith.muli %arg1, %mul3A : i32
    %add3A = arith.addi %mul3A_0, %arg0 : i32
    %mul3A_1 = arith.constant 960 : i32
    %mul3A_2 = arith.muli %add3A, %mul3A_1 : i32
    "tpu.region"() ({
      %run_scoped3A = tpu.sem_alloc : memref<!tpu.dma_semaphore, #tpu.memory_space<semaphore_mem>>
      %dma_start3A = tpu.memref_slice %arg3[%mul3A_2] : memref<30720xi32, #tpu.memory_space<hbm>> -> memref<960xi32, #tpu.memory_space<hbm>>
      %dma_start3A_7 = tpu.memref_slice %arg3[%mul3A_2] : memref<30720xi32, #tpu.memory_space<hbm>> -> memref<960xi32, #tpu.memory_space<hbm>>
      tpu.enqueue_dma source(%dma_start3A_7 : memref<960xi32, #tpu.memory_space<hbm>>) target(%arg5 : memref<960xi32, #tpu.memory_space<vmem>>) target_semaphore(%run_scoped3A : memref<!tpu.dma_semaphore, #tpu.memory_space<semaphore_mem>>)
      %dma_wait3A = tpu.memref_slice %arg3[%mul3A_2] : memref<30720xi32, #tpu.memory_space<hbm>> -> memref<960xi32, #tpu.memory_space<hbm>>
      %dma_wait3A_8 = tpu.memref_slice %arg3[%mul3A_2] : memref<30720xi32, #tpu.memory_space<hbm>> -> memref<960xi32, #tpu.memory_space<hbm>>
      tpu.wait_dma2 semaphore(%run_scoped3A : memref<!tpu.dma_semaphore, #tpu.memory_space<semaphore_mem>>) src(%dma_wait3A_8 : memref<960xi32, #tpu.memory_space<hbm>>) dst(%arg5 : memref<960xi32, #tpu.memory_space<vmem>>)
      tpu.yield
    }) : () -> ()
    %scan3A = arith.constant 0 : i32
    %scan3A_3 = arith.constant 15 : i32
    %scan3A_4 = arith.addi %scan3A, %scan3A_3 : i32
    %scan3A_5 = arith.constant 1 : i32
    scf.for %scan3A_7 = %scan3A to %scan3A_4 step %scan3A_5  : i32 {
      %mul3A_8 = arith.constant 1 : i32
      %mul3A_9 = arith.muli %scan3A_7, %mul3A_8 : i32
      %add3A_10 = arith.constant 0 : i32
      %add3A_11 = arith.addi %add3A_10, %mul3A_9 : i32
      %mul3A_12 = arith.constant 64 : i32
      %mul3A_13 = arith.muli %add3A_11, %mul3A_12 : i32
      %dma_start3A = tpu.memref_slice %arg5[%mul3A_13] : memref<960xi32, #tpu.memory_space<vmem>> -> memref<64xi32, #tpu.memory_space<vmem>>
      %dma_start3A_14 = arith.constant 0 : i32
      %dma_start3A_15 = arith.constant 0 : i32
      %dma_start3A_16 = tpu.memref_slice %arg2[%dma_start3A_14, %dma_start3A_15] : memref<30720x1024xf32, #tpu.memory_space<hbm>> -> memref<30720x1024xf32, #tpu.memory_space<hbm>>
      tpu.enqueue_indirect_dma source(%dma_start3A_16 : memref<30720x1024xf32, #tpu.memory_space<hbm>>) target(%arg6 : memref<64x1024xf32, #tpu.memory_space<vmem>>) offsets(%dma_start3A : memref<64xi32, #tpu.memory_space<vmem>>) semaphore(%arg7 : memref<!tpu.dma_semaphore, #tpu.memory_space<semaphore_mem>>)
      %dma_wait3A = tpu.memref_slice %arg5[%mul3A_13] : memref<960xi32, #tpu.memory_space<vmem>> -> memref<64xi32, #tpu.memory_space<vmem>>
      %dma_wait3A_17 = arith.constant 0 : i32
      %dma_wait3A_18 = arith.constant 0 : i32
      %dma_wait3A_19 = tpu.memref_slice %arg2[%dma_wait3A_17, %dma_wait3A_18] : memref<30720x1024xf32, #tpu.memory_space<hbm>> -> memref<30720x1024xf32, #tpu.memory_space<hbm>>
      tpu.wait_indirect_dma semaphore(%arg7 : memref<!tpu.dma_semaphore, #tpu.memory_space<semaphore_mem>>) src(%dma_wait3A_19 : memref<30720x1024xf32, #tpu.memory_space<hbm>>) dst(%arg6 : memref<64x1024xf32, #tpu.memory_space<vmem>>)
      %mul3A_20 = arith.constant 64 : i32
      %mul3A_21 = arith.muli %add3A_11, %mul3A_20 : i32
      %add3A_22 = arith.addi %mul3A_2, %mul3A_21 : i32
      "tpu.region"() ({
        %run_scoped3A = tpu.sem_alloc : memref<!tpu.dma_semaphore, #tpu.memory_space<semaphore_mem>>
        %dma_start3A_23 = arith.constant 0 : i32
        %dma_start3A_24 = tpu.memref_slice %arg4[%add3A_22, %dma_start3A_23] : memref<30720x1024xf32, #tpu.memory_space<hbm>> -> memref<64x1024xf32, #tpu.memory_space<hbm>>
        %dma_start3A_25 = arith.constant 0 : i32
        %dma_start3A_26 = tpu.memref_slice %arg4[%add3A_22, %dma_start3A_25] : memref<30720x1024xf32, #tpu.memory_space<hbm>> -> memref<64x1024xf32, #tpu.memory_space<hbm>>
        tpu.enqueue_dma source(%arg6 : memref<64x1024xf32, #tpu.memory_space<vmem>>) target(%dma_start3A_26 : memref<64x1024xf32, #tpu.memory_space<hbm>>) target_semaphore(%run_scoped3A : memref<!tpu.dma_semaphore, #tpu.memory_space<semaphore_mem>>)
        %dma_wait3A_27 = arith.constant 0 : i32
        %dma_wait3A_28 = tpu.memref_slice %arg4[%add3A_22, %dma_wait3A_27] : memref<30720x1024xf32, #tpu.memory_space<hbm>> -> memref<64x1024xf32, #tpu.memory_space<hbm>>
        %dma_wait3A_29 = arith.constant 0 : i32
        %dma_wait3A_30 = tpu.memref_slice %arg4[%add3A_22, %dma_wait3A_29] : memref<30720x1024xf32, #tpu.memory_space<hbm>> -> memref<64x1024xf32, #tpu.memory_space<hbm>>
        tpu.wait_dma2 semaphore(%run_scoped3A : memref<!tpu.dma_semaphore, #tpu.memory_space<semaphore_mem>>) src(%arg6 : memref<64x1024xf32, #tpu.memory_space<vmem>>) dst(%dma_wait3A_30 : memref<64x1024xf32, #tpu.memory_space<hbm>>)
        tpu.yield
      }) : () -> ()
    }
    %scan3A_6 = arith.constant 15 : i32
    return
  }
}

#map = affine_map<(d0, d1) -> (0, 0)>
#map1 = affine_map<(d0, d1) -> (0)>
module attributes {stable_mosaic.version = 14 : i64} {
  func.func @k(%arg0: i32, %arg1: i32, %arg2: memref<30720x1024xf32, #tpu.memory_space<hbm>>, %arg3: memref<30720xi32, #tpu.memory_space<hbm>>, %arg4: memref<30720x1024xf32, #tpu.memory_space<hbm>>, %arg5: memref<960xi32, #tpu.memory_space<vmem>>, %arg6: memref<64x1024xf32, #tpu.memory_space<vmem>>, %arg7: memref<!tpu.dma_semaphore, #tpu.memory_space<semaphore_mem>>) attributes {dimension_semantics = [#tpu.dimension_semantics<core_parallel>, #tpu.dimension_semantics<subcore_parallel>], iteration_bounds = array<i64: 2, 16>, scalar_prefetch = 0 : i64, scratch_operands = 3 : i64, tpu.core_type = #tpu.core_type<sc_vector_subcore>, window_params = [{transform_indices = #map}, {transform_indices = #map1}, {transform_indices = #map}]} {
    %mul3A = arith.constant 2 : i32
    %mul3A_0 = arith.muli %arg1, %mul3A : i32
    %add3A = arith.addi %mul3A_0, %arg0 : i32
    %mul3A_1 = arith.constant 960 : i32
    %mul3A_2 = arith.muli %add3A, %mul3A_1 : i32
    "tpu.region"() ({
      %run_scoped3A = tpu.sem_alloc : memref<!tpu.dma_semaphore, #tpu.memory_space<semaphore_mem>>
      %dma_start3A = tpu.memref_slice %arg3[%mul3A_2] : memref<30720xi32, #tpu.memory_space<hbm>> -> memref<960xi32, #tpu.memory_space<hbm>>
      %dma_start3A_7 = tpu.memref_slice %arg3[%mul3A_2] : memref<30720xi32, #tpu.memory_space<hbm>> -> memref<960xi32, #tpu.memory_space<hbm>>
      tpu.enqueue_dma source(%dma_start3A_7 : memref<960xi32, #tpu.memory_space<hbm>>) target(%arg5 : memref<960xi32, #tpu.memory_space<vmem>>) target_semaphore(%run_scoped3A : memref<!tpu.dma_semaphore, #tpu.memory_space<semaphore_mem>>)
      %dma_wait3A = tpu.memref_slice %arg3[%mul3A_2] : memref<30720xi32, #tpu.memory_space<hbm>> -> memref<960xi32, #tpu.memory_space<hbm>>
      %dma_wait3A_8 = tpu.memref_slice %arg3[%mul3A_2] : memref<30720xi32, #tpu.memory_space<hbm>> -> memref<960xi32, #tpu.memory_space<hbm>>
      tpu.wait_dma2 semaphore(%run_scoped3A : memref<!tpu.dma_semaphore, #tpu.memory_space<semaphore_mem>>) src(%dma_wait3A_8 : memref<960xi32, #tpu.memory_space<hbm>>) dst(%arg5 : memref<960xi32, #tpu.memory_space<vmem>>)
      tpu.yield
    }) : () -> ()
    %scan3A = arith.constant 0 : i32
    %scan3A_3 = arith.constant 15 : i32
    %scan3A_4 = arith.addi %scan3A, %scan3A_3 : i32
    %scan3A_5 = arith.constant 1 : i32
    scf.for %scan3A_7 = %scan3A to %scan3A_4 step %scan3A_5  : i32 {
      %mul3A_8 = arith.constant 1 : i32
      %mul3A_9 = arith.muli %scan3A_7, %mul3A_8 : i32
      %add3A_10 = arith.constant 0 : i32
      %add3A_11 = arith.addi %add3A_10, %mul3A_9 : i32
      %mul3A_12 = arith.constant 64 : i32
      %mul3A_13 = arith.muli %add3A_11, %mul3A_12 : i32
      %dma_start3A = tpu.memref_slice %arg5[%mul3A_13] : memref<960xi32, #tpu.memory_space<vmem>> -> memref<64xi32, #tpu.memory_space<vmem>>
      %dma_start3A_14 = arith.constant 0 : i32
      %dma_start3A_15 = arith.constant 0 : i32
      %dma_start3A_16 = tpu.memref_slice %arg2[%dma_start3A_14, %dma_start3A_15] : memref<30720x1024xf32, #tpu.memory_space<hbm>> -> memref<30720x1024xf32, #tpu.memory_space<hbm>>
      tpu.enqueue_indirect_dma source(%dma_start3A_16 : memref<30720x1024xf32, #tpu.memory_space<hbm>>) target(%arg6 : memref<64x1024xf32, #tpu.memory_space<vmem>>) offsets(%dma_start3A : memref<64xi32, #tpu.memory_space<vmem>>) semaphore(%arg7 : memref<!tpu.dma_semaphore, #tpu.memory_space<semaphore_mem>>)
      %dma_wait3A = tpu.memref_slice %arg5[%mul3A_13] : memref<960xi32, #tpu.memory_space<vmem>> -> memref<64xi32, #tpu.memory_space<vmem>>
      %dma_wait3A_17 = arith.constant 0 : i32
      %dma_wait3A_18 = arith.constant 0 : i32
      %dma_wait3A_19 = tpu.memref_slice %arg2[%dma_wait3A_17, %dma_wait3A_18] : memref<30720x1024xf32, #tpu.memory_space<hbm>> -> memref<30720x1024xf32, #tpu.memory_space<hbm>>
      tpu.wait_indirect_dma semaphore(%arg7 : memref<!tpu.dma_semaphore, #tpu.memory_space<semaphore_mem>>) src(%dma_wait3A_19 : memref<30720x1024xf32, #tpu.memory_space<hbm>>) dst(%arg6 : memref<64x1024xf32, #tpu.memory_space<vmem>>)
      %mul3A_20 = arith.constant 64 : i32
      %mul3A_21 = arith.muli %add3A_11, %mul3A_20 : i32
      %add3A_22 = arith.addi %mul3A_2, %mul3A_21 : i32
      "tpu.region"() ({
        %run_scoped3A = tpu.sem_alloc : memref<!tpu.dma_semaphore, #tpu.memory_space<semaphore_mem>>
        %dma_start3A_23 = arith.constant 0 : i32
        %dma_start3A_24 = tpu.memref_slice %arg4[%add3A_22, %dma_start3A_23] : memref<30720x1024xf32, #tpu.memory_space<hbm>> -> memref<64x1024xf32, #tpu.memory_space<hbm>>
        %dma_start3A_25 = arith.constant 0 : i32
        %dma_start3A_26 = tpu.memref_slice %arg4[%add3A_22, %dma_start3A_25] : memref<30720x1024xf32, #tpu.memory_space<hbm>> -> memref<64x1024xf32, #tpu.memory_space<hbm>>
        tpu.enqueue_dma source(%arg6 : memref<64x1024xf32, #tpu.memory_space<vmem>>) target(%dma_start3A_26 : memref<64x1024xf32, #tpu.memory_space<hbm>>) target_semaphore(%run_scoped3A : memref<!tpu.dma_semaphore, #tpu.memory_space<semaphore_mem>>)
        %dma_wait3A_27 = arith.constant 0 : i32
        %dma_wait3A_28 = tpu.memref_slice %arg4[%add3A_22, %dma_wait3A_27] : memref<30720x1024xf32, #tpu.memory_space<hbm>> -> memref<64x1024xf32, #tpu.memory_space<hbm>>
        %dma_wait3A_29 = arith.constant 0 : i32
        %dma_wait3A_30 = tpu.memref_slice %arg4[%add3A_22, %dma_wait3A_29] : memref<30720x1024xf32, #tpu.memory_space<hbm>> -> memref<64x1024xf32, #tpu.memory_space<hbm>>
        tpu.wait_dma2 semaphore(%run_scoped3A : memref<!tpu.dma_semaphore, #tpu.memory_space<semaphore_mem>>) src(%arg6 : memref<64x1024xf32, #tpu.memory_space<vmem>>) dst(%dma_wait3A_30 : memref<64x1024xf32, #tpu.memory_space<hbm>>)
        tpu.yield
      }) : () -> ()
    }
    %scan3A_6 = arith.constant 15 : i32
    return
  }
}

#map = affine_map<(d0, d1) -> (0, 0)>
#map1 = affine_map<(d0, d1) -> (0)>
module attributes {stable_mosaic.version = 14 : i64} {
  func.func @k(%arg0: i32, %arg1: i32, %arg2: memref<30720x1024xf32, #tpu.memory_space<hbm>>, %arg3: memref<30720xi32, #tpu.memory_space<hbm>>, %arg4: memref<30720x1024xf32, #tpu.memory_space<hbm>>, %arg5: memref<960xi32, #tpu.memory_space<vmem>>, %arg6: memref<64x1024xf32, #tpu.memory_space<vmem>>, %arg7: memref<!tpu.dma_semaphore, #tpu.memory_space<semaphore_mem>>) attributes {dimension_semantics = [#tpu.dimension_semantics<core_parallel>, #tpu.dimension_semantics<subcore_parallel>], iteration_bounds = array<i64: 2, 16>, scalar_prefetch = 0 : i64, scratch_operands = 3 : i64, tpu.core_type = #tpu.core_type<sc_vector_subcore>, window_params = [{transform_indices = #map}, {transform_indices = #map1}, {transform_indices = #map}]} {
    %mul3A = arith.constant 2 : i32
    %mul3A_0 = arith.muli %arg1, %mul3A : i32
    %add3A = arith.addi %mul3A_0, %arg0 : i32
    %mul3A_1 = arith.constant 960 : i32
    %mul3A_2 = arith.muli %add3A, %mul3A_1 : i32
    "tpu.region"() ({
      %run_scoped3A = tpu.sem_alloc : memref<!tpu.dma_semaphore, #tpu.memory_space<semaphore_mem>>
      %dma_start3A = tpu.memref_slice %arg3[%mul3A_2] : memref<30720xi32, #tpu.memory_space<hbm>> -> memref<960xi32, #tpu.memory_space<hbm>>
      %dma_start3A_7 = tpu.memref_slice %arg3[%mul3A_2] : memref<30720xi32, #tpu.memory_space<hbm>> -> memref<960xi32, #tpu.memory_space<hbm>>
      tpu.enqueue_dma source(%dma_start3A_7 : memref<960xi32, #tpu.memory_space<hbm>>) target(%arg5 : memref<960xi32, #tpu.memory_space<vmem>>) target_semaphore(%run_scoped3A : memref<!tpu.dma_semaphore, #tpu.memory_space<semaphore_mem>>)
      %dma_wait3A = tpu.memref_slice %arg3[%mul3A_2] : memref<30720xi32, #tpu.memory_space<hbm>> -> memref<960xi32, #tpu.memory_space<hbm>>
      %dma_wait3A_8 = tpu.memref_slice %arg3[%mul3A_2] : memref<30720xi32, #tpu.memory_space<hbm>> -> memref<960xi32, #tpu.memory_space<hbm>>
      tpu.wait_dma2 semaphore(%run_scoped3A : memref<!tpu.dma_semaphore, #tpu.memory_space<semaphore_mem>>) src(%dma_wait3A_8 : memref<960xi32, #tpu.memory_space<hbm>>) dst(%arg5 : memref<960xi32, #tpu.memory_space<vmem>>)
      tpu.yield
    }) : () -> ()
    %scan3A = arith.constant 0 : i32
    %scan3A_3 = arith.constant 15 : i32
    %scan3A_4 = arith.addi %scan3A, %scan3A_3 : i32
    %scan3A_5 = arith.constant 1 : i32
    scf.for %scan3A_7 = %scan3A to %scan3A_4 step %scan3A_5  : i32 {
      %mul3A_8 = arith.constant 1 : i32
      %mul3A_9 = arith.muli %scan3A_7, %mul3A_8 : i32
      %add3A_10 = arith.constant 0 : i32
      %add3A_11 = arith.addi %add3A_10, %mul3A_9 : i32
      %mul3A_12 = arith.constant 64 : i32
      %mul3A_13 = arith.muli %add3A_11, %mul3A_12 : i32
      %dma_start3A = tpu.memref_slice %arg5[%mul3A_13] : memref<960xi32, #tpu.memory_space<vmem>> -> memref<64xi32, #tpu.memory_space<vmem>>
      %dma_start3A_14 = arith.constant 0 : i32
      %dma_start3A_15 = arith.constant 0 : i32
      %dma_start3A_16 = tpu.memref_slice %arg2[%dma_start3A_14, %dma_start3A_15] : memref<30720x1024xf32, #tpu.memory_space<hbm>> -> memref<30720x1024xf32, #tpu.memory_space<hbm>>
      tpu.enqueue_indirect_dma source(%dma_start3A_16 : memref<30720x1024xf32, #tpu.memory_space<hbm>>) target(%arg6 : memref<64x1024xf32, #tpu.memory_space<vmem>>) offsets(%dma_start3A : memref<64xi32, #tpu.memory_space<vmem>>) semaphore(%arg7 : memref<!tpu.dma_semaphore, #tpu.memory_space<semaphore_mem>>)
      %dma_wait3A = tpu.memref_slice %arg5[%mul3A_13] : memref<960xi32, #tpu.memory_space<vmem>> -> memref<64xi32, #tpu.memory_space<vmem>>
      %dma_wait3A_17 = arith.constant 0 : i32
      %dma_wait3A_18 = arith.constant 0 : i32
      %dma_wait3A_19 = tpu.memref_slice %arg2[%dma_wait3A_17, %dma_wait3A_18] : memref<30720x1024xf32, #tpu.memory_space<hbm>> -> memref<30720x1024xf32, #tpu.memory_space<hbm>>
      tpu.wait_indirect_dma semaphore(%arg7 : memref<!tpu.dma_semaphore, #tpu.memory_space<semaphore_mem>>) src(%dma_wait3A_19 : memref<30720x1024xf32, #tpu.memory_space<hbm>>) dst(%arg6 : memref<64x1024xf32, #tpu.memory_space<vmem>>)
      %mul3A_20 = arith.constant 64 : i32
      %mul3A_21 = arith.muli %add3A_11, %mul3A_20 : i32
      %add3A_22 = arith.addi %mul3A_2, %mul3A_21 : i32
      "tpu.region"() ({
        %run_scoped3A = tpu.sem_alloc : memref<!tpu.dma_semaphore, #tpu.memory_space<semaphore_mem>>
        %dma_start3A_23 = arith.constant 0 : i32
        %dma_start3A_24 = tpu.memref_slice %arg4[%add3A_22, %dma_start3A_23] : memref<30720x1024xf32, #tpu.memory_space<hbm>> -> memref<64x1024xf32, #tpu.memory_space<hbm>>
        %dma_start3A_25 = arith.constant 0 : i32
        %dma_start3A_26 = tpu.memref_slice %arg4[%add3A_22, %dma_start3A_25] : memref<30720x1024xf32, #tpu.memory_space<hbm>> -> memref<64x1024xf32, #tpu.memory_space<hbm>>
        tpu.enqueue_dma source(%arg6 : memref<64x1024xf32, #tpu.memory_space<vmem>>) target(%dma_start3A_26 : memref<64x1024xf32, #tpu.memory_space<hbm>>) target_semaphore(%run_scoped3A : memref<!tpu.dma_semaphore, #tpu.memory_space<semaphore_mem>>)
        %dma_wait3A_27 = arith.constant 0 : i32
        %dma_wait3A_28 = tpu.memref_slice %arg4[%add3A_22, %dma_wait3A_27] : memref<30720x1024xf32, #tpu.memory_space<hbm>> -> memref<64x1024xf32, #tpu.memory_space<hbm>>
        %dma_wait3A_29 = arith.constant 0 : i32
        %dma_wait3A_30 = tpu.memref_slice %arg4[%add3A_22, %dma_wait3A_29] : memref<30720x1024xf32, #tpu.memory_space<hbm>> -> memref<64x1024xf32, #tpu.memory_space<hbm>>
        tpu.wait_dma2 semaphore(%run_scoped3A : memref<!tpu.dma_semaphore, #tpu.memory_space<semaphore_mem>>) src(%arg6 : memref<64x1024xf32, #tpu.memory_space<vmem>>) dst(%dma_wait3A_30 : memref<64x1024xf32, #tpu.memory_space<hbm>>)
        tpu.yield
      }) : () -> ()
    }
    %scan3A_6 = arith.constant 15 : i32
    return
  }
}

#map = affine_map<(d0, d1) -> (0, 0)>
#map1 = affine_map<(d0, d1) -> (0)>
module attributes {stable_mosaic.version = 14 : i64} {
  func.func @k(%arg0: i32, %arg1: i32, %arg2: memref<30720x1024xf32, #tpu.memory_space<hbm>>, %arg3: memref<30720xi32, #tpu.memory_space<hbm>>, %arg4: memref<30720x1024xf32, #tpu.memory_space<hbm>>, %arg5: memref<960xi32, #tpu.memory_space<vmem>>, %arg6: memref<64x1024xf32, #tpu.memory_space<vmem>>, %arg7: memref<!tpu.dma_semaphore, #tpu.memory_space<semaphore_mem>>) attributes {dimension_semantics = [#tpu.dimension_semantics<core_parallel>, #tpu.dimension_semantics<subcore_parallel>], iteration_bounds = array<i64: 2, 16>, scalar_prefetch = 0 : i64, scratch_operands = 3 : i64, tpu.core_type = #tpu.core_type<sc_vector_subcore>, window_params = [{transform_indices = #map}, {transform_indices = #map1}, {transform_indices = #map}]} {
    %mul3A = arith.constant 2 : i32
    %mul3A_0 = arith.muli %arg1, %mul3A : i32
    %add3A = arith.addi %mul3A_0, %arg0 : i32
    %mul3A_1 = arith.constant 960 : i32
    %mul3A_2 = arith.muli %add3A, %mul3A_1 : i32
    "tpu.region"() ({
      %run_scoped3A = tpu.sem_alloc : memref<!tpu.dma_semaphore, #tpu.memory_space<semaphore_mem>>
      %dma_start3A = tpu.memref_slice %arg3[%mul3A_2] : memref<30720xi32, #tpu.memory_space<hbm>> -> memref<960xi32, #tpu.memory_space<hbm>>
      %dma_start3A_7 = tpu.memref_slice %arg3[%mul3A_2] : memref<30720xi32, #tpu.memory_space<hbm>> -> memref<960xi32, #tpu.memory_space<hbm>>
      tpu.enqueue_dma source(%dma_start3A_7 : memref<960xi32, #tpu.memory_space<hbm>>) target(%arg5 : memref<960xi32, #tpu.memory_space<vmem>>) target_semaphore(%run_scoped3A : memref<!tpu.dma_semaphore, #tpu.memory_space<semaphore_mem>>)
      %dma_wait3A = tpu.memref_slice %arg3[%mul3A_2] : memref<30720xi32, #tpu.memory_space<hbm>> -> memref<960xi32, #tpu.memory_space<hbm>>
      %dma_wait3A_8 = tpu.memref_slice %arg3[%mul3A_2] : memref<30720xi32, #tpu.memory_space<hbm>> -> memref<960xi32, #tpu.memory_space<hbm>>
      tpu.wait_dma2 semaphore(%run_scoped3A : memref<!tpu.dma_semaphore, #tpu.memory_space<semaphore_mem>>) src(%dma_wait3A_8 : memref<960xi32, #tpu.memory_space<hbm>>) dst(%arg5 : memref<960xi32, #tpu.memory_space<vmem>>)
      tpu.yield
    }) : () -> ()
    %scan3A = arith.constant 0 : i32
    %scan3A_3 = arith.constant 15 : i32
    %scan3A_4 = arith.addi %scan3A, %scan3A_3 : i32
    %scan3A_5 = arith.constant 1 : i32
    scf.for %scan3A_7 = %scan3A to %scan3A_4 step %scan3A_5  : i32 {
      %mul3A_8 = arith.constant 1 : i32
      %mul3A_9 = arith.muli %scan3A_7, %mul3A_8 : i32
      %add3A_10 = arith.constant 0 : i32
      %add3A_11 = arith.addi %add3A_10, %mul3A_9 : i32
      %mul3A_12 = arith.constant 64 : i32
      %mul3A_13 = arith.muli %add3A_11, %mul3A_12 : i32
      %dma_start3A = tpu.memref_slice %arg5[%mul3A_13] : memref<960xi32, #tpu.memory_space<vmem>> -> memref<64xi32, #tpu.memory_space<vmem>>
      %dma_start3A_14 = arith.constant 0 : i32
      %dma_start3A_15 = arith.constant 0 : i32
      %dma_start3A_16 = tpu.memref_slice %arg2[%dma_start3A_14, %dma_start3A_15] : memref<30720x1024xf32, #tpu.memory_space<hbm>> -> memref<30720x1024xf32, #tpu.memory_space<hbm>>
      tpu.enqueue_indirect_dma source(%dma_start3A_16 : memref<30720x1024xf32, #tpu.memory_space<hbm>>) target(%arg6 : memref<64x1024xf32, #tpu.memory_space<vmem>>) offsets(%dma_start3A : memref<64xi32, #tpu.memory_space<vmem>>) semaphore(%arg7 : memref<!tpu.dma_semaphore, #tpu.memory_space<semaphore_mem>>)
      %dma_wait3A = tpu.memref_slice %arg5[%mul3A_13] : memref<960xi32, #tpu.memory_space<vmem>> -> memref<64xi32, #tpu.memory_space<vmem>>
      %dma_wait3A_17 = arith.constant 0 : i32
      %dma_wait3A_18 = arith.constant 0 : i32
      %dma_wait3A_19 = tpu.memref_slice %arg2[%dma_wait3A_17, %dma_wait3A_18] : memref<30720x1024xf32, #tpu.memory_space<hbm>> -> memref<30720x1024xf32, #tpu.memory_space<hbm>>
      tpu.wait_indirect_dma semaphore(%arg7 : memref<!tpu.dma_semaphore, #tpu.memory_space<semaphore_mem>>) src(%dma_wait3A_19 : memref<30720x1024xf32, #tpu.memory_space<hbm>>) dst(%arg6 : memref<64x1024xf32, #tpu.memory_space<vmem>>)
      %mul3A_20 = arith.constant 64 : i32
      %mul3A_21 = arith.muli %add3A_11, %mul3A_20 : i32
      %add3A_22 = arith.addi %mul3A_2, %mul3A_21 : i32
      "tpu.region"() ({
        %run_scoped3A = tpu.sem_alloc : memref<!tpu.dma_semaphore, #tpu.memory_space<semaphore_mem>>
        %dma_start3A_23 = arith.constant 0 : i32
        %dma_start3A_24 = tpu.memref_slice %arg4[%add3A_22, %dma_start3A_23] : memref<30720x1024xf32, #tpu.memory_space<hbm>> -> memref<64x1024xf32, #tpu.memory_space<hbm>>
        %dma_start3A_25 = arith.constant 0 : i32
        %dma_start3A_26 = tpu.memref_slice %arg4[%add3A_22, %dma_start3A_25] : memref<30720x1024xf32, #tpu.memory_space<hbm>> -> memref<64x1024xf32, #tpu.memory_space<hbm>>
        tpu.enqueue_dma source(%arg6 : memref<64x1024xf32, #tpu.memory_space<vmem>>) target(%dma_start3A_26 : memref<64x1024xf32, #tpu.memory_space<hbm>>) target_semaphore(%run_scoped3A : memref<!tpu.dma_semaphore, #tpu.memory_space<semaphore_mem>>)
        %dma_wait3A_27 = arith.constant 0 : i32
        %dma_wait3A_28 = tpu.memref_slice %arg4[%add3A_22, %dma_wait3A_27] : memref<30720x1024xf32, #tpu.memory_space<hbm>> -> memref<64x1024xf32, #tpu.memory_space<hbm>>
        %dma_wait3A_29 = arith.constant 0 : i32
        %dma_wait3A_30 = tpu.memref_slice %arg4[%add3A_22, %dma_wait3A_29] : memref<30720x1024xf32, #tpu.memory_space<hbm>> -> memref<64x1024xf32, #tpu.memory_space<hbm>>
        tpu.wait_dma2 semaphore(%run_scoped3A : memref<!tpu.dma_semaphore, #tpu.memory_space<semaphore_mem>>) src(%arg6 : memref<64x1024xf32, #tpu.memory_space<vmem>>) dst(%dma_wait3A_30 : memref<64x1024xf32, #tpu.memory_space<hbm>>)
        tpu.yield
      }) : () -> ()
    }
    %scan3A_6 = arith.constant 15 : i32
    return
  }
}

#map = affine_map<(d0, d1) -> (0, 0)>
#map1 = affine_map<(d0, d1) -> (0)>
module attributes {stable_mosaic.version = 14 : i64} {
  func.func @k(%arg0: i32, %arg1: i32, %arg2: memref<30720x1024xf32, #tpu.memory_space<hbm>>, %arg3: memref<30720xi32, #tpu.memory_space<hbm>>, %arg4: memref<30720x1024xf32, #tpu.memory_space<hbm>>, %arg5: memref<960xi32, #tpu.memory_space<vmem>>, %arg6: memref<64x1024xf32, #tpu.memory_space<vmem>>, %arg7: memref<!tpu.dma_semaphore, #tpu.memory_space<semaphore_mem>>) attributes {dimension_semantics = [#tpu.dimension_semantics<core_parallel>, #tpu.dimension_semantics<subcore_parallel>], iteration_bounds = array<i64: 2, 16>, scalar_prefetch = 0 : i64, scratch_operands = 3 : i64, tpu.core_type = #tpu.core_type<sc_vector_subcore>, window_params = [{transform_indices = #map}, {transform_indices = #map1}, {transform_indices = #map}]} {
    %mul3A = arith.constant 2 : i32
    %mul3A_0 = arith.muli %arg1, %mul3A : i32
    %add3A = arith.addi %mul3A_0, %arg0 : i32
    %mul3A_1 = arith.constant 960 : i32
    %mul3A_2 = arith.muli %add3A, %mul3A_1 : i32
    "tpu.region"() ({
      %run_scoped3A = tpu.sem_alloc : memref<!tpu.dma_semaphore, #tpu.memory_space<semaphore_mem>>
      %dma_start3A = tpu.memref_slice %arg3[%mul3A_2] : memref<30720xi32, #tpu.memory_space<hbm>> -> memref<960xi32, #tpu.memory_space<hbm>>
      %dma_start3A_7 = tpu.memref_slice %arg3[%mul3A_2] : memref<30720xi32, #tpu.memory_space<hbm>> -> memref<960xi32, #tpu.memory_space<hbm>>
      tpu.enqueue_dma source(%dma_start3A_7 : memref<960xi32, #tpu.memory_space<hbm>>) target(%arg5 : memref<960xi32, #tpu.memory_space<vmem>>) target_semaphore(%run_scoped3A : memref<!tpu.dma_semaphore, #tpu.memory_space<semaphore_mem>>)
      %dma_wait3A = tpu.memref_slice %arg3[%mul3A_2] : memref<30720xi32, #tpu.memory_space<hbm>> -> memref<960xi32, #tpu.memory_space<hbm>>
      %dma_wait3A_8 = tpu.memref_slice %arg3[%mul3A_2] : memref<30720xi32, #tpu.memory_space<hbm>> -> memref<960xi32, #tpu.memory_space<hbm>>
      tpu.wait_dma2 semaphore(%run_scoped3A : memref<!tpu.dma_semaphore, #tpu.memory_space<semaphore_mem>>) src(%dma_wait3A_8 : memref<960xi32, #tpu.memory_space<hbm>>) dst(%arg5 : memref<960xi32, #tpu.memory_space<vmem>>)
      tpu.yield
    }) : () -> ()
    %scan3A = arith.constant 0 : i32
    %scan3A_3 = arith.constant 15 : i32
    %scan3A_4 = arith.addi %scan3A, %scan3A_3 : i32
    %scan3A_5 = arith.constant 1 : i32
    scf.for %scan3A_7 = %scan3A to %scan3A_4 step %scan3A_5  : i32 {
      %mul3A_8 = arith.constant 1 : i32
      %mul3A_9 = arith.muli %scan3A_7, %mul3A_8 : i32
      %add3A_10 = arith.constant 0 : i32
      %add3A_11 = arith.addi %add3A_10, %mul3A_9 : i32
      %mul3A_12 = arith.constant 64 : i32
      %mul3A_13 = arith.muli %add3A_11, %mul3A_12 : i32
      %dma_start3A = tpu.memref_slice %arg5[%mul3A_13] : memref<960xi32, #tpu.memory_space<vmem>> -> memref<64xi32, #tpu.memory_space<vmem>>
      %dma_start3A_14 = arith.constant 0 : i32
      %dma_start3A_15 = arith.constant 0 : i32
      %dma_start3A_16 = tpu.memref_slice %arg2[%dma_start3A_14, %dma_start3A_15] : memref<30720x1024xf32, #tpu.memory_space<hbm>> -> memref<30720x1024xf32, #tpu.memory_space<hbm>>
      tpu.enqueue_indirect_dma source(%dma_start3A_16 : memref<30720x1024xf32, #tpu.memory_space<hbm>>) target(%arg6 : memref<64x1024xf32, #tpu.memory_space<vmem>>) offsets(%dma_start3A : memref<64xi32, #tpu.memory_space<vmem>>) semaphore(%arg7 : memref<!tpu.dma_semaphore, #tpu.memory_space<semaphore_mem>>)
      %dma_wait3A = tpu.memref_slice %arg5[%mul3A_13] : memref<960xi32, #tpu.memory_space<vmem>> -> memref<64xi32, #tpu.memory_space<vmem>>
      %dma_wait3A_17 = arith.constant 0 : i32
      %dma_wait3A_18 = arith.constant 0 : i32
      %dma_wait3A_19 = tpu.memref_slice %arg2[%dma_wait3A_17, %dma_wait3A_18] : memref<30720x1024xf32, #tpu.memory_space<hbm>> -> memref<30720x1024xf32, #tpu.memory_space<hbm>>
      tpu.wait_indirect_dma semaphore(%arg7 : memref<!tpu.dma_semaphore, #tpu.memory_space<semaphore_mem>>) src(%dma_wait3A_19 : memref<30720x1024xf32, #tpu.memory_space<hbm>>) dst(%arg6 : memref<64x1024xf32, #tpu.memory_space<vmem>>)
      %mul3A_20 = arith.constant 64 : i32
      %mul3A_21 = arith.muli %add3A_11, %mul3A_20 : i32
      %add3A_22 = arith.addi %mul3A_2, %mul3A_21 : i32
      "tpu.region"() ({
        %run_scoped3A = tpu.sem_alloc : memref<!tpu.dma_semaphore, #tpu.memory_space<semaphore_mem>>
        %dma_start3A_23 = arith.constant 0 : i32
        %dma_start3A_24 = tpu.memref_slice %arg4[%add3A_22, %dma_start3A_23] : memref<30720x1024xf32, #tpu.memory_space<hbm>> -> memref<64x1024xf32, #tpu.memory_space<hbm>>
        %dma_start3A_25 = arith.constant 0 : i32
        %dma_start3A_26 = tpu.memref_slice %arg4[%add3A_22, %dma_start3A_25] : memref<30720x1024xf32, #tpu.memory_space<hbm>> -> memref<64x1024xf32, #tpu.memory_space<hbm>>
        tpu.enqueue_dma source(%arg6 : memref<64x1024xf32, #tpu.memory_space<vmem>>) target(%dma_start3A_26 : memref<64x1024xf32, #tpu.memory_space<hbm>>) target_semaphore(%run_scoped3A : memref<!tpu.dma_semaphore, #tpu.memory_space<semaphore_mem>>)
        %dma_wait3A_27 = arith.constant 0 : i32
        %dma_wait3A_28 = tpu.memref_slice %arg4[%add3A_22, %dma_wait3A_27] : memref<30720x1024xf32, #tpu.memory_space<hbm>> -> memref<64x1024xf32, #tpu.memory_space<hbm>>
        %dma_wait3A_29 = arith.constant 0 : i32
        %dma_wait3A_30 = tpu.memref_slice %arg4[%add3A_22, %dma_wait3A_29] : memref<30720x1024xf32, #tpu.memory_space<hbm>> -> memref<64x1024xf32, #tpu.memory_space<hbm>>
        tpu.wait_dma2 semaphore(%run_scoped3A : memref<!tpu.dma_semaphore, #tpu.memory_space<semaphore_mem>>) src(%arg6 : memref<64x1024xf32, #tpu.memory_space<vmem>>) dst(%dma_wait3A_30 : memref<64x1024xf32, #tpu.memory_space<hbm>>)
        tpu.yield
      }) : () -> ()
    }
    %scan3A_6 = arith.constant 15 : i32
    return
  }
}

#map = affine_map<(d0, d1) -> (0, 0)>
#map1 = affine_map<(d0, d1) -> (0)>
module attributes {stable_mosaic.version = 14 : i64} {
  func.func @k(%arg0: i32, %arg1: i32, %arg2: memref<30720x1024xf32, #tpu.memory_space<hbm>>, %arg3: memref<30720xi32, #tpu.memory_space<hbm>>, %arg4: memref<30720x1024xf32, #tpu.memory_space<hbm>>, %arg5: memref<960xi32, #tpu.memory_space<vmem>>, %arg6: memref<64x1024xf32, #tpu.memory_space<vmem>>, %arg7: memref<!tpu.dma_semaphore, #tpu.memory_space<semaphore_mem>>) attributes {dimension_semantics = [#tpu.dimension_semantics<core_parallel>, #tpu.dimension_semantics<subcore_parallel>], iteration_bounds = array<i64: 2, 16>, scalar_prefetch = 0 : i64, scratch_operands = 3 : i64, tpu.core_type = #tpu.core_type<sc_vector_subcore>, window_params = [{transform_indices = #map}, {transform_indices = #map1}, {transform_indices = #map}]} {
    %mul3A = arith.constant 2 : i32
    %mul3A_0 = arith.muli %arg1, %mul3A : i32
    %add3A = arith.addi %mul3A_0, %arg0 : i32
    %mul3A_1 = arith.constant 960 : i32
    %mul3A_2 = arith.muli %add3A, %mul3A_1 : i32
    "tpu.region"() ({
      %run_scoped3A = tpu.sem_alloc : memref<!tpu.dma_semaphore, #tpu.memory_space<semaphore_mem>>
      %dma_start3A = tpu.memref_slice %arg3[%mul3A_2] : memref<30720xi32, #tpu.memory_space<hbm>> -> memref<960xi32, #tpu.memory_space<hbm>>
      %dma_start3A_7 = tpu.memref_slice %arg3[%mul3A_2] : memref<30720xi32, #tpu.memory_space<hbm>> -> memref<960xi32, #tpu.memory_space<hbm>>
      tpu.enqueue_dma source(%dma_start3A_7 : memref<960xi32, #tpu.memory_space<hbm>>) target(%arg5 : memref<960xi32, #tpu.memory_space<vmem>>) target_semaphore(%run_scoped3A : memref<!tpu.dma_semaphore, #tpu.memory_space<semaphore_mem>>)
      %dma_wait3A = tpu.memref_slice %arg3[%mul3A_2] : memref<30720xi32, #tpu.memory_space<hbm>> -> memref<960xi32, #tpu.memory_space<hbm>>
      %dma_wait3A_8 = tpu.memref_slice %arg3[%mul3A_2] : memref<30720xi32, #tpu.memory_space<hbm>> -> memref<960xi32, #tpu.memory_space<hbm>>
      tpu.wait_dma2 semaphore(%run_scoped3A : memref<!tpu.dma_semaphore, #tpu.memory_space<semaphore_mem>>) src(%dma_wait3A_8 : memref<960xi32, #tpu.memory_space<hbm>>) dst(%arg5 : memref<960xi32, #tpu.memory_space<vmem>>)
      tpu.yield
    }) : () -> ()
    %scan3A = arith.constant 0 : i32
    %scan3A_3 = arith.constant 15 : i32
    %scan3A_4 = arith.addi %scan3A, %scan3A_3 : i32
    %scan3A_5 = arith.constant 1 : i32
    scf.for %scan3A_7 = %scan3A to %scan3A_4 step %scan3A_5  : i32 {
      %mul3A_8 = arith.constant 1 : i32
      %mul3A_9 = arith.muli %scan3A_7, %mul3A_8 : i32
      %add3A_10 = arith.constant 0 : i32
      %add3A_11 = arith.addi %add3A_10, %mul3A_9 : i32
      %mul3A_12 = arith.constant 64 : i32
      %mul3A_13 = arith.muli %add3A_11, %mul3A_12 : i32
      %dma_start3A = tpu.memref_slice %arg5[%mul3A_13] : memref<960xi32, #tpu.memory_space<vmem>> -> memref<64xi32, #tpu.memory_space<vmem>>
      %dma_start3A_14 = arith.constant 0 : i32
      %dma_start3A_15 = arith.constant 0 : i32
      %dma_start3A_16 = tpu.memref_slice %arg2[%dma_start3A_14, %dma_start3A_15] : memref<30720x1024xf32, #tpu.memory_space<hbm>> -> memref<30720x1024xf32, #tpu.memory_space<hbm>>
      tpu.enqueue_indirect_dma source(%dma_start3A_16 : memref<30720x1024xf32, #tpu.memory_space<hbm>>) target(%arg6 : memref<64x1024xf32, #tpu.memory_space<vmem>>) offsets(%dma_start3A : memref<64xi32, #tpu.memory_space<vmem>>) semaphore(%arg7 : memref<!tpu.dma_semaphore, #tpu.memory_space<semaphore_mem>>)
      %dma_wait3A = tpu.memref_slice %arg5[%mul3A_13] : memref<960xi32, #tpu.memory_space<vmem>> -> memref<64xi32, #tpu.memory_space<vmem>>
      %dma_wait3A_17 = arith.constant 0 : i32
      %dma_wait3A_18 = arith.constant 0 : i32
      %dma_wait3A_19 = tpu.memref_slice %arg2[%dma_wait3A_17, %dma_wait3A_18] : memref<30720x1024xf32, #tpu.memory_space<hbm>> -> memref<30720x1024xf32, #tpu.memory_space<hbm>>
      tpu.wait_indirect_dma semaphore(%arg7 : memref<!tpu.dma_semaphore, #tpu.memory_space<semaphore_mem>>) src(%dma_wait3A_19 : memref<30720x1024xf32, #tpu.memory_space<hbm>>) dst(%arg6 : memref<64x1024xf32, #tpu.memory_space<vmem>>)
      %mul3A_20 = arith.constant 64 : i32
      %mul3A_21 = arith.muli %add3A_11, %mul3A_20 : i32
      %add3A_22 = arith.addi %mul3A_2, %mul3A_21 : i32
      "tpu.region"() ({
        %run_scoped3A = tpu.sem_alloc : memref<!tpu.dma_semaphore, #tpu.memory_space<semaphore_mem>>
        %dma_start3A_23 = arith.constant 0 : i32
        %dma_start3A_24 = tpu.memref_slice %arg4[%add3A_22, %dma_start3A_23] : memref<30720x1024xf32, #tpu.memory_space<hbm>> -> memref<64x1024xf32, #tpu.memory_space<hbm>>
        %dma_start3A_25 = arith.constant 0 : i32
        %dma_start3A_26 = tpu.memref_slice %arg4[%add3A_22, %dma_start3A_25] : memref<30720x1024xf32, #tpu.memory_space<hbm>> -> memref<64x1024xf32, #tpu.memory_space<hbm>>
        tpu.enqueue_dma source(%arg6 : memref<64x1024xf32, #tpu.memory_space<vmem>>) target(%dma_start3A_26 : memref<64x1024xf32, #tpu.memory_space<hbm>>) target_semaphore(%run_scoped3A : memref<!tpu.dma_semaphore, #tpu.memory_space<semaphore_mem>>)
        %dma_wait3A_27 = arith.constant 0 : i32
        %dma_wait3A_28 = tpu.memref_slice %arg4[%add3A_22, %dma_wait3A_27] : memref<30720x1024xf32, #tpu.memory_space<hbm>> -> memref<64x1024xf32, #tpu.memory_space<hbm>>
        %dma_wait3A_29 = arith.constant 0 : i32
        %dma_wait3A_30 = tpu.memref_slice %arg4[%add3A_22, %dma_wait3A_29] : memref<30720x1024xf32, #tpu.memory_space<hbm>> -> memref<64x1024xf32, #tpu.memory_space<hbm>>
        tpu.wait_dma2 semaphore(%run_scoped3A : memref<!tpu.dma_semaphore, #tpu.memory_space<semaphore_mem>>) src(%arg6 : memref<64x1024xf32, #tpu.memory_space<vmem>>) dst(%dma_wait3A_30 : memref<64x1024xf32, #tpu.memory_space<hbm>>)
        tpu.yield
      }) : () -> ()
    }
    %scan3A_6 = arith.constant 15 : i32
    return
  }
}

module attributes {stable_mosaic.version = 14 : i64} {
  func.func @_init_body(%arg0: i32, %arg1: memref<1x1xf32, #tpu.memory_space<smem>>, %arg2: memref<400x1024xf32, #tpu.memory_space<vmem>>, %arg3: memref<3x400x1xf32, #tpu.memory_space<vmem>>, %arg4: memref<400x1024xf32, #tpu.memory_space<vmem>>, %arg5: memref<3x400x1024xf32, #tpu.memory_space<vmem>>) attributes {dimension_semantics = [#tpu.dimension_semantics<arbitrary>], iteration_bounds = array<i64: 25>, scalar_prefetch = 0 : i64, scratch_operands = 0 : i64, tpu.core_type = #tpu.core_type<tc>, window_params = [{transform_indices = @transform_0, window_bounds = array<i64: 1, 1>}, {transform_indices = @transform_1, window_bounds = array<i64: 400, 1024>}, {transform_indices = @transform_2, window_bounds = array<i64: 3, 400, 1>}, {transform_indices = @transform_3, window_bounds = array<i64: 400, 1024>}, {transform_indices = @transform_4, window_bounds = array<i64: 3, 400, 1024>}]} {
    %get3A = arith.constant 0 : index
    %get3A_0 = arith.constant 0 : index
    %get3A_1 = memref.load %arg1[%get3A, %get3A_0] : memref<1x1xf32, #tpu.memory_space<smem>>
    %scan3A = arith.constant 0 : i32
    %scan3A_2 = arith.constant 50 : i32
    %scan3A_3 = arith.addi %scan3A, %scan3A_2 : i32
    %scan3A_4 = arith.constant 1 : i32
    scf.for %scan3A_6 = %scan3A to %scan3A_3 step %scan3A_4  : i32 {
      %mul3A = arith.constant 8 : i32
      %mul3A_7 = arith.muli %scan3A_6, %mul3A : i32
      %get3A_8 = arith.index_cast %mul3A_7 : i32 to index
      %get3A_9 = arith.constant 0 : index
      %get3A_10 = vector.load %arg2[%get3A_8, %get3A_9] : memref<400x1024xf32, #tpu.memory_space<vmem>>, vector<8x1024xf32>
      %add3A = arith.constant 1.000000e+00 : f32
      %add3A_11 = vector.broadcast %add3A : f32 to vector<8x1024xf32>
      %add3A_12 = arith.addf %add3A_11, %get3A_10 : vector<8x1024xf32>
      %mul3A_13 = vector.broadcast %get3A_1 : f32 to vector<8x1024xf32>
      %mul3A_14 = arith.mulf %mul3A_13, %add3A_12 : vector<8x1024xf32>
      %swap3A = arith.index_cast %mul3A_7 : i32 to index
      %swap3A_15 = arith.constant 0 : index
      %swap3A_16 = vector.load %arg4[%swap3A, %swap3A_15] : memref<400x1024xf32, #tpu.memory_space<vmem>>, vector<8x1024xf32>
      tpu.vector_store %arg4[%swap3A, %swap3A_15], %mul3A_14 {strides = array<i32>} : memref<400x1024xf32, #tpu.memory_space<vmem>>, vector<8x1024xf32>,
      %get3A_17 = arith.constant 0 : index
      %get3A_18 = arith.index_cast %mul3A_7 : i32 to index
      %get3A_19 = arith.constant 0 : index
      %get3A_20 = vector.load %arg3[%get3A_17, %get3A_18, %get3A_19] : memref<3x400x1xf32, #tpu.memory_space<vmem>>, vector<3x8x1xf32>
      %broadcast_in_dim3A = vector.shape_cast %mul3A_14 : vector<8x1024xf32> to vector<1x8x1024xf32>
      %mul3A_21 = vector.broadcast %get3A_20 : vector<3x8x1xf32> to vector<3x8x1024xf32>
      %mul3A_22 = vector.broadcast %broadcast_in_dim3A : vector<1x8x1024xf32> to vector<3x8x1024xf32>
      %mul3A_23 = arith.mulf %mul3A_21, %mul3A_22 : vector<3x8x1024xf32>
      %swap3A_24 = arith.constant 0 : index
      %swap3A_25 = arith.index_cast %mul3A_7 : i32 to index
      %swap3A_26 = arith.constant 0 : index
      %swap3A_27 = vector.load %arg5[%swap3A_24, %swap3A_25, %swap3A_26] : memref<3x400x1024xf32, #tpu.memory_space<vmem>>, vector<3x8x1024xf32>
      tpu.vector_store %arg5[%swap3A_24, %swap3A_25, %swap3A_26], %mul3A_23 {strides = array<i32>} : memref<3x400x1024xf32, #tpu.memory_space<vmem>>, vector<3x8x1024xf32>,
    }
    %scan3A_5 = arith.constant 50 : i32
    return
  }
  func.func @transform_0(%arg0: i32) -> (i32, i32) {
    %c0_i32 = arith.constant 0 : i32
    %c0_i32_0 = arith.constant 0 : i32
    %c0_i32_1 = arith.constant 0 : i32
    return %c0_i32, %c0_i32_0 : i32, i32
  }
  func.func @transform_1(%arg0: i32) -> (i32, i32) {
    %c0_i32 = arith.constant 0 : i32
    %c0_i32_0 = arith.constant 0 : i32
    return %arg0, %c0_i32 : i32, i32
  }
  func.func @transform_2(%arg0: i32) -> (i32, i32, i32) {
    %c0_i32 = arith.constant 0 : i32
    %c0_i32_0 = arith.constant 0 : i32
    %c0_i32_1 = arith.constant 0 : i32
    return %c0_i32, %arg0, %c0_i32_0 : i32, i32, i32
  }
  func.func @transform_3(%arg0: i32) -> (i32, i32) {
    %c0_i32 = arith.constant 0 : i32
    %c0_i32_0 = arith.constant 0 : i32
    return %arg0, %c0_i32 : i32, i32
  }
  func.func @transform_4(%arg0: i32) -> (i32, i32, i32) {
    %c0_i32 = arith.constant 0 : i32
    %c0_i32_0 = arith.constant 0 : i32
    %c0_i32_1 = arith.constant 0 : i32
    return %c0_i32, %arg0, %c0_i32_0 : i32, i32, i32
  }
}

module attributes {stable_mosaic.version = 14 : i64} {
  func.func @_cn_body(%arg0: i32, %arg1: memref<6x200x1024xf32, #tpu.memory_space<vmem>>, %arg2: memref<6x200x1024xf32, #tpu.memory_space<vmem>>) attributes {dimension_semantics = [#tpu.dimension_semantics<arbitrary>], iteration_bounds = array<i64: 25>, scalar_prefetch = 0 : i64, scratch_operands = 0 : i64, tpu.core_type = #tpu.core_type<tc>, window_params = [{transform_indices = @transform_0, window_bounds = array<i64: 6, 200, 1024>}, {transform_indices = @transform_1, window_bounds = array<i64: 6, 200, 1024>}]} {
    %scan3A = arith.constant 0 : i32
    %scan3A_0 = arith.constant 25 : i32
    %scan3A_1 = arith.addi %scan3A, %scan3A_0 : i32
    %scan3A_2 = arith.constant 1 : i32
    scf.for %scan3A_4 = %scan3A to %scan3A_1 step %scan3A_2  : i32 {
      %mul3A = arith.constant 8 : i32
      %mul3A_5 = arith.muli %scan3A_4, %mul3A : i32
      %get3A = arith.constant 0 : index
      %get3A_6 = arith.index_cast %mul3A_5 : i32 to index
      %get3A_7 = arith.constant 0 : index
      %get3A_8 = vector.load %arg1[%get3A, %get3A_6, %get3A_7] : memref<6x200x1024xf32, #tpu.memory_space<vmem>>, vector<6x8x1024xf32>
      %abs3A = math.absf %get3A_8 : vector<6x8x1024xf32>
      %jit3A = arith.constant 8.500000e-08 : f32
      %jit3A_9 = arith.constant 16.6355324 : f32
      %max3A = vector.broadcast %jit3A : f32 to vector<6x8x1024xf32>
      %max3A_10 = arith.maximumf %max3A, %abs3A : vector<6x8x1024xf32>
      %min3A = vector.broadcast %jit3A_9 : f32 to vector<6x8x1024xf32>
      %min3A_11 = arith.minimumf %min3A, %max3A_10 : vector<6x8x1024xf32>
      %mul3A_12 = arith.constant 5.000000e-01 : f32
      %mul3A_13 = vector.broadcast %mul3A_12 : f32 to vector<6x8x1024xf32>
      %mul3A_14 = arith.mulf %min3A_11, %mul3A_13 : vector<6x8x1024xf32>
      %tanh3A = math.tanh %mul3A_14 : vector<6x8x1024xf32>
      %slice3A = vector.extract_strided_slice %tanh3A {offsets = [0, 0, 0], sizes = [1, 8, 1024], strides = [1, 1, 1]} : vector<6x8x1024xf32> to vector<1x8x1024xf32>
      %slice3A_15 = vector.extract_strided_slice %tanh3A {offsets = [1, 0, 0], sizes = [1, 8, 1024], strides = [1, 1, 1]} : vector<6x8x1024xf32> to vector<1x8x1024xf32>
      %mul3A_16 = arith.mulf %slice3A, %slice3A_15 : vector<1x8x1024xf32>
      %slice3A_17 = vector.extract_strided_slice %tanh3A {offsets = [2, 0, 0], sizes = [1, 8, 1024], strides = [1, 1, 1]} : vector<6x8x1024xf32> to vector<1x8x1024xf32>
      %slice3A_18 = vector.extract_strided_slice %tanh3A {offsets = [3, 0, 0], sizes = [1, 8, 1024], strides = [1, 1, 1]} : vector<6x8x1024xf32> to vector<1x8x1024xf32>
      %mul3A_19 = arith.mulf %slice3A_17, %slice3A_18 : vector<1x8x1024xf32>
      %mul3A_20 = arith.mulf %mul3A_16, %mul3A_19 : vector<1x8x1024xf32>
      %slice3A_21 = vector.extract_strided_slice %tanh3A {offsets = [4, 0, 0], sizes = [1, 8, 1024], strides = [1, 1, 1]} : vector<6x8x1024xf32> to vector<1x8x1024xf32>
      %slice3A_22 = vector.extract_strided_slice %tanh3A {offsets = [5, 0, 0], sizes = [1, 8, 1024], strides = [1, 1, 1]} : vector<6x8x1024xf32> to vector<1x8x1024xf32>
      %mul3A_23 = arith.mulf %slice3A_21, %slice3A_22 : vector<1x8x1024xf32>
      %mul3A_24 = arith.mulf %mul3A_20, %mul3A_23 : vector<1x8x1024xf32>
      %add3A = vector.broadcast %mul3A_24 : vector<1x8x1024xf32> to vector<6x8x1024xf32>
      %add3A_25 = arith.addf %tanh3A, %add3A : vector<6x8x1024xf32>
      %sub3A = vector.broadcast %mul3A_24 : vector<1x8x1024xf32> to vector<6x8x1024xf32>
      %sub3A_26 = arith.subf %tanh3A, %sub3A : vector<6x8x1024xf32>
      %mul3A_27 = arith.constant 8.500000e-08 : f32
      %mul3A_28 = vector.broadcast %mul3A_27 : f32 to vector<6x8x1024xf32>
      %mul3A_29 = arith.mulf %mul3A_28, %tanh3A : vector<6x8x1024xf32>
      %max3A_30 = arith.maximumf %sub3A_26, %mul3A_29 : vector<6x8x1024xf32>
      %div3A = arith.divf %add3A_25, %max3A_30 : vector<6x8x1024xf32>
      %log3A = math.log %div3A : vector<6x8x1024xf32>
      %lt3A = arith.constant 0.000000e+00 : f32
      %lt3A_31 = vector.broadcast %lt3A : f32 to vector<6x8x1024xf32>
      %lt3A_32 = arith.cmpf olt, %get3A_8, %lt3A_31 : vector<6x8x1024xf32>
      %jit3A_33 = arith.constant -1.000000e+00 : f32
      %jit3A_34 = arith.constant 1.000000e+00 : f32
      %broadcast_in_dim3A = vector.broadcast %jit3A_33 : f32 to vector<6x8x1024xf32>
      %broadcast_in_dim3A_35 = vector.broadcast %jit3A_34 : f32 to vector<6x8x1024xf32>
      %select_n3A = arith.select %lt3A_32, %broadcast_in_dim3A, %broadcast_in_dim3A_35 : vector<6x8x1024xi1>, vector<6x8x1024xf32>
      %slice3A_36 = vector.extract_strided_slice %select_n3A {offsets = [0, 0, 0], sizes = [1, 8, 1024], strides = [1, 1, 1]} : vector<6x8x1024xf32> to vector<1x8x1024xf32>
      %slice3A_37 = vector.extract_strided_slice %select_n3A {offsets = [1, 0, 0], sizes = [1, 8, 1024], strides = [1, 1, 1]} : vector<6x8x1024xf32> to vector<1x8x1024xf32>
      %mul3A_38 = arith.mulf %slice3A_36, %slice3A_37 : vector<1x8x1024xf32>
      %slice3A_39 = vector.extract_strided_slice %select_n3A {offsets = [2, 0, 0], sizes = [1, 8, 1024], strides = [1, 1, 1]} : vector<6x8x1024xf32> to vector<1x8x1024xf32>
      %slice3A_40 = vector.extract_strided_slice %select_n3A {offsets = [3, 0, 0], sizes = [1, 8, 1024], strides = [1, 1, 1]} : vector<6x8x1024xf32> to vector<1x8x1024xf32>
      %mul3A_41 = arith.mulf %slice3A_39, %slice3A_40 : vector<1x8x1024xf32>
      %mul3A_42 = arith.mulf %mul3A_38, %mul3A_41 : vector<1x8x1024xf32>
      %slice3A_43 = vector.extract_strided_slice %select_n3A {offsets = [4, 0, 0], sizes = [1, 8, 1024], strides = [1, 1, 1]} : vector<6x8x1024xf32> to vector<1x8x1024xf32>
      %slice3A_44 = vector.extract_strided_slice %select_n3A {offsets = [5, 0, 0], sizes = [1, 8, 1024], strides = [1, 1, 1]} : vector<6x8x1024xf32> to vector<1x8x1024xf32>
      %mul3A_45 = arith.mulf %slice3A_43, %slice3A_44 : vector<1x8x1024xf32>
      %mul3A_46 = arith.mulf %mul3A_42, %mul3A_45 : vector<1x8x1024xf32>
      %mul3A_47 = vector.broadcast %mul3A_46 : vector<1x8x1024xf32> to vector<6x8x1024xf32>
      %mul3A_48 = arith.mulf %mul3A_47, %select_n3A : vector<6x8x1024xf32>
      %mul3A_49 = arith.mulf %mul3A_48, %log3A : vector<6x8x1024xf32>
      %swap3A = arith.constant 0 : index
      %swap3A_50 = arith.index_cast %mul3A_5 : i32 to index
      %swap3A_51 = arith.constant 0 : index
      %swap3A_52 = vector.load %arg2[%swap3A, %swap3A_50, %swap3A_51] : memref<6x200x1024xf32, #tpu.memory_space<vmem>>, vector<6x8x1024xf32>
      tpu.vector_store %arg2[%swap3A, %swap3A_50, %swap3A_51], %mul3A_49 {strides = array<i32>} : memref<6x200x1024xf32, #tpu.memory_space<vmem>>, vector<6x8x1024xf32>,
    }
    %scan3A_3 = arith.constant 25 : i32
    return
  }
  func.func @transform_0(%arg0: i32) -> (i32, i32, i32) {
    %c0_i32 = arith.constant 0 : i32
    %c0_i32_0 = arith.constant 0 : i32
    %c0_i32_1 = arith.constant 0 : i32
    return %c0_i32, %arg0, %c0_i32_0 : i32, i32, i32
  }
  func.func @transform_1(%arg0: i32) -> (i32, i32, i32) {
    %c0_i32 = arith.constant 0 : i32
    %c0_i32_0 = arith.constant 0 : i32
    %c0_i32_1 = arith.constant 0 : i32
    return %c0_i32, %arg0, %c0_i32_0 : i32, i32, i32
  }
}

module attributes {stable_mosaic.version = 14 : i64} {
  func.func @_vn_body(%arg0: i32, %arg1: memref<3x400x1024xf32, #tpu.memory_space<vmem>>, %arg2: memref<400x1024xf32, #tpu.memory_space<vmem>>, %arg3: memref<3x400x1xf32, #tpu.memory_space<vmem>>, %arg4: memref<3x400x1024xf32, #tpu.memory_space<vmem>>, %arg5: memref<1x1xf32, #tpu.memory_space<smem>>) attributes {dimension_semantics = [#tpu.dimension_semantics<arbitrary>], iteration_bounds = array<i64: 25>, scalar_prefetch = 0 : i64, scratch_operands = 0 : i64, tpu.core_type = #tpu.core_type<tc>, window_params = [{transform_indices = @transform_0, window_bounds = array<i64: 3, 400, 1024>}, {transform_indices = @transform_1, window_bounds = array<i64: 400, 1024>}, {transform_indices = @transform_2, window_bounds = array<i64: 3, 400, 1>}, {transform_indices = @transform_3, window_bounds = array<i64: 3, 400, 1024>}, {transform_indices = @transform_4, window_bounds = array<i64: 1, 1>}]} {
    %broadcast_in_dim3A = arith.constant 0.000000e+00 : f32
    %broadcast_in_dim3A_0 = vector.broadcast %broadcast_in_dim3A : f32 to vector<8x1024xf32>
    %scan3A = arith.constant 0 : i32
    %scan3A_1 = arith.constant 50 : i32
    %scan3A_2 = arith.addi %scan3A, %scan3A_1 : i32
    %scan3A_3 = arith.constant 1 : i32
    %scan3A_4 = scf.for %scan3A_16 = %scan3A to %scan3A_2 step %scan3A_3 iter_args(%scan3A_17 = %broadcast_in_dim3A_0) -> (vector<8x1024xf32>)  : i32 {
      %mul3A = arith.constant 8 : i32
      %mul3A_18 = arith.muli %scan3A_16, %mul3A : i32
      %get3A_19 = arith.constant 0 : index
      %get3A_20 = arith.index_cast %mul3A_18 : i32 to index
      %get3A_21 = arith.constant 0 : index
      %get3A_22 = vector.load %arg1[%get3A_19, %get3A_20, %get3A_21] : memref<3x400x1024xf32, #tpu.memory_space<vmem>>, vector<3x8x1024xf32>
      %get3A_23 = arith.index_cast %mul3A_18 : i32 to index
      %get3A_24 = arith.constant 0 : index
      %get3A_25 = vector.load %arg2[%get3A_23, %get3A_24] : memref<400x1024xf32, #tpu.memory_space<vmem>>, vector<8x1024xf32>
      %slice3A = vector.extract_strided_slice %get3A_22 {offsets = [0, 0, 0], sizes = [1, 8, 1024], strides = [1, 1, 1]} : vector<3x8x1024xf32> to vector<1x8x1024xf32>
      %squeeze3A = vector.shape_cast %slice3A : vector<1x8x1024xf32> to vector<8x1024xf32>
      %slice3A_26 = vector.extract_strided_slice %get3A_22 {offsets = [1, 0, 0], sizes = [1, 8, 1024], strides = [1, 1, 1]} : vector<3x8x1024xf32> to vector<1x8x1024xf32>
      %squeeze3A_27 = vector.shape_cast %slice3A_26 : vector<1x8x1024xf32> to vector<8x1024xf32>
      %add3A_28 = arith.addf %squeeze3A, %squeeze3A_27 : vector<8x1024xf32>
      %slice3A_29 = vector.extract_strided_slice %get3A_22 {offsets = [2, 0, 0], sizes = [1, 8, 1024], strides = [1, 1, 1]} : vector<3x8x1024xf32> to vector<1x8x1024xf32>
      %squeeze3A_30 = vector.shape_cast %slice3A_29 : vector<1x8x1024xf32> to vector<8x1024xf32>
      %add3A_31 = arith.addf %add3A_28, %squeeze3A_30 : vector<8x1024xf32>
      %add3A_32 = arith.addf %get3A_25, %add3A_31 : vector<8x1024xf32>
      %neg3A = arith.constant 0.000000e+00 : f32
      %neg3A_33 = vector.broadcast %neg3A : f32 to vector<8x1024xf32>
      %neg3A_34 = arith.subf %neg3A_33, %add3A_32 : vector<8x1024xf32>
      %max3A = arith.constant 0.000000e+00 : f32
      %max3A_35 = vector.broadcast %max3A : f32 to vector<8x1024xf32>
      %max3A_36 = arith.maximumf %neg3A_34, %max3A_35 : vector<8x1024xf32>
      %abs3A = math.absf %neg3A_34 : vector<8x1024xf32>
      %neg3A_37 = arith.constant 0.000000e+00 : f32
      %neg3A_38 = vector.broadcast %neg3A_37 : f32 to vector<8x1024xf32>
      %neg3A_39 = arith.subf %neg3A_38, %abs3A : vector<8x1024xf32>
      %exp3A = math.exp %neg3A_39 : vector<8x1024xf32>
      %log1p3A = math.log1p %exp3A : vector<8x1024xf32>
      %add3A_40 = arith.addf %max3A_36, %log1p3A : vector<8x1024xf32>
      %get3A_41 = arith.constant 0 : index
      %get3A_42 = arith.index_cast %mul3A_18 : i32 to index
      %get3A_43 = arith.constant 0 : index
      %get3A_44 = vector.load %arg3[%get3A_41, %get3A_42, %get3A_43] : memref<3x400x1xf32, #tpu.memory_space<vmem>>, vector<3x8x1xf32>
      %broadcast_in_dim3A_45 = vector.shape_cast %add3A_32 : vector<8x1024xf32> to vector<1x8x1024xf32>
      %sub3A = vector.broadcast %broadcast_in_dim3A_45 : vector<1x8x1024xf32> to vector<3x8x1024xf32>
      %sub3A_46 = arith.subf %sub3A, %get3A_22 : vector<3x8x1024xf32>
      %mul3A_47 = vector.broadcast %get3A_44 : vector<3x8x1xf32> to vector<3x8x1024xf32>
      %mul3A_48 = arith.mulf %mul3A_47, %sub3A_46 : vector<3x8x1024xf32>
      %swap3A_49 = arith.constant 0 : index
      %swap3A_50 = arith.index_cast %mul3A_18 : i32 to index
      %swap3A_51 = arith.constant 0 : index
      %swap3A_52 = vector.load %arg4[%swap3A_49, %swap3A_50, %swap3A_51] : memref<3x400x1024xf32, #tpu.memory_space<vmem>>, vector<3x8x1024xf32>
      tpu.vector_store %arg4[%swap3A_49, %swap3A_50, %swap3A_51], %mul3A_48 {strides = array<i32>} : memref<3x400x1024xf32, #tpu.memory_space<vmem>>, vector<3x8x1024xf32>,
      %add3A_53 = arith.addf %scan3A_17, %add3A_40 : vector<8x1024xf32>
      scf.yield %add3A_53 : vector<8x1024xf32>
    }
    %scan3A_5 = arith.constant 50 : i32
    %eq3A = arith.constant 0 : i32
    %eq3A_6 = arith.cmpi eq, %arg0, %eq3A : i32
    %convert_element_type3A = arith.extui %eq3A_6 : i1 to i32
    %cond3A = arith.constant 0 : i32
    %cond3A_7 = arith.cmpi ne, %convert_element_type3A, %cond3A : i32
    scf.if %cond3A_7 {
      %swap3A_16 = arith.constant 0.000000e+00 : f32
      %swap3A_17 = arith.constant 0 : index
      %swap3A_18 = arith.constant 0 : index
      %swap3A_19 = memref.load %arg5[%swap3A_17, %swap3A_18] : memref<1x1xf32, #tpu.memory_space<smem>>
      memref.store %swap3A_16, %arg5[%swap3A_17, %swap3A_18] : memref<1x1xf32, #tpu.memory_space<smem>>
    } else {
    }
    %get3A = arith.constant 0 : index
    %get3A_8 = arith.constant 0 : index
    %get3A_9 = memref.load %arg5[%get3A, %get3A_8] : memref<1x1xf32, #tpu.memory_space<smem>>
    %reduce_sum3A = vector.shape_cast %scan3A_4 : vector<8x1024xf32> to vector<1x8x1024xf32>
    %reduce_sum3A_10 = arith.constant dense<0.000000e+00> : vector<1xf32>
    %reduce_sum3A_11 = vector.multi_reduction <add>, %reduce_sum3A, %reduce_sum3A_10 [1, 2] : vector<1x8x1024xf32> to vector<1xf32>
    %reduce_sum3A_12 = vector.shape_cast %reduce_sum3A_11 : vector<1xf32> to vector<1x1x1xf32>
    %reduce_sum3A_13 = vector.extract %reduce_sum3A_12[0, 0, 0] : f32 from vector<1x1x1xf32>
    %add3A = arith.addf %get3A_9, %reduce_sum3A_13 : f32
    %swap3A = arith.constant 0 : index
    %swap3A_14 = arith.constant 0 : index
    %swap3A_15 = memref.load %arg5[%swap3A, %swap3A_14] : memref<1x1xf32, #tpu.memory_space<smem>>
    memref.store %add3A, %arg5[%swap3A, %swap3A_14] : memref<1x1xf32, #tpu.memory_space<smem>>
    return
  }
  func.func @transform_0(%arg0: i32) -> (i32, i32, i32) {
    %c0_i32 = arith.constant 0 : i32
    %c0_i32_0 = arith.constant 0 : i32
    %c0_i32_1 = arith.constant 0 : i32
    return %c0_i32, %arg0, %c0_i32_0 : i32, i32, i32
  }
  func.func @transform_1(%arg0: i32) -> (i32, i32) {
    %c0_i32 = arith.constant 0 : i32
    %c0_i32_0 = arith.constant 0 : i32
    return %arg0, %c0_i32 : i32, i32
  }
  func.func @transform_2(%arg0: i32) -> (i32, i32, i32) {
    %c0_i32 = arith.constant 0 : i32
    %c0_i32_0 = arith.constant 0 : i32
    %c0_i32_1 = arith.constant 0 : i32
    return %c0_i32, %arg0, %c0_i32_0 : i32, i32, i32
  }
  func.func @transform_3(%arg0: i32) -> (i32, i32, i32) {
    %c0_i32 = arith.constant 0 : i32
    %c0_i32_0 = arith.constant 0 : i32
    %c0_i32_1 = arith.constant 0 : i32
    return %c0_i32, %arg0, %c0_i32_0 : i32, i32, i32
  }
  func.func @transform_4(%arg0: i32) -> (i32, i32) {
    %c0_i32 = arith.constant 0 : i32
    %c0_i32_0 = arith.constant 0 : i32
    %c0_i32_1 = arith.constant 0 : i32
    return %c0_i32, %c0_i32_0 : i32, i32
  }
}

module attributes {stable_mosaic.version = 14 : i64} {
  func.func @_vn_last_body(%arg0: i32, %arg1: memref<3x400x1024xf32, #tpu.memory_space<vmem>>, %arg2: memref<400x1024xf32, #tpu.memory_space<vmem>>, %arg3: memref<400x1024xf32, #tpu.memory_space<vmem>>, %arg4: memref<1x1xf32, #tpu.memory_space<smem>>) attributes {dimension_semantics = [#tpu.dimension_semantics<arbitrary>], iteration_bounds = array<i64: 25>, scalar_prefetch = 0 : i64, scratch_operands = 0 : i64, tpu.core_type = #tpu.core_type<tc>, window_params = [{transform_indices = @transform_0, window_bounds = array<i64: 3, 400, 1024>}, {transform_indices = @transform_1, window_bounds = array<i64: 400, 1024>}, {transform_indices = @transform_2, window_bounds = array<i64: 400, 1024>}, {transform_indices = @transform_3, window_bounds = array<i64: 1, 1>}]} {
    %broadcast_in_dim3A = arith.constant 0.000000e+00 : f32
    %broadcast_in_dim3A_0 = vector.broadcast %broadcast_in_dim3A : f32 to vector<8x1024xf32>
    %scan3A = arith.constant 0 : i32
    %scan3A_1 = arith.constant 50 : i32
    %scan3A_2 = arith.addi %scan3A, %scan3A_1 : i32
    %scan3A_3 = arith.constant 1 : i32
    %scan3A_4 = scf.for %scan3A_16 = %scan3A to %scan3A_2 step %scan3A_3 iter_args(%scan3A_17 = %broadcast_in_dim3A_0) -> (vector<8x1024xf32>)  : i32 {
      %mul3A = arith.constant 8 : i32
      %mul3A_18 = arith.muli %scan3A_16, %mul3A : i32
      %get3A_19 = arith.constant 0 : index
      %get3A_20 = arith.index_cast %mul3A_18 : i32 to index
      %get3A_21 = arith.constant 0 : index
      %get3A_22 = vector.load %arg1[%get3A_19, %get3A_20, %get3A_21] : memref<3x400x1024xf32, #tpu.memory_space<vmem>>, vector<3x8x1024xf32>
      %get3A_23 = arith.index_cast %mul3A_18 : i32 to index
      %get3A_24 = arith.constant 0 : index
      %get3A_25 = vector.load %arg2[%get3A_23, %get3A_24] : memref<400x1024xf32, #tpu.memory_space<vmem>>, vector<8x1024xf32>
      %slice3A = vector.extract_strided_slice %get3A_22 {offsets = [0, 0, 0], sizes = [1, 8, 1024], strides = [1, 1, 1]} : vector<3x8x1024xf32> to vector<1x8x1024xf32>
      %squeeze3A = vector.shape_cast %slice3A : vector<1x8x1024xf32> to vector<8x1024xf32>
      %slice3A_26 = vector.extract_strided_slice %get3A_22 {offsets = [1, 0, 0], sizes = [1, 8, 1024], strides = [1, 1, 1]} : vector<3x8x1024xf32> to vector<1x8x1024xf32>
      %squeeze3A_27 = vector.shape_cast %slice3A_26 : vector<1x8x1024xf32> to vector<8x1024xf32>
      %add3A_28 = arith.addf %squeeze3A, %squeeze3A_27 : vector<8x1024xf32>
      %slice3A_29 = vector.extract_strided_slice %get3A_22 {offsets = [2, 0, 0], sizes = [1, 8, 1024], strides = [1, 1, 1]} : vector<3x8x1024xf32> to vector<1x8x1024xf32>
      %squeeze3A_30 = vector.shape_cast %slice3A_29 : vector<1x8x1024xf32> to vector<8x1024xf32>
      %add3A_31 = arith.addf %add3A_28, %squeeze3A_30 : vector<8x1024xf32>
      %add3A_32 = arith.addf %get3A_25, %add3A_31 : vector<8x1024xf32>
      %neg3A = arith.constant 0.000000e+00 : f32
      %neg3A_33 = vector.broadcast %neg3A : f32 to vector<8x1024xf32>
      %neg3A_34 = arith.subf %neg3A_33, %add3A_32 : vector<8x1024xf32>
      %max3A = arith.constant 0.000000e+00 : f32
      %max3A_35 = vector.broadcast %max3A : f32 to vector<8x1024xf32>
      %max3A_36 = arith.maximumf %neg3A_34, %max3A_35 : vector<8x1024xf32>
      %abs3A = math.absf %neg3A_34 : vector<8x1024xf32>
      %neg3A_37 = arith.constant 0.000000e+00 : f32
      %neg3A_38 = vector.broadcast %neg3A_37 : f32 to vector<8x1024xf32>
      %neg3A_39 = arith.subf %neg3A_38, %abs3A : vector<8x1024xf32>
      %exp3A = math.exp %neg3A_39 : vector<8x1024xf32>
      %log1p3A = math.log1p %exp3A : vector<8x1024xf32>
      %add3A_40 = arith.addf %max3A_36, %log1p3A : vector<8x1024xf32>
      %swap3A_41 = arith.index_cast %mul3A_18 : i32 to index
      %swap3A_42 = arith.constant 0 : index
      %swap3A_43 = vector.load %arg3[%swap3A_41, %swap3A_42] : memref<400x1024xf32, #tpu.memory_space<vmem>>, vector<8x1024xf32>
      tpu.vector_store %arg3[%swap3A_41, %swap3A_42], %neg3A_34 {strides = array<i32>} : memref<400x1024xf32, #tpu.memory_space<vmem>>, vector<8x1024xf32>,
      %add3A_44 = arith.addf %scan3A_17, %add3A_40 : vector<8x1024xf32>
      scf.yield %add3A_44 : vector<8x1024xf32>
    }
    %scan3A_5 = arith.constant 50 : i32
    %eq3A = arith.constant 0 : i32
    %eq3A_6 = arith.cmpi eq, %arg0, %eq3A : i32
    %convert_element_type3A = arith.extui %eq3A_6 : i1 to i32
    %cond3A = arith.constant 0 : i32
    %cond3A_7 = arith.cmpi ne, %convert_element_type3A, %cond3A : i32
    scf.if %cond3A_7 {
      %swap3A_16 = arith.constant 0.000000e+00 : f32
      %swap3A_17 = arith.constant 0 : index
      %swap3A_18 = arith.constant 0 : index
      %swap3A_19 = memref.load %arg4[%swap3A_17, %swap3A_18] : memref<1x1xf32, #tpu.memory_space<smem>>
      memref.store %swap3A_16, %arg4[%swap3A_17, %swap3A_18] : memref<1x1xf32, #tpu.memory_space<smem>>
    } else {
    }
    %get3A = arith.constant 0 : index
    %get3A_8 = arith.constant 0 : index
    %get3A_9 = memref.load %arg4[%get3A, %get3A_8] : memref<1x1xf32, #tpu.memory_space<smem>>
    %reduce_sum3A = vector.shape_cast %scan3A_4 : vector<8x1024xf32> to vector<1x8x1024xf32>
    %reduce_sum3A_10 = arith.constant dense<0.000000e+00> : vector<1xf32>
    %reduce_sum3A_11 = vector.multi_reduction <add>, %reduce_sum3A, %reduce_sum3A_10 [1, 2] : vector<1x8x1024xf32> to vector<1xf32>
    %reduce_sum3A_12 = vector.shape_cast %reduce_sum3A_11 : vector<1xf32> to vector<1x1x1xf32>
    %reduce_sum3A_13 = vector.extract %reduce_sum3A_12[0, 0, 0] : f32 from vector<1x1x1xf32>
    %add3A = arith.addf %get3A_9, %reduce_sum3A_13 : f32
    %swap3A = arith.constant 0 : index
    %swap3A_14 = arith.constant 0 : index
    %swap3A_15 = memref.load %arg4[%swap3A, %swap3A_14] : memref<1x1xf32, #tpu.memory_space<smem>>
    memref.store %add3A, %arg4[%swap3A, %swap3A_14] : memref<1x1xf32, #tpu.memory_space<smem>>
    return
  }
  func.func @transform_0(%arg0: i32) -> (i32, i32, i32) {
    %c0_i32 = arith.constant 0 : i32
    %c0_i32_0 = arith.constant 0 : i32
    %c0_i32_1 = arith.constant 0 : i32
    return %c0_i32, %arg0, %c0_i32_0 : i32, i32, i32
  }
  func.func @transform_1(%arg0: i32) -> (i32, i32) {
    %c0_i32 = arith.constant 0 : i32
    %c0_i32_0 = arith.constant 0 : i32
    return %arg0, %c0_i32 : i32, i32
  }
  func.func @transform_2(%arg0: i32) -> (i32, i32) {
    %c0_i32 = arith.constant 0 : i32
    %c0_i32_0 = arith.constant 0 : i32
    return %arg0, %c0_i32 : i32, i32
  }
  func.func @transform_3(%arg0: i32) -> (i32, i32) {
    %c0_i32 = arith.constant 0 : i32
    %c0_i32_0 = arith.constant 0 : i32
    %c0_i32_1 = arith.constant 0 : i32
    return %c0_i32, %c0_i32_0 : i32, i32
  }
}

</mosaic_0001>

<sc_bundles>
// kernel: kernel.23.cloned.1.call-start
scs
__scs_entry_jumppad:
0x0: {  	(pc) =	sbr.rel $0x88, $3  }
0x1: {  	(tag) =	ssettag $0x0;
	lr =	simm.s32 $0x1  }
0x2: {  	[smem:$0x3F9D] =	sst lr;
	_ =	strace $0xD0000000  }
0x3: {  	_ = 	snop  }
0x4: {  	_ = 	snop  }
0x5: {  	_ = 	snop  }
0x6: {  	_ = 	snop  }
0x7: {  	_ = 	snop  }
__scs_overlays_trampoline_lowered:
0x8: {  	[smem:$0x3FAC] =	sst s0  }
0x9: {  	[smem:$0x3FAD] =	sst s1  }
0xa: {  	[smem:$0x3FAE] =	sst s2  }
0xb: {  	[smem:$0x3FAF] =	sst s3  }
0xc: {  	[smem:$0x3FB0] =	sst s4  }
0xd: {  	[smem:$0x3FB1] =	sst s5  }
0xe: {  	[smem:$0x3FB2] =	sst s6  }
0xf: {  	[smem:$0x3FB3] =	sst s7  }
0x10: {  	[smem:$0x3FB4] =	sst s8  }
0x11: {  	[smem:$0x3FB5] =	sst s9;
	s0 =	simm.s32 @!p0 $0x0  }
0x12: {  	s1 =	sld [smem:$0x3F9B];
	s0 =	simm.s32 @p0 $0x1  }
0x13: {  	[smem:$0x3FB6] =	sst s0;
	s0 =	simm.s32 @!p1 $0x0  }
0x14: {  	s2 =	sld [smem:$0x3F9A];
	s0 =	simm.s32 @p1 $0x1  }
0x15: {  	[smem:$0x3FB7] =	sst s0;
	s0 =	simm.s32 @!p2 $0x0  }
0x16: {  	s3 =	sld [smem:$0x3FDB];
	s0 =	simm.s32 @p2 $0x1  }
0x17: {  	s4 =	simm.s32 $0x1BF5;
	[smem:$0x3FB9] =	sst s0  }
0x18: {  	s0 =	sld [smem:$0x3F9C];
	_ =	swait.ge [sflag:s4], $0x0  }
0x19: {  	s7 =	sld [smem:$0x3F9D]  }
0x1a: {  	s8 =	sadd.s32 $0xFFFFE003, lr  }
0x1b: {  	s9 =	sadd.s32 $0xFFFFFEF7, lr;
	s5 =	simm.s32 $0xFFFFFFFF;
	p2 =	slt.u32 s8, $0xFFFFF086  }
0x1c: {  	p1 =	slt.u32 s9, $0xF7A;
	s5 =	simm.s32 @!p2 $0x0  }
0x1d: {  	s5 =	simm.s32 @p1 $0x1;
	p0 =	seq.s32 s7, s2  }
0x1e: {  	s7 =	smul.u32 @!p0 $0xF7A, s2;
	p2 =	seq.s32 @!p0 s5, $0x0  }
0x1f: {  	s9 =	smul.u32 $0xF7A, s1;
	s8 =	simm.s32 @!p0 $0x1BF5;
	p2 =	por !p2, p0  }
0x20: {  	[sflag:s8] =	ssyncset.s32 @!p0 $0xFFFFF086;
	s6 =	sadd.s32 @!p0 s3, s7;
	s7 =	simm.s32 @!p0 $0x108  }
0x21: {  	s3 =	sadd.s32 s3, s9;
	s6 =	sadd.s32 @!p0 $0x88, s6;
	s7 =	simm.s32 @p2 $0x1082  }
0x22: {  	[simem:s7], [sflag:s8] =	dma.local @!p0 [hbm:s6], $0xF7A  }
0x23: {  	s9 =	sor.u32 $0xD0000000, s2;
	s6 =	simm.s32 $0x108;
	_ =	swait.ge @!p0 [sflag:s8], $0x0  }
0x24: {  	s3 =	sadd.s32 $0x88, s3;
	s6 =	simm.s32 @!p1 $0x1082;
	[sflag:s4] =	ssyncset.s32 $0xFFFFF086  }
0x25: {  	[simem:s6], [sflag:s4] =	dma.local [hbm:s3], $0xF7A  }
0x26: {  	[smem:$0x3F9D] =	sst s1;
	(tag) =	ssettag s2;
	_ =	strace s9  }
0x27: {  	s1 =	sld [smem:$0x3FAD]  }
0x28: {  	s2 =	sld [smem:$0x3FAE]  }
0x29: {  	s4 =	sld [smem:$0x3FB0]  }
0x2a: {  	p0 =	seq.s32 s5, $0x0;
	s5 =	sld [smem:$0x3FB1]  }
0x2b: {  	s6 =	sld [smem:$0x3FB2]  }
0x2c: {  	s7 =	sld [smem:$0x3FB3]  }
0x2d: {  	s3 =	simm.s32 $0x108;
	s8 =	sld [smem:$0x3FB4]  }
0x2e: {  	s3 =	simm.s32 @!p0 $0x1082;
	s9 =	sld [smem:$0x3FB5]  }
0x2f: {  	lr =	sadd.s32 s0, s3;
	s0 =	sld [smem:$0x3FAC]  }
0x30: {  	s3 =	sld [smem:$0x3FAF]  }
0x31: {  	[smem:$0x3FB8] =	sst s10  }
0x32: {  	s10 =	sld [smem:$0x3FB6];
	_ =	sdelay $0x3  }
0x33: {  	p0 =	seq.s32 s10, $0x1;
	s10 =	sld [smem:$0x3FB8];
	_ =	sdelay $0x3  }
0x34: {  	[smem:$0x3FB8] =	sst s10  }
0x35: {  	s10 =	sld [smem:$0x3FB7];
	_ =	sdelay $0x3  }
0x36: {  	p1 =	seq.s32 s10, $0x1;
	s10 =	sld [smem:$0x3FB8];
	_ =	sdelay $0x3  }
0x37: {  	[smem:$0x3FB8] =	sst s10  }
0x38: {  	s10 =	sld [smem:$0x3FB9]  }
0x39: {  	_ = 	snop;
	(pc) =	sbr.ind lr, $3  }
0x3a: {  	_ = 	snop  }
0x3b: {  	_ = 	snop  }
0x3c: {  	p2 =	seq.s32 s10, $0x1;
	s10 =	sld [smem:$0x3FB8]  }
0x3d: {  	_ =	shalt  }
0x3e: {  	_ =	shalt  }
0x3f: {  	_ =	shalt  }
0x40: {  	_ =	shalt  }
0x41: {  	_ =	shalt  }
0x42: {  	_ =	shalt  }
0x43: {  	_ =	shalt  }
0x44: {  	_ =	shalt  }
0x45: {  	_ =	shalt  }
0x46: {  	_ =	shalt  }
0x47: {  	_ =	shalt  }
0x48: {  	_ =	shalt  }
0x49: {  	_ =	shalt  }
0x4a: {  	_ =	shalt  }
0x4b: {  	_ =	shalt  }
0x4c: {  	_ =	shalt  }
0x4d: {  	_ =	shalt  }
0x4e: {  	_ =	shalt  }
0x4f: {  	_ =	shalt  }
0x50: {  	_ =	shalt  }
0x51: {  	_ =	shalt  }
0x52: {  	_ =	shalt  }
0x53: {  	_ =	shalt  }
0x54: {  	_ =	shalt  }
0x55: {  	_ =	shalt  }
0x56: {  	_ =	shalt  }
0x57: {  	_ =	shalt  }
0x58: {  	_ =	shalt  }
0x59: {  	_ =	shalt  }
0x5a: {  	_ =	shalt  }
0x5b: {  	_ =	shalt  }
0x5c: {  	_ =	shalt  }
0x5d: {  	_ =	shalt  }
0x5e: {  	_ =	shalt  }
0x5f: {  	_ =	shalt  }
0x60: {  	_ =	shalt  }
0x61: {  	_ =	shalt  }
0x62: {  	_ =	shalt  }
0x63: {  	_ =	shalt  }
0x64: {  	_ =	shalt  }
0x65: {  	_ =	shalt  }
0x66: {  	_ =	shalt  }
0x67: {  	_ =	shalt  }
0x68: {  	_ =	shalt  }
0x69: {  	_ =	shalt  }
0x6a: {  	_ =	shalt  }
0x6b: {  	_ =	shalt  }
0x6c: {  	_ =	shalt  }
0x6d: {  	_ =	shalt  }
0x6e: {  	_ =	shalt  }
0x6f: {  	_ =	shalt  }
0x70: {  	_ =	shalt  }
0x71: {  	_ =	shalt  }
0x72: {  	_ =	shalt  }
0x73: {  	_ =	shalt  }
0x74: {  	_ =	shalt  }
0x75: {  	_ =	shalt  }
0x76: {  	_ =	shalt  }
0x77: {  	_ =	shalt  }
0x78: {  	_ =	shalt  }
0x79: {  	_ =	shalt  }
0x7a: {  	_ =	shalt  }
0x7b: {  	_ =	shalt  }
0x7c: {  	_ =	shalt  }
0x7d: {  	_ =	shalt  }
0x7e: {  	_ =	shalt  }
0x7f: {  	_ =	shalt  }
0x80: {  	_ =	shalt  }
0x81: {  	_ =	shalt  }
0x82: {  	_ =	shalt  }
0x83: {  	_ =	shalt  }
0x84: {  	_ =	shalt  }
0x85: {  	_ =	shalt  }
0x86: {  	_ =	shalt  }
0x87: {  	_ =	shalt  }
.Lfunc_end0:
.L_simem_size_0:
called_computation_lowered:
.L_overlay_start_0:
0x88: {  	s2 =	sld [smem:$0x3FD9]  }
0x89: {  	s3 =	sld [smem:$0x3FFE];
	_ =	sdelay $0x1  }
0x8a: {  	s1 =	srdreg.scid  }
0x8b: {  	s0 =	sand.u32 $0x1, s1  }
0x8c: {  	s16 =	sshll.u32 s0, $0xA;
	s2 =	sadd.s32 s3, s2  }
0x8d: {  	s2 =	sadd.s32 s2, s16  }
0x8e: {  	[smem:$0x3FC4] =	sst s2  }
0x8f: {  	_ = 	snop  }
0x90: {  	(tm) =	ssettm $0x1  }
0x91: {  	s17 =	sld [smem:$0x3FFB];
	_ =	sdelay $0x3  }
0x92: {  	_ =	strace s17  }
0x93: {  	s2 =	sld [smem:$0x3FFC];
	_ =	sdelay $0x3  }
0x94: {  	_ =	strace s2  }
0x95: {  	s2 =	sld [smem:$0x3FFD];
	_ =	sdelay $0x3  }
0x96: {  	_ =	strace s2  }
0x97: {  	_ =	strace $0x8FFFFFFF  }
0x98: {  	s18 =	sld [smem:$0x3FDB];
	_ =	sdelay $0x1  }
0x99: {  	s19 =	simm.s32 $_scs_section_size  }
0x9a: {  	s4 =	simm.s32 $_size__tile_overlayer_lowered;
	s5 =	simm.s32 $_tile_overlayer_lowered  }
0x9b: {  	s22 =	simm.s32 $0x1BFF;
	s21 =	sshll.u32 s5, $0x1;
	s2 =	sadd.s32 s19, s18  }
0x9c: {  	s6 =	simm.s32 $0x0;
	s20 =	sshll.u32 s4, $0x1;
	s4 =	sadd.s32 s21, s2  }
0x9d: {  	[timem:s6], [sflag:s22] =	dma.local [hbm:s4], s20  }
0x9e: {  	_ =	swait.ge [sflag:s22], s20  }
0x9f: {  	s3 =	ssub.s32 $0x0, s20;
	[sflag:s22] =	ssyncset.done $0x0  }
0xa0: {  	[sflag:s22] =	ssyncadd.s32 s3;
	_ =	sdelay $0x1  }
0xa1: {  	s23 =	simm.s32 $0x1B8B  }
0xa2: {  	_ =	swait.ge [sflag:s23], $0x1  }
0xa3: {  	[sflag:s23] =	ssyncset.done $0x0  }
0xa4: {  	s25 =	simm.s32 $0x1B8E;
	s24 =	sld [smem:$0x3FFE];
	[sflag:s23] =	ssyncadd.s32 $0xFFFFFFFF  }
0xa5: {  	s26 =	simm.s32 $execute0_lowered;
	[smem:$0x3FD2] =	sst s25  }
0xa6: {  	s4 =	sshll.u32 s26, $0x1;
	_ =	strace $0x80000046;
	[dreg:$0x1] =	wrdreg $0xFFFFFFFF  }
0xa7: {  	s28 =	simm.s32 $_size_execute0_lowered;
	s2 =	sadd.s32 s2, s4;
	[dreg:$0x0] =	wrdreg $0x0  }
0xa8: {  	s4 =	sshll.u32 s28, $0x1;
	[dreg:$0x2] =	wrdreg s2  }
0xa9: {  	[dreg:$0x3] =	wrdreg s4  }
0xaa: {  	[dreg:$0x4] =	wrdreg $0xC0  }
0xab: {  	_ =	task [dreg:s6], $0x5FFFF  }
0xac: {  	[dreg:$0x1] =	wrdreg $0xFFFFFFFF  }
0xad: {  	[dreg:$0x0] =	wrdreg $0x60  }
0xae: {  	[dreg:$0x2] =	wrdreg s24  }
0xaf: {  	[dreg:$0x3] =	wrdreg $0x9  }
0xb0: {  	_ =	task.clear_ibuf [dreg:s6], $0x4FFFF;
	_ =	strace $0x90000046  }
0xb1: {  	s29 =	simm.s32 $0x9;
	_ =	strace $0x80000048  }
0xb2: {  	_ =	swait.ge [sflag:s29], $0x1  }
0xb3: {  	[sflag:s29] =	ssyncadd.s32 $0xFFFFFFFF  }
0xb4: {  	_ =	strace $0x90000048  }
0xb5: {  	_ =	sfence  }
0xb6: {  	s30 =	sld [smem:$0x0];
	_ =	sdelay $0x2  }
0xb7: {  	s31 =	sshll.u32 s1, $0xD;
	s1 =	sshrl.u32 s1, $0x2  }
0xb8: {  	s3 =	sand.u32 $0x4000, s31;
	s1 =	sadd.s32 s1, s30  }
0xb9: {  	s0 =	sor.u32 s3, s0;
	s1 =	sshll.u32 s1, $0x11  }
0xba: {  	s0 =	sor.u32 s1, s0  }
0xbb: {  	s0 =	sadd.s32 $0x8F2B, s0  }
0xbc: {  	[sflag:s0] =	ssyncadd.remote.s32 $0x1  }
0xbd: {  	_ =	sfence.sel $0xFFFF  }
0xbe: {  	[dreg:$0x0] =	wrdreg $0xFFFFFFFF;
	(pc) =	sbr.abs _section_cstart, $3  }
0xbf: {  	[dreg:$0x1] =	wrdreg $0xFFFFFFFF  }
0xc0: {  	_ =	task.clear_ibuf [dreg:s6], $0x2FFFF;
	_ =	strace $0x9FFFFFFF  }
0xc1: {  	(tm) =	ssettm $0x7FFFFFFF  }
tec
execute0_lowered:
.L_overlay_start_1:
0x0: {  	(tag) =	ssettag $0x1  }
0x1: {  	s0 =	srdreg.scid;
	s5 =	stileid.u32  }
0x2: {  	s1 =	rddreg [dreg:$0x0];
	s2 =	simm.s32 $0x0;
	s16 =	simm.s32 $0xC00  }
0x3: {  	s17 =	simm.s32 $0x1400;
	s18 =	simm.s32 $0x1C00;
	s19 =	simm.s32 $0x2400  }
0x4: {  	s20 =	simm.s32 $0x2C00;
	s21 =	simm.s32 $0x3400;
	[smem:$0x7FF] =	sst s2  }
0x5: {  	s22 =	simm.s32 $0x3C00;
	_ =	strace $0x80000047;
	[dreg:$0x3] =	wrdreg s16  }
0x6: {  	s7 =	simm.s32 $0x4400;
	s8 =	simm.s32 $0x4C00;
	[dreg:$0x4] =	wrdreg s17  }
0x7: {  	s23 =	simm.s32 $0x5400;
	s24 =	simm.s32 $0x5C00;
	[dreg:$0x5] =	wrdreg s18  }
0x8: {  	s9 =	simm.s32 $0x2;
	s25 =	simm.s32 $0x6400;
	[dreg:$0x6] =	wrdreg s19  }
0x9: {  	s10 =	simm.s32 $0x400;
	s26 =	simm.s32 $0x6C00;
	[dreg:$0x7] =	wrdreg s20  }
0xa: {  	s11 =	simm.s32 $0x7400;
	s12 =	simm.s32 $0x7C00;
	[dreg:$0x8] =	wrdreg s21  }
0xb: {  	s13 =	simm.s32 $0x8400;
	s28 =	simm.s32 $0xF400;
	[dreg:$0x9] =	wrdreg s22  }
0xc: {  	s29 =	simm.s32 $0xFC00;
	s30 =	simm.s32 $0x1;
	[dreg:$0xa] =	wrdreg s7  }
0xd: {  	s31 =	simm.s32 $0x0;
	s0 =	sand.u32 $0x1, s0;
	[dreg:$0xb] =	wrdreg s8  }
0xe: {  	s3 =	smul.u32 $0x3C000, s5;
	s5 =	sshll.u32 s5, $0x1;
	[dreg:$0xc] =	wrdreg s23  }
0xf: {  	s4 =	smul.u32 $0x1E000, s0;
	s5 =	sor.u32 s0, s5;
	[dreg:$0xd] =	wrdreg s24  }
0x10: {  	s0 =	ssub.s32 $0x2, s0;
	s7 =	sadd.s32 $0x4700, s1;
	[dreg:$0xe] =	wrdreg s25  }
0x11: {  	[dreg:$0xf] =	wrdreg s26;
	s16 =	simm.s32 $0x9C00;
	s17 =	simm.s32 $0xA400  }
0x12: {  	s18 =	simm.s32 $0xAC00;
	s19 =	simm.s32 $0xB400;
	s20 =	simm.s32 $0xBC00  }
0x13: {  	s21 =	simm.s32 $0xC400;
	s22 =	simm.s32 $0xCC00;
	s23 =	simm.s32 $0xD400  }
0x14: {  	s24 =	simm.s32 $0xDC00;
	s25 =	simm.s32 $0xE400;
	s26 =	simm.s32 $0xEC00  }
0x15: {  	s3 =	sadd.s32 s3, s1;
	s14 =	smul.u32 $0x3C0, s5;
	s6 =	sshrl.u32 s0, $0x1  }
0x16: {  	s5 =	sadd.s32 $0x4500, s1;
	s3 =	sadd.s32 s4, s3;
	s0 =	ssub.s32 s0, s6  }
0x17: {  	s6 =	sadd.s32 $0x4600, s1;
	s15 =	sadd.s32 $0x3C4400, s3;
	s4 =	sshrl.u32 s14, $0x3  }
0x18: {  	v2 =	vlaneseq.u32;
	s0 =	smax.u32 s0, $0x1;
	[dreg:$0x2] =	wrdreg s15;
	s4 =	sadd.s32 s4, s1  }
0x19: {  	vm0 =	vmmov $0xffff;
	v1 =	vshrl.u32 v2, $0x3;
	s3 =	sadd.s32 $0x4400, s1;
	[dreg:$0x11] =	wrdreg s0;
	s4 =	sadd.s32 $0x3400, s4  }
0x1a: {  	v0 =	vand.u32 $0x7, v2;
	v2 =	vor.u32 $0x8, v2;
	v1 =	vmul.u32 $0x8, v1;
	s14 =	simm.s32 $0x8C00;
	s15 =	simm.s32 $0x9400;
	[dreg:$0x10] =	wrdreg s4  }
.LBB2_1:
0x1b: {  	s0 =	rddreg [dreg:$0x10]  }
0x1c: {  	[tilespmem:s2], [sflag:$0x2] =	stream.linear.gather [hbm4b:s0+s2], $0x3C0, $0x38;
	[tilespmem:$0x10400] =	vst v63  }
0x1d: {  	_ =	swait.ge [sflag:s9], $0x3C0  }
0x1e: {  	[sflag:s9] =	ssyncset.done $0x0  }
0x1f: {  	s1 =	simm.s32 $0x20;
	s0 =	simm.s32 $0x0;
	[sflag:s9] =	ssyncadd.s32 $0xFFFFFC40  }
.LBB2_2:
0x20: {  	v3 =	vld [tilespmem:s1+$0xFFFFFFE0];
	_ =	sdelay $0x4  }
0x21: {  	v4 =	vshll.u32 v3, $0x3  }
0x22: {  	v3 =	vand.u32 $0x7, v3;
	v4 =	vand.u32 $0xFFFFFFC0, v4  }
0x23: {  	v3 =	vor.u32 v3, v4  }
0x24: {  	v4 =	vperm.xlane v3, v0;
	_ =	sdelay $0x1  }
0x25: {  	v4 =	vadd.s32 v1, v4;
	_ =	sdelay $0x4  }
0x26: {  	[tilespmem:s10], [sflag:$0x1] =	stream.indirect_vreg.gather [hbm4b:s3+s2], $0x80, v4, vm0, $0xb8;
	[tilespmem:$0x10400] =	vst v63  }
0x27: {  	s4 =	rddreg [dreg:$0x3];
	v3 =	vperm.xlane v3, v2  }
0x28: {  	[tilespmem:s4], [sflag:$0x1] =	stream.indirect_vreg.gather [hbm4b:s5+s2], $0x80, v4, vm0, $0xb8;
	[tilespmem:$0x10400] =	vst v63  }
0x29: {  	s8 =	rddreg [dreg:$0x4];
	v3 =	vadd.s32 v1, v3  }
0x2a: {  	[tilespmem:s8], [sflag:$0x1] =	stream.indirect_vreg.gather [hbm4b:s6+s2], $0x80, v4, vm0, $0xb8;
	[tilespmem:$0x10400] =	vst v63  }
0x2b: {  	s4 =	rddreg [dreg:$0x5]  }
0x2c: {  	[tilespmem:s4], [sflag:$0x1] =	stream.indirect_vreg.gather [hbm4b:s7+s2], $0x80, v4, vm0, $0xb8;
	[tilespmem:$0x10400] =	vst v63  }
0x2d: {  	s8 =	rddreg [dreg:$0x6]  }
0x2e: {  	[tilespmem:s8], [sflag:$0x1] =	stream.indirect_vreg.gather [hbm4b:s3+s2], $0x80, v3, vm0, $0xb8;
	[tilespmem:$0x10400] =	vst v63  }
0x2f: {  	s4 =	rddreg [dreg:$0x7]  }
0x30: {  	[tilespmem:s4], [sflag:$0x1] =	stream.indirect_vreg.gather [hbm4b:s5+s2], $0x80, v3, vm0, $0xb8;
	[tilespmem:$0x10400] =	vst v63  }
0x31: {  	s8 =	rddreg [dreg:$0x8]  }
0x32: {  	[tilespmem:s8], [sflag:$0x1] =	stream.indirect_vreg.gather [hbm4b:s6+s2], $0x80, v3, vm0, $0xb8;
	[tilespmem:$0x10400] =	vst v63  }
0x33: {  	s4 =	rddreg [dreg:$0x9]  }
0x34: {  	[tilespmem:s4], [sflag:$0x1] =	stream.indirect_vreg.gather [hbm4b:s7+s2], $0x80, v3, vm0, $0xb8;
	[tilespmem:$0x10400] =	vst v63  }
0x35: {  	v3 =	vld [tilespmem:s1+$0xFFFFFFF0];
	_ =	sdelay $0x4  }
0x36: {  	v61 =	vshll.u32 v3, $0x3  }
0x37: {  	v3 =	vand.u32 $0x7, v3;
	v4 =	vand.u32 $0xFFFFFFC0, v61  }
0x38: {  	v3 =	vor.u32 v3, v4  }
0x39: {  	v4 =	vperm.xlane v3, v0;
	_ =	sdelay $0x1  }
0x3a: {  	v4 =	vadd.s32 v1, v4;
	_ =	sdelay $0x3  }
0x3b: {  	s4 =	rddreg [dreg:$0xa]  }
0x3c: {  	[tilespmem:s4], [sflag:$0x1] =	stream.indirect_vreg.gather [hbm4b:s3+s2], $0x80, v4, vm0, $0xb8;
	[tilespmem:$0x10400] =	vst v63  }
0x3d: {  	s8 =	rddreg [dreg:$0xb];
	v3 =	vperm.xlane v3, v2  }
0x3e: {  	[tilespmem:s8], [sflag:$0x1] =	stream.indirect_vreg.gather [hbm4b:s5+s2], $0x80, v4, vm0, $0xb8;
	[tilespmem:$0x10400] =	vst v63  }
0x3f: {  	v3 =	vadd.s32 v1, v3;
	s4 =	rddreg [dreg:$0xc]  }
0x40: {  	[tilespmem:s4], [sflag:$0x1] =	stream.indirect_vreg.gather [hbm4b:s6+s2], $0x80, v4, vm0, $0xb8;
	[tilespmem:$0x10400] =	vst v63  }
0x41: {  	s8 =	rddreg [dreg:$0xd]  }
0x42: {  	[tilespmem:s8], [sflag:$0x1] =	stream.indirect_vreg.gather [hbm4b:s7+s2], $0x80, v4, vm0, $0xb8;
	[tilespmem:$0x10400] =	vst v63  }
0x43: {  	s4 =	rddreg [dreg:$0xe]  }
0x44: {  	[tilespmem:s4], [sflag:$0x1] =	stream.indirect_vreg.gather [hbm4b:s3+s2], $0x80, v3, vm0, $0xb8;
	[tilespmem:$0x10400] =	vst v63  }
0x45: {  	s8 =	rddreg [dreg:$0xf]  }
0x46: {  	[tilespmem:s8], [sflag:$0x1] =	stream.indirect_vreg.gather [hbm4b:s5+s2], $0x80, v3, vm0, $0xb8;
	[tilespmem:$0x10400] =	vst v63  }
0x47: {  	_ = 	snop  }
0x48: {  	[tilespmem:s11], [sflag:$0x1] =	stream.indirect_vreg.gather [hbm4b:s6+s2], $0x80, v3, vm0, $0xb8;
	[tilespmem:$0x10400] =	vst v63  }
0x49: {  	_ = 	snop  }
0x4a: {  	[tilespmem:s12], [sflag:$0x1] =	stream.indirect_vreg.gather [hbm4b:s7+s2], $0x80, v3, vm0, $0xb8;
	[tilespmem:$0x10400] =	vst v63  }
0x4b: {  	v3 =	vld [tilespmem:s1+$0x0];
	_ =	sdelay $0x4  }
0x4c: {  	v62 =	vshll.u32 v3, $0x3  }
0x4d: {  	v3 =	vand.u32 $0x7, v3;
	v4 =	vand.u32 $0xFFFFFFC0, v62  }
0x4e: {  	v3 =	vor.u32 v3, v4  }
0x4f: {  	v4 =	vperm.xlane v3, v0;
	_ =	sdelay $0x1  }
0x50: {  	v4 =	vadd.s32 v1, v4;
	_ =	sdelay $0x4  }
0x51: {  	[tilespmem:s13], [sflag:$0x1] =	stream.indirect_vreg.gather [hbm4b:s3+s2], $0x80, v4, vm0, $0xb8;
	[tilespmem:$0x10400] =	vst v63  }
0x52: {  	v3 =	vperm.xlane v3, v2  }
0x53: {  	[tilespmem:s14], [sflag:$0x1] =	stream.indirect_vreg.gather [hbm4b:s5+s2], $0x80, v4, vm0, $0xb8;
	[tilespmem:$0x10400] =	vst v63  }
0x54: {  	v3 =	vadd.s32 v1, v3  }
0x55: {  	[tilespmem:s15], [sflag:$0x1] =	stream.indirect_vreg.gather [hbm4b:s6+s2], $0x80, v4, vm0, $0xb8;
	[tilespmem:$0x10400] =	vst v63  }
0x56: {  	_ = 	snop  }
0x57: {  	[tilespmem:s16], [sflag:$0x1] =	stream.indirect_vreg.gather [hbm4b:s7+s2], $0x80, v4, vm0, $0xb8;
	[tilespmem:$0x10400] =	vst v63  }
0x58: {  	_ = 	snop  }
0x59: {  	[tilespmem:s17], [sflag:$0x1] =	stream.indirect_vreg.gather [hbm4b:s3+s2], $0x80, v3, vm0, $0xb8;
	[tilespmem:$0x10400] =	vst v63  }
0x5a: {  	_ = 	snop  }
0x5b: {  	[tilespmem:s18], [sflag:$0x1] =	stream.indirect_vreg.gather [hbm4b:s5+s2], $0x80, v3, vm0, $0xb8;
	[tilespmem:$0x10400] =	vst v63  }
0x5c: {  	_ = 	snop  }
0x5d: {  	[tilespmem:s19], [sflag:$0x1] =	stream.indirect_vreg.gather [hbm4b:s6+s2], $0x80, v3, vm0, $0xb8;
	[tilespmem:$0x10400] =	vst v63  }
0x5e: {  	_ = 	snop  }
0x5f: {  	[tilespmem:s20], [sflag:$0x1] =	stream.indirect_vreg.gather [hbm4b:s7+s2], $0x80, v3, vm0, $0xb8;
	[tilespmem:$0x10400] =	vst v63  }
0x60: {  	v3 =	vld [tilespmem:s1+$0x10];
	_ =	sdelay $0x4  }
0x61: {  	v63 =	vshll.u32 v3, $0x3  }
0x62: {  	v3 =	vand.u32 $0x7, v3;
	v4 =	vand.u32 $0xFFFFFFC0, v63  }
0x63: {  	v3 =	vor.u32 v3, v4  }
0x64: {  	v4 =	vperm.xlane v3, v0;
	_ =	sdelay $0x1  }
0x65: {  	v4 =	vadd.s32 v1, v4;
	_ =	sdelay $0x4  }
0x66: {  	[tilespmem:s21], [sflag:$0x1] =	stream.indirect_vreg.gather [hbm4b:s3+s2], $0x80, v4, vm0, $0xb8;
	[tilespmem:$0x10400] =	vst v63  }
0x67: {  	v3 =	vperm.xlane v3, v2  }
0x68: {  	[tilespmem:s22], [sflag:$0x1] =	stream.indirect_vreg.gather [hbm4b:s5+s2], $0x80, v4, vm0, $0xb8;
	[tilespmem:$0x10400] =	vst v63  }
0x69: {  	v3 =	vadd.s32 v1, v3  }
0x6a: {  	[tilespmem:s23], [sflag:$0x1] =	stream.indirect_vreg.gather [hbm4b:s6+s2], $0x80, v4, vm0, $0xb8;
	[tilespmem:$0x10400] =	vst v63  }
0x6b: {  	_ = 	snop  }
0x6c: {  	[tilespmem:s24], [sflag:$0x1] =	stream.indirect_vreg.gather [hbm4b:s7+s2], $0x80, v4, vm0, $0xb8;
	[tilespmem:$0x10400] =	vst v63  }
0x6d: {  	_ = 	snop  }
0x6e: {  	[tilespmem:s25], [sflag:$0x1] =	stream.indirect_vreg.gather [hbm4b:s3+s2], $0x80, v3, vm0, $0xb8;
	[tilespmem:$0x10400] =	vst v63  }
0x6f: {  	_ = 	snop  }
0x70: {  	[tilespmem:s26], [sflag:$0x1] =	stream.indirect_vreg.gather [hbm4b:s5+s2], $0x80, v3, vm0, $0xb8;
	[tilespmem:$0x10400] =	vst v63  }
0x71: {  	_ = 	snop  }
0x72: {  	[tilespmem:s28], [sflag:$0x1] =	stream.indirect_vreg.gather [hbm4b:s6+s2], $0x80, v3, vm0, $0xb8;
	[tilespmem:$0x10400] =	vst v63  }
0x73: {  	_ = 	snop  }
0x74: {  	[tilespmem:s29], [sflag:$0x1] =	stream.indirect_vreg.gather [hbm4b:s7+s2], $0x80, v3, vm0, $0xb8;
	[tilespmem:$0x10400] =	vst v63  }
0x75: {  	_ =	swait.ge [sflag:s30], $0x10000  }
0x76: {  	p0 =	sne.s32 s0, $0x1C000;
	s8 =	rddreg [dreg:$0x2];
	[sflag:s30] =	ssyncset.done $0x0  }
.Ltmp0:
0x77: {  	[sflag:s30] =	ssyncadd.s32 $0xFFFF0000;
	s4 =	sadd.s32 s0, s8;
	(pc) =	sbr.rel @p0 .LBB2_2-.Ltmp0, $4  }
0x78: {  	[hbm4b:s4+s2] =	stream.linear.scatter [tilespmem:s10], [sflag:$0x2], $0x10000, $0x38;
	[tilespmem:$0x10400] =	vst v63  }
0x79: {  	_ =	swait.ge [sflag:s9], $0x10000  }
0x7a: {  	[sflag:s9] =	ssyncset.done $0x0  }
0x7b: {  	s1 =	sadd.s32 $0x40, s1;
	s0 =	sadd.s32 $0x2000, s0;
	[sflag:s9] =	ssyncadd.s32 $0xFFFF0000  }
0x7c: {  	s31 =	sadd.s32 $0x1, s31;
	s0 =	rddreg [dreg:$0x11]  }
0x7d: {  	p0 =	sne.s32 s31, s0  }
.Ltmp1:
0x7e: {  	_ = 	snop;
	(pc) =	sbr.rel @p0 .LBB2_1-.Ltmp1, $1  }
0x7f: {  	_ =	sdelay $0x3  }
0x80: {  	_ =	sfence.sel $0x180000  }
0x81: {  	[bflag:$0x0] =	sbarrier.arrive $0xFFFF  }
0x82: {  	_ =	strace $0x90000047  }
0x83: {  	s0 =	stileid.u32;
	[bflag:$0x2] =	sbarrier.arrive $0xFFFF  }
0x84: {  	p0 =	sne.s32 s0, $0x0;
	s0 =	rddreg [dreg:$0x1]  }
0x85: {  	s0 =	sadd.s32 @!p0 $0x100000, s0  }
0x86: {  	[sflag:s0] =	ssyncadd.tile.s32 @!p0 $0x1;
	_ =	shalt  }
.Lfunc_end2:
_tile_overlayer_lowered:
.L_overlay_start_2:
0x87: {  	(tag) =	ssettag $0x2  }
0x88: {  	s0 =	rddreg [dreg:$0x0];
	s2 =	stileid.u32  }
0x89: {  	s1 =	rddreg [dreg:$0x1];
	p0 =	sne.s32 s2, $0x0  }
0x8a: {  	s3 =	rddreg [dreg:$0x2];
	[bflag:$0x3] =	sbarrier.arrive $0xFFFF;
	s2 =	simm.s32 @!p0 $0x1C02  }
0x8b: {  	[timem:s3], [sflag:s2] =	dma.local @!p0 [hbm:s0], s1  }
0x8c: {  	s0 =	simm.s32 @!p0 $0x2  }
0x8d: {  	_ =	swait.ge @!p0 [sflag:s0], s1  }
0x8e: {  	s1 =	ssub.s32 @!p0 $0x0, s1;
	[sflag:s0] =	ssyncset.done @!p0 $0x0  }
0x8f: {  	[sflag:s0] =	ssyncadd.s32 @!p0 s1  }
0x90: {  	[bflag:$0x3] =	sbarrier.arrive $0xFFFF  }
0x91: {  	_ =	shalt  }

// kernel: kernel.26.cloned.1.call-start
scs
__scs_entry_jumppad:
0x0: {  	(pc) =	sbr.rel $0x88, $3  }
0x1: {  	(tag) =	ssettag $0x0;
	lr =	simm.s32 $0x1  }
0x2: {  	[smem:$0x3F9D] =	sst lr;
	_ =	strace $0xD0000000  }
0x3: {  	_ = 	snop  }
0x4: {  	_ = 	snop  }
0x5: {  	_ = 	snop  }
0x6: {  	_ = 	snop  }
0x7: {  	_ = 	snop  }
__scs_overlays_trampoline_lowered:
0x8: {  	[smem:$0x3FAC] =	sst s0  }
0x9: {  	[smem:$0x3FAD] =	sst s1  }
0xa: {  	[smem:$0x3FAE] =	sst s2  }
0xb: {  	[smem:$0x3FAF] =	sst s3  }
0xc: {  	[smem:$0x3FB0] =	sst s4  }
0xd: {  	[smem:$0x3FB1] =	sst s5  }
0xe: {  	[smem:$0x3FB2] =	sst s6  }
0xf: {  	[smem:$0x3FB3] =	sst s7  }
0x10: {  	[smem:$0x3FB4] =	sst s8  }
0x11: {  	[smem:$0x3FB5] =	sst s9;
	s0 =	simm.s32 @!p0 $0x0  }
0x12: {  	s1 =	sld [smem:$0x3F9B];
	s0 =	simm.s32 @p0 $0x1  }
0x13: {  	[smem:$0x3FB6] =	sst s0;
	s0 =	simm.s32 @!p1 $0x0  }
0x14: {  	s2 =	sld [smem:$0x3F9A];
	s0 =	simm.s32 @p1 $0x1  }
0x15: {  	[smem:$0x3FB7] =	sst s0;
	s0 =	simm.s32 @!p2 $0x0  }
0x16: {  	s3 =	sld [smem:$0x3FDB];
	s0 =	simm.s32 @p2 $0x1  }
0x17: {  	s4 =	simm.s32 $0x1BF5;
	[smem:$0x3FB9] =	sst s0  }
0x18: {  	s0 =	sld [smem:$0x3F9C];
	_ =	swait.ge [sflag:s4], $0x0  }
0x19: {  	s7 =	sld [smem:$0x3F9D]  }
0x1a: {  	s8 =	sadd.s32 $0xFFFFE003, lr  }
0x1b: {  	s9 =	sadd.s32 $0xFFFFFEF7, lr;
	s5 =	simm.s32 $0xFFFFFFFF;
	p2 =	slt.u32 s8, $0xFFFFF086  }
0x1c: {  	p1 =	slt.u32 s9, $0xF7A;
	s5 =	simm.s32 @!p2 $0x0  }
0x1d: {  	s5 =	simm.s32 @p1 $0x1;
	p0 =	seq.s32 s7, s2  }
0x1e: {  	s7 =	smul.u32 @!p0 $0xF7A, s2;
	p2 =	seq.s32 @!p0 s5, $0x0  }
0x1f: {  	s9 =	smul.u32 $0xF7A, s1;
	s8 =	simm.s32 @!p0 $0x1BF5;
	p2 =	por !p2, p0  }
0x20: {  	[sflag:s8] =	ssyncset.s32 @!p0 $0xFFFFF086;
	s6 =	sadd.s32 @!p0 s3, s7;
	s7 =	simm.s32 @!p0 $0x108  }
0x21: {  	s3 =	sadd.s32 s3, s9;
	s6 =	sadd.s32 @!p0 $0x88, s6;
	s7 =	simm.s32 @p2 $0x1082  }
0x22: {  	[simem:s7], [sflag:s8] =	dma.local @!p0 [hbm:s6], $0xF7A  }
0x23: {  	s9 =	sor.u32 $0xD0000000, s2;
	s6 =	simm.s32 $0x108;
	_ =	swait.ge @!p0 [sflag:s8], $0x0  }
0x24: {  	s3 =	sadd.s32 $0x88, s3;
	s6 =	simm.s32 @!p1 $0x1082;
	[sflag:s4] =	ssyncset.s32 $0xFFFFF086  }
0x25: {  	[simem:s6], [sflag:s4] =	dma.local [hbm:s3], $0xF7A  }
0x26: {  	[smem:$0x3F9D] =	sst s1;
	(tag) =	ssettag s2;
	_ =	strace s9  }
0x27: {  	s1 =	sld [smem:$0x3FAD]  }
0x28: {  	s2 =	sld [smem:$0x3FAE]  }
0x29: {  	s4 =	sld [smem:$0x3FB0]  }
0x2a: {  	p0 =	seq.s32 s5, $0x0;
	s5 =	sld [smem:$0x3FB1]  }
0x2b: {  	s6 =	sld [smem:$0x3FB2]  }
0x2c: {  	s7 =	sld [smem:$0x3FB3]  }
0x2d: {  	s3 =	simm.s32 $0x108;
	s8 =	sld [smem:$0x3FB4]  }
0x2e: {  	s3 =	simm.s32 @!p0 $0x1082;
	s9 =	sld [smem:$0x3FB5]  }
0x2f: {  	lr =	sadd.s32 s0, s3;
	s0 =	sld [smem:$0x3FAC]  }
0x30: {  	s3 =	sld [smem:$0x3FAF]  }
0x31: {  	[smem:$0x3FB8] =	sst s10  }
0x32: {  	s10 =	sld [smem:$0x3FB6];
	_ =	sdelay $0x3  }
0x33: {  	p0 =	seq.s32 s10, $0x1;
	s10 =	sld [smem:$0x3FB8];
	_ =	sdelay $0x3  }
0x34: {  	[smem:$0x3FB8] =	sst s10  }
0x35: {  	s10 =	sld [smem:$0x3FB7];
	_ =	sdelay $0x3  }
0x36: {  	p1 =	seq.s32 s10, $0x1;
	s10 =	sld [smem:$0x3FB8];
	_ =	sdelay $0x3  }
0x37: {  	[smem:$0x3FB8] =	sst s10  }
0x38: {  	s10 =	sld [smem:$0x3FB9]  }
0x39: {  	_ = 	snop;
	(pc) =	sbr.ind lr, $3  }
0x3a: {  	_ = 	snop  }
0x3b: {  	_ = 	snop  }
0x3c: {  	p2 =	seq.s32 s10, $0x1;
	s10 =	sld [smem:$0x3FB8]  }
0x3d: {  	_ =	shalt  }
0x3e: {  	_ =	shalt  }
0x3f: {  	_ =	shalt  }
0x40: {  	_ =	shalt  }
0x41: {  	_ =	shalt  }
0x42: {  	_ =	shalt  }
0x43: {  	_ =	shalt  }
0x44: {  	_ =	shalt  }
0x45: {  	_ =	shalt  }
0x46: {  	_ =	shalt  }
0x47: {  	_ =	shalt  }
0x48: {  	_ =	shalt  }
0x49: {  	_ =	shalt  }
0x4a: {  	_ =	shalt  }
0x4b: {  	_ =	shalt  }
0x4c: {  	_ =	shalt  }
0x4d: {  	_ =	shalt  }
0x4e: {  	_ =	shalt  }
0x4f: {  	_ =	shalt  }
0x50: {  	_ =	shalt  }
0x51: {  	_ =	shalt  }
0x52: {  	_ =	shalt  }
0x53: {  	_ =	shalt  }
0x54: {  	_ =	shalt  }
0x55: {  	_ =	shalt  }
0x56: {  	_ =	shalt  }
0x57: {  	_ =	shalt  }
0x58: {  	_ =	shalt  }
0x59: {  	_ =	shalt  }
0x5a: {  	_ =	shalt  }
0x5b: {  	_ =	shalt  }
0x5c: {  	_ =	shalt  }
0x5d: {  	_ =	shalt  }
0x5e: {  	_ =	shalt  }
0x5f: {  	_ =	shalt  }
0x60: {  	_ =	shalt  }
0x61: {  	_ =	shalt  }
0x62: {  	_ =	shalt  }
0x63: {  	_ =	shalt  }
0x64: {  	_ =	shalt  }
0x65: {  	_ =	shalt  }
0x66: {  	_ =	shalt  }
0x67: {  	_ =	shalt  }
0x68: {  	_ =	shalt  }
0x69: {  	_ =	shalt  }
0x6a: {  	_ =	shalt  }
0x6b: {  	_ =	shalt  }
0x6c: {  	_ =	shalt  }
0x6d: {  	_ =	shalt  }
0x6e: {  	_ =	shalt  }
0x6f: {  	_ =	shalt  }
0x70: {  	_ =	shalt  }
0x71: {  	_ =	shalt  }
0x72: {  	_ =	shalt  }
0x73: {  	_ =	shalt  }
0x74: {  	_ =	shalt  }
0x75: {  	_ =	shalt  }
0x76: {  	_ =	shalt  }
0x77: {  	_ =	shalt  }
0x78: {  	_ =	shalt  }
0x79: {  	_ =	shalt  }
0x7a: {  	_ =	shalt  }
0x7b: {  	_ =	shalt  }
0x7c: {  	_ =	shalt  }
0x7d: {  	_ =	shalt  }
0x7e: {  	_ =	shalt  }
0x7f: {  	_ =	shalt  }
0x80: {  	_ =	shalt  }
0x81: {  	_ =	shalt  }
0x82: {  	_ =	shalt  }
0x83: {  	_ =	shalt  }
0x84: {  	_ =	shalt  }
0x85: {  	_ =	shalt  }
0x86: {  	_ =	shalt  }
0x87: {  	_ =	shalt  }
.Lfunc_end0:
.L_simem_size_0:
called_computation.1_lowered:
.L_overlay_start_0:
0x88: {  	s2 =	sld [smem:$0x3FD9]  }
0x89: {  	s3 =	sld [smem:$0x3FFE];
	_ =	sdelay $0x1  }
0x8a: {  	s1 =	srdreg.scid  }
0x8b: {  	s0 =	sand.u32 $0x1, s1  }
0x8c: {  	s16 =	sshll.u32 s0, $0xA;
	s2 =	sadd.s32 s3, s2  }
0x8d: {  	s2 =	sadd.s32 s2, s16  }
0x8e: {  	[smem:$0x3FC4] =	sst s2  }
0x8f: {  	_ = 	snop  }
0x90: {  	(tm) =	ssettm $0x1  }
0x91: {  	s17 =	sld [smem:$0x3FFB];
	_ =	sdelay $0x3  }
0x92: {  	_ =	strace s17  }
0x93: {  	s2 =	sld [smem:$0x3FFC];
	_ =	sdelay $0x3  }
0x94: {  	_ =	strace s2  }
0x95: {  	s2 =	sld [smem:$0x3FFD];
	_ =	sdelay $0x3  }
0x96: {  	_ =	strace s2  }
0x97: {  	_ =	strace $0x8FFFFFFF  }
0x98: {  	s18 =	sld [smem:$0x3FDB];
	_ =	sdelay $0x1  }
0x99: {  	s19 =	simm.s32 $_scs_section_size  }
0x9a: {  	s4 =	simm.s32 $_size__tile_overlayer_lowered;
	s5 =	simm.s32 $_tile_overlayer_lowered  }
0x9b: {  	s22 =	simm.s32 $0x1BFF;
	s21 =	sshll.u32 s5, $0x1;
	s2 =	sadd.s32 s19, s18  }
0x9c: {  	s6 =	simm.s32 $0x0;
	s20 =	sshll.u32 s4, $0x1;
	s4 =	sadd.s32 s21, s2  }
0x9d: {  	[timem:s6], [sflag:s22] =	dma.local [hbm:s4], s20  }
0x9e: {  	_ =	swait.ge [sflag:s22], s20  }
0x9f: {  	s3 =	ssub.s32 $0x0, s20;
	[sflag:s22] =	ssyncset.done $0x0  }
0xa0: {  	[sflag:s22] =	ssyncadd.s32 s3;
	_ =	sdelay $0x1  }
0xa1: {  	s23 =	simm.s32 $0x1B8B  }
0xa2: {  	_ =	swait.ge [sflag:s23], $0x1  }
0xa3: {  	[sflag:s23] =	ssyncset.done $0x0  }
0xa4: {  	s25 =	simm.s32 $0x1B8E;
	s24 =	sld [smem:$0x3FFE];
	[sflag:s23] =	ssyncadd.s32 $0xFFFFFFFF  }
0xa5: {  	s26 =	simm.s32 $execute0_lowered;
	[smem:$0x3FD2] =	sst s25  }
0xa6: {  	s4 =	sshll.u32 s26, $0x1;
	_ =	strace $0x80000049;
	[dreg:$0x1] =	wrdreg $0xFFFFFFFF  }
0xa7: {  	s28 =	simm.s32 $_size_execute0_lowered;
	s2 =	sadd.s32 s2, s4;
	[dreg:$0x0] =	wrdreg $0x0  }
0xa8: {  	s4 =	sshll.u32 s28, $0x1;
	[dreg:$0x2] =	wrdreg s2  }
0xa9: {  	[dreg:$0x3] =	wrdreg s4  }
0xaa: {  	[dreg:$0x4] =	wrdreg $0xC0  }
0xab: {  	_ =	task [dreg:s6], $0x5FFFF  }
0xac: {  	[dreg:$0x1] =	wrdreg $0xFFFFFFFF  }
0xad: {  	[dreg:$0x0] =	wrdreg $0x60  }
0xae: {  	[dreg:$0x2] =	wrdreg s24  }
0xaf: {  	[dreg:$0x3] =	wrdreg $0x9  }
0xb0: {  	_ =	task.clear_ibuf [dreg:s6], $0x4FFFF;
	_ =	strace $0x90000049  }
0xb1: {  	s29 =	simm.s32 $0x9;
	_ =	strace $0x8000004B  }
0xb2: {  	_ =	swait.ge [sflag:s29], $0x1  }
0xb3: {  	[sflag:s29] =	ssyncadd.s32 $0xFFFFFFFF  }
0xb4: {  	_ =	strace $0x9000004B  }
0xb5: {  	_ =	sfence  }
0xb6: {  	s30 =	sld [smem:$0x0];
	_ =	sdelay $0x2  }
0xb7: {  	s31 =	sshll.u32 s1, $0xD;
	s1 =	sshrl.u32 s1, $0x2  }
0xb8: {  	s3 =	sand.u32 $0x4000, s31;
	s1 =	sadd.s32 s1, s30  }
0xb9: {  	s0 =	sor.u32 s3, s0;
	s1 =	sshll.u32 s1, $0x11  }
0xba: {  	s0 =	sor.u32 s1, s0  }
0xbb: {  	s0 =	sadd.s32 $0x8F2B, s0  }
0xbc: {  	[sflag:s0] =	ssyncadd.remote.s32 $0x1  }
0xbd: {  	_ =	sfence.sel $0xFFFF  }
0xbe: {  	[dreg:$0x0] =	wrdreg $0xFFFFFFFF;
	(pc) =	sbr.abs _section_cstart, $3  }
0xbf: {  	[dreg:$0x1] =	wrdreg $0xFFFFFFFF  }
0xc0: {  	_ =	task.clear_ibuf [dreg:s6], $0x2FFFF;
	_ =	strace $0x9FFFFFFF  }
0xc1: {  	(tm) =	ssettm $0x7FFFFFFF  }
tec
execute0_lowered:
.L_overlay_start_1:
0x0: {  	(tag) =	ssettag $0x1  }
0x1: {  	s0 =	srdreg.scid;
	s5 =	stileid.u32  }
0x2: {  	s1 =	rddreg [dreg:$0x0];
	s2 =	simm.s32 $0x0;
	s16 =	simm.s32 $0xC00  }
0x3: {  	s17 =	simm.s32 $0x1400;
	s18 =	simm.s32 $0x1C00;
	s19 =	simm.s32 $0x2400  }
0x4: {  	s20 =	simm.s32 $0x2C00;
	s21 =	simm.s32 $0x3400;
	[smem:$0x7FF] =	sst s2  }
0x5: {  	s22 =	simm.s32 $0x3C00;
	_ =	strace $0x8000004A;
	[dreg:$0x3] =	wrdreg s16  }
0x6: {  	s7 =	simm.s32 $0x4400;
	s8 =	simm.s32 $0x4C00;
	[dreg:$0x4] =	wrdreg s17  }
0x7: {  	s23 =	simm.s32 $0x5400;
	s24 =	simm.s32 $0x5C00;
	[dreg:$0x5] =	wrdreg s18  }
0x8: {  	s9 =	simm.s32 $0x2;
	s25 =	simm.s32 $0x6400;
	[dreg:$0x6] =	wrdreg s19  }
0x9: {  	s10 =	simm.s32 $0x400;
	s26 =	simm.s32 $0x6C00;
	[dreg:$0x7] =	wrdreg s20  }
0xa: {  	s11 =	simm.s32 $0x7400;
	s12 =	simm.s32 $0x7C00;
	[dreg:$0x8] =	wrdreg s21  }
0xb: {  	s13 =	simm.s32 $0x8400;
	s28 =	simm.s32 $0xF400;
	[dreg:$0x9] =	wrdreg s22  }
0xc: {  	s29 =	simm.s32 $0xFC00;
	s30 =	simm.s32 $0x1;
	[dreg:$0xa] =	wrdreg s7  }
0xd: {  	s31 =	simm.s32 $0x0;
	s0 =	sand.u32 $0x1, s0;
	[dreg:$0xb] =	wrdreg s8  }
0xe: {  	s3 =	smul.u32 $0x3C000, s5;
	s5 =	sshll.u32 s5, $0x1;
	[dreg:$0xc] =	wrdreg s23  }
0xf: {  	s4 =	smul.u32 $0x1E000, s0;
	s5 =	sor.u32 s0, s5;
	[dreg:$0xd] =	wrdreg s24  }
0x10: {  	s0 =	ssub.s32 $0x2, s0;
	s7 =	sadd.s32 $0x4700, s1;
	[dreg:$0xe] =	wrdreg s25  }
0x11: {  	[dreg:$0xf] =	wrdreg s26;
	s16 =	simm.s32 $0x9C00;
	s17 =	simm.s32 $0xA400  }
0x12: {  	s18 =	simm.s32 $0xAC00;
	s19 =	simm.s32 $0xB400;
	s20 =	simm.s32 $0xBC00  }
0x13: {  	s21 =	simm.s32 $0xC400;
	s22 =	simm.s32 $0xCC00;
	s23 =	simm.s32 $0xD400  }
0x14: {  	s24 =	simm.s32 $0xDC00;
	s25 =	simm.s32 $0xE400;
	s26 =	simm.s32 $0xEC00  }
0x15: {  	s3 =	sadd.s32 s3, s1;
	s14 =	smul.u32 $0x3C0, s5;
	s6 =	sshrl.u32 s0, $0x1  }
0x16: {  	s5 =	sadd.s32 $0x4500, s1;
	s3 =	sadd.s32 s4, s3;
	s0 =	ssub.s32 s0, s6  }
0x17: {  	s6 =	sadd.s32 $0x4600, s1;
	s15 =	sadd.s32 $0x3C4400, s3;
	s4 =	sshrl.u32 s14, $0x3  }
0x18: {  	v2 =	vlaneseq.u32;
	s0 =	smax.u32 s0, $0x1;
	[dreg:$0x2] =	wrdreg s15;
	s4 =	sadd.s32 s4, s1  }
0x19: {  	vm0 =	vmmov $0xffff;
	v1 =	vshrl.u32 v2, $0x3;
	s3 =	sadd.s32 $0x4400, s1;
	[dreg:$0x11] =	wrdreg s0;
	s4 =	sadd.s32 $0x2400, s4  }
0x1a: {  	v0 =	vand.u32 $0x7, v2;
	v2 =	vor.u32 $0x8, v2;
	v1 =	vmul.u32 $0x8, v1;
	s14 =	simm.s32 $0x8C00;
	s15 =	simm.s32 $0x9400;
	[dreg:$0x10] =	wrdreg s4  }
.LBB2_1:
0x1b: {  	s0 =	rddreg [dreg:$0x10]  }
0x1c: {  	[tilespmem:s2], [sflag:$0x2] =	stream.linear.gather [hbm4b:s0+s2], $0x3C0, $0x38;
	[tilespmem:$0x10400] =	vst v63  }
0x1d: {  	_ =	swait.ge [sflag:s9], $0x3C0  }
0x1e: {  	[sflag:s9] =	ssyncset.done $0x0  }
0x1f: {  	s1 =	simm.s32 $0x20;
	s0 =	simm.s32 $0x0;
	[sflag:s9] =	ssyncadd.s32 $0xFFFFFC40  }
.LBB2_2:
0x20: {  	v3 =	vld [tilespmem:s1+$0xFFFFFFE0];
	_ =	sdelay $0x4  }
0x21: {  	v4 =	vshll.u32 v3, $0x3  }
0x22: {  	v3 =	vand.u32 $0x7, v3;
	v4 =	vand.u32 $0xFFFFFFC0, v4  }
0x23: {  	v3 =	vor.u32 v3, v4  }
0x24: {  	v4 =	vperm.xlane v3, v0;
	_ =	sdelay $0x1  }
0x25: {  	v4 =	vadd.s32 v1, v4;
	_ =	sdelay $0x4  }
0x26: {  	[tilespmem:s10], [sflag:$0x1] =	stream.indirect_vreg.gather [hbm4b:s3+s2], $0x80, v4, vm0, $0xb8;
	[tilespmem:$0x10400] =	vst v63  }
0x27: {  	s4 =	rddreg [dreg:$0x3];
	v3 =	vperm.xlane v3, v2  }
0x28: {  	[tilespmem:s4], [sflag:$0x1] =	stream.indirect_vreg.gather [hbm4b:s5+s2], $0x80, v4, vm0, $0xb8;
	[tilespmem:$0x10400] =	vst v63  }
0x29: {  	s8 =	rddreg [dreg:$0x4];
	v3 =	vadd.s32 v1, v3  }
0x2a: {  	[tilespmem:s8], [sflag:$0x1] =	stream.indirect_vreg.gather [hbm4b:s6+s2], $0x80, v4, vm0, $0xb8;
	[tilespmem:$0x10400] =	vst v63  }
0x2b: {  	s4 =	rddreg [dreg:$0x5]  }
0x2c: {  	[tilespmem:s4], [sflag:$0x1] =	stream.indirect_vreg.gather [hbm4b:s7+s2], $0x80, v4, vm0, $0xb8;
	[tilespmem:$0x10400] =	vst v63  }
0x2d: {  	s8 =	rddreg [dreg:$0x6]  }
0x2e: {  	[tilespmem:s8], [sflag:$0x1] =	stream.indirect_vreg.gather [hbm4b:s3+s2], $0x80, v3, vm0, $0xb8;
	[tilespmem:$0x10400] =	vst v63  }
0x2f: {  	s4 =	rddreg [dreg:$0x7]  }
0x30: {  	[tilespmem:s4], [sflag:$0x1] =	stream.indirect_vreg.gather [hbm4b:s5+s2], $0x80, v3, vm0, $0xb8;
	[tilespmem:$0x10400] =	vst v63  }
0x31: {  	s8 =	rddreg [dreg:$0x8]  }
0x32: {  	[tilespmem:s8], [sflag:$0x1] =	stream.indirect_vreg.gather [hbm4b:s6+s2], $0x80, v3, vm0, $0xb8;
	[tilespmem:$0x10400] =	vst v63  }
0x33: {  	s4 =	rddreg [dreg:$0x9]  }
0x34: {  	[tilespmem:s4], [sflag:$0x1] =	stream.indirect_vreg.gather [hbm4b:s7+s2], $0x80, v3, vm0, $0xb8;
	[tilespmem:$0x10400] =	vst v63  }
0x35: {  	v3 =	vld [tilespmem:s1+$0xFFFFFFF0];
	_ =	sdelay $0x4  }
0x36: {  	v61 =	vshll.u32 v3, $0x3  }
0x37: {  	v3 =	vand.u32 $0x7, v3;
	v4 =	vand.u32 $0xFFFFFFC0, v61  }
0x38: {  	v3 =	vor.u32 v3, v4  }
0x39: {  	v4 =	vperm.xlane v3, v0;
	_ =	sdelay $0x1  }
0x3a: {  	v4 =	vadd.s32 v1, v4;
	_ =	sdelay $0x3  }
0x3b: {  	s4 =	rddreg [dreg:$0xa]  }
0x3c: {  	[tilespmem:s4], [sflag:$0x1] =	stream.indirect_vreg.gather [hbm4b:s3+s2], $0x80, v4, vm0, $0xb8;
	[tilespmem:$0x10400] =	vst v63  }
0x3d: {  	s8 =	rddreg [dreg:$0xb];
	v3 =	vperm.xlane v3, v2  }
0x3e: {  	[tilespmem:s8], [sflag:$0x1] =	stream.indirect_vreg.gather [hbm4b:s5+s2], $0x80, v4, vm0, $0xb8;
	[tilespmem:$0x10400] =	vst v63  }
0x3f: {  	v3 =	vadd.s32 v1, v3;
	s4 =	rddreg [dreg:$0xc]  }
0x40: {  	[tilespmem:s4], [sflag:$0x1] =	stream.indirect_vreg.gather [hbm4b:s6+s2], $0x80, v4, vm0, $0xb8;
	[tilespmem:$0x10400] =	vst v63  }
0x41: {  	s8 =	rddreg [dreg:$0xd]  }
0x42: {  	[tilespmem:s8], [sflag:$0x1] =	stream.indirect_vreg.gather [hbm4b:s7+s2], $0x80, v4, vm0, $0xb8;
	[tilespmem:$0x10400] =	vst v63  }
0x43: {  	s4 =	rddreg [dreg:$0xe]  }
0x44: {  	[tilespmem:s4], [sflag:$0x1] =	stream.indirect_vreg.gather [hbm4b:s3+s2], $0x80, v3, vm0, $0xb8;
	[tilespmem:$0x10400] =	vst v63  }
0x45: {  	s8 =	rddreg [dreg:$0xf]  }
0x46: {  	[tilespmem:s8], [sflag:$0x1] =	stream.indirect_vreg.gather [hbm4b:s5+s2], $0x80, v3, vm0, $0xb8;
	[tilespmem:$0x10400] =	vst v63  }
0x47: {  	_ = 	snop  }
0x48: {  	[tilespmem:s11], [sflag:$0x1] =	stream.indirect_vreg.gather [hbm4b:s6+s2], $0x80, v3, vm0, $0xb8;
	[tilespmem:$0x10400] =	vst v63  }
0x49: {  	_ = 	snop  }
0x4a: {  	[tilespmem:s12], [sflag:$0x1] =	stream.indirect_vreg.gather [hbm4b:s7+s2], $0x80, v3, vm0, $0xb8;
	[tilespmem:$0x10400] =	vst v63  }
0x4b: {  	v3 =	vld [tilespmem:s1+$0x0];
	_ =	sdelay $0x4  }
0x4c: {  	v62 =	vshll.u32 v3, $0x3  }
0x4d: {  	v3 =	vand.u32 $0x7, v3;
	v4 =	vand.u32 $0xFFFFFFC0, v62  }
0x4e: {  	v3 =	vor.u32 v3, v4  }
0x4f: {  	v4 =	vperm.xlane v3, v0;
	_ =	sdelay $0x1  }
0x50: {  	v4 =	vadd.s32 v1, v4;
	_ =	sdelay $0x4  }
0x51: {  	[tilespmem:s13], [sflag:$0x1] =	stream.indirect_vreg.gather [hbm4b:s3+s2], $0x80, v4, vm0, $0xb8;
	[tilespmem:$0x10400] =	vst v63  }
0x52: {  	v3 =	vperm.xlane v3, v2  }
0x53: {  	[tilespmem:s14], [sflag:$0x1] =	stream.indirect_vreg.gather [hbm4b:s5+s2], $0x80, v4, vm0, $0xb8;
	[tilespmem:$0x10400] =	vst v63  }
0x54: {  	v3 =	vadd.s32 v1, v3  }
0x55: {  	[tilespmem:s15], [sflag:$0x1] =	stream.indirect_vreg.gather [hbm4b:s6+s2], $0x80, v4, vm0, $0xb8;
	[tilespmem:$0x10400] =	vst v63  }
0x56: {  	_ = 	snop  }
0x57: {  	[tilespmem:s16], [sflag:$0x1] =	stream.indirect_vreg.gather [hbm4b:s7+s2], $0x80, v4, vm0, $0xb8;
	[tilespmem:$0x10400] =	vst v63  }
0x58: {  	_ = 	snop  }
0x59: {  	[tilespmem:s17], [sflag:$0x1] =	stream.indirect_vreg.gather [hbm4b:s3+s2], $0x80, v3, vm0, $0xb8;
	[tilespmem:$0x10400] =	vst v63  }
0x5a: {  	_ = 	snop  }
0x5b: {  	[tilespmem:s18], [sflag:$0x1] =	stream.indirect_vreg.gather [hbm4b:s5+s2], $0x80, v3, vm0, $0xb8;
	[tilespmem:$0x10400] =	vst v63  }
0x5c: {  	_ = 	snop  }
0x5d: {  	[tilespmem:s19], [sflag:$0x1] =	stream.indirect_vreg.gather [hbm4b:s6+s2], $0x80, v3, vm0, $0xb8;
	[tilespmem:$0x10400] =	vst v63  }
0x5e: {  	_ = 	snop  }
0x5f: {  	[tilespmem:s20], [sflag:$0x1] =	stream.indirect_vreg.gather [hbm4b:s7+s2], $0x80, v3, vm0, $0xb8;
	[tilespmem:$0x10400] =	vst v63  }
0x60: {  	v3 =	vld [tilespmem:s1+$0x10];
	_ =	sdelay $0x4  }
0x61: {  	v63 =	vshll.u32 v3, $0x3  }
0x62: {  	v3 =	vand.u32 $0x7, v3;
	v4 =	vand.u32 $0xFFFFFFC0, v63  }
0x63: {  	v3 =	vor.u32 v3, v4  }
0x64: {  	v4 =	vperm.xlane v3, v0;
	_ =	sdelay $0x1  }
0x65: {  	v4 =	vadd.s32 v1, v4;
	_ =	sdelay $0x4  }
0x66: {  	[tilespmem:s21], [sflag:$0x1] =	stream.indirect_vreg.gather [hbm4b:s3+s2], $0x80, v4, vm0, $0xb8;
	[tilespmem:$0x10400] =	vst v63  }
0x67: {  	v3 =	vperm.xlane v3, v2  }
0x68: {  	[tilespmem:s22], [sflag:$0x1] =	stream.indirect_vreg.gather [hbm4b:s5+s2], $0x80, v4, vm0, $0xb8;
	[tilespmem:$0x10400] =	vst v63  }
0x69: {  	v3 =	vadd.s32 v1, v3  }
0x6a: {  	[tilespmem:s23], [sflag:$0x1] =	stream.indirect_vreg.gather [hbm4b:s6+s2], $0x80, v4, vm0, $0xb8;
	[tilespmem:$0x10400] =	vst v63  }
0x6b: {  	_ = 	snop  }
0x6c: {  	[tilespmem:s24], [sflag:$0x1] =	stream.indirect_vreg.gather [hbm4b:s7+s2], $0x80, v4, vm0, $0xb8;
	[tilespmem:$0x10400] =	vst v63  }
0x6d: {  	_ = 	snop  }
0x6e: {  	[tilespmem:s25], [sflag:$0x1] =	stream.indirect_vreg.gather [hbm4b:s3+s2], $0x80, v3, vm0, $0xb8;
	[tilespmem:$0x10400] =	vst v63  }
0x6f: {  	_ = 	snop  }
0x70: {  	[tilespmem:s26], [sflag:$0x1] =	stream.indirect_vreg.gather [hbm4b:s5+s2], $0x80, v3, vm0, $0xb8;
	[tilespmem:$0x10400] =	vst v63  }
0x71: {  	_ = 	snop  }
0x72: {  	[tilespmem:s28], [sflag:$0x1] =	stream.indirect_vreg.gather [hbm4b:s6+s2], $0x80, v3, vm0, $0xb8;
	[tilespmem:$0x10400] =	vst v63  }
0x73: {  	_ = 	snop  }
0x74: {  	[tilespmem:s29], [sflag:$0x1] =	stream.indirect_vreg.gather [hbm4b:s7+s2], $0x80, v3, vm0, $0xb8;
	[tilespmem:$0x10400] =	vst v63  }
0x75: {  	_ =	swait.ge [sflag:s30], $0x10000  }
0x76: {  	p0 =	sne.s32 s0, $0x1C000;
	s8 =	rddreg [dreg:$0x2];
	[sflag:s30] =	ssyncset.done $0x0  }
.Ltmp0:
0x77: {  	[sflag:s30] =	ssyncadd.s32 $0xFFFF0000;
	s4 =	sadd.s32 s0, s8;
	(pc) =	sbr.rel @p0 .LBB2_2-.Ltmp0, $4  }
0x78: {  	[hbm4b:s4+s2] =	stream.linear.scatter [tilespmem:s10], [sflag:$0x2], $0x10000, $0x38;
	[tilespmem:$0x10400] =	vst v63  }
0x79: {  	_ =	swait.ge [sflag:s9], $0x10000  }
0x7a: {  	[sflag:s9] =	ssyncset.done $0x0  }
0x7b: {  	s1 =	sadd.s32 $0x40, s1;
	s0 =	sadd.s32 $0x2000, s0;
	[sflag:s9] =	ssyncadd.s32 $0xFFFF0000  }
0x7c: {  	s31 =	sadd.s32 $0x1, s31;
	s0 =	rddreg [dreg:$0x11]  }
0x7d: {  	p0 =	sne.s32 s31, s0  }
.Ltmp1:
0x7e: {  	_ = 	snop;
	(pc) =	sbr.rel @p0 .LBB2_1-.Ltmp1, $1  }
0x7f: {  	_ =	sdelay $0x3  }
0x80: {  	_ =	sfence.sel $0x180000  }
0x81: {  	[bflag:$0x0] =	sbarrier.arrive $0xFFFF  }
0x82: {  	_ =	strace $0x9000004A  }
0x83: {  	s0 =	stileid.u32;
	[bflag:$0x2] =	sbarrier.arrive $0xFFFF  }
0x84: {  	p0 =	sne.s32 s0, $0x0;
	s0 =	rddreg [dreg:$0x1]  }
0x85: {  	s0 =	sadd.s32 @!p0 $0x100000, s0  }
0x86: {  	[sflag:s0] =	ssyncadd.tile.s32 @!p0 $0x1;
	_ =	shalt  }
.Lfunc_end2:
_tile_overlayer_lowered:
.L_overlay_start_2:
0x87: {  	(tag) =	ssettag $0x2  }
0x88: {  	s0 =	rddreg [dreg:$0x0];
	s2 =	stileid.u32  }
0x89: {  	s1 =	rddreg [dreg:$0x1];
	p0 =	sne.s32 s2, $0x0  }
0x8a: {  	s3 =	rddreg [dreg:$0x2];
	[bflag:$0x3] =	sbarrier.arrive $0xFFFF;
	s2 =	simm.s32 @!p0 $0x1C02  }
0x8b: {  	[timem:s3], [sflag:s2] =	dma.local @!p0 [hbm:s0], s1  }
0x8c: {  	s0 =	simm.s32 @!p0 $0x2  }
0x8d: {  	_ =	swait.ge @!p0 [sflag:s0], s1  }
0x8e: {  	s1 =	ssub.s32 @!p0 $0x0, s1;
	[sflag:s0] =	ssyncset.done @!p0 $0x0  }
0x8f: {  	[sflag:s0] =	ssyncadd.s32 @!p0 s1  }
0x90: {  	[bflag:$0x3] =	sbarrier.arrive $0xFFFF  }
0x91: {  	_ =	shalt  }

// kernel: kernel.29.cloned.1.call-start
scs
__scs_entry_jumppad:
0x0: {  	(pc) =	sbr.rel $0x88, $3  }
0x1: {  	(tag) =	ssettag $0x0;
	lr =	simm.s32 $0x1  }
0x2: {  	[smem:$0x3F9D] =	sst lr;
	_ =	strace $0xD0000000  }
0x3: {  	_ = 	snop  }
0x4: {  	_ = 	snop  }
0x5: {  	_ = 	snop  }
0x6: {  	_ = 	snop  }
0x7: {  	_ = 	snop  }
__scs_overlays_trampoline_lowered:
0x8: {  	[smem:$0x3FAC] =	sst s0  }
0x9: {  	[smem:$0x3FAD] =	sst s1  }
0xa: {  	[smem:$0x3FAE] =	sst s2  }
0xb: {  	[smem:$0x3FAF] =	sst s3  }
0xc: {  	[smem:$0x3FB0] =	sst s4  }
0xd: {  	[smem:$0x3FB1] =	sst s5  }
0xe: {  	[smem:$0x3FB2] =	sst s6  }
0xf: {  	[smem:$0x3FB3] =	sst s7  }
0x10: {  	[smem:$0x3FB4] =	sst s8  }
0x11: {  	[smem:$0x3FB5] =	sst s9;
	s0 =	simm.s32 @!p0 $0x0  }
0x12: {  	s1 =	sld [smem:$0x3F9B];
	s0 =	simm.s32 @p0 $0x1  }
0x13: {  	[smem:$0x3FB6] =	sst s0;
	s0 =	simm.s32 @!p1 $0x0  }
0x14: {  	s2 =	sld [smem:$0x3F9A];
	s0 =	simm.s32 @p1 $0x1  }
0x15: {  	[smem:$0x3FB7] =	sst s0;
	s0 =	simm.s32 @!p2 $0x0  }
0x16: {  	s3 =	sld [smem:$0x3FDB];
	s0 =	simm.s32 @p2 $0x1  }
0x17: {  	s4 =	simm.s32 $0x1BF5;
	[smem:$0x3FB9] =	sst s0  }
0x18: {  	s0 =	sld [smem:$0x3F9C];
	_ =	swait.ge [sflag:s4], $0x0  }
0x19: {  	s7 =	sld [smem:$0x3F9D]  }
0x1a: {  	s8 =	sadd.s32 $0xFFFFE003, lr  }
0x1b: {  	s9 =	sadd.s32 $0xFFFFFEF7, lr;
	s5 =	simm.s32 $0xFFFFFFFF;
	p2 =	slt.u32 s8, $0xFFFFF086  }
0x1c: {  	p1 =	slt.u32 s9, $0xF7A;
	s5 =	simm.s32 @!p2 $0x0  }
0x1d: {  	s5 =	simm.s32 @p1 $0x1;
	p0 =	seq.s32 s7, s2  }
0x1e: {  	s7 =	smul.u32 @!p0 $0xF7A, s2;
	p2 =	seq.s32 @!p0 s5, $0x0  }
0x1f: {  	s9 =	smul.u32 $0xF7A, s1;
	s8 =	simm.s32 @!p0 $0x1BF5;
	p2 =	por !p2, p0  }
0x20: {  	[sflag:s8] =	ssyncset.s32 @!p0 $0xFFFFF086;
	s6 =	sadd.s32 @!p0 s3, s7;
	s7 =	simm.s32 @!p0 $0x108  }
0x21: {  	s3 =	sadd.s32 s3, s9;
	s6 =	sadd.s32 @!p0 $0x88, s6;
	s7 =	simm.s32 @p2 $0x1082  }
0x22: {  	[simem:s7], [sflag:s8] =	dma.local @!p0 [hbm:s6], $0xF7A  }
0x23: {  	s9 =	sor.u32 $0xD0000000, s2;
	s6 =	simm.s32 $0x108;
	_ =	swait.ge @!p0 [sflag:s8], $0x0  }
0x24: {  	s3 =	sadd.s32 $0x88, s3;
	s6 =	simm.s32 @!p1 $0x1082;
	[sflag:s4] =	ssyncset.s32 $0xFFFFF086  }
0x25: {  	[simem:s6], [sflag:s4] =	dma.local [hbm:s3], $0xF7A  }
0x26: {  	[smem:$0x3F9D] =	sst s1;
	(tag) =	ssettag s2;
	_ =	strace s9  }
0x27: {  	s1 =	sld [smem:$0x3FAD]  }
0x28: {  	s2 =	sld [smem:$0x3FAE]  }
0x29: {  	s4 =	sld [smem:$0x3FB0]  }
0x2a: {  	p0 =	seq.s32 s5, $0x0;
	s5 =	sld [smem:$0x3FB1]  }
0x2b: {  	s6 =	sld [smem:$0x3FB2]  }
0x2c: {  	s7 =	sld [smem:$0x3FB3]  }
0x2d: {  	s3 =	simm.s32 $0x108;
	s8 =	sld [smem:$0x3FB4]  }
0x2e: {  	s3 =	simm.s32 @!p0 $0x1082;
	s9 =	sld [smem:$0x3FB5]  }
0x2f: {  	lr =	sadd.s32 s0, s3;
	s0 =	sld [smem:$0x3FAC]  }
0x30: {  	s3 =	sld [smem:$0x3FAF]  }
0x31: {  	[smem:$0x3FB8] =	sst s10  }
0x32: {  	s10 =	sld [smem:$0x3FB6];
	_ =	sdelay $0x3  }
0x33: {  	p0 =	seq.s32 s10, $0x1;
	s10 =	sld [smem:$0x3FB8];
	_ =	sdelay $0x3  }
0x34: {  	[smem:$0x3FB8] =	sst s10  }
0x35: {  	s10 =	sld [smem:$0x3FB7];
	_ =	sdelay $0x3  }
0x36: {  	p1 =	seq.s32 s10, $0x1;
	s10 =	sld [smem:$0x3FB8];
	_ =	sdelay $0x3  }
0x37: {  	[smem:$0x3FB8] =	sst s10  }
0x38: {  	s10 =	sld [smem:$0x3FB9]  }
0x39: {  	_ = 	snop;
	(pc) =	sbr.ind lr, $3  }
0x3a: {  	_ = 	snop  }
0x3b: {  	_ = 	snop  }
0x3c: {  	p2 =	seq.s32 s10, $0x1;
	s10 =	sld [smem:$0x3FB8]  }
0x3d: {  	_ =	shalt  }
0x3e: {  	_ =	shalt  }
0x3f: {  	_ =	shalt  }
0x40: {  	_ =	shalt  }
0x41: {  	_ =	shalt  }
0x42: {  	_ =	shalt  }
0x43: {  	_ =	shalt  }
0x44: {  	_ =	shalt  }
0x45: {  	_ =	shalt  }
0x46: {  	_ =	shalt  }
0x47: {  	_ =	shalt  }
0x48: {  	_ =	shalt  }
0x49: {  	_ =	shalt  }
0x4a: {  	_ =	shalt  }
0x4b: {  	_ =	shalt  }
0x4c: {  	_ =	shalt  }
0x4d: {  	_ =	shalt  }
0x4e: {  	_ =	shalt  }
0x4f: {  	_ =	shalt  }
0x50: {  	_ =	shalt  }
0x51: {  	_ =	shalt  }
0x52: {  	_ =	shalt  }
0x53: {  	_ =	shalt  }
0x54: {  	_ =	shalt  }
0x55: {  	_ =	shalt  }
0x56: {  	_ =	shalt  }
0x57: {  	_ =	shalt  }
0x58: {  	_ =	shalt  }
0x59: {  	_ =	shalt  }
0x5a: {  	_ =	shalt  }
0x5b: {  	_ =	shalt  }
0x5c: {  	_ =	shalt  }
0x5d: {  	_ =	shalt  }
0x5e: {  	_ =	shalt  }
0x5f: {  	_ =	shalt  }
0x60: {  	_ =	shalt  }
0x61: {  	_ =	shalt  }
0x62: {  	_ =	shalt  }
0x63: {  	_ =	shalt  }
0x64: {  	_ =	shalt  }
0x65: {  	_ =	shalt  }
0x66: {  	_ =	shalt  }
0x67: {  	_ =	shalt  }
0x68: {  	_ =	shalt  }
0x69: {  	_ =	shalt  }
0x6a: {  	_ =	shalt  }
0x6b: {  	_ =	shalt  }
0x6c: {  	_ =	shalt  }
0x6d: {  	_ =	shalt  }
0x6e: {  	_ =	shalt  }
0x6f: {  	_ =	shalt  }
0x70: {  	_ =	shalt  }
0x71: {  	_ =	shalt  }
0x72: {  	_ =	shalt  }
0x73: {  	_ =	shalt  }
0x74: {  	_ =	shalt  }
0x75: {  	_ =	shalt  }
0x76: {  	_ =	shalt  }
0x77: {  	_ =	shalt  }
0x78: {  	_ =	shalt  }
0x79: {  	_ =	shalt  }
0x7a: {  	_ =	shalt  }
0x7b: {  	_ =	shalt  }
0x7c: {  	_ =	shalt  }
0x7d: {  	_ =	shalt  }
0x7e: {  	_ =	shalt  }
0x7f: {  	_ =	shalt  }
0x80: {  	_ =	shalt  }
0x81: {  	_ =	shalt  }
0x82: {  	_ =	shalt  }
0x83: {  	_ =	shalt  }
0x84: {  	_ =	shalt  }
0x85: {  	_ =	shalt  }
0x86: {  	_ =	shalt  }
0x87: {  	_ =	shalt  }
.Lfunc_end0:
.L_simem_size_0:
called_computation.2_lowered:
.L_overlay_start_0:
0x88: {  	s2 =	sld [smem:$0x3FD9]  }
0x89: {  	s3 =	sld [smem:$0x3FFE];
	_ =	sdelay $0x1  }
0x8a: {  	s1 =	srdreg.scid  }
0x8b: {  	s0 =	sand.u32 $0x1, s1  }
0x8c: {  	s16 =	sshll.u32 s0, $0xA;
	s2 =	sadd.s32 s3, s2  }
0x8d: {  	s2 =	sadd.s32 s2, s16  }
0x8e: {  	[smem:$0x3FC4] =	sst s2  }
0x8f: {  	_ = 	snop  }
0x90: {  	(tm) =	ssettm $0x1  }
0x91: {  	s17 =	sld [smem:$0x3FFB];
	_ =	sdelay $0x3  }
0x92: {  	_ =	strace s17  }
0x93: {  	s2 =	sld [smem:$0x3FFC];
	_ =	sdelay $0x3  }
0x94: {  	_ =	strace s2  }
0x95: {  	s2 =	sld [smem:$0x3FFD];
	_ =	sdelay $0x3  }
0x96: {  	_ =	strace s2  }
0x97: {  	_ =	strace $0x8FFFFFFF  }
0x98: {  	s18 =	sld [smem:$0x3FDB];
	_ =	sdelay $0x1  }
0x99: {  	s19 =	simm.s32 $_scs_section_size  }
0x9a: {  	s4 =	simm.s32 $_size__tile_overlayer_lowered;
	s5 =	simm.s32 $_tile_overlayer_lowered  }
0x9b: {  	s22 =	simm.s32 $0x1BFF;
	s21 =	sshll.u32 s5, $0x1;
	s2 =	sadd.s32 s19, s18  }
0x9c: {  	s6 =	simm.s32 $0x0;
	s20 =	sshll.u32 s4, $0x1;
	s4 =	sadd.s32 s21, s2  }
0x9d: {  	[timem:s6], [sflag:s22] =	dma.local [hbm:s4], s20  }
0x9e: {  	_ =	swait.ge [sflag:s22], s20  }
0x9f: {  	s3 =	ssub.s32 $0x0, s20;
	[sflag:s22] =	ssyncset.done $0x0  }
0xa0: {  	[sflag:s22] =	ssyncadd.s32 s3;
	_ =	sdelay $0x1  }
0xa1: {  	s23 =	simm.s32 $0x1B8B  }
0xa2: {  	_ =	swait.ge [sflag:s23], $0x1  }
0xa3: {  	[sflag:s23] =	ssyncset.done $0x0  }
0xa4: {  	s25 =	simm.s32 $0x1B8E;
	s24 =	sld [smem:$0x3FFE];
	[sflag:s23] =	ssyncadd.s32 $0xFFFFFFFF  }
0xa5: {  	s26 =	simm.s32 $execute0_lowered;
	[smem:$0x3FD2] =	sst s25  }
0xa6: {  	s4 =	sshll.u32 s26, $0x1;
	_ =	strace $0x8000004C;
	[dreg:$0x1] =	wrdreg $0xFFFFFFFF  }
0xa7: {  	s28 =	simm.s32 $_size_execute0_lowered;
	s2 =	sadd.s32 s2, s4;
	[dreg:$0x0] =	wrdreg $0x0  }
0xa8: {  	s4 =	sshll.u32 s28, $0x1;
	[dreg:$0x2] =	wrdreg s2  }
0xa9: {  	[dreg:$0x3] =	wrdreg s4  }
0xaa: {  	[dreg:$0x4] =	wrdreg $0xC0  }
0xab: {  	_ =	task [dreg:s6], $0x5FFFF  }
0xac: {  	[dreg:$0x1] =	wrdreg $0xFFFFFFFF  }
0xad: {  	[dreg:$0x0] =	wrdreg $0x60  }
0xae: {  	[dreg:$0x2] =	wrdreg s24  }
0xaf: {  	[dreg:$0x3] =	wrdreg $0x9  }
0xb0: {  	_ =	task.clear_ibuf [dreg:s6], $0x4FFFF;
	_ =	strace $0x9000004C  }
0xb1: {  	s29 =	simm.s32 $0x9;
	_ =	strace $0x8000004E  }
0xb2: {  	_ =	swait.ge [sflag:s29], $0x1  }
0xb3: {  	[sflag:s29] =	ssyncadd.s32 $0xFFFFFFFF  }
0xb4: {  	_ =	strace $0x9000004E  }
0xb5: {  	_ =	sfence  }
0xb6: {  	s30 =	sld [smem:$0x0];
	_ =	sdelay $0x2  }
0xb7: {  	s31 =	sshll.u32 s1, $0xD;
	s1 =	sshrl.u32 s1, $0x2  }
0xb8: {  	s3 =	sand.u32 $0x4000, s31;
	s1 =	sadd.s32 s1, s30  }
0xb9: {  	s0 =	sor.u32 s3, s0;
	s1 =	sshll.u32 s1, $0x11  }
0xba: {  	s0 =	sor.u32 s1, s0  }
0xbb: {  	s0 =	sadd.s32 $0x8F2B, s0  }
0xbc: {  	[sflag:s0] =	ssyncadd.remote.s32 $0x1  }
0xbd: {  	_ =	sfence.sel $0xFFFF  }
0xbe: {  	[dreg:$0x0] =	wrdreg $0xFFFFFFFF;
	(pc) =	sbr.abs _section_cstart, $3  }
0xbf: {  	[dreg:$0x1] =	wrdreg $0xFFFFFFFF  }
0xc0: {  	_ =	task.clear_ibuf [dreg:s6], $0x2FFFF;
	_ =	strace $0x9FFFFFFF  }
0xc1: {  	(tm) =	ssettm $0x7FFFFFFF  }
tec
execute0_lowered:
.L_overlay_start_1:
0x0: {  	(tag) =	ssettag $0x1  }
0x1: {  	s0 =	srdreg.scid;
	s5 =	stileid.u32  }
0x2: {  	s1 =	rddreg [dreg:$0x0];
	s2 =	simm.s32 $0x0;
	s16 =	simm.s32 $0xC00  }
0x3: {  	s17 =	simm.s32 $0x1400;
	s18 =	simm.s32 $0x1C00;
	s19 =	simm.s32 $0x2400  }
0x4: {  	s20 =	simm.s32 $0x2C00;
	s21 =	simm.s32 $0x3400;
	[smem:$0x7FF] =	sst s2  }
0x5: {  	s22 =	simm.s32 $0x3C00;
	_ =	strace $0x8000004D;
	[dreg:$0x3] =	wrdreg s16  }
0x6: {  	s7 =	simm.s32 $0x4400;
	s8 =	simm.s32 $0x4C00;
	[dreg:$0x4] =	wrdreg s17  }
0x7: {  	s23 =	simm.s32 $0x5400;
	s24 =	simm.s32 $0x5C00;
	[dreg:$0x5] =	wrdreg s18  }
0x8: {  	s9 =	simm.s32 $0x2;
	s25 =	simm.s32 $0x6400;
	[dreg:$0x6] =	wrdreg s19  }
0x9: {  	s10 =	simm.s32 $0x400;
	s26 =	simm.s32 $0x6C00;
	[dreg:$0x7] =	wrdreg s20  }
0xa: {  	s11 =	simm.s32 $0x7400;
	s12 =	simm.s32 $0x7C00;
	[dreg:$0x8] =	wrdreg s21  }
0xb: {  	s13 =	simm.s32 $0x8400;
	s28 =	simm.s32 $0xF400;
	[dreg:$0x9] =	wrdreg s22  }
0xc: {  	s29 =	simm.s32 $0xFC00;
	s30 =	simm.s32 $0x1;
	[dreg:$0xa] =	wrdreg s7  }
0xd: {  	s31 =	simm.s32 $0x0;
	s0 =	sand.u32 $0x1, s0;
	[dreg:$0xb] =	wrdreg s8  }
0xe: {  	s3 =	smul.u32 $0x3C000, s5;
	s5 =	sshll.u32 s5, $0x1;
	[dreg:$0xc] =	wrdreg s23  }
0xf: {  	s4 =	smul.u32 $0x1E000, s0;
	s5 =	sor.u32 s0, s5;
	[dreg:$0xd] =	wrdreg s24  }
0x10: {  	s0 =	ssub.s32 $0x2, s0;
	s7 =	sadd.s32 $0x4700, s1;
	[dreg:$0xe] =	wrdreg s25  }
0x11: {  	[dreg:$0xf] =	wrdreg s26;
	s16 =	simm.s32 $0x9C00;
	s17 =	simm.s32 $0xA400  }
0x12: {  	s18 =	simm.s32 $0xAC00;
	s19 =	simm.s32 $0xB400;
	s20 =	simm.s32 $0xBC00  }
0x13: {  	s21 =	simm.s32 $0xC400;
	s22 =	simm.s32 $0xCC00;
	s23 =	simm.s32 $0xD400  }
0x14: {  	s24 =	simm.s32 $0xDC00;
	s25 =	simm.s32 $0xE400;
	s26 =	simm.s32 $0xEC00  }
0x15: {  	s3 =	sadd.s32 s3, s1;
	s14 =	smul.u32 $0x3C0, s5;
	s6 =	sshrl.u32 s0, $0x1  }
0x16: {  	s5 =	sadd.s32 $0x4500, s1;
	s3 =	sadd.s32 s4, s3;
	s0 =	ssub.s32 s0, s6  }
0x17: {  	s6 =	sadd.s32 $0x4600, s1;
	s15 =	sadd.s32 $0x3C4400, s3;
	s4 =	sshrl.u32 s14, $0x3  }
0x18: {  	v2 =	vlaneseq.u32;
	s0 =	smax.u32 s0, $0x1;
	[dreg:$0x2] =	wrdreg s15;
	s4 =	sadd.s32 s4, s1  }
0x19: {  	vm0 =	vmmov $0xffff;
	v1 =	vshrl.u32 v2, $0x3;
	s3 =	sadd.s32 $0x4400, s1;
	[dreg:$0x11] =	wrdreg s0;
	s4 =	sadd.s32 $0x3400, s4  }
0x1a: {  	v0 =	vand.u32 $0x7, v2;
	v2 =	vor.u32 $0x8, v2;
	v1 =	vmul.u32 $0x8, v1;
	s14 =	simm.s32 $0x8C00;
	s15 =	simm.s32 $0x9400;
	[dreg:$0x10] =	wrdreg s4  }
.LBB2_1:
0x1b: {  	s0 =	rddreg [dreg:$0x10]  }
0x1c: {  	[tilespmem:s2], [sflag:$0x2] =	stream.linear.gather [hbm4b:s0+s2], $0x3C0, $0x38;
	[tilespmem:$0x10400] =	vst v63  }
0x1d: {  	_ =	swait.ge [sflag:s9], $0x3C0  }
0x1e: {  	[sflag:s9] =	ssyncset.done $0x0  }
0x1f: {  	s1 =	simm.s32 $0x20;
	s0 =	simm.s32 $0x0;
	[sflag:s9] =	ssyncadd.s32 $0xFFFFFC40  }
.LBB2_2:
0x20: {  	v3 =	vld [tilespmem:s1+$0xFFFFFFE0];
	_ =	sdelay $0x4  }
0x21: {  	v4 =	vshll.u32 v3, $0x3  }
0x22: {  	v3 =	vand.u32 $0x7, v3;
	v4 =	vand.u32 $0xFFFFFFC0, v4  }
0x23: {  	v3 =	vor.u32 v3, v4  }
0x24: {  	v4 =	vperm.xlane v3, v0;
	_ =	sdelay $0x1  }
0x25: {  	v4 =	vadd.s32 v1, v4;
	_ =	sdelay $0x4  }
0x26: {  	[tilespmem:s10], [sflag:$0x1] =	stream.indirect_vreg.gather [hbm4b:s3+s2], $0x80, v4, vm0, $0xb8;
	[tilespmem:$0x10400] =	vst v63  }
0x27: {  	s4 =	rddreg [dreg:$0x3];
	v3 =	vperm.xlane v3, v2  }
0x28: {  	[tilespmem:s4], [sflag:$0x1] =	stream.indirect_vreg.gather [hbm4b:s5+s2], $0x80, v4, vm0, $0xb8;
	[tilespmem:$0x10400] =	vst v63  }
0x29: {  	s8 =	rddreg [dreg:$0x4];
	v3 =	vadd.s32 v1, v3  }
0x2a: {  	[tilespmem:s8], [sflag:$0x1] =	stream.indirect_vreg.gather [hbm4b:s6+s2], $0x80, v4, vm0, $0xb8;
	[tilespmem:$0x10400] =	vst v63  }
0x2b: {  	s4 =	rddreg [dreg:$0x5]  }
0x2c: {  	[tilespmem:s4], [sflag:$0x1] =	stream.indirect_vreg.gather [hbm4b:s7+s2], $0x80, v4, vm0, $0xb8;
	[tilespmem:$0x10400] =	vst v63  }
0x2d: {  	s8 =	rddreg [dreg:$0x6]  }
0x2e: {  	[tilespmem:s8], [sflag:$0x1] =	stream.indirect_vreg.gather [hbm4b:s3+s2], $0x80, v3, vm0, $0xb8;
	[tilespmem:$0x10400] =	vst v63  }
0x2f: {  	s4 =	rddreg [dreg:$0x7]  }
0x30: {  	[tilespmem:s4], [sflag:$0x1] =	stream.indirect_vreg.gather [hbm4b:s5+s2], $0x80, v3, vm0, $0xb8;
	[tilespmem:$0x10400] =	vst v63  }
0x31: {  	s8 =	rddreg [dreg:$0x8]  }
0x32: {  	[tilespmem:s8], [sflag:$0x1] =	stream.indirect_vreg.gather [hbm4b:s6+s2], $0x80, v3, vm0, $0xb8;
	[tilespmem:$0x10400] =	vst v63  }
0x33: {  	s4 =	rddreg [dreg:$0x9]  }
0x34: {  	[tilespmem:s4], [sflag:$0x1] =	stream.indirect_vreg.gather [hbm4b:s7+s2], $0x80, v3, vm0, $0xb8;
	[tilespmem:$0x10400] =	vst v63  }
0x35: {  	v3 =	vld [tilespmem:s1+$0xFFFFFFF0];
	_ =	sdelay $0x4  }
0x36: {  	v61 =	vshll.u32 v3, $0x3  }
0x37: {  	v3 =	vand.u32 $0x7, v3;
	v4 =	vand.u32 $0xFFFFFFC0, v61  }
0x38: {  	v3 =	vor.u32 v3, v4  }
0x39: {  	v4 =	vperm.xlane v3, v0;
	_ =	sdelay $0x1  }
0x3a: {  	v4 =	vadd.s32 v1, v4;
	_ =	sdelay $0x3  }
0x3b: {  	s4 =	rddreg [dreg:$0xa]  }
0x3c: {  	[tilespmem:s4], [sflag:$0x1] =	stream.indirect_vreg.gather [hbm4b:s3+s2], $0x80, v4, vm0, $0xb8;
	[tilespmem:$0x10400] =	vst v63  }
0x3d: {  	s8 =	rddreg [dreg:$0xb];
	v3 =	vperm.xlane v3, v2  }
0x3e: {  	[tilespmem:s8], [sflag:$0x1] =	stream.indirect_vreg.gather [hbm4b:s5+s2], $0x80, v4, vm0, $0xb8;
	[tilespmem:$0x10400] =	vst v63  }
0x3f: {  	v3 =	vadd.s32 v1, v3;
	s4 =	rddreg [dreg:$0xc]  }
0x40: {  	[tilespmem:s4], [sflag:$0x1] =	stream.indirect_vreg.gather [hbm4b:s6+s2], $0x80, v4, vm0, $0xb8;
	[tilespmem:$0x10400] =	vst v63  }
0x41: {  	s8 =	rddreg [dreg:$0xd]  }
0x42: {  	[tilespmem:s8], [sflag:$0x1] =	stream.indirect_vreg.gather [hbm4b:s7+s2], $0x80, v4, vm0, $0xb8;
	[tilespmem:$0x10400] =	vst v63  }
0x43: {  	s4 =	rddreg [dreg:$0xe]  }
0x44: {  	[tilespmem:s4], [sflag:$0x1] =	stream.indirect_vreg.gather [hbm4b:s3+s2], $0x80, v3, vm0, $0xb8;
	[tilespmem:$0x10400] =	vst v63  }
0x45: {  	s8 =	rddreg [dreg:$0xf]  }
0x46: {  	[tilespmem:s8], [sflag:$0x1] =	stream.indirect_vreg.gather [hbm4b:s5+s2], $0x80, v3, vm0, $0xb8;
	[tilespmem:$0x10400] =	vst v63  }
0x47: {  	_ = 	snop  }
0x48: {  	[tilespmem:s11], [sflag:$0x1] =	stream.indirect_vreg.gather [hbm4b:s6+s2], $0x80, v3, vm0, $0xb8;
	[tilespmem:$0x10400] =	vst v63  }
0x49: {  	_ = 	snop  }
0x4a: {  	[tilespmem:s12], [sflag:$0x1] =	stream.indirect_vreg.gather [hbm4b:s7+s2], $0x80, v3, vm0, $0xb8;
	[tilespmem:$0x10400] =	vst v63  }
0x4b: {  	v3 =	vld [tilespmem:s1+$0x0];
	_ =	sdelay $0x4  }
0x4c: {  	v62 =	vshll.u32 v3, $0x3  }
0x4d: {  	v3 =	vand.u32 $0x7, v3;
	v4 =	vand.u32 $0xFFFFFFC0, v62  }
0x4e: {  	v3 =	vor.u32 v3, v4  }
0x4f: {  	v4 =	vperm.xlane v3, v0;
	_ =	sdelay $0x1  }
0x50: {  	v4 =	vadd.s32 v1, v4;
	_ =	sdelay $0x4  }
0x51: {  	[tilespmem:s13], [sflag:$0x1] =	stream.indirect_vreg.gather [hbm4b:s3+s2], $0x80, v4, vm0, $0xb8;
	[tilespmem:$0x10400] =	vst v63  }
0x52: {  	v3 =	vperm.xlane v3, v2  }
0x53: {  	[tilespmem:s14], [sflag:$0x1] =	stream.indirect_vreg.gather [hbm4b:s5+s2], $0x80, v4, vm0, $0xb8;
	[tilespmem:$0x10400] =	vst v63  }
0x54: {  	v3 =	vadd.s32 v1, v3  }
0x55: {  	[tilespmem:s15], [sflag:$0x1] =	stream.indirect_vreg.gather [hbm4b:s6+s2], $0x80, v4, vm0, $0xb8;
	[tilespmem:$0x10400] =	vst v63  }
0x56: {  	_ = 	snop  }
0x57: {  	[tilespmem:s16], [sflag:$0x1] =	stream.indirect_vreg.gather [hbm4b:s7+s2], $0x80, v4, vm0, $0xb8;
	[tilespmem:$0x10400] =	vst v63  }
0x58: {  	_ = 	snop  }
0x59: {  	[tilespmem:s17], [sflag:$0x1] =	stream.indirect_vreg.gather [hbm4b:s3+s2], $0x80, v3, vm0, $0xb8;
	[tilespmem:$0x10400] =	vst v63  }
0x5a: {  	_ = 	snop  }
0x5b: {  	[tilespmem:s18], [sflag:$0x1] =	stream.indirect_vreg.gather [hbm4b:s5+s2], $0x80, v3, vm0, $0xb8;
	[tilespmem:$0x10400] =	vst v63  }
0x5c: {  	_ = 	snop  }
0x5d: {  	[tilespmem:s19], [sflag:$0x1] =	stream.indirect_vreg.gather [hbm4b:s6+s2], $0x80, v3, vm0, $0xb8;
	[tilespmem:$0x10400] =	vst v63  }
0x5e: {  	_ = 	snop  }
0x5f: {  	[tilespmem:s20], [sflag:$0x1] =	stream.indirect_vreg.gather [hbm4b:s7+s2], $0x80, v3, vm0, $0xb8;
	[tilespmem:$0x10400] =	vst v63  }
0x60: {  	v3 =	vld [tilespmem:s1+$0x10];
	_ =	sdelay $0x4  }
0x61: {  	v63 =	vshll.u32 v3, $0x3  }
0x62: {  	v3 =	vand.u32 $0x7, v3;
	v4 =	vand.u32 $0xFFFFFFC0, v63  }
0x63: {  	v3 =	vor.u32 v3, v4  }
0x64: {  	v4 =	vperm.xlane v3, v0;
	_ =	sdelay $0x1  }
0x65: {  	v4 =	vadd.s32 v1, v4;
	_ =	sdelay $0x4  }
0x66: {  	[tilespmem:s21], [sflag:$0x1] =	stream.indirect_vreg.gather [hbm4b:s3+s2], $0x80, v4, vm0, $0xb8;
	[tilespmem:$0x10400] =	vst v63  }
0x67: {  	v3 =	vperm.xlane v3, v2  }
0x68: {  	[tilespmem:s22], [sflag:$0x1] =	stream.indirect_vreg.gather [hbm4b:s5+s2], $0x80, v4, vm0, $0xb8;
	[tilespmem:$0x10400] =	vst v63  }
0x69: {  	v3 =	vadd.s32 v1, v3  }
0x6a: {  	[tilespmem:s23], [sflag:$0x1] =	stream.indirect_vreg.gather [hbm4b:s6+s2], $0x80, v4, vm0, $0xb8;
	[tilespmem:$0x10400] =	vst v63  }
0x6b: {  	_ = 	snop  }
0x6c: {  	[tilespmem:s24], [sflag:$0x1] =	stream.indirect_vreg.gather [hbm4b:s7+s2], $0x80, v4, vm0, $0xb8;
	[tilespmem:$0x10400] =	vst v63  }
0x6d: {  	_ = 	snop  }
0x6e: {  	[tilespmem:s25], [sflag:$0x1] =	stream.indirect_vreg.gather [hbm4b:s3+s2], $0x80, v3, vm0, $0xb8;
	[tilespmem:$0x10400] =	vst v63  }
0x6f: {  	_ = 	snop  }
0x70: {  	[tilespmem:s26], [sflag:$0x1] =	stream.indirect_vreg.gather [hbm4b:s5+s2], $0x80, v3, vm0, $0xb8;
	[tilespmem:$0x10400] =	vst v63  }
0x71: {  	_ = 	snop  }
0x72: {  	[tilespmem:s28], [sflag:$0x1] =	stream.indirect_vreg.gather [hbm4b:s6+s2], $0x80, v3, vm0, $0xb8;
	[tilespmem:$0x10400] =	vst v63  }
0x73: {  	_ = 	snop  }
0x74: {  	[tilespmem:s29], [sflag:$0x1] =	stream.indirect_vreg.gather [hbm4b:s7+s2], $0x80, v3, vm0, $0xb8;
	[tilespmem:$0x10400] =	vst v63  }
0x75: {  	_ =	swait.ge [sflag:s30], $0x10000  }
0x76: {  	p0 =	sne.s32 s0, $0x1C000;
	s8 =	rddreg [dreg:$0x2];
	[sflag:s30] =	ssyncset.done $0x0  }
.Ltmp0:
0x77: {  	[sflag:s30] =	ssyncadd.s32 $0xFFFF0000;
	s4 =	sadd.s32 s0, s8;
	(pc) =	sbr.rel @p0 .LBB2_2-.Ltmp0, $4  }
0x78: {  	[hbm4b:s4+s2] =	stream.linear.scatter [tilespmem:s10], [sflag:$0x2], $0x10000, $0x38;
	[tilespmem:$0x10400] =	vst v63  }
0x79: {  	_ =	swait.ge [sflag:s9], $0x10000  }
0x7a: {  	[sflag:s9] =	ssyncset.done $0x0  }
0x7b: {  	s1 =	sadd.s32 $0x40, s1;
	s0 =	sadd.s32 $0x2000, s0;
	[sflag:s9] =	ssyncadd.s32 $0xFFFF0000  }
0x7c: {  	s31 =	sadd.s32 $0x1, s31;
	s0 =	rddreg [dreg:$0x11]  }
0x7d: {  	p0 =	sne.s32 s31, s0  }
.Ltmp1:
0x7e: {  	_ = 	snop;
	(pc) =	sbr.rel @p0 .LBB2_1-.Ltmp1, $1  }
0x7f: {  	_ =	sdelay $0x3  }
0x80: {  	_ =	sfence.sel $0x180000  }
0x81: {  	[bflag:$0x0] =	sbarrier.arrive $0xFFFF  }
0x82: {  	_ =	strace $0x9000004D  }
0x83: {  	s0 =	stileid.u32;
	[bflag:$0x2] =	sbarrier.arrive $0xFFFF  }
0x84: {  	p0 =	sne.s32 s0, $0x0;
	s0 =	rddreg [dreg:$0x1]  }
0x85: {  	s0 =	sadd.s32 @!p0 $0x100000, s0  }
0x86: {  	[sflag:s0] =	ssyncadd.tile.s32 @!p0 $0x1;
	_ =	shalt  }
.Lfunc_end2:
_tile_overlayer_lowered:
.L_overlay_start_2:
0x87: {  	(tag) =	ssettag $0x2  }
0x88: {  	s0 =	rddreg [dreg:$0x0];
	s2 =	stileid.u32  }
0x89: {  	s1 =	rddreg [dreg:$0x1];
	p0 =	sne.s32 s2, $0x0  }
0x8a: {  	s3 =	rddreg [dreg:$0x2];
	[bflag:$0x3] =	sbarrier.arrive $0xFFFF;
	s2 =	simm.s32 @!p0 $0x1C02  }
0x8b: {  	[timem:s3], [sflag:s2] =	dma.local @!p0 [hbm:s0], s1  }
0x8c: {  	s0 =	simm.s32 @!p0 $0x2  }
0x8d: {  	_ =	swait.ge @!p0 [sflag:s0], s1  }
0x8e: {  	s1 =	ssub.s32 @!p0 $0x0, s1;
	[sflag:s0] =	ssyncset.done @!p0 $0x0  }
0x8f: {  	[sflag:s0] =	ssyncadd.s32 @!p0 s1  }
0x90: {  	[bflag:$0x3] =	sbarrier.arrive $0xFFFF  }
0x91: {  	_ =	shalt  }

// kernel: kernel.32.cloned.1.call-start
scs
__scs_entry_jumppad:
0x0: {  	(pc) =	sbr.rel $0x88, $3  }
0x1: {  	(tag) =	ssettag $0x0;
	lr =	simm.s32 $0x1  }
0x2: {  	[smem:$0x3F9D] =	sst lr;
	_ =	strace $0xD0000000  }
0x3: {  	_ = 	snop  }
0x4: {  	_ = 	snop  }
0x5: {  	_ = 	snop  }
0x6: {  	_ = 	snop  }
0x7: {  	_ = 	snop  }
__scs_overlays_trampoline_lowered:
0x8: {  	[smem:$0x3FAC] =	sst s0  }
0x9: {  	[smem:$0x3FAD] =	sst s1  }
0xa: {  	[smem:$0x3FAE] =	sst s2  }
0xb: {  	[smem:$0x3FAF] =	sst s3  }
0xc: {  	[smem:$0x3FB0] =	sst s4  }
0xd: {  	[smem:$0x3FB1] =	sst s5  }
0xe: {  	[smem:$0x3FB2] =	sst s6  }
0xf: {  	[smem:$0x3FB3] =	sst s7  }
0x10: {  	[smem:$0x3FB4] =	sst s8  }
0x11: {  	[smem:$0x3FB5] =	sst s9;
	s0 =	simm.s32 @!p0 $0x0  }
0x12: {  	s1 =	sld [smem:$0x3F9B];
	s0 =	simm.s32 @p0 $0x1  }
0x13: {  	[smem:$0x3FB6] =	sst s0;
	s0 =	simm.s32 @!p1 $0x0  }
0x14: {  	s2 =	sld [smem:$0x3F9A];
	s0 =	simm.s32 @p1 $0x1  }
0x15: {  	[smem:$0x3FB7] =	sst s0;
	s0 =	simm.s32 @!p2 $0x0  }
0x16: {  	s3 =	sld [smem:$0x3FDB];
	s0 =	simm.s32 @p2 $0x1  }
0x17: {  	s4 =	simm.s32 $0x1BF5;
	[smem:$0x3FB9] =	sst s0  }
0x18: {  	s0 =	sld [smem:$0x3F9C];
	_ =	swait.ge [sflag:s4], $0x0  }
0x19: {  	s7 =	sld [smem:$0x3F9D]  }
0x1a: {  	s8 =	sadd.s32 $0xFFFFE003, lr  }
0x1b: {  	s9 =	sadd.s32 $0xFFFFFEF7, lr;
	s5 =	simm.s32 $0xFFFFFFFF;
	p2 =	slt.u32 s8, $0xFFFFF086  }
0x1c: {  	p1 =	slt.u32 s9, $0xF7A;
	s5 =	simm.s32 @!p2 $0x0  }
0x1d: {  	s5 =	simm.s32 @p1 $0x1;
	p0 =	seq.s32 s7, s2  }
0x1e: {  	s7 =	smul.u32 @!p0 $0xF7A, s2;
	p2 =	seq.s32 @!p0 s5, $0x0  }
0x1f: {  	s9 =	smul.u32 $0xF7A, s1;
	s8 =	simm.s32 @!p0 $0x1BF5;
	p2 =	por !p2, p0  }
0x20: {  	[sflag:s8] =	ssyncset.s32 @!p0 $0xFFFFF086;
	s6 =	sadd.s32 @!p0 s3, s7;
	s7 =	simm.s32 @!p0 $0x108  }
0x21: {  	s3 =	sadd.s32 s3, s9;
	s6 =	sadd.s32 @!p0 $0x88, s6;
	s7 =	simm.s32 @p2 $0x1082  }
0x22: {  	[simem:s7], [sflag:s8] =	dma.local @!p0 [hbm:s6], $0xF7A  }
0x23: {  	s9 =	sor.u32 $0xD0000000, s2;
	s6 =	simm.s32 $0x108;
	_ =	swait.ge @!p0 [sflag:s8], $0x0  }
0x24: {  	s3 =	sadd.s32 $0x88, s3;
	s6 =	simm.s32 @!p1 $0x1082;
	[sflag:s4] =	ssyncset.s32 $0xFFFFF086  }
0x25: {  	[simem:s6], [sflag:s4] =	dma.local [hbm:s3], $0xF7A  }
0x26: {  	[smem:$0x3F9D] =	sst s1;
	(tag) =	ssettag s2;
	_ =	strace s9  }
0x27: {  	s1 =	sld [smem:$0x3FAD]  }
0x28: {  	s2 =	sld [smem:$0x3FAE]  }
0x29: {  	s4 =	sld [smem:$0x3FB0]  }
0x2a: {  	p0 =	seq.s32 s5, $0x0;
	s5 =	sld [smem:$0x3FB1]  }
0x2b: {  	s6 =	sld [smem:$0x3FB2]  }
0x2c: {  	s7 =	sld [smem:$0x3FB3]  }
0x2d: {  	s3 =	simm.s32 $0x108;
	s8 =	sld [smem:$0x3FB4]  }
0x2e: {  	s3 =	simm.s32 @!p0 $0x1082;
	s9 =	sld [smem:$0x3FB5]  }
0x2f: {  	lr =	sadd.s32 s0, s3;
	s0 =	sld [smem:$0x3FAC]  }
0x30: {  	s3 =	sld [smem:$0x3FAF]  }
0x31: {  	[smem:$0x3FB8] =	sst s10  }
0x32: {  	s10 =	sld [smem:$0x3FB6];
	_ =	sdelay $0x3  }
0x33: {  	p0 =	seq.s32 s10, $0x1;
	s10 =	sld [smem:$0x3FB8];
	_ =	sdelay $0x3  }
0x34: {  	[smem:$0x3FB8] =	sst s10  }
0x35: {  	s10 =	sld [smem:$0x3FB7];
	_ =	sdelay $0x3  }
0x36: {  	p1 =	seq.s32 s10, $0x1;
	s10 =	sld [smem:$0x3FB8];
	_ =	sdelay $0x3  }
0x37: {  	[smem:$0x3FB8] =	sst s10  }
0x38: {  	s10 =	sld [smem:$0x3FB9]  }
0x39: {  	_ = 	snop;
	(pc) =	sbr.ind lr, $3  }
0x3a: {  	_ = 	snop  }
0x3b: {  	_ = 	snop  }
0x3c: {  	p2 =	seq.s32 s10, $0x1;
	s10 =	sld [smem:$0x3FB8]  }
0x3d: {  	_ =	shalt  }
0x3e: {  	_ =	shalt  }
0x3f: {  	_ =	shalt  }
0x40: {  	_ =	shalt  }
0x41: {  	_ =	shalt  }
0x42: {  	_ =	shalt  }
0x43: {  	_ =	shalt  }
0x44: {  	_ =	shalt  }
0x45: {  	_ =	shalt  }
0x46: {  	_ =	shalt  }
0x47: {  	_ =	shalt  }
0x48: {  	_ =	shalt  }
0x49: {  	_ =	shalt  }
0x4a: {  	_ =	shalt  }
0x4b: {  	_ =	shalt  }
0x4c: {  	_ =	shalt  }
0x4d: {  	_ =	shalt  }
0x4e: {  	_ =	shalt  }
0x4f: {  	_ =	shalt  }
0x50: {  	_ =	shalt  }
0x51: {  	_ =	shalt  }
0x52: {  	_ =	shalt  }
0x53: {  	_ =	shalt  }
0x54: {  	_ =	shalt  }
0x55: {  	_ =	shalt  }
0x56: {  	_ =	shalt  }
0x57: {  	_ =	shalt  }
0x58: {  	_ =	shalt  }
0x59: {  	_ =	shalt  }
0x5a: {  	_ =	shalt  }
0x5b: {  	_ =	shalt  }
0x5c: {  	_ =	shalt  }
0x5d: {  	_ =	shalt  }
0x5e: {  	_ =	shalt  }
0x5f: {  	_ =	shalt  }
0x60: {  	_ =	shalt  }
0x61: {  	_ =	shalt  }
0x62: {  	_ =	shalt  }
0x63: {  	_ =	shalt  }
0x64: {  	_ =	shalt  }
0x65: {  	_ =	shalt  }
0x66: {  	_ =	shalt  }
0x67: {  	_ =	shalt  }
0x68: {  	_ =	shalt  }
0x69: {  	_ =	shalt  }
0x6a: {  	_ =	shalt  }
0x6b: {  	_ =	shalt  }
0x6c: {  	_ =	shalt  }
0x6d: {  	_ =	shalt  }
0x6e: {  	_ =	shalt  }
0x6f: {  	_ =	shalt  }
0x70: {  	_ =	shalt  }
0x71: {  	_ =	shalt  }
0x72: {  	_ =	shalt  }
0x73: {  	_ =	shalt  }
0x74: {  	_ =	shalt  }
0x75: {  	_ =	shalt  }
0x76: {  	_ =	shalt  }
0x77: {  	_ =	shalt  }
0x78: {  	_ =	shalt  }
0x79: {  	_ =	shalt  }
0x7a: {  	_ =	shalt  }
0x7b: {  	_ =	shalt  }
0x7c: {  	_ =	shalt  }
0x7d: {  	_ =	shalt  }
0x7e: {  	_ =	shalt  }
0x7f: {  	_ =	shalt  }
0x80: {  	_ =	shalt  }
0x81: {  	_ =	shalt  }
0x82: {  	_ =	shalt  }
0x83: {  	_ =	shalt  }
0x84: {  	_ =	shalt  }
0x85: {  	_ =	shalt  }
0x86: {  	_ =	shalt  }
0x87: {  	_ =	shalt  }
.Lfunc_end0:
.L_simem_size_0:
called_computation.3_lowered:
.L_overlay_start_0:
0x88: {  	s2 =	sld [smem:$0x3FD9]  }
0x89: {  	s3 =	sld [smem:$0x3FFE];
	_ =	sdelay $0x1  }
0x8a: {  	s1 =	srdreg.scid  }
0x8b: {  	s0 =	sand.u32 $0x1, s1  }
0x8c: {  	s16 =	sshll.u32 s0, $0xA;
	s2 =	sadd.s32 s3, s2  }
0x8d: {  	s2 =	sadd.s32 s2, s16  }
0x8e: {  	[smem:$0x3FC4] =	sst s2  }
0x8f: {  	_ = 	snop  }
0x90: {  	(tm) =	ssettm $0x1  }
0x91: {  	s17 =	sld [smem:$0x3FFB];
	_ =	sdelay $0x3  }
0x92: {  	_ =	strace s17  }
0x93: {  	s2 =	sld [smem:$0x3FFC];
	_ =	sdelay $0x3  }
0x94: {  	_ =	strace s2  }
0x95: {  	s2 =	sld [smem:$0x3FFD];
	_ =	sdelay $0x3  }
0x96: {  	_ =	strace s2  }
0x97: {  	_ =	strace $0x8FFFFFFF  }
0x98: {  	s18 =	sld [smem:$0x3FDB];
	_ =	sdelay $0x1  }
0x99: {  	s19 =	simm.s32 $_scs_section_size  }
0x9a: {  	s4 =	simm.s32 $_size__tile_overlayer_lowered;
	s5 =	simm.s32 $_tile_overlayer_lowered  }
0x9b: {  	s22 =	simm.s32 $0x1BFF;
	s21 =	sshll.u32 s5, $0x1;
	s2 =	sadd.s32 s19, s18  }
0x9c: {  	s6 =	simm.s32 $0x0;
	s20 =	sshll.u32 s4, $0x1;
	s4 =	sadd.s32 s21, s2  }
0x9d: {  	[timem:s6], [sflag:s22] =	dma.local [hbm:s4], s20  }
0x9e: {  	_ =	swait.ge [sflag:s22], s20  }
0x9f: {  	s3 =	ssub.s32 $0x0, s20;
	[sflag:s22] =	ssyncset.done $0x0  }
0xa0: {  	[sflag:s22] =	ssyncadd.s32 s3;
	_ =	sdelay $0x1  }
0xa1: {  	s23 =	simm.s32 $0x1B8B  }
0xa2: {  	_ =	swait.ge [sflag:s23], $0x1  }
0xa3: {  	[sflag:s23] =	ssyncset.done $0x0  }
0xa4: {  	s25 =	simm.s32 $0x1B8E;
	s24 =	sld [smem:$0x3FFE];
	[sflag:s23] =	ssyncadd.s32 $0xFFFFFFFF  }
0xa5: {  	s26 =	simm.s32 $execute0_lowered;
	[smem:$0x3FD2] =	sst s25  }
0xa6: {  	s4 =	sshll.u32 s26, $0x1;
	_ =	strace $0x8000004F;
	[dreg:$0x1] =	wrdreg $0xFFFFFFFF  }
0xa7: {  	s28 =	simm.s32 $_size_execute0_lowered;
	s2 =	sadd.s32 s2, s4;
	[dreg:$0x0] =	wrdreg $0x0  }
0xa8: {  	s4 =	sshll.u32 s28, $0x1;
	[dreg:$0x2] =	wrdreg s2  }
0xa9: {  	[dreg:$0x3] =	wrdreg s4  }
0xaa: {  	[dreg:$0x4] =	wrdreg $0xC0  }
0xab: {  	_ =	task [dreg:s6], $0x5FFFF  }
0xac: {  	[dreg:$0x1] =	wrdreg $0xFFFFFFFF  }
0xad: {  	[dreg:$0x0] =	wrdreg $0x60  }
0xae: {  	[dreg:$0x2] =	wrdreg s24  }
0xaf: {  	[dreg:$0x3] =	wrdreg $0x9  }
0xb0: {  	_ =	task.clear_ibuf [dreg:s6], $0x4FFFF;
	_ =	strace $0x9000004F  }
0xb1: {  	s29 =	simm.s32 $0x9;
	_ =	strace $0x80000051  }
0xb2: {  	_ =	swait.ge [sflag:s29], $0x1  }
0xb3: {  	[sflag:s29] =	ssyncadd.s32 $0xFFFFFFFF  }
0xb4: {  	_ =	strace $0x90000051  }
0xb5: {  	_ =	sfence  }
0xb6: {  	s30 =	sld [smem:$0x0];
	_ =	sdelay $0x2  }
0xb7: {  	s31 =	sshll.u32 s1, $0xD;
	s1 =	sshrl.u32 s1, $0x2  }
0xb8: {  	s3 =	sand.u32 $0x4000, s31;
	s1 =	sadd.s32 s1, s30  }
0xb9: {  	s0 =	sor.u32 s3, s0;
	s1 =	sshll.u32 s1, $0x11  }
0xba: {  	s0 =	sor.u32 s1, s0  }
0xbb: {  	s0 =	sadd.s32 $0x8F2B, s0  }
0xbc: {  	[sflag:s0] =	ssyncadd.remote.s32 $0x1  }
0xbd: {  	_ =	sfence.sel $0xFFFF  }
0xbe: {  	[dreg:$0x0] =	wrdreg $0xFFFFFFFF;
	(pc) =	sbr.abs _section_cstart, $3  }
0xbf: {  	[dreg:$0x1] =	wrdreg $0xFFFFFFFF  }
0xc0: {  	_ =	task.clear_ibuf [dreg:s6], $0x2FFFF;
	_ =	strace $0x9FFFFFFF  }
0xc1: {  	(tm) =	ssettm $0x7FFFFFFF  }
tec
execute0_lowered:
.L_overlay_start_1:
0x0: {  	(tag) =	ssettag $0x1  }
0x1: {  	s0 =	srdreg.scid;
	s5 =	stileid.u32  }
0x2: {  	s1 =	rddreg [dreg:$0x0];
	s2 =	simm.s32 $0x0;
	s16 =	simm.s32 $0xC00  }
0x3: {  	s17 =	simm.s32 $0x1400;
	s18 =	simm.s32 $0x1C00;
	s19 =	simm.s32 $0x2400  }
0x4: {  	s20 =	simm.s32 $0x2C00;
	s21 =	simm.s32 $0x3400;
	[smem:$0x7FF] =	sst s2  }
0x5: {  	s22 =	simm.s32 $0x3C00;
	_ =	strace $0x80000050;
	[dreg:$0x3] =	wrdreg s16  }
0x6: {  	s7 =	simm.s32 $0x4400;
	s8 =	simm.s32 $0x4C00;
	[dreg:$0x4] =	wrdreg s17  }
0x7: {  	s23 =	simm.s32 $0x5400;
	s24 =	simm.s32 $0x5C00;
	[dreg:$0x5] =	wrdreg s18  }
0x8: {  	s9 =	simm.s32 $0x2;
	s25 =	simm.s32 $0x6400;
	[dreg:$0x6] =	wrdreg s19  }
0x9: {  	s10 =	simm.s32 $0x400;
	s26 =	simm.s32 $0x6C00;
	[dreg:$0x7] =	wrdreg s20  }
0xa: {  	s11 =	simm.s32 $0x7400;
	s12 =	simm.s32 $0x7C00;
	[dreg:$0x8] =	wrdreg s21  }
0xb: {  	s13 =	simm.s32 $0x8400;
	s28 =	simm.s32 $0xF400;
	[dreg:$0x9] =	wrdreg s22  }
0xc: {  	s29 =	simm.s32 $0xFC00;
	s30 =	simm.s32 $0x1;
	[dreg:$0xa] =	wrdreg s7  }
0xd: {  	s31 =	simm.s32 $0x0;
	s0 =	sand.u32 $0x1, s0;
	[dreg:$0xb] =	wrdreg s8  }
0xe: {  	s3 =	smul.u32 $0x3C000, s5;
	s5 =	sshll.u32 s5, $0x1;
	[dreg:$0xc] =	wrdreg s23  }
0xf: {  	s4 =	smul.u32 $0x1E000, s0;
	s5 =	sor.u32 s0, s5;
	[dreg:$0xd] =	wrdreg s24  }
0x10: {  	s0 =	ssub.s32 $0x2, s0;
	s7 =	sadd.s32 $0x4700, s1;
	[dreg:$0xe] =	wrdreg s25  }
0x11: {  	[dreg:$0xf] =	wrdreg s26;
	s16 =	simm.s32 $0x9C00;
	s17 =	simm.s32 $0xA400  }
0x12: {  	s18 =	simm.s32 $0xAC00;
	s19 =	simm.s32 $0xB400;
	s20 =	simm.s32 $0xBC00  }
0x13: {  	s21 =	simm.s32 $0xC400;
	s22 =	simm.s32 $0xCC00;
	s23 =	simm.s32 $0xD400  }
0x14: {  	s24 =	simm.s32 $0xDC00;
	s25 =	simm.s32 $0xE400;
	s26 =	simm.s32 $0xEC00  }
0x15: {  	s3 =	sadd.s32 s3, s1;
	s14 =	smul.u32 $0x3C0, s5;
	s6 =	sshrl.u32 s0, $0x1  }
0x16: {  	s5 =	sadd.s32 $0x4500, s1;
	s3 =	sadd.s32 s4, s3;
	s0 =	ssub.s32 s0, s6  }
0x17: {  	s6 =	sadd.s32 $0x4600, s1;
	s15 =	sadd.s32 $0x3C4400, s3;
	s4 =	sshrl.u32 s14, $0x3  }
0x18: {  	v2 =	vlaneseq.u32;
	s0 =	smax.u32 s0, $0x1;
	[dreg:$0x2] =	wrdreg s15;
	s4 =	sadd.s32 s4, s1  }
0x19: {  	vm0 =	vmmov $0xffff;
	v1 =	vshrl.u32 v2, $0x3;
	s3 =	sadd.s32 $0x4400, s1;
	[dreg:$0x11] =	wrdreg s0;
	s4 =	sadd.s32 $0x2400, s4  }
0x1a: {  	v0 =	vand.u32 $0x7, v2;
	v2 =	vor.u32 $0x8, v2;
	v1 =	vmul.u32 $0x8, v1;
	s14 =	simm.s32 $0x8C00;
	s15 =	simm.s32 $0x9400;
	[dreg:$0x10] =	wrdreg s4  }
.LBB2_1:
0x1b: {  	s0 =	rddreg [dreg:$0x10]  }
0x1c: {  	[tilespmem:s2], [sflag:$0x2] =	stream.linear.gather [hbm4b:s0+s2], $0x3C0, $0x38;
	[tilespmem:$0x10400] =	vst v63  }
0x1d: {  	_ =	swait.ge [sflag:s9], $0x3C0  }
0x1e: {  	[sflag:s9] =	ssyncset.done $0x0  }
0x1f: {  	s1 =	simm.s32 $0x20;
	s0 =	simm.s32 $0x0;
	[sflag:s9] =	ssyncadd.s32 $0xFFFFFC40  }
.LBB2_2:
0x20: {  	v3 =	vld [tilespmem:s1+$0xFFFFFFE0];
	_ =	sdelay $0x4  }
0x21: {  	v4 =	vshll.u32 v3, $0x3  }
0x22: {  	v3 =	vand.u32 $0x7, v3;
	v4 =	vand.u32 $0xFFFFFFC0, v4  }
0x23: {  	v3 =	vor.u32 v3, v4  }
0x24: {  	v4 =	vperm.xlane v3, v0;
	_ =	sdelay $0x1  }
0x25: {  	v4 =	vadd.s32 v1, v4;
	_ =	sdelay $0x4  }
0x26: {  	[tilespmem:s10], [sflag:$0x1] =	stream.indirect_vreg.gather [hbm4b:s3+s2], $0x80, v4, vm0, $0xb8;
	[tilespmem:$0x10400] =	vst v63  }
0x27: {  	s4 =	rddreg [dreg:$0x3];
	v3 =	vperm.xlane v3, v2  }
0x28: {  	[tilespmem:s4], [sflag:$0x1] =	stream.indirect_vreg.gather [hbm4b:s5+s2], $0x80, v4, vm0, $0xb8;
	[tilespmem:$0x10400] =	vst v63  }
0x29: {  	s8 =	rddreg [dreg:$0x4];
	v3 =	vadd.s32 v1, v3  }
0x2a: {  	[tilespmem:s8], [sflag:$0x1] =	stream.indirect_vreg.gather [hbm4b:s6+s2], $0x80, v4, vm0, $0xb8;
	[tilespmem:$0x10400] =	vst v63  }
0x2b: {  	s4 =	rddreg [dreg:$0x5]  }
0x2c: {  	[tilespmem:s4], [sflag:$0x1] =	stream.indirect_vreg.gather [hbm4b:s7+s2], $0x80, v4, vm0, $0xb8;
	[tilespmem:$0x10400] =	vst v63  }
0x2d: {  	s8 =	rddreg [dreg:$0x6]  }
0x2e: {  	[tilespmem:s8], [sflag:$0x1] =	stream.indirect_vreg.gather [hbm4b:s3+s2], $0x80, v3, vm0, $0xb8;
	[tilespmem:$0x10400] =	vst v63  }
0x2f: {  	s4 =	rddreg [dreg:$0x7]  }
0x30: {  	[tilespmem:s4], [sflag:$0x1] =	stream.indirect_vreg.gather [hbm4b:s5+s2], $0x80, v3, vm0, $0xb8;
	[tilespmem:$0x10400] =	vst v63  }
0x31: {  	s8 =	rddreg [dreg:$0x8]  }
0x32: {  	[tilespmem:s8], [sflag:$0x1] =	stream.indirect_vreg.gather [hbm4b:s6+s2], $0x80, v3, vm0, $0xb8;
	[tilespmem:$0x10400] =	vst v63  }
0x33: {  	s4 =	rddreg [dreg:$0x9]  }
0x34: {  	[tilespmem:s4], [sflag:$0x1] =	stream.indirect_vreg.gather [hbm4b:s7+s2], $0x80, v3, vm0, $0xb8;
	[tilespmem:$0x10400] =	vst v63  }
0x35: {  	v3 =	vld [tilespmem:s1+$0xFFFFFFF0];
	_ =	sdelay $0x4  }
0x36: {  	v61 =	vshll.u32 v3, $0x3  }
0x37: {  	v3 =	vand.u32 $0x7, v3;
	v4 =	vand.u32 $0xFFFFFFC0, v61  }
0x38: {  	v3 =	vor.u32 v3, v4  }
0x39: {  	v4 =	vperm.xlane v3, v0;
	_ =	sdelay $0x1  }
0x3a: {  	v4 =	vadd.s32 v1, v4;
	_ =	sdelay $0x3  }
0x3b: {  	s4 =	rddreg [dreg:$0xa]  }
0x3c: {  	[tilespmem:s4], [sflag:$0x1] =	stream.indirect_vreg.gather [hbm4b:s3+s2], $0x80, v4, vm0, $0xb8;
	[tilespmem:$0x10400] =	vst v63  }
0x3d: {  	s8 =	rddreg [dreg:$0xb];
	v3 =	vperm.xlane v3, v2  }
0x3e: {  	[tilespmem:s8], [sflag:$0x1] =	stream.indirect_vreg.gather [hbm4b:s5+s2], $0x80, v4, vm0, $0xb8;
	[tilespmem:$0x10400] =	vst v63  }
0x3f: {  	v3 =	vadd.s32 v1, v3;
	s4 =	rddreg [dreg:$0xc]  }
0x40: {  	[tilespmem:s4], [sflag:$0x1] =	stream.indirect_vreg.gather [hbm4b:s6+s2], $0x80, v4, vm0, $0xb8;
	[tilespmem:$0x10400] =	vst v63  }
0x41: {  	s8 =	rddreg [dreg:$0xd]  }
0x42: {  	[tilespmem:s8], [sflag:$0x1] =	stream.indirect_vreg.gather [hbm4b:s7+s2], $0x80, v4, vm0, $0xb8;
	[tilespmem:$0x10400] =	vst v63  }
0x43: {  	s4 =	rddreg [dreg:$0xe]  }
0x44: {  	[tilespmem:s4], [sflag:$0x1] =	stream.indirect_vreg.gather [hbm4b:s3+s2], $0x80, v3, vm0, $0xb8;
	[tilespmem:$0x10400] =	vst v63  }
0x45: {  	s8 =	rddreg [dreg:$0xf]  }
0x46: {  	[tilespmem:s8], [sflag:$0x1] =	stream.indirect_vreg.gather [hbm4b:s5+s2], $0x80, v3, vm0, $0xb8;
	[tilespmem:$0x10400] =	vst v63  }
0x47: {  	_ = 	snop  }
0x48: {  	[tilespmem:s11], [sflag:$0x1] =	stream.indirect_vreg.gather [hbm4b:s6+s2], $0x80, v3, vm0, $0xb8;
	[tilespmem:$0x10400] =	vst v63  }
0x49: {  	_ = 	snop  }
0x4a: {  	[tilespmem:s12], [sflag:$0x1] =	stream.indirect_vreg.gather [hbm4b:s7+s2], $0x80, v3, vm0, $0xb8;
	[tilespmem:$0x10400] =	vst v63  }
0x4b: {  	v3 =	vld [tilespmem:s1+$0x0];
	_ =	sdelay $0x4  }
0x4c: {  	v62 =	vshll.u32 v3, $0x3  }
0x4d: {  	v3 =	vand.u32 $0x7, v3;
	v4 =	vand.u32 $0xFFFFFFC0, v62  }
0x4e: {  	v3 =	vor.u32 v3, v4  }
0x4f: {  	v4 =	vperm.xlane v3, v0;
	_ =	sdelay $0x1  }
0x50: {  	v4 =	vadd.s32 v1, v4;
	_ =	sdelay $0x4  }
0x51: {  	[tilespmem:s13], [sflag:$0x1] =	stream.indirect_vreg.gather [hbm4b:s3+s2], $0x80, v4, vm0, $0xb8;
	[tilespmem:$0x10400] =	vst v63  }
0x52: {  	v3 =	vperm.xlane v3, v2  }
0x53: {  	[tilespmem:s14], [sflag:$0x1] =	stream.indirect_vreg.gather [hbm4b:s5+s2], $0x80, v4, vm0, $0xb8;
	[tilespmem:$0x10400] =	vst v63  }
0x54: {  	v3 =	vadd.s32 v1, v3  }
0x55: {  	[tilespmem:s15], [sflag:$0x1] =	stream.indirect_vreg.gather [hbm4b:s6+s2], $0x80, v4, vm0, $0xb8;
	[tilespmem:$0x10400] =	vst v63  }
0x56: {  	_ = 	snop  }
0x57: {  	[tilespmem:s16], [sflag:$0x1] =	stream.indirect_vreg.gather [hbm4b:s7+s2], $0x80, v4, vm0, $0xb8;
	[tilespmem:$0x10400] =	vst v63  }
0x58: {  	_ = 	snop  }
0x59: {  	[tilespmem:s17], [sflag:$0x1] =	stream.indirect_vreg.gather [hbm4b:s3+s2], $0x80, v3, vm0, $0xb8;
	[tilespmem:$0x10400] =	vst v63  }
0x5a: {  	_ = 	snop  }
0x5b: {  	[tilespmem:s18], [sflag:$0x1] =	stream.indirect_vreg.gather [hbm4b:s5+s2], $0x80, v3, vm0, $0xb8;
	[tilespmem:$0x10400] =	vst v63  }
0x5c: {  	_ = 	snop  }
0x5d: {  	[tilespmem:s19], [sflag:$0x1] =	stream.indirect_vreg.gather [hbm4b:s6+s2], $0x80, v3, vm0, $0xb8;
	[tilespmem:$0x10400] =	vst v63  }
0x5e: {  	_ = 	snop  }
0x5f: {  	[tilespmem:s20], [sflag:$0x1] =	stream.indirect_vreg.gather [hbm4b:s7+s2], $0x80, v3, vm0, $0xb8;
	[tilespmem:$0x10400] =	vst v63  }
0x60: {  	v3 =	vld [tilespmem:s1+$0x10];
	_ =	sdelay $0x4  }
0x61: {  	v63 =	vshll.u32 v3, $0x3  }
0x62: {  	v3 =	vand.u32 $0x7, v3;
	v4 =	vand.u32 $0xFFFFFFC0, v63  }
0x63: {  	v3 =	vor.u32 v3, v4  }
0x64: {  	v4 =	vperm.xlane v3, v0;
	_ =	sdelay $0x1  }
0x65: {  	v4 =	vadd.s32 v1, v4;
	_ =	sdelay $0x4  }
0x66: {  	[tilespmem:s21], [sflag:$0x1] =	stream.indirect_vreg.gather [hbm4b:s3+s2], $0x80, v4, vm0, $0xb8;
	[tilespmem:$0x10400] =	vst v63  }
0x67: {  	v3 =	vperm.xlane v3, v2  }
0x68: {  	[tilespmem:s22], [sflag:$0x1] =	stream.indirect_vreg.gather [hbm4b:s5+s2], $0x80, v4, vm0, $0xb8;
	[tilespmem:$0x10400] =	vst v63  }
0x69: {  	v3 =	vadd.s32 v1, v3  }
0x6a: {  	[tilespmem:s23], [sflag:$0x1] =	stream.indirect_vreg.gather [hbm4b:s6+s2], $0x80, v4, vm0, $0xb8;
	[tilespmem:$0x10400] =	vst v63  }
0x6b: {  	_ = 	snop  }
0x6c: {  	[tilespmem:s24], [sflag:$0x1] =	stream.indirect_vreg.gather [hbm4b:s7+s2], $0x80, v4, vm0, $0xb8;
	[tilespmem:$0x10400] =	vst v63  }
0x6d: {  	_ = 	snop  }
0x6e: {  	[tilespmem:s25], [sflag:$0x1] =	stream.indirect_vreg.gather [hbm4b:s3+s2], $0x80, v3, vm0, $0xb8;
	[tilespmem:$0x10400] =	vst v63  }
0x6f: {  	_ = 	snop  }
0x70: {  	[tilespmem:s26], [sflag:$0x1] =	stream.indirect_vreg.gather [hbm4b:s5+s2], $0x80, v3, vm0, $0xb8;
	[tilespmem:$0x10400] =	vst v63  }
0x71: {  	_ = 	snop  }
0x72: {  	[tilespmem:s28], [sflag:$0x1] =	stream.indirect_vreg.gather [hbm4b:s6+s2], $0x80, v3, vm0, $0xb8;
	[tilespmem:$0x10400] =	vst v63  }
0x73: {  	_ = 	snop  }
0x74: {  	[tilespmem:s29], [sflag:$0x1] =	stream.indirect_vreg.gather [hbm4b:s7+s2], $0x80, v3, vm0, $0xb8;
	[tilespmem:$0x10400] =	vst v63  }
0x75: {  	_ =	swait.ge [sflag:s30], $0x10000  }
0x76: {  	p0 =	sne.s32 s0, $0x1C000;
	s8 =	rddreg [dreg:$0x2];
	[sflag:s30] =	ssyncset.done $0x0  }
.Ltmp0:
0x77: {  	[sflag:s30] =	ssyncadd.s32 $0xFFFF0000;
	s4 =	sadd.s32 s0, s8;
	(pc) =	sbr.rel @p0 .LBB2_2-.Ltmp0, $4  }
0x78: {  	[hbm4b:s4+s2] =	stream.linear.scatter [tilespmem:s10], [sflag:$0x2], $0x10000, $0x38;
	[tilespmem:$0x10400] =	vst v63  }
0x79: {  	_ =	swait.ge [sflag:s9], $0x10000  }
0x7a: {  	[sflag:s9] =	ssyncset.done $0x0  }
0x7b: {  	s1 =	sadd.s32 $0x40, s1;
	s0 =	sadd.s32 $0x2000, s0;
	[sflag:s9] =	ssyncadd.s32 $0xFFFF0000  }
0x7c: {  	s31 =	sadd.s32 $0x1, s31;
	s0 =	rddreg [dreg:$0x11]  }
0x7d: {  	p0 =	sne.s32 s31, s0  }
.Ltmp1:
0x7e: {  	_ = 	snop;
	(pc) =	sbr.rel @p0 .LBB2_1-.Ltmp1, $1  }
0x7f: {  	_ =	sdelay $0x3  }
0x80: {  	_ =	sfence.sel $0x180000  }
0x81: {  	[bflag:$0x0] =	sbarrier.arrive $0xFFFF  }
0x82: {  	_ =	strace $0x90000050  }
0x83: {  	s0 =	stileid.u32;
	[bflag:$0x2] =	sbarrier.arrive $0xFFFF  }
0x84: {  	p0 =	sne.s32 s0, $0x0;
	s0 =	rddreg [dreg:$0x1]  }
0x85: {  	s0 =	sadd.s32 @!p0 $0x100000, s0  }
0x86: {  	[sflag:s0] =	ssyncadd.tile.s32 @!p0 $0x1;
	_ =	shalt  }
.Lfunc_end2:
_tile_overlayer_lowered:
.L_overlay_start_2:
0x87: {  	(tag) =	ssettag $0x2  }
0x88: {  	s0 =	rddreg [dreg:$0x0];
	s2 =	stileid.u32  }
0x89: {  	s1 =	rddreg [dreg:$0x1];
	p0 =	sne.s32 s2, $0x0  }
0x8a: {  	s3 =	rddreg [dreg:$0x2];
	[bflag:$0x3] =	sbarrier.arrive $0xFFFF;
	s2 =	simm.s32 @!p0 $0x1C02  }
0x8b: {  	[timem:s3], [sflag:s2] =	dma.local @!p0 [hbm:s0], s1  }
0x8c: {  	s0 =	simm.s32 @!p0 $0x2  }
0x8d: {  	_ =	swait.ge @!p0 [sflag:s0], s1  }
0x8e: {  	s1 =	ssub.s32 @!p0 $0x0, s1;
	[sflag:s0] =	ssyncset.done @!p0 $0x0  }
0x8f: {  	[sflag:s0] =	ssyncadd.s32 @!p0 s1  }
0x90: {  	[bflag:$0x3] =	sbarrier.arrive $0xFFFF  }
0x91: {  	_ =	shalt  }

// kernel: kernel.35.cloned.1.call-start
scs
__scs_entry_jumppad:
0x0: {  	(pc) =	sbr.rel $0x88, $3  }
0x1: {  	(tag) =	ssettag $0x0;
	lr =	simm.s32 $0x1  }
0x2: {  	[smem:$0x3F9D] =	sst lr;
	_ =	strace $0xD0000000  }
0x3: {  	_ = 	snop  }
0x4: {  	_ = 	snop  }
0x5: {  	_ = 	snop  }
0x6: {  	_ = 	snop  }
0x7: {  	_ = 	snop  }
__scs_overlays_trampoline_lowered:
0x8: {  	[smem:$0x3FAC] =	sst s0  }
0x9: {  	[smem:$0x3FAD] =	sst s1  }
0xa: {  	[smem:$0x3FAE] =	sst s2  }
0xb: {  	[smem:$0x3FAF] =	sst s3  }
0xc: {  	[smem:$0x3FB0] =	sst s4  }
0xd: {  	[smem:$0x3FB1] =	sst s5  }
0xe: {  	[smem:$0x3FB2] =	sst s6  }
0xf: {  	[smem:$0x3FB3] =	sst s7  }
0x10: {  	[smem:$0x3FB4] =	sst s8  }
0x11: {  	[smem:$0x3FB5] =	sst s9;
	s0 =	simm.s32 @!p0 $0x0  }
0x12: {  	s1 =	sld [smem:$0x3F9B];
	s0 =	simm.s32 @p0 $0x1  }
0x13: {  	[smem:$0x3FB6] =	sst s0;
	s0 =	simm.s32 @!p1 $0x0  }
0x14: {  	s2 =	sld [smem:$0x3F9A];
	s0 =	simm.s32 @p1 $0x1  }
0x15: {  	[smem:$0x3FB7] =	sst s0;
	s0 =	simm.s32 @!p2 $0x0  }
0x16: {  	s3 =	sld [smem:$0x3FDB];
	s0 =	simm.s32 @p2 $0x1  }
0x17: {  	s4 =	simm.s32 $0x1BF5;
	[smem:$0x3FB9] =	sst s0  }
0x18: {  	s0 =	sld [smem:$0x3F9C];
	_ =	swait.ge [sflag:s4], $0x0  }
0x19: {  	s7 =	sld [smem:$0x3F9D]  }
0x1a: {  	s8 =	sadd.s32 $0xFFFFE003, lr  }
0x1b: {  	s9 =	sadd.s32 $0xFFFFFEF7, lr;
	s5 =	simm.s32 $0xFFFFFFFF;
	p2 =	slt.u32 s8, $0xFFFFF086  }
0x1c: {  	p1 =	slt.u32 s9, $0xF7A;
	s5 =	simm.s32 @!p2 $0x0  }
0x1d: {  	s5 =	simm.s32 @p1 $0x1;
	p0 =	seq.s32 s7, s2  }
0x1e: {  	s7 =	smul.u32 @!p0 $0xF7A, s2;
	p2 =	seq.s32 @!p0 s5, $0x0  }
0x1f: {  	s9 =	smul.u32 $0xF7A, s1;
	s8 =	simm.s32 @!p0 $0x1BF5;
	p2 =	por !p2, p0  }
0x20: {  	[sflag:s8] =	ssyncset.s32 @!p0 $0xFFFFF086;
	s6 =	sadd.s32 @!p0 s3, s7;
	s7 =	simm.s32 @!p0 $0x108  }
0x21: {  	s3 =	sadd.s32 s3, s9;
	s6 =	sadd.s32 @!p0 $0x88, s6;
	s7 =	simm.s32 @p2 $0x1082  }
0x22: {  	[simem:s7], [sflag:s8] =	dma.local @!p0 [hbm:s6], $0xF7A  }
0x23: {  	s9 =	sor.u32 $0xD0000000, s2;
	s6 =	simm.s32 $0x108;
	_ =	swait.ge @!p0 [sflag:s8], $0x0  }
0x24: {  	s3 =	sadd.s32 $0x88, s3;
	s6 =	simm.s32 @!p1 $0x1082;
	[sflag:s4] =	ssyncset.s32 $0xFFFFF086  }
0x25: {  	[simem:s6], [sflag:s4] =	dma.local [hbm:s3], $0xF7A  }
0x26: {  	[smem:$0x3F9D] =	sst s1;
	(tag) =	ssettag s2;
	_ =	strace s9  }
0x27: {  	s1 =	sld [smem:$0x3FAD]  }
0x28: {  	s2 =	sld [smem:$0x3FAE]  }
0x29: {  	s4 =	sld [smem:$0x3FB0]  }
0x2a: {  	p0 =	seq.s32 s5, $0x0;
	s5 =	sld [smem:$0x3FB1]  }
0x2b: {  	s6 =	sld [smem:$0x3FB2]  }
0x2c: {  	s7 =	sld [smem:$0x3FB3]  }
0x2d: {  	s3 =	simm.s32 $0x108;
	s8 =	sld [smem:$0x3FB4]  }
0x2e: {  	s3 =	simm.s32 @!p0 $0x1082;
	s9 =	sld [smem:$0x3FB5]  }
0x2f: {  	lr =	sadd.s32 s0, s3;
	s0 =	sld [smem:$0x3FAC]  }
0x30: {  	s3 =	sld [smem:$0x3FAF]  }
0x31: {  	[smem:$0x3FB8] =	sst s10  }
0x32: {  	s10 =	sld [smem:$0x3FB6];
	_ =	sdelay $0x3  }
0x33: {  	p0 =	seq.s32 s10, $0x1;
	s10 =	sld [smem:$0x3FB8];
	_ =	sdelay $0x3  }
0x34: {  	[smem:$0x3FB8] =	sst s10  }
0x35: {  	s10 =	sld [smem:$0x3FB7];
	_ =	sdelay $0x3  }
0x36: {  	p1 =	seq.s32 s10, $0x1;
	s10 =	sld [smem:$0x3FB8];
	_ =	sdelay $0x3  }
0x37: {  	[smem:$0x3FB8] =	sst s10  }
0x38: {  	s10 =	sld [smem:$0x3FB9]  }
0x39: {  	_ = 	snop;
	(pc) =	sbr.ind lr, $3  }
0x3a: {  	_ = 	snop  }
0x3b: {  	_ = 	snop  }
0x3c: {  	p2 =	seq.s32 s10, $0x1;
	s10 =	sld [smem:$0x3FB8]  }
0x3d: {  	_ =	shalt  }
0x3e: {  	_ =	shalt  }
0x3f: {  	_ =	shalt  }
0x40: {  	_ =	shalt  }
0x41: {  	_ =	shalt  }
0x42: {  	_ =	shalt  }
0x43: {  	_ =	shalt  }
0x44: {  	_ =	shalt  }
0x45: {  	_ =	shalt  }
0x46: {  	_ =	shalt  }
0x47: {  	_ =	shalt  }
0x48: {  	_ =	shalt  }
0x49: {  	_ =	shalt  }
0x4a: {  	_ =	shalt  }
0x4b: {  	_ =	shalt  }
0x4c: {  	_ =	shalt  }
0x4d: {  	_ =	shalt  }
0x4e: {  	_ =	shalt  }
0x4f: {  	_ =	shalt  }
0x50: {  	_ =	shalt  }
0x51: {  	_ =	shalt  }
0x52: {  	_ =	shalt  }
0x53: {  	_ =	shalt  }
0x54: {  	_ =	shalt  }
0x55: {  	_ =	shalt  }
0x56: {  	_ =	shalt  }
0x57: {  	_ =	shalt  }
0x58: {  	_ =	shalt  }
0x59: {  	_ =	shalt  }
0x5a: {  	_ =	shalt  }
0x5b: {  	_ =	shalt  }
0x5c: {  	_ =	shalt  }
0x5d: {  	_ =	shalt  }
0x5e: {  	_ =	shalt  }
0x5f: {  	_ =	shalt  }
0x60: {  	_ =	shalt  }
0x61: {  	_ =	shalt  }
0x62: {  	_ =	shalt  }
0x63: {  	_ =	shalt  }
0x64: {  	_ =	shalt  }
0x65: {  	_ =	shalt  }
0x66: {  	_ =	shalt  }
0x67: {  	_ =	shalt  }
0x68: {  	_ =	shalt  }
0x69: {  	_ =	shalt  }
0x6a: {  	_ =	shalt  }
0x6b: {  	_ =	shalt  }
0x6c: {  	_ =	shalt  }
0x6d: {  	_ =	shalt  }
0x6e: {  	_ =	shalt  }
0x6f: {  	_ =	shalt  }
0x70: {  	_ =	shalt  }
0x71: {  	_ =	shalt  }
0x72: {  	_ =	shalt  }
0x73: {  	_ =	shalt  }
0x74: {  	_ =	shalt  }
0x75: {  	_ =	shalt  }
0x76: {  	_ =	shalt  }
0x77: {  	_ =	shalt  }
0x78: {  	_ =	shalt  }
0x79: {  	_ =	shalt  }
0x7a: {  	_ =	shalt  }
0x7b: {  	_ =	shalt  }
0x7c: {  	_ =	shalt  }
0x7d: {  	_ =	shalt  }
0x7e: {  	_ =	shalt  }
0x7f: {  	_ =	shalt  }
0x80: {  	_ =	shalt  }
0x81: {  	_ =	shalt  }
0x82: {  	_ =	shalt  }
0x83: {  	_ =	shalt  }
0x84: {  	_ =	shalt  }
0x85: {  	_ =	shalt  }
0x86: {  	_ =	shalt  }
0x87: {  	_ =	shalt  }
.Lfunc_end0:
.L_simem_size_0:
called_computation.4_lowered:
.L_overlay_start_0:
0x88: {  	s2 =	sld [smem:$0x3FD9]  }
0x89: {  	s3 =	sld [smem:$0x3FFE];
	_ =	sdelay $0x1  }
0x8a: {  	s1 =	srdreg.scid  }
0x8b: {  	s0 =	sand.u32 $0x1, s1  }
0x8c: {  	s16 =	sshll.u32 s0, $0xA;
	s2 =	sadd.s32 s3, s2  }
0x8d: {  	s2 =	sadd.s32 s2, s16  }
0x8e: {  	[smem:$0x3FC4] =	sst s2  }
0x8f: {  	_ = 	snop  }
0x90: {  	(tm) =	ssettm $0x1  }
0x91: {  	s17 =	sld [smem:$0x3FFB];
	_ =	sdelay $0x3  }
0x92: {  	_ =	strace s17  }
0x93: {  	s2 =	sld [smem:$0x3FFC];
	_ =	sdelay $0x3  }
0x94: {  	_ =	strace s2  }
0x95: {  	s2 =	sld [smem:$0x3FFD];
	_ =	sdelay $0x3  }
0x96: {  	_ =	strace s2  }
0x97: {  	_ =	strace $0x8FFFFFFF  }
0x98: {  	s18 =	sld [smem:$0x3FDB];
	_ =	sdelay $0x1  }
0x99: {  	s19 =	simm.s32 $_scs_section_size  }
0x9a: {  	s4 =	simm.s32 $_size__tile_overlayer_lowered;
	s5 =	simm.s32 $_tile_overlayer_lowered  }
0x9b: {  	s22 =	simm.s32 $0x1BFF;
	s21 =	sshll.u32 s5, $0x1;
	s2 =	sadd.s32 s19, s18  }
0x9c: {  	s6 =	simm.s32 $0x0;
	s20 =	sshll.u32 s4, $0x1;
	s4 =	sadd.s32 s21, s2  }
0x9d: {  	[timem:s6], [sflag:s22] =	dma.local [hbm:s4], s20  }
0x9e: {  	_ =	swait.ge [sflag:s22], s20  }
0x9f: {  	s3 =	ssub.s32 $0x0, s20;
	[sflag:s22] =	ssyncset.done $0x0  }
0xa0: {  	[sflag:s22] =	ssyncadd.s32 s3;
	_ =	sdelay $0x1  }
0xa1: {  	s23 =	simm.s32 $0x1B8B  }
0xa2: {  	_ =	swait.ge [sflag:s23], $0x1  }
0xa3: {  	[sflag:s23] =	ssyncset.done $0x0  }
0xa4: {  	s25 =	simm.s32 $0x1B8E;
	s24 =	sld [smem:$0x3FFE];
	[sflag:s23] =	ssyncadd.s32 $0xFFFFFFFF  }
0xa5: {  	s26 =	simm.s32 $execute0_lowered;
	[smem:$0x3FD2] =	sst s25  }
0xa6: {  	s4 =	sshll.u32 s26, $0x1;
	_ =	strace $0x80000052;
	[dreg:$0x1] =	wrdreg $0xFFFFFFFF  }
0xa7: {  	s28 =	simm.s32 $_size_execute0_lowered;
	s2 =	sadd.s32 s2, s4;
	[dreg:$0x0] =	wrdreg $0x0  }
0xa8: {  	s4 =	sshll.u32 s28, $0x1;
	[dreg:$0x2] =	wrdreg s2  }
0xa9: {  	[dreg:$0x3] =	wrdreg s4  }
0xaa: {  	[dreg:$0x4] =	wrdreg $0xC0  }
0xab: {  	_ =	task [dreg:s6], $0x5FFFF  }
0xac: {  	[dreg:$0x1] =	wrdreg $0xFFFFFFFF  }
0xad: {  	[dreg:$0x0] =	wrdreg $0x60  }
0xae: {  	[dreg:$0x2] =	wrdreg s24  }
0xaf: {  	[dreg:$0x3] =	wrdreg $0x9  }
0xb0: {  	_ =	task.clear_ibuf [dreg:s6], $0x4FFFF;
	_ =	strace $0x90000052  }
0xb1: {  	s29 =	simm.s32 $0x9;
	_ =	strace $0x80000054  }
0xb2: {  	_ =	swait.ge [sflag:s29], $0x1  }
0xb3: {  	[sflag:s29] =	ssyncadd.s32 $0xFFFFFFFF  }
0xb4: {  	_ =	strace $0x90000054  }
0xb5: {  	_ =	sfence  }
0xb6: {  	s30 =	sld [smem:$0x0];
	_ =	sdelay $0x2  }
0xb7: {  	s31 =	sshll.u32 s1, $0xD;
	s1 =	sshrl.u32 s1, $0x2  }
0xb8: {  	s3 =	sand.u32 $0x4000, s31;
	s1 =	sadd.s32 s1, s30  }
0xb9: {  	s0 =	sor.u32 s3, s0;
	s1 =	sshll.u32 s1, $0x11  }
0xba: {  	s0 =	sor.u32 s1, s0  }
0xbb: {  	s0 =	sadd.s32 $0x8F2B, s0  }
0xbc: {  	[sflag:s0] =	ssyncadd.remote.s32 $0x1  }
0xbd: {  	_ =	sfence.sel $0xFFFF  }
0xbe: {  	[dreg:$0x0] =	wrdreg $0xFFFFFFFF;
	(pc) =	sbr.abs _section_cstart, $3  }
0xbf: {  	[dreg:$0x1] =	wrdreg $0xFFFFFFFF  }
0xc0: {  	_ =	task.clear_ibuf [dreg:s6], $0x2FFFF;
	_ =	strace $0x9FFFFFFF  }
0xc1: {  	(tm) =	ssettm $0x7FFFFFFF  }
tec
execute0_lowered:
.L_overlay_start_1:
0x0: {  	(tag) =	ssettag $0x1  }
0x1: {  	s0 =	srdreg.scid;
	s5 =	stileid.u32  }
0x2: {  	s1 =	rddreg [dreg:$0x0];
	s2 =	simm.s32 $0x0;
	s16 =	simm.s32 $0xC00  }
0x3: {  	s17 =	simm.s32 $0x1400;
	s18 =	simm.s32 $0x1C00;
	s19 =	simm.s32 $0x2400  }
0x4: {  	s20 =	simm.s32 $0x2C00;
	s21 =	simm.s32 $0x3400;
	[smem:$0x7FF] =	sst s2  }
0x5: {  	s22 =	simm.s32 $0x3C00;
	_ =	strace $0x80000053;
	[dreg:$0x3] =	wrdreg s16  }
0x6: {  	s7 =	simm.s32 $0x4400;
	s8 =	simm.s32 $0x4C00;
	[dreg:$0x4] =	wrdreg s17  }
0x7: {  	s23 =	simm.s32 $0x5400;
	s24 =	simm.s32 $0x5C00;
	[dreg:$0x5] =	wrdreg s18  }
0x8: {  	s9 =	simm.s32 $0x2;
	s25 =	simm.s32 $0x6400;
	[dreg:$0x6] =	wrdreg s19  }
0x9: {  	s10 =	simm.s32 $0x400;
	s26 =	simm.s32 $0x6C00;
	[dreg:$0x7] =	wrdreg s20  }
0xa: {  	s11 =	simm.s32 $0x7400;
	s12 =	simm.s32 $0x7C00;
	[dreg:$0x8] =	wrdreg s21  }
0xb: {  	s13 =	simm.s32 $0x8400;
	s28 =	simm.s32 $0xF400;
	[dreg:$0x9] =	wrdreg s22  }
0xc: {  	s29 =	simm.s32 $0xFC00;
	s30 =	simm.s32 $0x1;
	[dreg:$0xa] =	wrdreg s7  }
0xd: {  	s31 =	simm.s32 $0x0;
	s0 =	sand.u32 $0x1, s0;
	[dreg:$0xb] =	wrdreg s8  }
0xe: {  	s3 =	smul.u32 $0x3C000, s5;
	s5 =	sshll.u32 s5, $0x1;
	[dreg:$0xc] =	wrdreg s23  }
0xf: {  	s4 =	smul.u32 $0x1E000, s0;
	s5 =	sor.u32 s0, s5;
	[dreg:$0xd] =	wrdreg s24  }
0x10: {  	s0 =	ssub.s32 $0x2, s0;
	s7 =	sadd.s32 $0x4700, s1;
	[dreg:$0xe] =	wrdreg s25  }
0x11: {  	[dreg:$0xf] =	wrdreg s26;
	s16 =	simm.s32 $0x9C00;
	s17 =	simm.s32 $0xA400  }
0x12: {  	s18 =	simm.s32 $0xAC00;
	s19 =	simm.s32 $0xB400;
	s20 =	simm.s32 $0xBC00  }
0x13: {  	s21 =	simm.s32 $0xC400;
	s22 =	simm.s32 $0xCC00;
	s23 =	simm.s32 $0xD400  }
0x14: {  	s24 =	simm.s32 $0xDC00;
	s25 =	simm.s32 $0xE400;
	s26 =	simm.s32 $0xEC00  }
0x15: {  	s3 =	sadd.s32 s3, s1;
	s14 =	smul.u32 $0x3C0, s5;
	s6 =	sshrl.u32 s0, $0x1  }
0x16: {  	s5 =	sadd.s32 $0x4500, s1;
	s3 =	sadd.s32 s4, s3;
	s0 =	ssub.s32 s0, s6  }
0x17: {  	s6 =	sadd.s32 $0x4600, s1;
	s15 =	sadd.s32 $0x3C4400, s3;
	s4 =	sshrl.u32 s14, $0x3  }
0x18: {  	v2 =	vlaneseq.u32;
	s0 =	smax.u32 s0, $0x1;
	[dreg:$0x2] =	wrdreg s15;
	s4 =	sadd.s32 s4, s1  }
0x19: {  	vm0 =	vmmov $0xffff;
	v1 =	vshrl.u32 v2, $0x3;
	s3 =	sadd.s32 $0x4400, s1;
	[dreg:$0x11] =	wrdreg s0;
	s4 =	sadd.s32 $0x3400, s4  }
0x1a: {  	v0 =	vand.u32 $0x7, v2;
	v2 =	vor.u32 $0x8, v2;
	v1 =	vmul.u32 $0x8, v1;
	s14 =	simm.s32 $0x8C00;
	s15 =	simm.s32 $0x9400;
	[dreg:$0x10] =	wrdreg s4  }
.LBB2_1:
0x1b: {  	s0 =	rddreg [dreg:$0x10]  }
0x1c: {  	[tilespmem:s2], [sflag:$0x2] =	stream.linear.gather [hbm4b:s0+s2], $0x3C0, $0x38;
	[tilespmem:$0x10400] =	vst v63  }
0x1d: {  	_ =	swait.ge [sflag:s9], $0x3C0  }
0x1e: {  	[sflag:s9] =	ssyncset.done $0x0  }
0x1f: {  	s1 =	simm.s32 $0x20;
	s0 =	simm.s32 $0x0;
	[sflag:s9] =	ssyncadd.s32 $0xFFFFFC40  }
.LBB2_2:
0x20: {  	v3 =	vld [tilespmem:s1+$0xFFFFFFE0];
	_ =	sdelay $0x4  }
0x21: {  	v4 =	vshll.u32 v3, $0x3  }
0x22: {  	v3 =	vand.u32 $0x7, v3;
	v4 =	vand.u32 $0xFFFFFFC0, v4  }
0x23: {  	v3 =	vor.u32 v3, v4  }
0x24: {  	v4 =	vperm.xlane v3, v0;
	_ =	sdelay $0x1  }
0x25: {  	v4 =	vadd.s32 v1, v4;
	_ =	sdelay $0x4  }
0x26: {  	[tilespmem:s10], [sflag:$0x1] =	stream.indirect_vreg.gather [hbm4b:s3+s2], $0x80, v4, vm0, $0xb8;
	[tilespmem:$0x10400] =	vst v63  }
0x27: {  	s4 =	rddreg [dreg:$0x3];
	v3 =	vperm.xlane v3, v2  }
0x28: {  	[tilespmem:s4], [sflag:$0x1] =	stream.indirect_vreg.gather [hbm4b:s5+s2], $0x80, v4, vm0, $0xb8;
	[tilespmem:$0x10400] =	vst v63  }
0x29: {  	s8 =	rddreg [dreg:$0x4];
	v3 =	vadd.s32 v1, v3  }
0x2a: {  	[tilespmem:s8], [sflag:$0x1] =	stream.indirect_vreg.gather [hbm4b:s6+s2], $0x80, v4, vm0, $0xb8;
	[tilespmem:$0x10400] =	vst v63  }
0x2b: {  	s4 =	rddreg [dreg:$0x5]  }
0x2c: {  	[tilespmem:s4], [sflag:$0x1] =	stream.indirect_vreg.gather [hbm4b:s7+s2], $0x80, v4, vm0, $0xb8;
	[tilespmem:$0x10400] =	vst v63  }
0x2d: {  	s8 =	rddreg [dreg:$0x6]  }
0x2e: {  	[tilespmem:s8], [sflag:$0x1] =	stream.indirect_vreg.gather [hbm4b:s3+s2], $0x80, v3, vm0, $0xb8;
	[tilespmem:$0x10400] =	vst v63  }
0x2f: {  	s4 =	rddreg [dreg:$0x7]  }
0x30: {  	[tilespmem:s4], [sflag:$0x1] =	stream.indirect_vreg.gather [hbm4b:s5+s2], $0x80, v3, vm0, $0xb8;
	[tilespmem:$0x10400] =	vst v63  }
0x31: {  	s8 =	rddreg [dreg:$0x8]  }
0x32: {  	[tilespmem:s8], [sflag:$0x1] =	stream.indirect_vreg.gather [hbm4b:s6+s2], $0x80, v3, vm0, $0xb8;
	[tilespmem:$0x10400] =	vst v63  }
0x33: {  	s4 =	rddreg [dreg:$0x9]  }
0x34: {  	[tilespmem:s4], [sflag:$0x1] =	stream.indirect_vreg.gather [hbm4b:s7+s2], $0x80, v3, vm0, $0xb8;
	[tilespmem:$0x10400] =	vst v63  }
0x35: {  	v3 =	vld [tilespmem:s1+$0xFFFFFFF0];
	_ =	sdelay $0x4  }
0x36: {  	v61 =	vshll.u32 v3, $0x3  }
0x37: {  	v3 =	vand.u32 $0x7, v3;
	v4 =	vand.u32 $0xFFFFFFC0, v61  }
0x38: {  	v3 =	vor.u32 v3, v4  }
0x39: {  	v4 =	vperm.xlane v3, v0;
	_ =	sdelay $0x1  }
0x3a: {  	v4 =	vadd.s32 v1, v4;
	_ =	sdelay $0x3  }
0x3b: {  	s4 =	rddreg [dreg:$0xa]  }
0x3c: {  	[tilespmem:s4], [sflag:$0x1] =	stream.indirect_vreg.gather [hbm4b:s3+s2], $0x80, v4, vm0, $0xb8;
	[tilespmem:$0x10400] =	vst v63  }
0x3d: {  	s8 =	rddreg [dreg:$0xb];
	v3 =	vperm.xlane v3, v2  }
0x3e: {  	[tilespmem:s8], [sflag:$0x1] =	stream.indirect_vreg.gather [hbm4b:s5+s2], $0x80, v4, vm0, $0xb8;
	[tilespmem:$0x10400] =	vst v63  }
0x3f: {  	v3 =	vadd.s32 v1, v3;
	s4 =	rddreg [dreg:$0xc]  }
0x40: {  	[tilespmem:s4], [sflag:$0x1] =	stream.indirect_vreg.gather [hbm4b:s6+s2], $0x80, v4, vm0, $0xb8;
	[tilespmem:$0x10400] =	vst v63  }
0x41: {  	s8 =	rddreg [dreg:$0xd]  }
0x42: {  	[tilespmem:s8], [sflag:$0x1] =	stream.indirect_vreg.gather [hbm4b:s7+s2], $0x80, v4, vm0, $0xb8;
	[tilespmem:$0x10400] =	vst v63  }
0x43: {  	s4 =	rddreg [dreg:$0xe]  }
0x44: {  	[tilespmem:s4], [sflag:$0x1] =	stream.indirect_vreg.gather [hbm4b:s3+s2], $0x80, v3, vm0, $0xb8;
	[tilespmem:$0x10400] =	vst v63  }
0x45: {  	s8 =	rddreg [dreg:$0xf]  }
0x46: {  	[tilespmem:s8], [sflag:$0x1] =	stream.indirect_vreg.gather [hbm4b:s5+s2], $0x80, v3, vm0, $0xb8;
	[tilespmem:$0x10400] =	vst v63  }
0x47: {  	_ = 	snop  }
0x48: {  	[tilespmem:s11], [sflag:$0x1] =	stream.indirect_vreg.gather [hbm4b:s6+s2], $0x80, v3, vm0, $0xb8;
	[tilespmem:$0x10400] =	vst v63  }
0x49: {  	_ = 	snop  }
0x4a: {  	[tilespmem:s12], [sflag:$0x1] =	stream.indirect_vreg.gather [hbm4b:s7+s2], $0x80, v3, vm0, $0xb8;
	[tilespmem:$0x10400] =	vst v63  }
0x4b: {  	v3 =	vld [tilespmem:s1+$0x0];
	_ =	sdelay $0x4  }
0x4c: {  	v62 =	vshll.u32 v3, $0x3  }
0x4d: {  	v3 =	vand.u32 $0x7, v3;
	v4 =	vand.u32 $0xFFFFFFC0, v62  }
0x4e: {  	v3 =	vor.u32 v3, v4  }
0x4f: {  	v4 =	vperm.xlane v3, v0;
	_ =	sdelay $0x1  }
0x50: {  	v4 =	vadd.s32 v1, v4;
	_ =	sdelay $0x4  }
0x51: {  	[tilespmem:s13], [sflag:$0x1] =	stream.indirect_vreg.gather [hbm4b:s3+s2], $0x80, v4, vm0, $0xb8;
	[tilespmem:$0x10400] =	vst v63  }
0x52: {  	v3 =	vperm.xlane v3, v2  }
0x53: {  	[tilespmem:s14], [sflag:$0x1] =	stream.indirect_vreg.gather [hbm4b:s5+s2], $0x80, v4, vm0, $0xb8;
	[tilespmem:$0x10400] =	vst v63  }
0x54: {  	v3 =	vadd.s32 v1, v3  }
0x55: {  	[tilespmem:s15], [sflag:$0x1] =	stream.indirect_vreg.gather [hbm4b:s6+s2], $0x80, v4, vm0, $0xb8;
	[tilespmem:$0x10400] =	vst v63  }
0x56: {  	_ = 	snop  }
0x57: {  	[tilespmem:s16], [sflag:$0x1] =	stream.indirect_vreg.gather [hbm4b:s7+s2], $0x80, v4, vm0, $0xb8;
	[tilespmem:$0x10400] =	vst v63  }
0x58: {  	_ = 	snop  }
0x59: {  	[tilespmem:s17], [sflag:$0x1] =	stream.indirect_vreg.gather [hbm4b:s3+s2], $0x80, v3, vm0, $0xb8;
	[tilespmem:$0x10400] =	vst v63  }
0x5a: {  	_ = 	snop  }
0x5b: {  	[tilespmem:s18], [sflag:$0x1] =	stream.indirect_vreg.gather [hbm4b:s5+s2], $0x80, v3, vm0, $0xb8;
	[tilespmem:$0x10400] =	vst v63  }
0x5c: {  	_ = 	snop  }
0x5d: {  	[tilespmem:s19], [sflag:$0x1] =	stream.indirect_vreg.gather [hbm4b:s6+s2], $0x80, v3, vm0, $0xb8;
	[tilespmem:$0x10400] =	vst v63  }
0x5e: {  	_ = 	snop  }
0x5f: {  	[tilespmem:s20], [sflag:$0x1] =	stream.indirect_vreg.gather [hbm4b:s7+s2], $0x80, v3, vm0, $0xb8;
	[tilespmem:$0x10400] =	vst v63  }
0x60: {  	v3 =	vld [tilespmem:s1+$0x10];
	_ =	sdelay $0x4  }
0x61: {  	v63 =	vshll.u32 v3, $0x3  }
0x62: {  	v3 =	vand.u32 $0x7, v3;
	v4 =	vand.u32 $0xFFFFFFC0, v63  }
0x63: {  	v3 =	vor.u32 v3, v4  }
0x64: {  	v4 =	vperm.xlane v3, v0;
	_ =	sdelay $0x1  }
0x65: {  	v4 =	vadd.s32 v1, v4;
	_ =	sdelay $0x4  }
0x66: {  	[tilespmem:s21], [sflag:$0x1] =	stream.indirect_vreg.gather [hbm4b:s3+s2], $0x80, v4, vm0, $0xb8;
	[tilespmem:$0x10400] =	vst v63  }
0x67: {  	v3 =	vperm.xlane v3, v2  }
0x68: {  	[tilespmem:s22], [sflag:$0x1] =	stream.indirect_vreg.gather [hbm4b:s5+s2], $0x80, v4, vm0, $0xb8;
	[tilespmem:$0x10400] =	vst v63  }
0x69: {  	v3 =	vadd.s32 v1, v3  }
0x6a: {  	[tilespmem:s23], [sflag:$0x1] =	stream.indirect_vreg.gather [hbm4b:s6+s2], $0x80, v4, vm0, $0xb8;
	[tilespmem:$0x10400] =	vst v63  }
0x6b: {  	_ = 	snop  }
0x6c: {  	[tilespmem:s24], [sflag:$0x1] =	stream.indirect_vreg.gather [hbm4b:s7+s2], $0x80, v4, vm0, $0xb8;
	[tilespmem:$0x10400] =	vst v63  }
0x6d: {  	_ = 	snop  }
0x6e: {  	[tilespmem:s25], [sflag:$0x1] =	stream.indirect_vreg.gather [hbm4b:s3+s2], $0x80, v3, vm0, $0xb8;
	[tilespmem:$0x10400] =	vst v63  }
0x6f: {  	_ = 	snop  }
0x70: {  	[tilespmem:s26], [sflag:$0x1] =	stream.indirect_vreg.gather [hbm4b:s5+s2], $0x80, v3, vm0, $0xb8;
	[tilespmem:$0x10400] =	vst v63  }
0x71: {  	_ = 	snop  }
0x72: {  	[tilespmem:s28], [sflag:$0x1] =	stream.indirect_vreg.gather [hbm4b:s6+s2], $0x80, v3, vm0, $0xb8;
	[tilespmem:$0x10400] =	vst v63  }
0x73: {  	_ = 	snop  }
0x74: {  	[tilespmem:s29], [sflag:$0x1] =	stream.indirect_vreg.gather [hbm4b:s7+s2], $0x80, v3, vm0, $0xb8;
	[tilespmem:$0x10400] =	vst v63  }
0x75: {  	_ =	swait.ge [sflag:s30], $0x10000  }
0x76: {  	p0 =	sne.s32 s0, $0x1C000;
	s8 =	rddreg [dreg:$0x2];
	[sflag:s30] =	ssyncset.done $0x0  }
.Ltmp0:
0x77: {  	[sflag:s30] =	ssyncadd.s32 $0xFFFF0000;
	s4 =	sadd.s32 s0, s8;
	(pc) =	sbr.rel @p0 .LBB2_2-.Ltmp0, $4  }
0x78: {  	[hbm4b:s4+s2] =	stream.linear.scatter [tilespmem:s10], [sflag:$0x2], $0x10000, $0x38;
	[tilespmem:$0x10400] =	vst v63  }
0x79: {  	_ =	swait.ge [sflag:s9], $0x10000  }
0x7a: {  	[sflag:s9] =	ssyncset.done $0x0  }
0x7b: {  	s1 =	sadd.s32 $0x40, s1;
	s0 =	sadd.s32 $0x2000, s0;
	[sflag:s9] =	ssyncadd.s32 $0xFFFF0000  }
0x7c: {  	s31 =	sadd.s32 $0x1, s31;
	s0 =	rddreg [dreg:$0x11]  }
0x7d: {  	p0 =	sne.s32 s31, s0  }
.Ltmp1:
0x7e: {  	_ = 	snop;
	(pc) =	sbr.rel @p0 .LBB2_1-.Ltmp1, $1  }
0x7f: {  	_ =	sdelay $0x3  }
0x80: {  	_ =	sfence.sel $0x180000  }
0x81: {  	[bflag:$0x0] =	sbarrier.arrive $0xFFFF  }
0x82: {  	_ =	strace $0x90000053  }
0x83: {  	s0 =	stileid.u32;
	[bflag:$0x2] =	sbarrier.arrive $0xFFFF  }
0x84: {  	p0 =	sne.s32 s0, $0x0;
	s0 =	rddreg [dreg:$0x1]  }
0x85: {  	s0 =	sadd.s32 @!p0 $0x100000, s0  }
0x86: {  	[sflag:s0] =	ssyncadd.tile.s32 @!p0 $0x1;
	_ =	shalt  }
.Lfunc_end2:
_tile_overlayer_lowered:
.L_overlay_start_2:
0x87: {  	(tag) =	ssettag $0x2  }
0x88: {  	s0 =	rddreg [dreg:$0x0];
	s2 =	stileid.u32  }
0x89: {  	s1 =	rddreg [dreg:$0x1];
	p0 =	sne.s32 s2, $0x0  }
0x8a: {  	s3 =	rddreg [dreg:$0x2];
	[bflag:$0x3] =	sbarrier.arrive $0xFFFF;
	s2 =	simm.s32 @!p0 $0x1C02  }
0x8b: {  	[timem:s3], [sflag:s2] =	dma.local @!p0 [hbm:s0], s1  }
0x8c: {  	s0 =	simm.s32 @!p0 $0x2  }
0x8d: {  	_ =	swait.ge @!p0 [sflag:s0], s1  }
0x8e: {  	s1 =	ssub.s32 @!p0 $0x0, s1;
	[sflag:s0] =	ssyncset.done @!p0 $0x0  }
0x8f: {  	[sflag:s0] =	ssyncadd.s32 @!p0 s1  }
0x90: {  	[bflag:$0x3] =	sbarrier.arrive $0xFFFF  }
0x91: {  	_ =	shalt  }

// kernel: kernel.38.cloned.1.call-start
scs
__scs_entry_jumppad:
0x0: {  	(pc) =	sbr.rel $0x88, $3  }
0x1: {  	(tag) =	ssettag $0x0;
	lr =	simm.s32 $0x1  }
0x2: {  	[smem:$0x3F9D] =	sst lr;
	_ =	strace $0xD0000000  }
0x3: {  	_ = 	snop  }
0x4: {  	_ = 	snop  }
0x5: {  	_ = 	snop  }
0x6: {  	_ = 	snop  }
0x7: {  	_ = 	snop  }
__scs_overlays_trampoline_lowered:
0x8: {  	[smem:$0x3FAC] =	sst s0  }
0x9: {  	[smem:$0x3FAD] =	sst s1  }
0xa: {  	[smem:$0x3FAE] =	sst s2  }
0xb: {  	[smem:$0x3FAF] =	sst s3  }
0xc: {  	[smem:$0x3FB0] =	sst s4  }
0xd: {  	[smem:$0x3FB1] =	sst s5  }
0xe: {  	[smem:$0x3FB2] =	sst s6  }
0xf: {  	[smem:$0x3FB3] =	sst s7  }
0x10: {  	[smem:$0x3FB4] =	sst s8  }
0x11: {  	[smem:$0x3FB5] =	sst s9;
	s0 =	simm.s32 @!p0 $0x0  }
0x12: {  	s1 =	sld [smem:$0x3F9B];
	s0 =	simm.s32 @p0 $0x1  }
0x13: {  	[smem:$0x3FB6] =	sst s0;
	s0 =	simm.s32 @!p1 $0x0  }
0x14: {  	s2 =	sld [smem:$0x3F9A];
	s0 =	simm.s32 @p1 $0x1  }
0x15: {  	[smem:$0x3FB7] =	sst s0;
	s0 =	simm.s32 @!p2 $0x0  }
0x16: {  	s3 =	sld [smem:$0x3FDB];
	s0 =	simm.s32 @p2 $0x1  }
0x17: {  	s4 =	simm.s32 $0x1BF5;
	[smem:$0x3FB9] =	sst s0  }
0x18: {  	s0 =	sld [smem:$0x3F9C];
	_ =	swait.ge [sflag:s4], $0x0  }
0x19: {  	s7 =	sld [smem:$0x3F9D]  }
0x1a: {  	s8 =	sadd.s32 $0xFFFFE003, lr  }
0x1b: {  	s9 =	sadd.s32 $0xFFFFFEF7, lr;
	s5 =	simm.s32 $0xFFFFFFFF;
	p2 =	slt.u32 s8, $0xFFFFF086  }
0x1c: {  	p1 =	slt.u32 s9, $0xF7A;
	s5 =	simm.s32 @!p2 $0x0  }
0x1d: {  	s5 =	simm.s32 @p1 $0x1;
	p0 =	seq.s32 s7, s2  }
0x1e: {  	s7 =	smul.u32 @!p0 $0xF7A, s2;
	p2 =	seq.s32 @!p0 s5, $0x0  }
0x1f: {  	s9 =	smul.u32 $0xF7A, s1;
	s8 =	simm.s32 @!p0 $0x1BF5;
	p2 =	por !p2, p0  }
0x20: {  	[sflag:s8] =	ssyncset.s32 @!p0 $0xFFFFF086;
	s6 =	sadd.s32 @!p0 s3, s7;
	s7 =	simm.s32 @!p0 $0x108  }
0x21: {  	s3 =	sadd.s32 s3, s9;
	s6 =	sadd.s32 @!p0 $0x88, s6;
	s7 =	simm.s32 @p2 $0x1082  }
0x22: {  	[simem:s7], [sflag:s8] =	dma.local @!p0 [hbm:s6], $0xF7A  }
0x23: {  	s9 =	sor.u32 $0xD0000000, s2;
	s6 =	simm.s32 $0x108;
	_ =	swait.ge @!p0 [sflag:s8], $0x0  }
0x24: {  	s3 =	sadd.s32 $0x88, s3;
	s6 =	simm.s32 @!p1 $0x1082;
	[sflag:s4] =	ssyncset.s32 $0xFFFFF086  }
0x25: {  	[simem:s6], [sflag:s4] =	dma.local [hbm:s3], $0xF7A  }
0x26: {  	[smem:$0x3F9D] =	sst s1;
	(tag) =	ssettag s2;
	_ =	strace s9  }
0x27: {  	s1 =	sld [smem:$0x3FAD]  }
0x28: {  	s2 =	sld [smem:$0x3FAE]  }
0x29: {  	s4 =	sld [smem:$0x3FB0]  }
0x2a: {  	p0 =	seq.s32 s5, $0x0;
	s5 =	sld [smem:$0x3FB1]  }
0x2b: {  	s6 =	sld [smem:$0x3FB2]  }
0x2c: {  	s7 =	sld [smem:$0x3FB3]  }
0x2d: {  	s3 =	simm.s32 $0x108;
	s8 =	sld [smem:$0x3FB4]  }
0x2e: {  	s3 =	simm.s32 @!p0 $0x1082;
	s9 =	sld [smem:$0x3FB5]  }
0x2f: {  	lr =	sadd.s32 s0, s3;
	s0 =	sld [smem:$0x3FAC]  }
0x30: {  	s3 =	sld [smem:$0x3FAF]  }
0x31: {  	[smem:$0x3FB8] =	sst s10  }
0x32: {  	s10 =	sld [smem:$0x3FB6];
	_ =	sdelay $0x3  }
0x33: {  	p0 =	seq.s32 s10, $0x1;
	s10 =	sld [smem:$0x3FB8];
	_ =	sdelay $0x3  }
0x34: {  	[smem:$0x3FB8] =	sst s10  }
0x35: {  	s10 =	sld [smem:$0x3FB7];
	_ =	sdelay $0x3  }
0x36: {  	p1 =	seq.s32 s10, $0x1;
	s10 =	sld [smem:$0x3FB8];
	_ =	sdelay $0x3  }
0x37: {  	[smem:$0x3FB8] =	sst s10  }
0x38: {  	s10 =	sld [smem:$0x3FB9]  }
0x39: {  	_ = 	snop;
	(pc) =	sbr.ind lr, $3  }
0x3a: {  	_ = 	snop  }
0x3b: {  	_ = 	snop  }
0x3c: {  	p2 =	seq.s32 s10, $0x1;
	s10 =	sld [smem:$0x3FB8]  }
0x3d: {  	_ =	shalt  }
0x3e: {  	_ =	shalt  }
0x3f: {  	_ =	shalt  }
0x40: {  	_ =	shalt  }
0x41: {  	_ =	shalt  }
0x42: {  	_ =	shalt  }
0x43: {  	_ =	shalt  }
0x44: {  	_ =	shalt  }
0x45: {  	_ =	shalt  }
0x46: {  	_ =	shalt  }
0x47: {  	_ =	shalt  }
0x48: {  	_ =	shalt  }
0x49: {  	_ =	shalt  }
0x4a: {  	_ =	shalt  }
0x4b: {  	_ =	shalt  }
0x4c: {  	_ =	shalt  }
0x4d: {  	_ =	shalt  }
0x4e: {  	_ =	shalt  }
0x4f: {  	_ =	shalt  }
0x50: {  	_ =	shalt  }
0x51: {  	_ =	shalt  }
0x52: {  	_ =	shalt  }
0x53: {  	_ =	shalt  }
0x54: {  	_ =	shalt  }
0x55: {  	_ =	shalt  }
0x56: {  	_ =	shalt  }
0x57: {  	_ =	shalt  }
0x58: {  	_ =	shalt  }
0x59: {  	_ =	shalt  }
0x5a: {  	_ =	shalt  }
0x5b: {  	_ =	shalt  }
0x5c: {  	_ =	shalt  }
0x5d: {  	_ =	shalt  }
0x5e: {  	_ =	shalt  }
0x5f: {  	_ =	shalt  }
0x60: {  	_ =	shalt  }
0x61: {  	_ =	shalt  }
0x62: {  	_ =	shalt  }
0x63: {  	_ =	shalt  }
0x64: {  	_ =	shalt  }
0x65: {  	_ =	shalt  }
0x66: {  	_ =	shalt  }
0x67: {  	_ =	shalt  }
0x68: {  	_ =	shalt  }
0x69: {  	_ =	shalt  }
0x6a: {  	_ =	shalt  }
0x6b: {  	_ =	shalt  }
0x6c: {  	_ =	shalt  }
0x6d: {  	_ =	shalt  }
0x6e: {  	_ =	shalt  }
0x6f: {  	_ =	shalt  }
0x70: {  	_ =	shalt  }
0x71: {  	_ =	shalt  }
0x72: {  	_ =	shalt  }
0x73: {  	_ =	shalt  }
0x74: {  	_ =	shalt  }
0x75: {  	_ =	shalt  }
0x76: {  	_ =	shalt  }
0x77: {  	_ =	shalt  }
0x78: {  	_ =	shalt  }
0x79: {  	_ =	shalt  }
0x7a: {  	_ =	shalt  }
0x7b: {  	_ =	shalt  }
0x7c: {  	_ =	shalt  }
0x7d: {  	_ =	shalt  }
0x7e: {  	_ =	shalt  }
0x7f: {  	_ =	shalt  }
0x80: {  	_ =	shalt  }
0x81: {  	_ =	shalt  }
0x82: {  	_ =	shalt  }
0x83: {  	_ =	shalt  }
0x84: {  	_ =	shalt  }
0x85: {  	_ =	shalt  }
0x86: {  	_ =	shalt  }
0x87: {  	_ =	shalt  }
.Lfunc_end0:
.L_simem_size_0:
called_computation.5_lowered:
.L_overlay_start_0:
0x88: {  	s2 =	sld [smem:$0x3FD9]  }
0x89: {  	s3 =	sld [smem:$0x3FFE];
	_ =	sdelay $0x1  }
0x8a: {  	s1 =	srdreg.scid  }
0x8b: {  	s0 =	sand.u32 $0x1, s1  }
0x8c: {  	s16 =	sshll.u32 s0, $0xA;
	s2 =	sadd.s32 s3, s2  }
0x8d: {  	s2 =	sadd.s32 s2, s16  }
0x8e: {  	[smem:$0x3FC4] =	sst s2  }
0x8f: {  	_ = 	snop  }
0x90: {  	(tm) =	ssettm $0x1  }
0x91: {  	s17 =	sld [smem:$0x3FFB];
	_ =	sdelay $0x3  }
0x92: {  	_ =	strace s17  }
0x93: {  	s2 =	sld [smem:$0x3FFC];
	_ =	sdelay $0x3  }
0x94: {  	_ =	strace s2  }
0x95: {  	s2 =	sld [smem:$0x3FFD];
	_ =	sdelay $0x3  }
0x96: {  	_ =	strace s2  }
0x97: {  	_ =	strace $0x8FFFFFFF  }
0x98: {  	s18 =	sld [smem:$0x3FDB];
	_ =	sdelay $0x1  }
0x99: {  	s19 =	simm.s32 $_scs_section_size  }
0x9a: {  	s4 =	simm.s32 $_size__tile_overlayer_lowered;
	s5 =	simm.s32 $_tile_overlayer_lowered  }
0x9b: {  	s22 =	simm.s32 $0x1BFF;
	s21 =	sshll.u32 s5, $0x1;
	s2 =	sadd.s32 s19, s18  }
0x9c: {  	s6 =	simm.s32 $0x0;
	s20 =	sshll.u32 s4, $0x1;
	s4 =	sadd.s32 s21, s2  }
0x9d: {  	[timem:s6], [sflag:s22] =	dma.local [hbm:s4], s20  }
0x9e: {  	_ =	swait.ge [sflag:s22], s20  }
0x9f: {  	s3 =	ssub.s32 $0x0, s20;
	[sflag:s22] =	ssyncset.done $0x0  }
0xa0: {  	[sflag:s22] =	ssyncadd.s32 s3;
	_ =	sdelay $0x1  }
0xa1: {  	s23 =	simm.s32 $0x1B8B  }
0xa2: {  	_ =	swait.ge [sflag:s23], $0x1  }
0xa3: {  	[sflag:s23] =	ssyncset.done $0x0  }
0xa4: {  	s25 =	simm.s32 $0x1B8E;
	s24 =	sld [smem:$0x3FFE];
	[sflag:s23] =	ssyncadd.s32 $0xFFFFFFFF  }
0xa5: {  	s26 =	simm.s32 $execute0_lowered;
	[smem:$0x3FD2] =	sst s25  }
0xa6: {  	s4 =	sshll.u32 s26, $0x1;
	_ =	strace $0x80000055;
	[dreg:$0x1] =	wrdreg $0xFFFFFFFF  }
0xa7: {  	s28 =	simm.s32 $_size_execute0_lowered;
	s2 =	sadd.s32 s2, s4;
	[dreg:$0x0] =	wrdreg $0x0  }
0xa8: {  	s4 =	sshll.u32 s28, $0x1;
	[dreg:$0x2] =	wrdreg s2  }
0xa9: {  	[dreg:$0x3] =	wrdreg s4  }
0xaa: {  	[dreg:$0x4] =	wrdreg $0xC0  }
0xab: {  	_ =	task [dreg:s6], $0x5FFFF  }
0xac: {  	[dreg:$0x1] =	wrdreg $0xFFFFFFFF  }
0xad: {  	[dreg:$0x0] =	wrdreg $0x60  }
0xae: {  	[dreg:$0x2] =	wrdreg s24  }
0xaf: {  	[dreg:$0x3] =	wrdreg $0x9  }
0xb0: {  	_ =	task.clear_ibuf [dreg:s6], $0x4FFFF;
	_ =	strace $0x90000055  }
0xb1: {  	s29 =	simm.s32 $0x9;
	_ =	strace $0x80000057  }
0xb2: {  	_ =	swait.ge [sflag:s29], $0x1  }
0xb3: {  	[sflag:s29] =	ssyncadd.s32 $0xFFFFFFFF  }
0xb4: {  	_ =	strace $0x90000057  }
0xb5: {  	_ =	sfence  }
0xb6: {  	s30 =	sld [smem:$0x0];
	_ =	sdelay $0x2  }
0xb7: {  	s31 =	sshll.u32 s1, $0xD;
	s1 =	sshrl.u32 s1, $0x2  }
0xb8: {  	s3 =	sand.u32 $0x4000, s31;
	s1 =	sadd.s32 s1, s30  }
0xb9: {  	s0 =	sor.u32 s3, s0;
	s1 =	sshll.u32 s1, $0x11  }
0xba: {  	s0 =	sor.u32 s1, s0  }
0xbb: {  	s0 =	sadd.s32 $0x8F2B, s0  }
0xbc: {  	[sflag:s0] =	ssyncadd.remote.s32 $0x1  }
0xbd: {  	_ =	sfence.sel $0xFFFF  }
0xbe: {  	[dreg:$0x0] =	wrdreg $0xFFFFFFFF;
	(pc) =	sbr.abs _section_cstart, $3  }
0xbf: {  	[dreg:$0x1] =	wrdreg $0xFFFFFFFF  }
0xc0: {  	_ =	task.clear_ibuf [dreg:s6], $0x2FFFF;
	_ =	strace $0x9FFFFFFF  }
0xc1: {  	(tm) =	ssettm $0x7FFFFFFF  }
tec
execute0_lowered:
.L_overlay_start_1:
0x0: {  	(tag) =	ssettag $0x1  }
0x1: {  	s0 =	srdreg.scid;
	s5 =	stileid.u32  }
0x2: {  	s1 =	rddreg [dreg:$0x0];
	s2 =	simm.s32 $0x0;
	s16 =	simm.s32 $0xC00  }
0x3: {  	s17 =	simm.s32 $0x1400;
	s18 =	simm.s32 $0x1C00;
	s19 =	simm.s32 $0x2400  }
0x4: {  	s20 =	simm.s32 $0x2C00;
	s21 =	simm.s32 $0x3400;
	[smem:$0x7FF] =	sst s2  }
0x5: {  	s22 =	simm.s32 $0x3C00;
	_ =	strace $0x80000056;
	[dreg:$0x3] =	wrdreg s16  }
0x6: {  	s7 =	simm.s32 $0x4400;
	s8 =	simm.s32 $0x4C00;
	[dreg:$0x4] =	wrdreg s17  }
0x7: {  	s23 =	simm.s32 $0x5400;
	s24 =	simm.s32 $0x5C00;
	[dreg:$0x5] =	wrdreg s18  }
0x8: {  	s9 =	simm.s32 $0x2;
	s25 =	simm.s32 $0x6400;
	[dreg:$0x6] =	wrdreg s19  }
0x9: {  	s10 =	simm.s32 $0x400;
	s26 =	simm.s32 $0x6C00;
	[dreg:$0x7] =	wrdreg s20  }
0xa: {  	s11 =	simm.s32 $0x7400;
	s12 =	simm.s32 $0x7C00;
	[dreg:$0x8] =	wrdreg s21  }
0xb: {  	s13 =	simm.s32 $0x8400;
	s28 =	simm.s32 $0xF400;
	[dreg:$0x9] =	wrdreg s22  }
0xc: {  	s29 =	simm.s32 $0xFC00;
	s30 =	simm.s32 $0x1;
	[dreg:$0xa] =	wrdreg s7  }
0xd: {  	s31 =	simm.s32 $0x0;
	s0 =	sand.u32 $0x1, s0;
	[dreg:$0xb] =	wrdreg s8  }
0xe: {  	s3 =	smul.u32 $0x3C000, s5;
	s5 =	sshll.u32 s5, $0x1;
	[dreg:$0xc] =	wrdreg s23  }
0xf: {  	s4 =	smul.u32 $0x1E000, s0;
	s5 =	sor.u32 s0, s5;
	[dreg:$0xd] =	wrdreg s24  }
0x10: {  	s0 =	ssub.s32 $0x2, s0;
	s7 =	sadd.s32 $0x4700, s1;
	[dreg:$0xe] =	wrdreg s25  }
0x11: {  	[dreg:$0xf] =	wrdreg s26;
	s16 =	simm.s32 $0x9C00;
	s17 =	simm.s32 $0xA400  }
0x12: {  	s18 =	simm.s32 $0xAC00;
	s19 =	simm.s32 $0xB400;
	s20 =	simm.s32 $0xBC00  }
0x13: {  	s21 =	simm.s32 $0xC400;
	s22 =	simm.s32 $0xCC00;
	s23 =	simm.s32 $0xD400  }
0x14: {  	s24 =	simm.s32 $0xDC00;
	s25 =	simm.s32 $0xE400;
	s26 =	simm.s32 $0xEC00  }
0x15: {  	s3 =	sadd.s32 s3, s1;
	s14 =	smul.u32 $0x3C0, s5;
	s6 =	sshrl.u32 s0, $0x1  }
0x16: {  	s5 =	sadd.s32 $0x4500, s1;
	s3 =	sadd.s32 s4, s3;
	s0 =	ssub.s32 s0, s6  }
0x17: {  	s6 =	sadd.s32 $0x4600, s1;
	s15 =	sadd.s32 $0x3C4400, s3;
	s4 =	sshrl.u32 s14, $0x3  }
0x18: {  	v2 =	vlaneseq.u32;
	s0 =	smax.u32 s0, $0x1;
	[dreg:$0x2] =	wrdreg s15;
	s4 =	sadd.s32 s4, s1  }
0x19: {  	vm0 =	vmmov $0xffff;
	v1 =	vshrl.u32 v2, $0x3;
	s3 =	sadd.s32 $0x4400, s1;
	[dreg:$0x11] =	wrdreg s0;
	s4 =	sadd.s32 $0x2400, s4  }
0x1a: {  	v0 =	vand.u32 $0x7, v2;
	v2 =	vor.u32 $0x8, v2;
	v1 =	vmul.u32 $0x8, v1;
	s14 =	simm.s32 $0x8C00;
	s15 =	simm.s32 $0x9400;
	[dreg:$0x10] =	wrdreg s4  }
.LBB2_1:
0x1b: {  	s0 =	rddreg [dreg:$0x10]  }
0x1c: {  	[tilespmem:s2], [sflag:$0x2] =	stream.linear.gather [hbm4b:s0+s2], $0x3C0, $0x38;
	[tilespmem:$0x10400] =	vst v63  }
0x1d: {  	_ =	swait.ge [sflag:s9], $0x3C0  }
0x1e: {  	[sflag:s9] =	ssyncset.done $0x0  }
0x1f: {  	s1 =	simm.s32 $0x20;
	s0 =	simm.s32 $0x0;
	[sflag:s9] =	ssyncadd.s32 $0xFFFFFC40  }
.LBB2_2:
0x20: {  	v3 =	vld [tilespmem:s1+$0xFFFFFFE0];
	_ =	sdelay $0x4  }
0x21: {  	v4 =	vshll.u32 v3, $0x3  }
0x22: {  	v3 =	vand.u32 $0x7, v3;
	v4 =	vand.u32 $0xFFFFFFC0, v4  }
0x23: {  	v3 =	vor.u32 v3, v4  }
0x24: {  	v4 =	vperm.xlane v3, v0;
	_ =	sdelay $0x1  }
0x25: {  	v4 =	vadd.s32 v1, v4;
	_ =	sdelay $0x4  }
0x26: {  	[tilespmem:s10], [sflag:$0x1] =	stream.indirect_vreg.gather [hbm4b:s3+s2], $0x80, v4, vm0, $0xb8;
	[tilespmem:$0x10400] =	vst v63  }
0x27: {  	s4 =	rddreg [dreg:$0x3];
	v3 =	vperm.xlane v3, v2  }
0x28: {  	[tilespmem:s4], [sflag:$0x1] =	stream.indirect_vreg.gather [hbm4b:s5+s2], $0x80, v4, vm0, $0xb8;
	[tilespmem:$0x10400] =	vst v63  }
0x29: {  	s8 =	rddreg [dreg:$0x4];
	v3 =	vadd.s32 v1, v3  }
0x2a: {  	[tilespmem:s8], [sflag:$0x1] =	stream.indirect_vreg.gather [hbm4b:s6+s2], $0x80, v4, vm0, $0xb8;
	[tilespmem:$0x10400] =	vst v63  }
0x2b: {  	s4 =	rddreg [dreg:$0x5]  }
0x2c: {  	[tilespmem:s4], [sflag:$0x1] =	stream.indirect_vreg.gather [hbm4b:s7+s2], $0x80, v4, vm0, $0xb8;
	[tilespmem:$0x10400] =	vst v63  }
0x2d: {  	s8 =	rddreg [dreg:$0x6]  }
0x2e: {  	[tilespmem:s8], [sflag:$0x1] =	stream.indirect_vreg.gather [hbm4b:s3+s2], $0x80, v3, vm0, $0xb8;
	[tilespmem:$0x10400] =	vst v63  }
0x2f: {  	s4 =	rddreg [dreg:$0x7]  }
0x30: {  	[tilespmem:s4], [sflag:$0x1] =	stream.indirect_vreg.gather [hbm4b:s5+s2], $0x80, v3, vm0, $0xb8;
	[tilespmem:$0x10400] =	vst v63  }
0x31: {  	s8 =	rddreg [dreg:$0x8]  }
0x32: {  	[tilespmem:s8], [sflag:$0x1] =	stream.indirect_vreg.gather [hbm4b:s6+s2], $0x80, v3, vm0, $0xb8;
	[tilespmem:$0x10400] =	vst v63  }
0x33: {  	s4 =	rddreg [dreg:$0x9]  }
0x34: {  	[tilespmem:s4], [sflag:$0x1] =	stream.indirect_vreg.gather [hbm4b:s7+s2], $0x80, v3, vm0, $0xb8;
	[tilespmem:$0x10400] =	vst v63  }
0x35: {  	v3 =	vld [tilespmem:s1+$0xFFFFFFF0];
	_ =	sdelay $0x4  }
0x36: {  	v61 =	vshll.u32 v3, $0x3  }
0x37: {  	v3 =	vand.u32 $0x7, v3;
	v4 =	vand.u32 $0xFFFFFFC0, v61  }
0x38: {  	v3 =	vor.u32 v3, v4  }
0x39: {  	v4 =	vperm.xlane v3, v0;
	_ =	sdelay $0x1  }
0x3a: {  	v4 =	vadd.s32 v1, v4;
	_ =	sdelay $0x3  }
0x3b: {  	s4 =	rddreg [dreg:$0xa]  }
0x3c: {  	[tilespmem:s4], [sflag:$0x1] =	stream.indirect_vreg.gather [hbm4b:s3+s2], $0x80, v4, vm0, $0xb8;
	[tilespmem:$0x10400] =	vst v63  }
0x3d: {  	s8 =	rddreg [dreg:$0xb];
	v3 =	vperm.xlane v3, v2  }
0x3e: {  	[tilespmem:s8], [sflag:$0x1] =	stream.indirect_vreg.gather [hbm4b:s5+s2], $0x80, v4, vm0, $0xb8;
	[tilespmem:$0x10400] =	vst v63  }
0x3f: {  	v3 =	vadd.s32 v1, v3;
	s4 =	rddreg [dreg:$0xc]  }
0x40: {  	[tilespmem:s4], [sflag:$0x1] =	stream.indirect_vreg.gather [hbm4b:s6+s2], $0x80, v4, vm0, $0xb8;
	[tilespmem:$0x10400] =	vst v63  }
0x41: {  	s8 =	rddreg [dreg:$0xd]  }
0x42: {  	[tilespmem:s8], [sflag:$0x1] =	stream.indirect_vreg.gather [hbm4b:s7+s2], $0x80, v4, vm0, $0xb8;
	[tilespmem:$0x10400] =	vst v63  }
0x43: {  	s4 =	rddreg [dreg:$0xe]  }
0x44: {  	[tilespmem:s4], [sflag:$0x1] =	stream.indirect_vreg.gather [hbm4b:s3+s2], $0x80, v3, vm0, $0xb8;
	[tilespmem:$0x10400] =	vst v63  }
0x45: {  	s8 =	rddreg [dreg:$0xf]  }
0x46: {  	[tilespmem:s8], [sflag:$0x1] =	stream.indirect_vreg.gather [hbm4b:s5+s2], $0x80, v3, vm0, $0xb8;
	[tilespmem:$0x10400] =	vst v63  }
0x47: {  	_ = 	snop  }
0x48: {  	[tilespmem:s11], [sflag:$0x1] =	stream.indirect_vreg.gather [hbm4b:s6+s2], $0x80, v3, vm0, $0xb8;
	[tilespmem:$0x10400] =	vst v63  }
0x49: {  	_ = 	snop  }
0x4a: {  	[tilespmem:s12], [sflag:$0x1] =	stream.indirect_vreg.gather [hbm4b:s7+s2], $0x80, v3, vm0, $0xb8;
	[tilespmem:$0x10400] =	vst v63  }
0x4b: {  	v3 =	vld [tilespmem:s1+$0x0];
	_ =	sdelay $0x4  }
0x4c: {  	v62 =	vshll.u32 v3, $0x3  }
0x4d: {  	v3 =	vand.u32 $0x7, v3;
	v4 =	vand.u32 $0xFFFFFFC0, v62  }
0x4e: {  	v3 =	vor.u32 v3, v4  }
0x4f: {  	v4 =	vperm.xlane v3, v0;
	_ =	sdelay $0x1  }
0x50: {  	v4 =	vadd.s32 v1, v4;
	_ =	sdelay $0x4  }
0x51: {  	[tilespmem:s13], [sflag:$0x1] =	stream.indirect_vreg.gather [hbm4b:s3+s2], $0x80, v4, vm0, $0xb8;
	[tilespmem:$0x10400] =	vst v63  }
0x52: {  	v3 =	vperm.xlane v3, v2  }
0x53: {  	[tilespmem:s14], [sflag:$0x1] =	stream.indirect_vreg.gather [hbm4b:s5+s2], $0x80, v4, vm0, $0xb8;
	[tilespmem:$0x10400] =	vst v63  }
0x54: {  	v3 =	vadd.s32 v1, v3  }
0x55: {  	[tilespmem:s15], [sflag:$0x1] =	stream.indirect_vreg.gather [hbm4b:s6+s2], $0x80, v4, vm0, $0xb8;
	[tilespmem:$0x10400] =	vst v63  }
0x56: {  	_ = 	snop  }
0x57: {  	[tilespmem:s16], [sflag:$0x1] =	stream.indirect_vreg.gather [hbm4b:s7+s2], $0x80, v4, vm0, $0xb8;
	[tilespmem:$0x10400] =	vst v63  }
0x58: {  	_ = 	snop  }
0x59: {  	[tilespmem:s17], [sflag:$0x1] =	stream.indirect_vreg.gather [hbm4b:s3+s2], $0x80, v3, vm0, $0xb8;
	[tilespmem:$0x10400] =	vst v63  }
0x5a: {  	_ = 	snop  }
0x5b: {  	[tilespmem:s18], [sflag:$0x1] =	stream.indirect_vreg.gather [hbm4b:s5+s2], $0x80, v3, vm0, $0xb8;
	[tilespmem:$0x10400] =	vst v63  }
0x5c: {  	_ = 	snop  }
0x5d: {  	[tilespmem:s19], [sflag:$0x1] =	stream.indirect_vreg.gather [hbm4b:s6+s2], $0x80, v3, vm0, $0xb8;
	[tilespmem:$0x10400] =	vst v63  }
0x5e: {  	_ = 	snop  }
0x5f: {  	[tilespmem:s20], [sflag:$0x1] =	stream.indirect_vreg.gather [hbm4b:s7+s2], $0x80, v3, vm0, $0xb8;
	[tilespmem:$0x10400] =	vst v63  }
0x60: {  	v3 =	vld [tilespmem:s1+$0x10];
	_ =	sdelay $0x4  }
0x61: {  	v63 =	vshll.u32 v3, $0x3  }
0x62: {  	v3 =	vand.u32 $0x7, v3;
	v4 =	vand.u32 $0xFFFFFFC0, v63  }
0x63: {  	v3 =	vor.u32 v3, v4  }
0x64: {  	v4 =	vperm.xlane v3, v0;
	_ =	sdelay $0x1  }
0x65: {  	v4 =	vadd.s32 v1, v4;
	_ =	sdelay $0x4  }
0x66: {  	[tilespmem:s21], [sflag:$0x1] =	stream.indirect_vreg.gather [hbm4b:s3+s2], $0x80, v4, vm0, $0xb8;
	[tilespmem:$0x10400] =	vst v63  }
0x67: {  	v3 =	vperm.xlane v3, v2  }
0x68: {  	[tilespmem:s22], [sflag:$0x1] =	stream.indirect_vreg.gather [hbm4b:s5+s2], $0x80, v4, vm0, $0xb8;
	[tilespmem:$0x10400] =	vst v63  }
0x69: {  	v3 =	vadd.s32 v1, v3  }
0x6a: {  	[tilespmem:s23], [sflag:$0x1] =	stream.indirect_vreg.gather [hbm4b:s6+s2], $0x80, v4, vm0, $0xb8;
	[tilespmem:$0x10400] =	vst v63  }
0x6b: {  	_ = 	snop  }
0x6c: {  	[tilespmem:s24], [sflag:$0x1] =	stream.indirect_vreg.gather [hbm4b:s7+s2], $0x80, v4, vm0, $0xb8;
	[tilespmem:$0x10400] =	vst v63  }
0x6d: {  	_ = 	snop  }
0x6e: {  	[tilespmem:s25], [sflag:$0x1] =	stream.indirect_vreg.gather [hbm4b:s3+s2], $0x80, v3, vm0, $0xb8;
	[tilespmem:$0x10400] =	vst v63  }
0x6f: {  	_ = 	snop  }
0x70: {  	[tilespmem:s26], [sflag:$0x1] =	stream.indirect_vreg.gather [hbm4b:s5+s2], $0x80, v3, vm0, $0xb8;
	[tilespmem:$0x10400] =	vst v63  }
0x71: {  	_ = 	snop  }
0x72: {  	[tilespmem:s28], [sflag:$0x1] =	stream.indirect_vreg.gather [hbm4b:s6+s2], $0x80, v3, vm0, $0xb8;
	[tilespmem:$0x10400] =	vst v63  }
0x73: {  	_ = 	snop  }
0x74: {  	[tilespmem:s29], [sflag:$0x1] =	stream.indirect_vreg.gather [hbm4b:s7+s2], $0x80, v3, vm0, $0xb8;
	[tilespmem:$0x10400] =	vst v63  }
0x75: {  	_ =	swait.ge [sflag:s30], $0x10000  }
0x76: {  	p0 =	sne.s32 s0, $0x1C000;
	s8 =	rddreg [dreg:$0x2];
	[sflag:s30] =	ssyncset.done $0x0  }
.Ltmp0:
0x77: {  	[sflag:s30] =	ssyncadd.s32 $0xFFFF0000;
	s4 =	sadd.s32 s0, s8;
	(pc) =	sbr.rel @p0 .LBB2_2-.Ltmp0, $4  }
0x78: {  	[hbm4b:s4+s2] =	stream.linear.scatter [tilespmem:s10], [sflag:$0x2], $0x10000, $0x38;
	[tilespmem:$0x10400] =	vst v63  }
0x79: {  	_ =	swait.ge [sflag:s9], $0x10000  }
0x7a: {  	[sflag:s9] =	ssyncset.done $0x0  }
0x7b: {  	s1 =	sadd.s32 $0x40, s1;
	s0 =	sadd.s32 $0x2000, s0;
	[sflag:s9] =	ssyncadd.s32 $0xFFFF0000  }
0x7c: {  	s31 =	sadd.s32 $0x1, s31;
	s0 =	rddreg [dreg:$0x11]  }
0x7d: {  	p0 =	sne.s32 s31, s0  }
.Ltmp1:
0x7e: {  	_ = 	snop;
	(pc) =	sbr.rel @p0 .LBB2_1-.Ltmp1, $1  }
0x7f: {  	_ =	sdelay $0x3  }
0x80: {  	_ =	sfence.sel $0x180000  }
0x81: {  	[bflag:$0x0] =	sbarrier.arrive $0xFFFF  }
0x82: {  	_ =	strace $0x90000056  }
0x83: {  	s0 =	stileid.u32;
	[bflag:$0x2] =	sbarrier.arrive $0xFFFF  }
0x84: {  	p0 =	sne.s32 s0, $0x0;
	s0 =	rddreg [dreg:$0x1]  }
0x85: {  	s0 =	sadd.s32 @!p0 $0x100000, s0  }
0x86: {  	[sflag:s0] =	ssyncadd.tile.s32 @!p0 $0x1;
	_ =	shalt  }
.Lfunc_end2:
_tile_overlayer_lowered:
.L_overlay_start_2:
0x87: {  	(tag) =	ssettag $0x2  }
0x88: {  	s0 =	rddreg [dreg:$0x0];
	s2 =	stileid.u32  }
0x89: {  	s1 =	rddreg [dreg:$0x1];
	p0 =	sne.s32 s2, $0x0  }
0x8a: {  	s3 =	rddreg [dreg:$0x2];
	[bflag:$0x3] =	sbarrier.arrive $0xFFFF;
	s2 =	simm.s32 @!p0 $0x1C02  }
0x8b: {  	[timem:s3], [sflag:s2] =	dma.local @!p0 [hbm:s0], s1  }
0x8c: {  	s0 =	simm.s32 @!p0 $0x2  }
0x8d: {  	_ =	swait.ge @!p0 [sflag:s0], s1  }
0x8e: {  	s1 =	ssub.s32 @!p0 $0x0, s1;
	[sflag:s0] =	ssyncset.done @!p0 $0x0  }
0x8f: {  	[sflag:s0] =	ssyncadd.s32 @!p0 s1  }
0x90: {  	[bflag:$0x3] =	sbarrier.arrive $0xFFFF  }
0x91: {  	_ =	shalt  }

// kernel: kernel.41.cloned.1.call-start
scs
__scs_entry_jumppad:
0x0: {  	(pc) =	sbr.rel $0x88, $3  }
0x1: {  	(tag) =	ssettag $0x0;
	lr =	simm.s32 $0x1  }
0x2: {  	[smem:$0x3F9D] =	sst lr;
	_ =	strace $0xD0000000  }
0x3: {  	_ = 	snop  }
0x4: {  	_ = 	snop  }
0x5: {  	_ = 	snop  }
0x6: {  	_ = 	snop  }
0x7: {  	_ = 	snop  }
__scs_overlays_trampoline_lowered:
0x8: {  	[smem:$0x3FAC] =	sst s0  }
0x9: {  	[smem:$0x3FAD] =	sst s1  }
0xa: {  	[smem:$0x3FAE] =	sst s2  }
0xb: {  	[smem:$0x3FAF] =	sst s3  }
0xc: {  	[smem:$0x3FB0] =	sst s4  }
0xd: {  	[smem:$0x3FB1] =	sst s5  }
0xe: {  	[smem:$0x3FB2] =	sst s6  }
0xf: {  	[smem:$0x3FB3] =	sst s7  }
0x10: {  	[smem:$0x3FB4] =	sst s8  }
0x11: {  	[smem:$0x3FB5] =	sst s9;
	s0 =	simm.s32 @!p0 $0x0  }
0x12: {  	s1 =	sld [smem:$0x3F9B];
	s0 =	simm.s32 @p0 $0x1  }
0x13: {  	[smem:$0x3FB6] =	sst s0;
	s0 =	simm.s32 @!p1 $0x0  }
0x14: {  	s2 =	sld [smem:$0x3F9A];
	s0 =	simm.s32 @p1 $0x1  }
0x15: {  	[smem:$0x3FB7] =	sst s0;
	s0 =	simm.s32 @!p2 $0x0  }
0x16: {  	s3 =	sld [smem:$0x3FDB];
	s0 =	simm.s32 @p2 $0x1  }
0x17: {  	s4 =	simm.s32 $0x1BF5;
	[smem:$0x3FB9] =	sst s0  }
0x18: {  	s0 =	sld [smem:$0x3F9C];
	_ =	swait.ge [sflag:s4], $0x0  }
0x19: {  	s7 =	sld [smem:$0x3F9D]  }
0x1a: {  	s8 =	sadd.s32 $0xFFFFE003, lr  }
0x1b: {  	s9 =	sadd.s32 $0xFFFFFEF7, lr;
	s5 =	simm.s32 $0xFFFFFFFF;
	p2 =	slt.u32 s8, $0xFFFFF086  }
0x1c: {  	p1 =	slt.u32 s9, $0xF7A;
	s5 =	simm.s32 @!p2 $0x0  }
0x1d: {  	s5 =	simm.s32 @p1 $0x1;
	p0 =	seq.s32 s7, s2  }
0x1e: {  	s7 =	smul.u32 @!p0 $0xF7A, s2;
	p2 =	seq.s32 @!p0 s5, $0x0  }
0x1f: {  	s9 =	smul.u32 $0xF7A, s1;
	s8 =	simm.s32 @!p0 $0x1BF5;
	p2 =	por !p2, p0  }
0x20: {  	[sflag:s8] =	ssyncset.s32 @!p0 $0xFFFFF086;
	s6 =	sadd.s32 @!p0 s3, s7;
	s7 =	simm.s32 @!p0 $0x108  }
0x21: {  	s3 =	sadd.s32 s3, s9;
	s6 =	sadd.s32 @!p0 $0x88, s6;
	s7 =	simm.s32 @p2 $0x1082  }
0x22: {  	[simem:s7], [sflag:s8] =	dma.local @!p0 [hbm:s6], $0xF7A  }
0x23: {  	s9 =	sor.u32 $0xD0000000, s2;
	s6 =	simm.s32 $0x108;
	_ =	swait.ge @!p0 [sflag:s8], $0x0  }
0x24: {  	s3 =	sadd.s32 $0x88, s3;
	s6 =	simm.s32 @!p1 $0x1082;
	[sflag:s4] =	ssyncset.s32 $0xFFFFF086  }
0x25: {  	[simem:s6], [sflag:s4] =	dma.local [hbm:s3], $0xF7A  }
0x26: {  	[smem:$0x3F9D] =	sst s1;
	(tag) =	ssettag s2;
	_ =	strace s9  }
0x27: {  	s1 =	sld [smem:$0x3FAD]  }
0x28: {  	s2 =	sld [smem:$0x3FAE]  }
0x29: {  	s4 =	sld [smem:$0x3FB0]  }
0x2a: {  	p0 =	seq.s32 s5, $0x0;
	s5 =	sld [smem:$0x3FB1]  }
0x2b: {  	s6 =	sld [smem:$0x3FB2]  }
0x2c: {  	s7 =	sld [smem:$0x3FB3]  }
0x2d: {  	s3 =	simm.s32 $0x108;
	s8 =	sld [smem:$0x3FB4]  }
0x2e: {  	s3 =	simm.s32 @!p0 $0x1082;
	s9 =	sld [smem:$0x3FB5]  }
0x2f: {  	lr =	sadd.s32 s0, s3;
	s0 =	sld [smem:$0x3FAC]  }
0x30: {  	s3 =	sld [smem:$0x3FAF]  }
0x31: {  	[smem:$0x3FB8] =	sst s10  }
0x32: {  	s10 =	sld [smem:$0x3FB6];
	_ =	sdelay $0x3  }
0x33: {  	p0 =	seq.s32 s10, $0x1;
	s10 =	sld [smem:$0x3FB8];
	_ =	sdelay $0x3  }
0x34: {  	[smem:$0x3FB8] =	sst s10  }
0x35: {  	s10 =	sld [smem:$0x3FB7];
	_ =	sdelay $0x3  }
0x36: {  	p1 =	seq.s32 s10, $0x1;
	s10 =	sld [smem:$0x3FB8];
	_ =	sdelay $0x3  }
0x37: {  	[smem:$0x3FB8] =	sst s10  }
0x38: {  	s10 =	sld [smem:$0x3FB9]  }
0x39: {  	_ = 	snop;
	(pc) =	sbr.ind lr, $3  }
0x3a: {  	_ = 	snop  }
0x3b: {  	_ = 	snop  }
0x3c: {  	p2 =	seq.s32 s10, $0x1;
	s10 =	sld [smem:$0x3FB8]  }
0x3d: {  	_ =	shalt  }
0x3e: {  	_ =	shalt  }
0x3f: {  	_ =	shalt  }
0x40: {  	_ =	shalt  }
0x41: {  	_ =	shalt  }
0x42: {  	_ =	shalt  }
0x43: {  	_ =	shalt  }
0x44: {  	_ =	shalt  }
0x45: {  	_ =	shalt  }
0x46: {  	_ =	shalt  }
0x47: {  	_ =	shalt  }
0x48: {  	_ =	shalt  }
0x49: {  	_ =	shalt  }
0x4a: {  	_ =	shalt  }
0x4b: {  	_ =	shalt  }
0x4c: {  	_ =	shalt  }
0x4d: {  	_ =	shalt  }
0x4e: {  	_ =	shalt  }
0x4f: {  	_ =	shalt  }
0x50: {  	_ =	shalt  }
0x51: {  	_ =	shalt  }
0x52: {  	_ =	shalt  }
0x53: {  	_ =	shalt  }
0x54: {  	_ =	shalt  }
0x55: {  	_ =	shalt  }
0x56: {  	_ =	shalt  }
0x57: {  	_ =	shalt  }
0x58: {  	_ =	shalt  }
0x59: {  	_ =	shalt  }
0x5a: {  	_ =	shalt  }
0x5b: {  	_ =	shalt  }
0x5c: {  	_ =	shalt  }
0x5d: {  	_ =	shalt  }
0x5e: {  	_ =	shalt  }
0x5f: {  	_ =	shalt  }
0x60: {  	_ =	shalt  }
0x61: {  	_ =	shalt  }
0x62: {  	_ =	shalt  }
0x63: {  	_ =	shalt  }
0x64: {  	_ =	shalt  }
0x65: {  	_ =	shalt  }
0x66: {  	_ =	shalt  }
0x67: {  	_ =	shalt  }
0x68: {  	_ =	shalt  }
0x69: {  	_ =	shalt  }
0x6a: {  	_ =	shalt  }
0x6b: {  	_ =	shalt  }
0x6c: {  	_ =	shalt  }
0x6d: {  	_ =	shalt  }
0x6e: {  	_ =	shalt  }
0x6f: {  	_ =	shalt  }
0x70: {  	_ =	shalt  }
0x71: {  	_ =	shalt  }
0x72: {  	_ =	shalt  }
0x73: {  	_ =	shalt  }
0x74: {  	_ =	shalt  }
0x75: {  	_ =	shalt  }
0x76: {  	_ =	shalt  }
0x77: {  	_ =	shalt  }
0x78: {  	_ =	shalt  }
0x79: {  	_ =	shalt  }
0x7a: {  	_ =	shalt  }
0x7b: {  	_ =	shalt  }
0x7c: {  	_ =	shalt  }
0x7d: {  	_ =	shalt  }
0x7e: {  	_ =	shalt  }
0x7f: {  	_ =	shalt  }
0x80: {  	_ =	shalt  }
0x81: {  	_ =	shalt  }
0x82: {  	_ =	shalt  }
0x83: {  	_ =	shalt  }
0x84: {  	_ =	shalt  }
0x85: {  	_ =	shalt  }
0x86: {  	_ =	shalt  }
0x87: {  	_ =	shalt  }
.Lfunc_end0:
.L_simem_size_0:
called_computation.6_lowered:
.L_overlay_start_0:
0x88: {  	s2 =	sld [smem:$0x3FD9]  }
0x89: {  	s3 =	sld [smem:$0x3FFE];
	_ =	sdelay $0x1  }
0x8a: {  	s1 =	srdreg.scid  }
0x8b: {  	s0 =	sand.u32 $0x1, s1  }
0x8c: {  	s16 =	sshll.u32 s0, $0xA;
	s2 =	sadd.s32 s3, s2  }
0x8d: {  	s2 =	sadd.s32 s2, s16  }
0x8e: {  	[smem:$0x3FC4] =	sst s2  }
0x8f: {  	_ = 	snop  }
0x90: {  	(tm) =	ssettm $0x1  }
0x91: {  	s17 =	sld [smem:$0x3FFB];
	_ =	sdelay $0x3  }
0x92: {  	_ =	strace s17  }
0x93: {  	s2 =	sld [smem:$0x3FFC];
	_ =	sdelay $0x3  }
0x94: {  	_ =	strace s2  }
0x95: {  	s2 =	sld [smem:$0x3FFD];
	_ =	sdelay $0x3  }
0x96: {  	_ =	strace s2  }
0x97: {  	_ =	strace $0x8FFFFFFF  }
0x98: {  	s18 =	sld [smem:$0x3FDB];
	_ =	sdelay $0x1  }
0x99: {  	s19 =	simm.s32 $_scs_section_size  }
0x9a: {  	s4 =	simm.s32 $_size__tile_overlayer_lowered;
	s5 =	simm.s32 $_tile_overlayer_lowered  }
0x9b: {  	s22 =	simm.s32 $0x1BFF;
	s21 =	sshll.u32 s5, $0x1;
	s2 =	sadd.s32 s19, s18  }
0x9c: {  	s6 =	simm.s32 $0x0;
	s20 =	sshll.u32 s4, $0x1;
	s4 =	sadd.s32 s21, s2  }
0x9d: {  	[timem:s6], [sflag:s22] =	dma.local [hbm:s4], s20  }
0x9e: {  	_ =	swait.ge [sflag:s22], s20  }
0x9f: {  	s3 =	ssub.s32 $0x0, s20;
	[sflag:s22] =	ssyncset.done $0x0  }
0xa0: {  	[sflag:s22] =	ssyncadd.s32 s3;
	_ =	sdelay $0x1  }
0xa1: {  	s23 =	simm.s32 $0x1B8B  }
0xa2: {  	_ =	swait.ge [sflag:s23], $0x1  }
0xa3: {  	[sflag:s23] =	ssyncset.done $0x0  }
0xa4: {  	s25 =	simm.s32 $0x1B8E;
	s24 =	sld [smem:$0x3FFE];
	[sflag:s23] =	ssyncadd.s32 $0xFFFFFFFF  }
0xa5: {  	s26 =	simm.s32 $execute0_lowered;
	[smem:$0x3FD2] =	sst s25  }
0xa6: {  	s4 =	sshll.u32 s26, $0x1;
	_ =	strace $0x80000058;
	[dreg:$0x1] =	wrdreg $0xFFFFFFFF  }
0xa7: {  	s28 =	simm.s32 $_size_execute0_lowered;
	s2 =	sadd.s32 s2, s4;
	[dreg:$0x0] =	wrdreg $0x0  }
0xa8: {  	s4 =	sshll.u32 s28, $0x1;
	[dreg:$0x2] =	wrdreg s2  }
0xa9: {  	[dreg:$0x3] =	wrdreg s4  }
0xaa: {  	[dreg:$0x4] =	wrdreg $0xC0  }
0xab: {  	_ =	task [dreg:s6], $0x5FFFF  }
0xac: {  	[dreg:$0x1] =	wrdreg $0xFFFFFFFF  }
0xad: {  	[dreg:$0x0] =	wrdreg $0x60  }
0xae: {  	[dreg:$0x2] =	wrdreg s24  }
0xaf: {  	[dreg:$0x3] =	wrdreg $0x9  }
0xb0: {  	_ =	task.clear_ibuf [dreg:s6], $0x4FFFF;
	_ =	strace $0x90000058  }
0xb1: {  	s29 =	simm.s32 $0x9;
	_ =	strace $0x8000005A  }
0xb2: {  	_ =	swait.ge [sflag:s29], $0x1  }
0xb3: {  	[sflag:s29] =	ssyncadd.s32 $0xFFFFFFFF  }
0xb4: {  	_ =	strace $0x9000005A  }
0xb5: {  	_ =	sfence  }
0xb6: {  	s30 =	sld [smem:$0x0];
	_ =	sdelay $0x2  }
0xb7: {  	s31 =	sshll.u32 s1, $0xD;
	s1 =	sshrl.u32 s1, $0x2  }
0xb8: {  	s3 =	sand.u32 $0x4000, s31;
	s1 =	sadd.s32 s1, s30  }
0xb9: {  	s0 =	sor.u32 s3, s0;
	s1 =	sshll.u32 s1, $0x11  }
0xba: {  	s0 =	sor.u32 s1, s0  }
0xbb: {  	s0 =	sadd.s32 $0x8F2B, s0  }
0xbc: {  	[sflag:s0] =	ssyncadd.remote.s32 $0x1  }
0xbd: {  	_ =	sfence.sel $0xFFFF  }
0xbe: {  	[dreg:$0x0] =	wrdreg $0xFFFFFFFF;
	(pc) =	sbr.abs _section_cstart, $3  }
0xbf: {  	[dreg:$0x1] =	wrdreg $0xFFFFFFFF  }
0xc0: {  	_ =	task.clear_ibuf [dreg:s6], $0x2FFFF;
	_ =	strace $0x9FFFFFFF  }
0xc1: {  	(tm) =	ssettm $0x7FFFFFFF  }
tec
execute0_lowered:
.L_overlay_start_1:
0x0: {  	(tag) =	ssettag $0x1  }
0x1: {  	s0 =	srdreg.scid;
	s5 =	stileid.u32  }
0x2: {  	s1 =	rddreg [dreg:$0x0];
	s2 =	simm.s32 $0x0;
	s16 =	simm.s32 $0xC00  }
0x3: {  	s17 =	simm.s32 $0x1400;
	s18 =	simm.s32 $0x1C00;
	s19 =	simm.s32 $0x2400  }
0x4: {  	s20 =	simm.s32 $0x2C00;
	s21 =	simm.s32 $0x3400;
	[smem:$0x7FF] =	sst s2  }
0x5: {  	s22 =	simm.s32 $0x3C00;
	_ =	strace $0x80000059;
	[dreg:$0x3] =	wrdreg s16  }
0x6: {  	s7 =	simm.s32 $0x4400;
	s8 =	simm.s32 $0x4C00;
	[dreg:$0x4] =	wrdreg s17  }
0x7: {  	s23 =	simm.s32 $0x5400;
	s24 =	simm.s32 $0x5C00;
	[dreg:$0x5] =	wrdreg s18  }
0x8: {  	s9 =	simm.s32 $0x2;
	s25 =	simm.s32 $0x6400;
	[dreg:$0x6] =	wrdreg s19  }
0x9: {  	s10 =	simm.s32 $0x400;
	s26 =	simm.s32 $0x6C00;
	[dreg:$0x7] =	wrdreg s20  }
0xa: {  	s11 =	simm.s32 $0x7400;
	s12 =	simm.s32 $0x7C00;
	[dreg:$0x8] =	wrdreg s21  }
0xb: {  	s13 =	simm.s32 $0x8400;
	s28 =	simm.s32 $0xF400;
	[dreg:$0x9] =	wrdreg s22  }
0xc: {  	s29 =	simm.s32 $0xFC00;
	s30 =	simm.s32 $0x1;
	[dreg:$0xa] =	wrdreg s7  }
0xd: {  	s31 =	simm.s32 $0x0;
	s0 =	sand.u32 $0x1, s0;
	[dreg:$0xb] =	wrdreg s8  }
0xe: {  	s3 =	smul.u32 $0x3C000, s5;
	s5 =	sshll.u32 s5, $0x1;
	[dreg:$0xc] =	wrdreg s23  }
0xf: {  	s4 =	smul.u32 $0x1E000, s0;
	s5 =	sor.u32 s0, s5;
	[dreg:$0xd] =	wrdreg s24  }
0x10: {  	s0 =	ssub.s32 $0x2, s0;
	s7 =	sadd.s32 $0x4700, s1;
	[dreg:$0xe] =	wrdreg s25  }
0x11: {  	[dreg:$0xf] =	wrdreg s26;
	s16 =	simm.s32 $0x9C00;
	s17 =	simm.s32 $0xA400  }
0x12: {  	s18 =	simm.s32 $0xAC00;
	s19 =	simm.s32 $0xB400;
	s20 =	simm.s32 $0xBC00  }
0x13: {  	s21 =	simm.s32 $0xC400;
	s22 =	simm.s32 $0xCC00;
	s23 =	simm.s32 $0xD400  }
0x14: {  	s24 =	simm.s32 $0xDC00;
	s25 =	simm.s32 $0xE400;
	s26 =	simm.s32 $0xEC00  }
0x15: {  	s3 =	sadd.s32 s3, s1;
	s14 =	smul.u32 $0x3C0, s5;
	s6 =	sshrl.u32 s0, $0x1  }
0x16: {  	s5 =	sadd.s32 $0x4500, s1;
	s3 =	sadd.s32 s4, s3;
	s0 =	ssub.s32 s0, s6  }
0x17: {  	s6 =	sadd.s32 $0x4600, s1;
	s15 =	sadd.s32 $0x3C4400, s3;
	s4 =	sshrl.u32 s14, $0x3  }
0x18: {  	v2 =	vlaneseq.u32;
	s0 =	smax.u32 s0, $0x1;
	[dreg:$0x2] =	wrdreg s15;
	s4 =	sadd.s32 s4, s1  }
0x19: {  	vm0 =	vmmov $0xffff;
	v1 =	vshrl.u32 v2, $0x3;
	s3 =	sadd.s32 $0x4400, s1;
	[dreg:$0x11] =	wrdreg s0;
	s4 =	sadd.s32 $0x3400, s4  }
0x1a: {  	v0 =	vand.u32 $0x7, v2;
	v2 =	vor.u32 $0x8, v2;
	v1 =	vmul.u32 $0x8, v1;
	s14 =	simm.s32 $0x8C00;
	s15 =	simm.s32 $0x9400;
	[dreg:$0x10] =	wrdreg s4  }
.LBB2_1:
0x1b: {  	s0 =	rddreg [dreg:$0x10]  }
0x1c: {  	[tilespmem:s2], [sflag:$0x2] =	stream.linear.gather [hbm4b:s0+s2], $0x3C0, $0x38;
	[tilespmem:$0x10400] =	vst v63  }
0x1d: {  	_ =	swait.ge [sflag:s9], $0x3C0  }
0x1e: {  	[sflag:s9] =	ssyncset.done $0x0  }
0x1f: {  	s1 =	simm.s32 $0x20;
	s0 =	simm.s32 $0x0;
	[sflag:s9] =	ssyncadd.s32 $0xFFFFFC40  }
.LBB2_2:
0x20: {  	v3 =	vld [tilespmem:s1+$0xFFFFFFE0];
	_ =	sdelay $0x4  }
0x21: {  	v4 =	vshll.u32 v3, $0x3  }
0x22: {  	v3 =	vand.u32 $0x7, v3;
	v4 =	vand.u32 $0xFFFFFFC0, v4  }
0x23: {  	v3 =	vor.u32 v3, v4  }
0x24: {  	v4 =	vperm.xlane v3, v0;
	_ =	sdelay $0x1  }
0x25: {  	v4 =	vadd.s32 v1, v4;
	_ =	sdelay $0x4  }
0x26: {  	[tilespmem:s10], [sflag:$0x1] =	stream.indirect_vreg.gather [hbm4b:s3+s2], $0x80, v4, vm0, $0xb8;
	[tilespmem:$0x10400] =	vst v63  }
0x27: {  	s4 =	rddreg [dreg:$0x3];
	v3 =	vperm.xlane v3, v2  }
0x28: {  	[tilespmem:s4], [sflag:$0x1] =	stream.indirect_vreg.gather [hbm4b:s5+s2], $0x80, v4, vm0, $0xb8;
	[tilespmem:$0x10400] =	vst v63  }
0x29: {  	s8 =	rddreg [dreg:$0x4];
	v3 =	vadd.s32 v1, v3  }
0x2a: {  	[tilespmem:s8], [sflag:$0x1] =	stream.indirect_vreg.gather [hbm4b:s6+s2], $0x80, v4, vm0, $0xb8;
	[tilespmem:$0x10400] =	vst v63  }
0x2b: {  	s4 =	rddreg [dreg:$0x5]  }
0x2c: {  	[tilespmem:s4], [sflag:$0x1] =	stream.indirect_vreg.gather [hbm4b:s7+s2], $0x80, v4, vm0, $0xb8;
	[tilespmem:$0x10400] =	vst v63  }
0x2d: {  	s8 =	rddreg [dreg:$0x6]  }
0x2e: {  	[tilespmem:s8], [sflag:$0x1] =	stream.indirect_vreg.gather [hbm4b:s3+s2], $0x80, v3, vm0, $0xb8;
	[tilespmem:$0x10400] =	vst v63  }
0x2f: {  	s4 =	rddreg [dreg:$0x7]  }
0x30: {  	[tilespmem:s4], [sflag:$0x1] =	stream.indirect_vreg.gather [hbm4b:s5+s2], $0x80, v3, vm0, $0xb8;
	[tilespmem:$0x10400] =	vst v63  }
0x31: {  	s8 =	rddreg [dreg:$0x8]  }
0x32: {  	[tilespmem:s8], [sflag:$0x1] =	stream.indirect_vreg.gather [hbm4b:s6+s2], $0x80, v3, vm0, $0xb8;
	[tilespmem:$0x10400] =	vst v63  }
0x33: {  	s4 =	rddreg [dreg:$0x9]  }
0x34: {  	[tilespmem:s4], [sflag:$0x1] =	stream.indirect_vreg.gather [hbm4b:s7+s2], $0x80, v3, vm0, $0xb8;
	[tilespmem:$0x10400] =	vst v63  }
0x35: {  	v3 =	vld [tilespmem:s1+$0xFFFFFFF0];
	_ =	sdelay $0x4  }
0x36: {  	v61 =	vshll.u32 v3, $0x3  }
0x37: {  	v3 =	vand.u32 $0x7, v3;
	v4 =	vand.u32 $0xFFFFFFC0, v61  }
0x38: {  	v3 =	vor.u32 v3, v4  }
0x39: {  	v4 =	vperm.xlane v3, v0;
	_ =	sdelay $0x1  }
0x3a: {  	v4 =	vadd.s32 v1, v4;
	_ =	sdelay $0x3  }
0x3b: {  	s4 =	rddreg [dreg:$0xa]  }
0x3c: {  	[tilespmem:s4], [sflag:$0x1] =	stream.indirect_vreg.gather [hbm4b:s3+s2], $0x80, v4, vm0, $0xb8;
	[tilespmem:$0x10400] =	vst v63  }
0x3d: {  	s8 =	rddreg [dreg:$0xb];
	v3 =	vperm.xlane v3, v2  }
0x3e: {  	[tilespmem:s8], [sflag:$0x1] =	stream.indirect_vreg.gather [hbm4b:s5+s2], $0x80, v4, vm0, $0xb8;
	[tilespmem:$0x10400] =	vst v63  }
0x3f: {  	v3 =	vadd.s32 v1, v3;
	s4 =	rddreg [dreg:$0xc]  }
0x40: {  	[tilespmem:s4], [sflag:$0x1] =	stream.indirect_vreg.gather [hbm4b:s6+s2], $0x80, v4, vm0, $0xb8;
	[tilespmem:$0x10400] =	vst v63  }
0x41: {  	s8 =	rddreg [dreg:$0xd]  }
0x42: {  	[tilespmem:s8], [sflag:$0x1] =	stream.indirect_vreg.gather [hbm4b:s7+s2], $0x80, v4, vm0, $0xb8;
	[tilespmem:$0x10400] =	vst v63  }
0x43: {  	s4 =	rddreg [dreg:$0xe]  }
0x44: {  	[tilespmem:s4], [sflag:$0x1] =	stream.indirect_vreg.gather [hbm4b:s3+s2], $0x80, v3, vm0, $0xb8;
	[tilespmem:$0x10400] =	vst v63  }
0x45: {  	s8 =	rddreg [dreg:$0xf]  }
0x46: {  	[tilespmem:s8], [sflag:$0x1] =	stream.indirect_vreg.gather [hbm4b:s5+s2], $0x80, v3, vm0, $0xb8;
	[tilespmem:$0x10400] =	vst v63  }
0x47: {  	_ = 	snop  }
0x48: {  	[tilespmem:s11], [sflag:$0x1] =	stream.indirect_vreg.gather [hbm4b:s6+s2], $0x80, v3, vm0, $0xb8;
	[tilespmem:$0x10400] =	vst v63  }
0x49: {  	_ = 	snop  }
0x4a: {  	[tilespmem:s12], [sflag:$0x1] =	stream.indirect_vreg.gather [hbm4b:s7+s2], $0x80, v3, vm0, $0xb8;
	[tilespmem:$0x10400] =	vst v63  }
0x4b: {  	v3 =	vld [tilespmem:s1+$0x0];
	_ =	sdelay $0x4  }
0x4c: {  	v62 =	vshll.u32 v3, $0x3  }
0x4d: {  	v3 =	vand.u32 $0x7, v3;
	v4 =	vand.u32 $0xFFFFFFC0, v62  }
0x4e: {  	v3 =	vor.u32 v3, v4  }
0x4f: {  	v4 =	vperm.xlane v3, v0;
	_ =	sdelay $0x1  }
0x50: {  	v4 =	vadd.s32 v1, v4;
	_ =	sdelay $0x4  }
0x51: {  	[tilespmem:s13], [sflag:$0x1] =	stream.indirect_vreg.gather [hbm4b:s3+s2], $0x80, v4, vm0, $0xb8;
	[tilespmem:$0x10400] =	vst v63  }
0x52: {  	v3 =	vperm.xlane v3, v2  }
0x53: {  	[tilespmem:s14], [sflag:$0x1] =	stream.indirect_vreg.gather [hbm4b:s5+s2], $0x80, v4, vm0, $0xb8;
	[tilespmem:$0x10400] =	vst v63  }
0x54: {  	v3 =	vadd.s32 v1, v3  }
0x55: {  	[tilespmem:s15], [sflag:$0x1] =	stream.indirect_vreg.gather [hbm4b:s6+s2], $0x80, v4, vm0, $0xb8;
	[tilespmem:$0x10400] =	vst v63  }
0x56: {  	_ = 	snop  }
0x57: {  	[tilespmem:s16], [sflag:$0x1] =	stream.indirect_vreg.gather [hbm4b:s7+s2], $0x80, v4, vm0, $0xb8;
	[tilespmem:$0x10400] =	vst v63  }
0x58: {  	_ = 	snop  }
0x59: {  	[tilespmem:s17], [sflag:$0x1] =	stream.indirect_vreg.gather [hbm4b:s3+s2], $0x80, v3, vm0, $0xb8;
	[tilespmem:$0x10400] =	vst v63  }
0x5a: {  	_ = 	snop  }
0x5b: {  	[tilespmem:s18], [sflag:$0x1] =	stream.indirect_vreg.gather [hbm4b:s5+s2], $0x80, v3, vm0, $0xb8;
	[tilespmem:$0x10400] =	vst v63  }
0x5c: {  	_ = 	snop  }
0x5d: {  	[tilespmem:s19], [sflag:$0x1] =	stream.indirect_vreg.gather [hbm4b:s6+s2], $0x80, v3, vm0, $0xb8;
	[tilespmem:$0x10400] =	vst v63  }
0x5e: {  	_ = 	snop  }
0x5f: {  	[tilespmem:s20], [sflag:$0x1] =	stream.indirect_vreg.gather [hbm4b:s7+s2], $0x80, v3, vm0, $0xb8;
	[tilespmem:$0x10400] =	vst v63  }
0x60: {  	v3 =	vld [tilespmem:s1+$0x10];
	_ =	sdelay $0x4  }
0x61: {  	v63 =	vshll.u32 v3, $0x3  }
0x62: {  	v3 =	vand.u32 $0x7, v3;
	v4 =	vand.u32 $0xFFFFFFC0, v63  }
0x63: {  	v3 =	vor.u32 v3, v4  }
0x64: {  	v4 =	vperm.xlane v3, v0;
	_ =	sdelay $0x1  }
0x65: {  	v4 =	vadd.s32 v1, v4;
	_ =	sdelay $0x4  }
0x66: {  	[tilespmem:s21], [sflag:$0x1] =	stream.indirect_vreg.gather [hbm4b:s3+s2], $0x80, v4, vm0, $0xb8;
	[tilespmem:$0x10400] =	vst v63  }
0x67: {  	v3 =	vperm.xlane v3, v2  }
0x68: {  	[tilespmem:s22], [sflag:$0x1] =	stream.indirect_vreg.gather [hbm4b:s5+s2], $0x80, v4, vm0, $0xb8;
	[tilespmem:$0x10400] =	vst v63  }
0x69: {  	v3 =	vadd.s32 v1, v3  }
0x6a: {  	[tilespmem:s23], [sflag:$0x1] =	stream.indirect_vreg.gather [hbm4b:s6+s2], $0x80, v4, vm0, $0xb8;
	[tilespmem:$0x10400] =	vst v63  }
0x6b: {  	_ = 	snop  }
0x6c: {  	[tilespmem:s24], [sflag:$0x1] =	stream.indirect_vreg.gather [hbm4b:s7+s2], $0x80, v4, vm0, $0xb8;
	[tilespmem:$0x10400] =	vst v63  }
0x6d: {  	_ = 	snop  }
0x6e: {  	[tilespmem:s25], [sflag:$0x1] =	stream.indirect_vreg.gather [hbm4b:s3+s2], $0x80, v3, vm0, $0xb8;
	[tilespmem:$0x10400] =	vst v63  }
0x6f: {  	_ = 	snop  }
0x70: {  	[tilespmem:s26], [sflag:$0x1] =	stream.indirect_vreg.gather [hbm4b:s5+s2], $0x80, v3, vm0, $0xb8;
	[tilespmem:$0x10400] =	vst v63  }
0x71: {  	_ = 	snop  }
0x72: {  	[tilespmem:s28], [sflag:$0x1] =	stream.indirect_vreg.gather [hbm4b:s6+s2], $0x80, v3, vm0, $0xb8;
	[tilespmem:$0x10400] =	vst v63  }
0x73: {  	_ = 	snop  }
0x74: {  	[tilespmem:s29], [sflag:$0x1] =	stream.indirect_vreg.gather [hbm4b:s7+s2], $0x80, v3, vm0, $0xb8;
	[tilespmem:$0x10400] =	vst v63  }
0x75: {  	_ =	swait.ge [sflag:s30], $0x10000  }
0x76: {  	p0 =	sne.s32 s0, $0x1C000;
	s8 =	rddreg [dreg:$0x2];
	[sflag:s30] =	ssyncset.done $0x0  }
.Ltmp0:
0x77: {  	[sflag:s30] =	ssyncadd.s32 $0xFFFF0000;
	s4 =	sadd.s32 s0, s8;
	(pc) =	sbr.rel @p0 .LBB2_2-.Ltmp0, $4  }
0x78: {  	[hbm4b:s4+s2] =	stream.linear.scatter [tilespmem:s10], [sflag:$0x2], $0x10000, $0x38;
	[tilespmem:$0x10400] =	vst v63  }
0x79: {  	_ =	swait.ge [sflag:s9], $0x10000  }
0x7a: {  	[sflag:s9] =	ssyncset.done $0x0  }
0x7b: {  	s1 =	sadd.s32 $0x40, s1;
	s0 =	sadd.s32 $0x2000, s0;
	[sflag:s9] =	ssyncadd.s32 $0xFFFF0000  }
0x7c: {  	s31 =	sadd.s32 $0x1, s31;
	s0 =	rddreg [dreg:$0x11]  }
0x7d: {  	p0 =	sne.s32 s31, s0  }
.Ltmp1:
0x7e: {  	_ = 	snop;
	(pc) =	sbr.rel @p0 .LBB2_1-.Ltmp1, $1  }
0x7f: {  	_ =	sdelay $0x3  }
0x80: {  	_ =	sfence.sel $0x180000  }
0x81: {  	[bflag:$0x0] =	sbarrier.arrive $0xFFFF  }
0x82: {  	_ =	strace $0x90000059  }
0x83: {  	s0 =	stileid.u32;
	[bflag:$0x2] =	sbarrier.arrive $0xFFFF  }
0x84: {  	p0 =	sne.s32 s0, $0x0;
	s0 =	rddreg [dreg:$0x1]  }
0x85: {  	s0 =	sadd.s32 @!p0 $0x100000, s0  }
0x86: {  	[sflag:s0] =	ssyncadd.tile.s32 @!p0 $0x1;
	_ =	shalt  }
.Lfunc_end2:
_tile_overlayer_lowered:
.L_overlay_start_2:
0x87: {  	(tag) =	ssettag $0x2  }
0x88: {  	s0 =	rddreg [dreg:$0x0];
	s2 =	stileid.u32  }
0x89: {  	s1 =	rddreg [dreg:$0x1];
	p0 =	sne.s32 s2, $0x0  }
0x8a: {  	s3 =	rddreg [dreg:$0x2];
	[bflag:$0x3] =	sbarrier.arrive $0xFFFF;
	s2 =	simm.s32 @!p0 $0x1C02  }
0x8b: {  	[timem:s3], [sflag:s2] =	dma.local @!p0 [hbm:s0], s1  }
0x8c: {  	s0 =	simm.s32 @!p0 $0x2  }
0x8d: {  	_ =	swait.ge @!p0 [sflag:s0], s1  }
0x8e: {  	s1 =	ssub.s32 @!p0 $0x0, s1;
	[sflag:s0] =	ssyncset.done @!p0 $0x0  }
0x8f: {  	[sflag:s0] =	ssyncadd.s32 @!p0 s1  }
0x90: {  	[bflag:$0x3] =	sbarrier.arrive $0xFFFF  }
0x91: {  	_ =	shalt  }

// kernel: kernel.44.cloned.1.call-start
scs
__scs_entry_jumppad:
0x0: {  	(pc) =	sbr.rel $0x88, $3  }
0x1: {  	(tag) =	ssettag $0x0;
	lr =	simm.s32 $0x1  }
0x2: {  	[smem:$0x3F9D] =	sst lr;
	_ =	strace $0xD0000000  }
0x3: {  	_ = 	snop  }
0x4: {  	_ = 	snop  }
0x5: {  	_ = 	snop  }
0x6: {  	_ = 	snop  }
0x7: {  	_ = 	snop  }
__scs_overlays_trampoline_lowered:
0x8: {  	[smem:$0x3FAC] =	sst s0  }
0x9: {  	[smem:$0x3FAD] =	sst s1  }
0xa: {  	[smem:$0x3FAE] =	sst s2  }
0xb: {  	[smem:$0x3FAF] =	sst s3  }
0xc: {  	[smem:$0x3FB0] =	sst s4  }
0xd: {  	[smem:$0x3FB1] =	sst s5  }
0xe: {  	[smem:$0x3FB2] =	sst s6  }
0xf: {  	[smem:$0x3FB3] =	sst s7  }
0x10: {  	[smem:$0x3FB4] =	sst s8  }
0x11: {  	[smem:$0x3FB5] =	sst s9;
	s0 =	simm.s32 @!p0 $0x0  }
0x12: {  	s1 =	sld [smem:$0x3F9B];
	s0 =	simm.s32 @p0 $0x1  }
0x13: {  	[smem:$0x3FB6] =	sst s0;
	s0 =	simm.s32 @!p1 $0x0  }
0x14: {  	s2 =	sld [smem:$0x3F9A];
	s0 =	simm.s32 @p1 $0x1  }
0x15: {  	[smem:$0x3FB7] =	sst s0;
	s0 =	simm.s32 @!p2 $0x0  }
0x16: {  	s3 =	sld [smem:$0x3FDB];
	s0 =	simm.s32 @p2 $0x1  }
0x17: {  	s4 =	simm.s32 $0x1BF5;
	[smem:$0x3FB9] =	sst s0  }
0x18: {  	s0 =	sld [smem:$0x3F9C];
	_ =	swait.ge [sflag:s4], $0x0  }
0x19: {  	s7 =	sld [smem:$0x3F9D]  }
0x1a: {  	s8 =	sadd.s32 $0xFFFFE003, lr  }
0x1b: {  	s9 =	sadd.s32 $0xFFFFFEF7, lr;
	s5 =	simm.s32 $0xFFFFFFFF;
	p2 =	slt.u32 s8, $0xFFFFF086  }
0x1c: {  	p1 =	slt.u32 s9, $0xF7A;
	s5 =	simm.s32 @!p2 $0x0  }
0x1d: {  	s5 =	simm.s32 @p1 $0x1;
	p0 =	seq.s32 s7, s2  }
0x1e: {  	s7 =	smul.u32 @!p0 $0xF7A, s2;
	p2 =	seq.s32 @!p0 s5, $0x0  }
0x1f: {  	s9 =	smul.u32 $0xF7A, s1;
	s8 =	simm.s32 @!p0 $0x1BF5;
	p2 =	por !p2, p0  }
0x20: {  	[sflag:s8] =	ssyncset.s32 @!p0 $0xFFFFF086;
	s6 =	sadd.s32 @!p0 s3, s7;
	s7 =	simm.s32 @!p0 $0x108  }
0x21: {  	s3 =	sadd.s32 s3, s9;
	s6 =	sadd.s32 @!p0 $0x88, s6;
	s7 =	simm.s32 @p2 $0x1082  }
0x22: {  	[simem:s7], [sflag:s8] =	dma.local @!p0 [hbm:s6], $0xF7A  }
0x23: {  	s9 =	sor.u32 $0xD0000000, s2;
	s6 =	simm.s32 $0x108;
	_ =	swait.ge @!p0 [sflag:s8], $0x0  }
0x24: {  	s3 =	sadd.s32 $0x88, s3;
	s6 =	simm.s32 @!p1 $0x1082;
	[sflag:s4] =	ssyncset.s32 $0xFFFFF086  }
0x25: {  	[simem:s6], [sflag:s4] =	dma.local [hbm:s3], $0xF7A  }
0x26: {  	[smem:$0x3F9D] =	sst s1;
	(tag) =	ssettag s2;
	_ =	strace s9  }
0x27: {  	s1 =	sld [smem:$0x3FAD]  }
0x28: {  	s2 =	sld [smem:$0x3FAE]  }
0x29: {  	s4 =	sld [smem:$0x3FB0]  }
0x2a: {  	p0 =	seq.s32 s5, $0x0;
	s5 =	sld [smem:$0x3FB1]  }
0x2b: {  	s6 =	sld [smem:$0x3FB2]  }
0x2c: {  	s7 =	sld [smem:$0x3FB3]  }
0x2d: {  	s3 =	simm.s32 $0x108;
	s8 =	sld [smem:$0x3FB4]  }
0x2e: {  	s3 =	simm.s32 @!p0 $0x1082;
	s9 =	sld [smem:$0x3FB5]  }
0x2f: {  	lr =	sadd.s32 s0, s3;
	s0 =	sld [smem:$0x3FAC]  }
0x30: {  	s3 =	sld [smem:$0x3FAF]  }
0x31: {  	[smem:$0x3FB8] =	sst s10  }
0x32: {  	s10 =	sld [smem:$0x3FB6];
	_ =	sdelay $0x3  }
0x33: {  	p0 =	seq.s32 s10, $0x1;
	s10 =	sld [smem:$0x3FB8];
	_ =	sdelay $0x3  }
0x34: {  	[smem:$0x3FB8] =	sst s10  }
0x35: {  	s10 =	sld [smem:$0x3FB7];
	_ =	sdelay $0x3  }
0x36: {  	p1 =	seq.s32 s10, $0x1;
	s10 =	sld [smem:$0x3FB8];
	_ =	sdelay $0x3  }
0x37: {  	[smem:$0x3FB8] =	sst s10  }
0x38: {  	s10 =	sld [smem:$0x3FB9]  }
0x39: {  	_ = 	snop;
	(pc) =	sbr.ind lr, $3  }
0x3a: {  	_ = 	snop  }
0x3b: {  	_ = 	snop  }
0x3c: {  	p2 =	seq.s32 s10, $0x1;
	s10 =	sld [smem:$0x3FB8]  }
0x3d: {  	_ =	shalt  }
0x3e: {  	_ =	shalt  }
0x3f: {  	_ =	shalt  }
0x40: {  	_ =	shalt  }
0x41: {  	_ =	shalt  }
0x42: {  	_ =	shalt  }
0x43: {  	_ =	shalt  }
0x44: {  	_ =	shalt  }
0x45: {  	_ =	shalt  }
0x46: {  	_ =	shalt  }
0x47: {  	_ =	shalt  }
0x48: {  	_ =	shalt  }
0x49: {  	_ =	shalt  }
0x4a: {  	_ =	shalt  }
0x4b: {  	_ =	shalt  }
0x4c: {  	_ =	shalt  }
0x4d: {  	_ =	shalt  }
0x4e: {  	_ =	shalt  }
0x4f: {  	_ =	shalt  }
0x50: {  	_ =	shalt  }
0x51: {  	_ =	shalt  }
0x52: {  	_ =	shalt  }
0x53: {  	_ =	shalt  }
0x54: {  	_ =	shalt  }
0x55: {  	_ =	shalt  }
0x56: {  	_ =	shalt  }
0x57: {  	_ =	shalt  }
0x58: {  	_ =	shalt  }
0x59: {  	_ =	shalt  }
0x5a: {  	_ =	shalt  }
0x5b: {  	_ =	shalt  }
0x5c: {  	_ =	shalt  }
0x5d: {  	_ =	shalt  }
0x5e: {  	_ =	shalt  }
0x5f: {  	_ =	shalt  }
0x60: {  	_ =	shalt  }
0x61: {  	_ =	shalt  }
0x62: {  	_ =	shalt  }
0x63: {  	_ =	shalt  }
0x64: {  	_ =	shalt  }
0x65: {  	_ =	shalt  }
0x66: {  	_ =	shalt  }
0x67: {  	_ =	shalt  }
0x68: {  	_ =	shalt  }
0x69: {  	_ =	shalt  }
0x6a: {  	_ =	shalt  }
0x6b: {  	_ =	shalt  }
0x6c: {  	_ =	shalt  }
0x6d: {  	_ =	shalt  }
0x6e: {  	_ =	shalt  }
0x6f: {  	_ =	shalt  }
0x70: {  	_ =	shalt  }
0x71: {  	_ =	shalt  }
0x72: {  	_ =	shalt  }
0x73: {  	_ =	shalt  }
0x74: {  	_ =	shalt  }
0x75: {  	_ =	shalt  }
0x76: {  	_ =	shalt  }
0x77: {  	_ =	shalt  }
0x78: {  	_ =	shalt  }
0x79: {  	_ =	shalt  }
0x7a: {  	_ =	shalt  }
0x7b: {  	_ =	shalt  }
0x7c: {  	_ =	shalt  }
0x7d: {  	_ =	shalt  }
0x7e: {  	_ =	shalt  }
0x7f: {  	_ =	shalt  }
0x80: {  	_ =	shalt  }
0x81: {  	_ =	shalt  }
0x82: {  	_ =	shalt  }
0x83: {  	_ =	shalt  }
0x84: {  	_ =	shalt  }
0x85: {  	_ =	shalt  }
0x86: {  	_ =	shalt  }
0x87: {  	_ =	shalt  }
.Lfunc_end0:
.L_simem_size_0:
called_computation.7_lowered:
.L_overlay_start_0:
0x88: {  	s2 =	sld [smem:$0x3FD9]  }
0x89: {  	s3 =	sld [smem:$0x3FFE];
	_ =	sdelay $0x1  }
0x8a: {  	s1 =	srdreg.scid  }
0x8b: {  	s0 =	sand.u32 $0x1, s1  }
0x8c: {  	s16 =	sshll.u32 s0, $0xA;
	s2 =	sadd.s32 s3, s2  }
0x8d: {  	s2 =	sadd.s32 s2, s16  }
0x8e: {  	[smem:$0x3FC4] =	sst s2  }
0x8f: {  	_ = 	snop  }
0x90: {  	(tm) =	ssettm $0x1  }
0x91: {  	s17 =	sld [smem:$0x3FFB];
	_ =	sdelay $0x3  }
0x92: {  	_ =	strace s17  }
0x93: {  	s2 =	sld [smem:$0x3FFC];
	_ =	sdelay $0x3  }
0x94: {  	_ =	strace s2  }
0x95: {  	s2 =	sld [smem:$0x3FFD];
	_ =	sdelay $0x3  }
0x96: {  	_ =	strace s2  }
0x97: {  	_ =	strace $0x8FFFFFFF  }
0x98: {  	s18 =	sld [smem:$0x3FDB];
	_ =	sdelay $0x1  }
0x99: {  	s19 =	simm.s32 $_scs_section_size  }
0x9a: {  	s4 =	simm.s32 $_size__tile_overlayer_lowered;
	s5 =	simm.s32 $_tile_overlayer_lowered  }
0x9b: {  	s22 =	simm.s32 $0x1BFF;
	s21 =	sshll.u32 s5, $0x1;
	s2 =	sadd.s32 s19, s18  }
0x9c: {  	s6 =	simm.s32 $0x0;
	s20 =	sshll.u32 s4, $0x1;
	s4 =	sadd.s32 s21, s2  }
0x9d: {  	[timem:s6], [sflag:s22] =	dma.local [hbm:s4], s20  }
0x9e: {  	_ =	swait.ge [sflag:s22], s20  }
0x9f: {  	s3 =	ssub.s32 $0x0, s20;
	[sflag:s22] =	ssyncset.done $0x0  }
0xa0: {  	[sflag:s22] =	ssyncadd.s32 s3;
	_ =	sdelay $0x1  }
0xa1: {  	s23 =	simm.s32 $0x1B8B  }
0xa2: {  	_ =	swait.ge [sflag:s23], $0x1  }
0xa3: {  	[sflag:s23] =	ssyncset.done $0x0  }
0xa4: {  	s25 =	simm.s32 $0x1B8E;
	s24 =	sld [smem:$0x3FFE];
	[sflag:s23] =	ssyncadd.s32 $0xFFFFFFFF  }
0xa5: {  	s26 =	simm.s32 $execute0_lowered;
	[smem:$0x3FD2] =	sst s25  }
0xa6: {  	s4 =	sshll.u32 s26, $0x1;
	_ =	strace $0x8000005B;
	[dreg:$0x1] =	wrdreg $0xFFFFFFFF  }
0xa7: {  	s28 =	simm.s32 $_size_execute0_lowered;
	s2 =	sadd.s32 s2, s4;
	[dreg:$0x0] =	wrdreg $0x0  }
0xa8: {  	s4 =	sshll.u32 s28, $0x1;
	[dreg:$0x2] =	wrdreg s2  }
0xa9: {  	[dreg:$0x3] =	wrdreg s4  }
0xaa: {  	[dreg:$0x4] =	wrdreg $0xC0  }
0xab: {  	_ =	task [dreg:s6], $0x5FFFF  }
0xac: {  	[dreg:$0x1] =	wrdreg $0xFFFFFFFF  }
0xad: {  	[dreg:$0x0] =	wrdreg $0x60  }
0xae: {  	[dreg:$0x2] =	wrdreg s24  }
0xaf: {  	[dreg:$0x3] =	wrdreg $0x9  }
0xb0: {  	_ =	task.clear_ibuf [dreg:s6], $0x4FFFF;
	_ =	strace $0x9000005B  }
0xb1: {  	s29 =	simm.s32 $0x9;
	_ =	strace $0x8000005D  }
0xb2: {  	_ =	swait.ge [sflag:s29], $0x1  }
0xb3: {  	[sflag:s29] =	ssyncadd.s32 $0xFFFFFFFF  }
0xb4: {  	_ =	strace $0x9000005D  }
0xb5: {  	_ =	sfence  }
0xb6: {  	s30 =	sld [smem:$0x0];
	_ =	sdelay $0x2  }
0xb7: {  	s31 =	sshll.u32 s1, $0xD;
	s1 =	sshrl.u32 s1, $0x2  }
0xb8: {  	s3 =	sand.u32 $0x4000, s31;
	s1 =	sadd.s32 s1, s30  }
0xb9: {  	s0 =	sor.u32 s3, s0;
	s1 =	sshll.u32 s1, $0x11  }
0xba: {  	s0 =	sor.u32 s1, s0  }
0xbb: {  	s0 =	sadd.s32 $0x8F2B, s0  }
0xbc: {  	[sflag:s0] =	ssyncadd.remote.s32 $0x1  }
0xbd: {  	_ =	sfence.sel $0xFFFF  }
0xbe: {  	[dreg:$0x0] =	wrdreg $0xFFFFFFFF;
	(pc) =	sbr.abs _section_cstart, $3  }
0xbf: {  	[dreg:$0x1] =	wrdreg $0xFFFFFFFF  }
0xc0: {  	_ =	task.clear_ibuf [dreg:s6], $0x2FFFF;
	_ =	strace $0x9FFFFFFF  }
0xc1: {  	(tm) =	ssettm $0x7FFFFFFF  }
tec
execute0_lowered:
.L_overlay_start_1:
0x0: {  	(tag) =	ssettag $0x1  }
0x1: {  	s0 =	srdreg.scid;
	s5 =	stileid.u32  }
0x2: {  	s1 =	rddreg [dreg:$0x0];
	s2 =	simm.s32 $0x0;
	s16 =	simm.s32 $0xC00  }
0x3: {  	s17 =	simm.s32 $0x1400;
	s18 =	simm.s32 $0x1C00;
	s19 =	simm.s32 $0x2400  }
0x4: {  	s20 =	simm.s32 $0x2C00;
	s21 =	simm.s32 $0x3400;
	[smem:$0x7FF] =	sst s2  }
0x5: {  	s22 =	simm.s32 $0x3C00;
	_ =	strace $0x8000005C;
	[dreg:$0x3] =	wrdreg s16  }
0x6: {  	s7 =	simm.s32 $0x4400;
	s8 =	simm.s32 $0x4C00;
	[dreg:$0x4] =	wrdreg s17  }
0x7: {  	s23 =	simm.s32 $0x5400;
	s24 =	simm.s32 $0x5C00;
	[dreg:$0x5] =	wrdreg s18  }
0x8: {  	s9 =	simm.s32 $0x2;
	s25 =	simm.s32 $0x6400;
	[dreg:$0x6] =	wrdreg s19  }
0x9: {  	s10 =	simm.s32 $0x400;
	s26 =	simm.s32 $0x6C00;
	[dreg:$0x7] =	wrdreg s20  }
0xa: {  	s11 =	simm.s32 $0x7400;
	s12 =	simm.s32 $0x7C00;
	[dreg:$0x8] =	wrdreg s21  }
0xb: {  	s13 =	simm.s32 $0x8400;
	s28 =	simm.s32 $0xF400;
	[dreg:$0x9] =	wrdreg s22  }
0xc: {  	s29 =	simm.s32 $0xFC00;
	s30 =	simm.s32 $0x1;
	[dreg:$0xa] =	wrdreg s7  }
0xd: {  	s31 =	simm.s32 $0x0;
	s0 =	sand.u32 $0x1, s0;
	[dreg:$0xb] =	wrdreg s8  }
0xe: {  	s3 =	smul.u32 $0x3C000, s5;
	s5 =	sshll.u32 s5, $0x1;
	[dreg:$0xc] =	wrdreg s23  }
0xf: {  	s4 =	smul.u32 $0x1E000, s0;
	s5 =	sor.u32 s0, s5;
	[dreg:$0xd] =	wrdreg s24  }
0x10: {  	s0 =	ssub.s32 $0x2, s0;
	s7 =	sadd.s32 $0x4700, s1;
	[dreg:$0xe] =	wrdreg s25  }
0x11: {  	[dreg:$0xf] =	wrdreg s26;
	s16 =	simm.s32 $0x9C00;
	s17 =	simm.s32 $0xA400  }
0x12: {  	s18 =	simm.s32 $0xAC00;
	s19 =	simm.s32 $0xB400;
	s20 =	simm.s32 $0xBC00  }
0x13: {  	s21 =	simm.s32 $0xC400;
	s22 =	simm.s32 $0xCC00;
	s23 =	simm.s32 $0xD400  }
0x14: {  	s24 =	simm.s32 $0xDC00;
	s25 =	simm.s32 $0xE400;
	s26 =	simm.s32 $0xEC00  }
0x15: {  	s3 =	sadd.s32 s3, s1;
	s14 =	smul.u32 $0x3C0, s5;
	s6 =	sshrl.u32 s0, $0x1  }
0x16: {  	s5 =	sadd.s32 $0x4500, s1;
	s3 =	sadd.s32 s4, s3;
	s0 =	ssub.s32 s0, s6  }
0x17: {  	s6 =	sadd.s32 $0x4600, s1;
	s15 =	sadd.s32 $0x3C4400, s3;
	s4 =	sshrl.u32 s14, $0x3  }
0x18: {  	v2 =	vlaneseq.u32;
	s0 =	smax.u32 s0, $0x1;
	[dreg:$0x2] =	wrdreg s15;
	s4 =	sadd.s32 s4, s1  }
0x19: {  	vm0 =	vmmov $0xffff;
	v1 =	vshrl.u32 v2, $0x3;
	s3 =	sadd.s32 $0x4400, s1;
	[dreg:$0x11] =	wrdreg s0;
	s4 =	sadd.s32 $0x2400, s4  }
0x1a: {  	v0 =	vand.u32 $0x7, v2;
	v2 =	vor.u32 $0x8, v2;
	v1 =	vmul.u32 $0x8, v1;
	s14 =	simm.s32 $0x8C00;
	s15 =	simm.s32 $0x9400;
	[dreg:$0x10] =	wrdreg s4  }
.LBB2_1:
0x1b: {  	s0 =	rddreg [dreg:$0x10]  }
0x1c: {  	[tilespmem:s2], [sflag:$0x2] =	stream.linear.gather [hbm4b:s0+s2], $0x3C0, $0x38;
	[tilespmem:$0x10400] =	vst v63  }
0x1d: {  	_ =	swait.ge [sflag:s9], $0x3C0  }
0x1e: {  	[sflag:s9] =	ssyncset.done $0x0  }
0x1f: {  	s1 =	simm.s32 $0x20;
	s0 =	simm.s32 $0x0;
	[sflag:s9] =	ssyncadd.s32 $0xFFFFFC40  }
.LBB2_2:
0x20: {  	v3 =	vld [tilespmem:s1+$0xFFFFFFE0];
	_ =	sdelay $0x4  }
0x21: {  	v4 =	vshll.u32 v3, $0x3  }
0x22: {  	v3 =	vand.u32 $0x7, v3;
	v4 =	vand.u32 $0xFFFFFFC0, v4  }
0x23: {  	v3 =	vor.u32 v3, v4  }
0x24: {  	v4 =	vperm.xlane v3, v0;
	_ =	sdelay $0x1  }
0x25: {  	v4 =	vadd.s32 v1, v4;
	_ =	sdelay $0x4  }
0x26: {  	[tilespmem:s10], [sflag:$0x1] =	stream.indirect_vreg.gather [hbm4b:s3+s2], $0x80, v4, vm0, $0xb8;
	[tilespmem:$0x10400] =	vst v63  }
0x27: {  	s4 =	rddreg [dreg:$0x3];
	v3 =	vperm.xlane v3, v2  }
0x28: {  	[tilespmem:s4], [sflag:$0x1] =	stream.indirect_vreg.gather [hbm4b:s5+s2], $0x80, v4, vm0, $0xb8;
	[tilespmem:$0x10400] =	vst v63  }
0x29: {  	s8 =	rddreg [dreg:$0x4];
	v3 =	vadd.s32 v1, v3  }
0x2a: {  	[tilespmem:s8], [sflag:$0x1] =	stream.indirect_vreg.gather [hbm4b:s6+s2], $0x80, v4, vm0, $0xb8;
	[tilespmem:$0x10400] =	vst v63  }
0x2b: {  	s4 =	rddreg [dreg:$0x5]  }
0x2c: {  	[tilespmem:s4], [sflag:$0x1] =	stream.indirect_vreg.gather [hbm4b:s7+s2], $0x80, v4, vm0, $0xb8;
	[tilespmem:$0x10400] =	vst v63  }
0x2d: {  	s8 =	rddreg [dreg:$0x6]  }
0x2e: {  	[tilespmem:s8], [sflag:$0x1] =	stream.indirect_vreg.gather [hbm4b:s3+s2], $0x80, v3, vm0, $0xb8;
	[tilespmem:$0x10400] =	vst v63  }
0x2f: {  	s4 =	rddreg [dreg:$0x7]  }
0x30: {  	[tilespmem:s4], [sflag:$0x1] =	stream.indirect_vreg.gather [hbm4b:s5+s2], $0x80, v3, vm0, $0xb8;
	[tilespmem:$0x10400] =	vst v63  }
0x31: {  	s8 =	rddreg [dreg:$0x8]  }
0x32: {  	[tilespmem:s8], [sflag:$0x1] =	stream.indirect_vreg.gather [hbm4b:s6+s2], $0x80, v3, vm0, $0xb8;
	[tilespmem:$0x10400] =	vst v63  }
0x33: {  	s4 =	rddreg [dreg:$0x9]  }
0x34: {  	[tilespmem:s4], [sflag:$0x1] =	stream.indirect_vreg.gather [hbm4b:s7+s2], $0x80, v3, vm0, $0xb8;
	[tilespmem:$0x10400] =	vst v63  }
0x35: {  	v3 =	vld [tilespmem:s1+$0xFFFFFFF0];
	_ =	sdelay $0x4  }
0x36: {  	v61 =	vshll.u32 v3, $0x3  }
0x37: {  	v3 =	vand.u32 $0x7, v3;
	v4 =	vand.u32 $0xFFFFFFC0, v61  }
0x38: {  	v3 =	vor.u32 v3, v4  }
0x39: {  	v4 =	vperm.xlane v3, v0;
	_ =	sdelay $0x1  }
0x3a: {  	v4 =	vadd.s32 v1, v4;
	_ =	sdelay $0x3  }
0x3b: {  	s4 =	rddreg [dreg:$0xa]  }
0x3c: {  	[tilespmem:s4], [sflag:$0x1] =	stream.indirect_vreg.gather [hbm4b:s3+s2], $0x80, v4, vm0, $0xb8;
	[tilespmem:$0x10400] =	vst v63  }
0x3d: {  	s8 =	rddreg [dreg:$0xb];
	v3 =	vperm.xlane v3, v2  }
0x3e: {  	[tilespmem:s8], [sflag:$0x1] =	stream.indirect_vreg.gather [hbm4b:s5+s2], $0x80, v4, vm0, $0xb8;
	[tilespmem:$0x10400] =	vst v63  }
0x3f: {  	v3 =	vadd.s32 v1, v3;
	s4 =	rddreg [dreg:$0xc]  }
0x40: {  	[tilespmem:s4], [sflag:$0x1] =	stream.indirect_vreg.gather [hbm4b:s6+s2], $0x80, v4, vm0, $0xb8;
	[tilespmem:$0x10400] =	vst v63  }
0x41: {  	s8 =	rddreg [dreg:$0xd]  }
0x42: {  	[tilespmem:s8], [sflag:$0x1] =	stream.indirect_vreg.gather [hbm4b:s7+s2], $0x80, v4, vm0, $0xb8;
	[tilespmem:$0x10400] =	vst v63  }
0x43: {  	s4 =	rddreg [dreg:$0xe]  }
0x44: {  	[tilespmem:s4], [sflag:$0x1] =	stream.indirect_vreg.gather [hbm4b:s3+s2], $0x80, v3, vm0, $0xb8;
	[tilespmem:$0x10400] =	vst v63  }
0x45: {  	s8 =	rddreg [dreg:$0xf]  }
0x46: {  	[tilespmem:s8], [sflag:$0x1] =	stream.indirect_vreg.gather [hbm4b:s5+s2], $0x80, v3, vm0, $0xb8;
	[tilespmem:$0x10400] =	vst v63  }
0x47: {  	_ = 	snop  }
0x48: {  	[tilespmem:s11], [sflag:$0x1] =	stream.indirect_vreg.gather [hbm4b:s6+s2], $0x80, v3, vm0, $0xb8;
	[tilespmem:$0x10400] =	vst v63  }
0x49: {  	_ = 	snop  }
0x4a: {  	[tilespmem:s12], [sflag:$0x1] =	stream.indirect_vreg.gather [hbm4b:s7+s2], $0x80, v3, vm0, $0xb8;
	[tilespmem:$0x10400] =	vst v63  }
0x4b: {  	v3 =	vld [tilespmem:s1+$0x0];
	_ =	sdelay $0x4  }
0x4c: {  	v62 =	vshll.u32 v3, $0x3  }
0x4d: {  	v3 =	vand.u32 $0x7, v3;
	v4 =	vand.u32 $0xFFFFFFC0, v62  }
0x4e: {  	v3 =	vor.u32 v3, v4  }
0x4f: {  	v4 =	vperm.xlane v3, v0;
	_ =	sdelay $0x1  }
0x50: {  	v4 =	vadd.s32 v1, v4;
	_ =	sdelay $0x4  }
0x51: {  	[tilespmem:s13], [sflag:$0x1] =	stream.indirect_vreg.gather [hbm4b:s3+s2], $0x80, v4, vm0, $0xb8;
	[tilespmem:$0x10400] =	vst v63  }
0x52: {  	v3 =	vperm.xlane v3, v2  }
0x53: {  	[tilespmem:s14], [sflag:$0x1] =	stream.indirect_vreg.gather [hbm4b:s5+s2], $0x80, v4, vm0, $0xb8;
	[tilespmem:$0x10400] =	vst v63  }
0x54: {  	v3 =	vadd.s32 v1, v3  }
0x55: {  	[tilespmem:s15], [sflag:$0x1] =	stream.indirect_vreg.gather [hbm4b:s6+s2], $0x80, v4, vm0, $0xb8;
	[tilespmem:$0x10400] =	vst v63  }
0x56: {  	_ = 	snop  }
0x57: {  	[tilespmem:s16], [sflag:$0x1] =	stream.indirect_vreg.gather [hbm4b:s7+s2], $0x80, v4, vm0, $0xb8;
	[tilespmem:$0x10400] =	vst v63  }
0x58: {  	_ = 	snop  }
0x59: {  	[tilespmem:s17], [sflag:$0x1] =	stream.indirect_vreg.gather [hbm4b:s3+s2], $0x80, v3, vm0, $0xb8;
	[tilespmem:$0x10400] =	vst v63  }
0x5a: {  	_ = 	snop  }
0x5b: {  	[tilespmem:s18], [sflag:$0x1] =	stream.indirect_vreg.gather [hbm4b:s5+s2], $0x80, v3, vm0, $0xb8;
	[tilespmem:$0x10400] =	vst v63  }
0x5c: {  	_ = 	snop  }
0x5d: {  	[tilespmem:s19], [sflag:$0x1] =	stream.indirect_vreg.gather [hbm4b:s6+s2], $0x80, v3, vm0, $0xb8;
	[tilespmem:$0x10400] =	vst v63  }
0x5e: {  	_ = 	snop  }
0x5f: {  	[tilespmem:s20], [sflag:$0x1] =	stream.indirect_vreg.gather [hbm4b:s7+s2], $0x80, v3, vm0, $0xb8;
	[tilespmem:$0x10400] =	vst v63  }
0x60: {  	v3 =	vld [tilespmem:s1+$0x10];
	_ =	sdelay $0x4  }
0x61: {  	v63 =	vshll.u32 v3, $0x3  }
0x62: {  	v3 =	vand.u32 $0x7, v3;
	v4 =	vand.u32 $0xFFFFFFC0, v63  }
0x63: {  	v3 =	vor.u32 v3, v4  }
0x64: {  	v4 =	vperm.xlane v3, v0;
	_ =	sdelay $0x1  }
0x65: {  	v4 =	vadd.s32 v1, v4;
	_ =	sdelay $0x4  }
0x66: {  	[tilespmem:s21], [sflag:$0x1] =	stream.indirect_vreg.gather [hbm4b:s3+s2], $0x80, v4, vm0, $0xb8;
	[tilespmem:$0x10400] =	vst v63  }
0x67: {  	v3 =	vperm.xlane v3, v2  }
0x68: {  	[tilespmem:s22], [sflag:$0x1] =	stream.indirect_vreg.gather [hbm4b:s5+s2], $0x80, v4, vm0, $0xb8;
	[tilespmem:$0x10400] =	vst v63  }
0x69: {  	v3 =	vadd.s32 v1, v3  }
0x6a: {  	[tilespmem:s23], [sflag:$0x1] =	stream.indirect_vreg.gather [hbm4b:s6+s2], $0x80, v4, vm0, $0xb8;
	[tilespmem:$0x10400] =	vst v63  }
0x6b: {  	_ = 	snop  }
0x6c: {  	[tilespmem:s24], [sflag:$0x1] =	stream.indirect_vreg.gather [hbm4b:s7+s2], $0x80, v4, vm0, $0xb8;
	[tilespmem:$0x10400] =	vst v63  }
0x6d: {  	_ = 	snop  }
0x6e: {  	[tilespmem:s25], [sflag:$0x1] =	stream.indirect_vreg.gather [hbm4b:s3+s2], $0x80, v3, vm0, $0xb8;
	[tilespmem:$0x10400] =	vst v63  }
0x6f: {  	_ = 	snop  }
0x70: {  	[tilespmem:s26], [sflag:$0x1] =	stream.indirect_vreg.gather [hbm4b:s5+s2], $0x80, v3, vm0, $0xb8;
	[tilespmem:$0x10400] =	vst v63  }
0x71: {  	_ = 	snop  }
0x72: {  	[tilespmem:s28], [sflag:$0x1] =	stream.indirect_vreg.gather [hbm4b:s6+s2], $0x80, v3, vm0, $0xb8;
	[tilespmem:$0x10400] =	vst v63  }
0x73: {  	_ = 	snop  }
0x74: {  	[tilespmem:s29], [sflag:$0x1] =	stream.indirect_vreg.gather [hbm4b:s7+s2], $0x80, v3, vm0, $0xb8;
	[tilespmem:$0x10400] =	vst v63  }
0x75: {  	_ =	swait.ge [sflag:s30], $0x10000  }
0x76: {  	p0 =	sne.s32 s0, $0x1C000;
	s8 =	rddreg [dreg:$0x2];
	[sflag:s30] =	ssyncset.done $0x0  }
.Ltmp0:
0x77: {  	[sflag:s30] =	ssyncadd.s32 $0xFFFF0000;
	s4 =	sadd.s32 s0, s8;
	(pc) =	sbr.rel @p0 .LBB2_2-.Ltmp0, $4  }
0x78: {  	[hbm4b:s4+s2] =	stream.linear.scatter [tilespmem:s10], [sflag:$0x2], $0x10000, $0x38;
	[tilespmem:$0x10400] =	vst v63  }
0x79: {  	_ =	swait.ge [sflag:s9], $0x10000  }
0x7a: {  	[sflag:s9] =	ssyncset.done $0x0  }
0x7b: {  	s1 =	sadd.s32 $0x40, s1;
	s0 =	sadd.s32 $0x2000, s0;
	[sflag:s9] =	ssyncadd.s32 $0xFFFF0000  }
0x7c: {  	s31 =	sadd.s32 $0x1, s31;
	s0 =	rddreg [dreg:$0x11]  }
0x7d: {  	p0 =	sne.s32 s31, s0  }
.Ltmp1:
0x7e: {  	_ = 	snop;
	(pc) =	sbr.rel @p0 .LBB2_1-.Ltmp1, $1  }
0x7f: {  	_ =	sdelay $0x3  }
0x80: {  	_ =	sfence.sel $0x180000  }
0x81: {  	[bflag:$0x0] =	sbarrier.arrive $0xFFFF  }
0x82: {  	_ =	strace $0x9000005C  }
0x83: {  	s0 =	stileid.u32;
	[bflag:$0x2] =	sbarrier.arrive $0xFFFF  }
0x84: {  	p0 =	sne.s32 s0, $0x0;
	s0 =	rddreg [dreg:$0x1]  }
0x85: {  	s0 =	sadd.s32 @!p0 $0x100000, s0  }
0x86: {  	[sflag:s0] =	ssyncadd.tile.s32 @!p0 $0x1;
	_ =	shalt  }
.Lfunc_end2:
_tile_overlayer_lowered:
.L_overlay_start_2:
0x87: {  	(tag) =	ssettag $0x2  }
0x88: {  	s0 =	rddreg [dreg:$0x0];
	s2 =	stileid.u32  }
0x89: {  	s1 =	rddreg [dreg:$0x1];
	p0 =	sne.s32 s2, $0x0  }
0x8a: {  	s3 =	rddreg [dreg:$0x2];
	[bflag:$0x3] =	sbarrier.arrive $0xFFFF;
	s2 =	simm.s32 @!p0 $0x1C02  }
0x8b: {  	[timem:s3], [sflag:s2] =	dma.local @!p0 [hbm:s0], s1  }
0x8c: {  	s0 =	simm.s32 @!p0 $0x2  }
0x8d: {  	_ =	swait.ge @!p0 [sflag:s0], s1  }
0x8e: {  	s1 =	ssub.s32 @!p0 $0x0, s1;
	[sflag:s0] =	ssyncset.done @!p0 $0x0  }
0x8f: {  	[sflag:s0] =	ssyncadd.s32 @!p0 s1  }
0x90: {  	[bflag:$0x3] =	sbarrier.arrive $0xFFFF  }
0x91: {  	_ =	shalt  }

// kernel: kernel.47.cloned.1.call-start
scs
__scs_entry_jumppad:
0x0: {  	(pc) =	sbr.rel $0x88, $3  }
0x1: {  	(tag) =	ssettag $0x0;
	lr =	simm.s32 $0x1  }
0x2: {  	[smem:$0x3F9D] =	sst lr;
	_ =	strace $0xD0000000  }
0x3: {  	_ = 	snop  }
0x4: {  	_ = 	snop  }
0x5: {  	_ = 	snop  }
0x6: {  	_ = 	snop  }
0x7: {  	_ = 	snop  }
__scs_overlays_trampoline_lowered:
0x8: {  	[smem:$0x3FAC] =	sst s0  }
0x9: {  	[smem:$0x3FAD] =	sst s1  }
0xa: {  	[smem:$0x3FAE] =	sst s2  }
0xb: {  	[smem:$0x3FAF] =	sst s3  }
0xc: {  	[smem:$0x3FB0] =	sst s4  }
0xd: {  	[smem:$0x3FB1] =	sst s5  }
0xe: {  	[smem:$0x3FB2] =	sst s6  }
0xf: {  	[smem:$0x3FB3] =	sst s7  }
0x10: {  	[smem:$0x3FB4] =	sst s8  }
0x11: {  	[smem:$0x3FB5] =	sst s9;
	s0 =	simm.s32 @!p0 $0x0  }
0x12: {  	s1 =	sld [smem:$0x3F9B];
	s0 =	simm.s32 @p0 $0x1  }
0x13: {  	[smem:$0x3FB6] =	sst s0;
	s0 =	simm.s32 @!p1 $0x0  }
0x14: {  	s2 =	sld [smem:$0x3F9A];
	s0 =	simm.s32 @p1 $0x1  }
0x15: {  	[smem:$0x3FB7] =	sst s0;
	s0 =	simm.s32 @!p2 $0x0  }
0x16: {  	s3 =	sld [smem:$0x3FDB];
	s0 =	simm.s32 @p2 $0x1  }
0x17: {  	s4 =	simm.s32 $0x1BF5;
	[smem:$0x3FB9] =	sst s0  }
0x18: {  	s0 =	sld [smem:$0x3F9C];
	_ =	swait.ge [sflag:s4], $0x0  }
0x19: {  	s7 =	sld [smem:$0x3F9D]  }
0x1a: {  	s8 =	sadd.s32 $0xFFFFE003, lr  }
0x1b: {  	s9 =	sadd.s32 $0xFFFFFEF7, lr;
	s5 =	simm.s32 $0xFFFFFFFF;
	p2 =	slt.u32 s8, $0xFFFFF086  }
0x1c: {  	p1 =	slt.u32 s9, $0xF7A;
	s5 =	simm.s32 @!p2 $0x0  }
0x1d: {  	s5 =	simm.s32 @p1 $0x1;
	p0 =	seq.s32 s7, s2  }
0x1e: {  	s7 =	smul.u32 @!p0 $0xF7A, s2;
	p2 =	seq.s32 @!p0 s5, $0x0  }
0x1f: {  	s9 =	smul.u32 $0xF7A, s1;
	s8 =	simm.s32 @!p0 $0x1BF5;
	p2 =	por !p2, p0  }
0x20: {  	[sflag:s8] =	ssyncset.s32 @!p0 $0xFFFFF086;
	s6 =	sadd.s32 @!p0 s3, s7;
	s7 =	simm.s32 @!p0 $0x108  }
0x21: {  	s3 =	sadd.s32 s3, s9;
	s6 =	sadd.s32 @!p0 $0x88, s6;
	s7 =	simm.s32 @p2 $0x1082  }
0x22: {  	[simem:s7], [sflag:s8] =	dma.local @!p0 [hbm:s6], $0xF7A  }
0x23: {  	s9 =	sor.u32 $0xD0000000, s2;
	s6 =	simm.s32 $0x108;
	_ =	swait.ge @!p0 [sflag:s8], $0x0  }
0x24: {  	s3 =	sadd.s32 $0x88, s3;
	s6 =	simm.s32 @!p1 $0x1082;
	[sflag:s4] =	ssyncset.s32 $0xFFFFF086  }
0x25: {  	[simem:s6], [sflag:s4] =	dma.local [hbm:s3], $0xF7A  }
0x26: {  	[smem:$0x3F9D] =	sst s1;
	(tag) =	ssettag s2;
	_ =	strace s9  }
0x27: {  	s1 =	sld [smem:$0x3FAD]  }
0x28: {  	s2 =	sld [smem:$0x3FAE]  }
0x29: {  	s4 =	sld [smem:$0x3FB0]  }
0x2a: {  	p0 =	seq.s32 s5, $0x0;
	s5 =	sld [smem:$0x3FB1]  }
0x2b: {  	s6 =	sld [smem:$0x3FB2]  }
0x2c: {  	s7 =	sld [smem:$0x3FB3]  }
0x2d: {  	s3 =	simm.s32 $0x108;
	s8 =	sld [smem:$0x3FB4]  }
0x2e: {  	s3 =	simm.s32 @!p0 $0x1082;
	s9 =	sld [smem:$0x3FB5]  }
0x2f: {  	lr =	sadd.s32 s0, s3;
	s0 =	sld [smem:$0x3FAC]  }
0x30: {  	s3 =	sld [smem:$0x3FAF]  }
0x31: {  	[smem:$0x3FB8] =	sst s10  }
0x32: {  	s10 =	sld [smem:$0x3FB6];
	_ =	sdelay $0x3  }
0x33: {  	p0 =	seq.s32 s10, $0x1;
	s10 =	sld [smem:$0x3FB8];
	_ =	sdelay $0x3  }
0x34: {  	[smem:$0x3FB8] =	sst s10  }
0x35: {  	s10 =	sld [smem:$0x3FB7];
	_ =	sdelay $0x3  }
0x36: {  	p1 =	seq.s32 s10, $0x1;
	s10 =	sld [smem:$0x3FB8];
	_ =	sdelay $0x3  }
0x37: {  	[smem:$0x3FB8] =	sst s10  }
0x38: {  	s10 =	sld [smem:$0x3FB9]  }
0x39: {  	_ = 	snop;
	(pc) =	sbr.ind lr, $3  }
0x3a: {  	_ = 	snop  }
0x3b: {  	_ = 	snop  }
0x3c: {  	p2 =	seq.s32 s10, $0x1;
	s10 =	sld [smem:$0x3FB8]  }
0x3d: {  	_ =	shalt  }
0x3e: {  	_ =	shalt  }
0x3f: {  	_ =	shalt  }
0x40: {  	_ =	shalt  }
0x41: {  	_ =	shalt  }
0x42: {  	_ =	shalt  }
0x43: {  	_ =	shalt  }
0x44: {  	_ =	shalt  }
0x45: {  	_ =	shalt  }
0x46: {  	_ =	shalt  }
0x47: {  	_ =	shalt  }
0x48: {  	_ =	shalt  }
0x49: {  	_ =	shalt  }
0x4a: {  	_ =	shalt  }
0x4b: {  	_ =	shalt  }
0x4c: {  	_ =	shalt  }
0x4d: {  	_ =	shalt  }
0x4e: {  	_ =	shalt  }
0x4f: {  	_ =	shalt  }
0x50: {  	_ =	shalt  }
0x51: {  	_ =	shalt  }
0x52: {  	_ =	shalt  }
0x53: {  	_ =	shalt  }
0x54: {  	_ =	shalt  }
0x55: {  	_ =	shalt  }
0x56: {  	_ =	shalt  }
0x57: {  	_ =	shalt  }
0x58: {  	_ =	shalt  }
0x59: {  	_ =	shalt  }
0x5a: {  	_ =	shalt  }
0x5b: {  	_ =	shalt  }
0x5c: {  	_ =	shalt  }
0x5d: {  	_ =	shalt  }
0x5e: {  	_ =	shalt  }
0x5f: {  	_ =	shalt  }
0x60: {  	_ =	shalt  }
0x61: {  	_ =	shalt  }
0x62: {  	_ =	shalt  }
0x63: {  	_ =	shalt  }
0x64: {  	_ =	shalt  }
0x65: {  	_ =	shalt  }
0x66: {  	_ =	shalt  }
0x67: {  	_ =	shalt  }
0x68: {  	_ =	shalt  }
0x69: {  	_ =	shalt  }
0x6a: {  	_ =	shalt  }
0x6b: {  	_ =	shalt  }
0x6c: {  	_ =	shalt  }
0x6d: {  	_ =	shalt  }
0x6e: {  	_ =	shalt  }
0x6f: {  	_ =	shalt  }
0x70: {  	_ =	shalt  }
0x71: {  	_ =	shalt  }
0x72: {  	_ =	shalt  }
0x73: {  	_ =	shalt  }
0x74: {  	_ =	shalt  }
0x75: {  	_ =	shalt  }
0x76: {  	_ =	shalt  }
0x77: {  	_ =	shalt  }
0x78: {  	_ =	shalt  }
0x79: {  	_ =	shalt  }
0x7a: {  	_ =	shalt  }
0x7b: {  	_ =	shalt  }
0x7c: {  	_ =	shalt  }
0x7d: {  	_ =	shalt  }
0x7e: {  	_ =	shalt  }
0x7f: {  	_ =	shalt  }
0x80: {  	_ =	shalt  }
0x81: {  	_ =	shalt  }
0x82: {  	_ =	shalt  }
0x83: {  	_ =	shalt  }
0x84: {  	_ =	shalt  }
0x85: {  	_ =	shalt  }
0x86: {  	_ =	shalt  }
0x87: {  	_ =	shalt  }
.Lfunc_end0:
.L_simem_size_0:
called_computation.8_lowered:
.L_overlay_start_0:
0x88: {  	s2 =	sld [smem:$0x3FD9]  }
0x89: {  	s3 =	sld [smem:$0x3FFE];
	_ =	sdelay $0x1  }
0x8a: {  	s1 =	srdreg.scid  }
0x8b: {  	s0 =	sand.u32 $0x1, s1  }
0x8c: {  	s16 =	sshll.u32 s0, $0xA;
	s2 =	sadd.s32 s3, s2  }
0x8d: {  	s2 =	sadd.s32 s2, s16  }
0x8e: {  	[smem:$0x3FC4] =	sst s2  }
0x8f: {  	_ = 	snop  }
0x90: {  	(tm) =	ssettm $0x1  }
0x91: {  	s17 =	sld [smem:$0x3FFB];
	_ =	sdelay $0x3  }
0x92: {  	_ =	strace s17  }
0x93: {  	s2 =	sld [smem:$0x3FFC];
	_ =	sdelay $0x3  }
0x94: {  	_ =	strace s2  }
0x95: {  	s2 =	sld [smem:$0x3FFD];
	_ =	sdelay $0x3  }
0x96: {  	_ =	strace s2  }
0x97: {  	_ =	strace $0x8FFFFFFF  }
0x98: {  	s18 =	sld [smem:$0x3FDB];
	_ =	sdelay $0x1  }
0x99: {  	s19 =	simm.s32 $_scs_section_size  }
0x9a: {  	s4 =	simm.s32 $_size__tile_overlayer_lowered;
	s5 =	simm.s32 $_tile_overlayer_lowered  }
0x9b: {  	s22 =	simm.s32 $0x1BFF;
	s21 =	sshll.u32 s5, $0x1;
	s2 =	sadd.s32 s19, s18  }
0x9c: {  	s6 =	simm.s32 $0x0;
	s20 =	sshll.u32 s4, $0x1;
	s4 =	sadd.s32 s21, s2  }
0x9d: {  	[timem:s6], [sflag:s22] =	dma.local [hbm:s4], s20  }
0x9e: {  	_ =	swait.ge [sflag:s22], s20  }
0x9f: {  	s3 =	ssub.s32 $0x0, s20;
	[sflag:s22] =	ssyncset.done $0x0  }
0xa0: {  	[sflag:s22] =	ssyncadd.s32 s3;
	_ =	sdelay $0x1  }
0xa1: {  	s23 =	simm.s32 $0x1B8B  }
0xa2: {  	_ =	swait.ge [sflag:s23], $0x1  }
0xa3: {  	[sflag:s23] =	ssyncset.done $0x0  }
0xa4: {  	s25 =	simm.s32 $0x1B8E;
	s24 =	sld [smem:$0x3FFE];
	[sflag:s23] =	ssyncadd.s32 $0xFFFFFFFF  }
0xa5: {  	s26 =	simm.s32 $execute0_lowered;
	[smem:$0x3FD2] =	sst s25  }
0xa6: {  	s4 =	sshll.u32 s26, $0x1;
	_ =	strace $0x8000005E;
	[dreg:$0x1] =	wrdreg $0xFFFFFFFF  }
0xa7: {  	s28 =	simm.s32 $_size_execute0_lowered;
	s2 =	sadd.s32 s2, s4;
	[dreg:$0x0] =	wrdreg $0x0  }
0xa8: {  	s4 =	sshll.u32 s28, $0x1;
	[dreg:$0x2] =	wrdreg s2  }
0xa9: {  	[dreg:$0x3] =	wrdreg s4  }
0xaa: {  	[dreg:$0x4] =	wrdreg $0xC0  }
0xab: {  	_ =	task [dreg:s6], $0x5FFFF  }
0xac: {  	[dreg:$0x1] =	wrdreg $0xFFFFFFFF  }
0xad: {  	[dreg:$0x0] =	wrdreg $0x60  }
0xae: {  	[dreg:$0x2] =	wrdreg s24  }
0xaf: {  	[dreg:$0x3] =	wrdreg $0x9  }
0xb0: {  	_ =	task.clear_ibuf [dreg:s6], $0x4FFFF;
	_ =	strace $0x9000005E  }
0xb1: {  	s29 =	simm.s32 $0x9;
	_ =	strace $0x80000060  }
0xb2: {  	_ =	swait.ge [sflag:s29], $0x1  }
0xb3: {  	[sflag:s29] =	ssyncadd.s32 $0xFFFFFFFF  }
0xb4: {  	_ =	strace $0x90000060  }
0xb5: {  	_ =	sfence  }
0xb6: {  	s30 =	sld [smem:$0x0];
	_ =	sdelay $0x2  }
0xb7: {  	s31 =	sshll.u32 s1, $0xD;
	s1 =	sshrl.u32 s1, $0x2  }
0xb8: {  	s3 =	sand.u32 $0x4000, s31;
	s1 =	sadd.s32 s1, s30  }
0xb9: {  	s0 =	sor.u32 s3, s0;
	s1 =	sshll.u32 s1, $0x11  }
0xba: {  	s0 =	sor.u32 s1, s0  }
0xbb: {  	s0 =	sadd.s32 $0x8F2B, s0  }
0xbc: {  	[sflag:s0] =	ssyncadd.remote.s32 $0x1  }
0xbd: {  	_ =	sfence.sel $0xFFFF  }
0xbe: {  	[dreg:$0x0] =	wrdreg $0xFFFFFFFF;
	(pc) =	sbr.abs _section_cstart, $3  }
0xbf: {  	[dreg:$0x1] =	wrdreg $0xFFFFFFFF  }
0xc0: {  	_ =	task.clear_ibuf [dreg:s6], $0x2FFFF;
	_ =	strace $0x9FFFFFFF  }
0xc1: {  	(tm) =	ssettm $0x7FFFFFFF  }
tec
execute0_lowered:
.L_overlay_start_1:
0x0: {  	(tag) =	ssettag $0x1  }
0x1: {  	s0 =	srdreg.scid;
	s5 =	stileid.u32  }
0x2: {  	s1 =	rddreg [dreg:$0x0];
	s2 =	simm.s32 $0x0;
	s16 =	simm.s32 $0xC00  }
0x3: {  	s17 =	simm.s32 $0x1400;
	s18 =	simm.s32 $0x1C00;
	s19 =	simm.s32 $0x2400  }
0x4: {  	s20 =	simm.s32 $0x2C00;
	s21 =	simm.s32 $0x3400;
	[smem:$0x7FF] =	sst s2  }
0x5: {  	s22 =	simm.s32 $0x3C00;
	_ =	strace $0x8000005F;
	[dreg:$0x3] =	wrdreg s16  }
0x6: {  	s7 =	simm.s32 $0x4400;
	s8 =	simm.s32 $0x4C00;
	[dreg:$0x4] =	wrdreg s17  }
0x7: {  	s23 =	simm.s32 $0x5400;
	s24 =	simm.s32 $0x5C00;
	[dreg:$0x5] =	wrdreg s18  }
0x8: {  	s9 =	simm.s32 $0x2;
	s25 =	simm.s32 $0x6400;
	[dreg:$0x6] =	wrdreg s19  }
0x9: {  	s10 =	simm.s32 $0x400;
	s26 =	simm.s32 $0x6C00;
	[dreg:$0x7] =	wrdreg s20  }
0xa: {  	s11 =	simm.s32 $0x7400;
	s12 =	simm.s32 $0x7C00;
	[dreg:$0x8] =	wrdreg s21  }
0xb: {  	s13 =	simm.s32 $0x8400;
	s28 =	simm.s32 $0xF400;
	[dreg:$0x9] =	wrdreg s22  }
0xc: {  	s29 =	simm.s32 $0xFC00;
	s30 =	simm.s32 $0x1;
	[dreg:$0xa] =	wrdreg s7  }
0xd: {  	s31 =	simm.s32 $0x0;
	s0 =	sand.u32 $0x1, s0;
	[dreg:$0xb] =	wrdreg s8  }
0xe: {  	s3 =	smul.u32 $0x3C000, s5;
	s5 =	sshll.u32 s5, $0x1;
	[dreg:$0xc] =	wrdreg s23  }
0xf: {  	s4 =	smul.u32 $0x1E000, s0;
	s5 =	sor.u32 s0, s5;
	[dreg:$0xd] =	wrdreg s24  }
0x10: {  	s0 =	ssub.s32 $0x2, s0;
	s7 =	sadd.s32 $0x4700, s1;
	[dreg:$0xe] =	wrdreg s25  }
0x11: {  	[dreg:$0xf] =	wrdreg s26;
	s16 =	simm.s32 $0x9C00;
	s17 =	simm.s32 $0xA400  }
0x12: {  	s18 =	simm.s32 $0xAC00;
	s19 =	simm.s32 $0xB400;
	s20 =	simm.s32 $0xBC00  }
0x13: {  	s21 =	simm.s32 $0xC400;
	s22 =	simm.s32 $0xCC00;
	s23 =	simm.s32 $0xD400  }
0x14: {  	s24 =	simm.s32 $0xDC00;
	s25 =	simm.s32 $0xE400;
	s26 =	simm.s32 $0xEC00  }
0x15: {  	s3 =	sadd.s32 s3, s1;
	s14 =	smul.u32 $0x3C0, s5;
	s6 =	sshrl.u32 s0, $0x1  }
0x16: {  	s5 =	sadd.s32 $0x4500, s1;
	s3 =	sadd.s32 s4, s3;
	s0 =	ssub.s32 s0, s6  }
0x17: {  	s6 =	sadd.s32 $0x4600, s1;
	s15 =	sadd.s32 $0x3C4400, s3;
	s4 =	sshrl.u32 s14, $0x3  }
0x18: {  	v2 =	vlaneseq.u32;
	s0 =	smax.u32 s0, $0x1;
	[dreg:$0x2] =	wrdreg s15;
	s4 =	sadd.s32 s4, s1  }
0x19: {  	vm0 =	vmmov $0xffff;
	v1 =	vshrl.u32 v2, $0x3;
	s3 =	sadd.s32 $0x4400, s1;
	[dreg:$0x11] =	wrdreg s0;
	s4 =	sadd.s32 $0x3400, s4  }
0x1a: {  	v0 =	vand.u32 $0x7, v2;
	v2 =	vor.u32 $0x8, v2;
	v1 =	vmul.u32 $0x8, v1;
	s14 =	simm.s32 $0x8C00;
	s15 =	simm.s32 $0x9400;
	[dreg:$0x10] =	wrdreg s4  }
.LBB2_1:
0x1b: {  	s0 =	rddreg [dreg:$0x10]  }
0x1c: {  	[tilespmem:s2], [sflag:$0x2] =	stream.linear.gather [hbm4b:s0+s2], $0x3C0, $0x38;
	[tilespmem:$0x10400] =	vst v63  }
0x1d: {  	_ =	swait.ge [sflag:s9], $0x3C0  }
0x1e: {  	[sflag:s9] =	ssyncset.done $0x0  }
0x1f: {  	s1 =	simm.s32 $0x20;
	s0 =	simm.s32 $0x0;
	[sflag:s9] =	ssyncadd.s32 $0xFFFFFC40  }
.LBB2_2:
0x20: {  	v3 =	vld [tilespmem:s1+$0xFFFFFFE0];
	_ =	sdelay $0x4  }
0x21: {  	v4 =	vshll.u32 v3, $0x3  }
0x22: {  	v3 =	vand.u32 $0x7, v3;
	v4 =	vand.u32 $0xFFFFFFC0, v4  }
0x23: {  	v3 =	vor.u32 v3, v4  }
0x24: {  	v4 =	vperm.xlane v3, v0;
	_ =	sdelay $0x1  }
0x25: {  	v4 =	vadd.s32 v1, v4;
	_ =	sdelay $0x4  }
0x26: {  	[tilespmem:s10], [sflag:$0x1] =	stream.indirect_vreg.gather [hbm4b:s3+s2], $0x80, v4, vm0, $0xb8;
	[tilespmem:$0x10400] =	vst v63  }
0x27: {  	s4 =	rddreg [dreg:$0x3];
	v3 =	vperm.xlane v3, v2  }
0x28: {  	[tilespmem:s4], [sflag:$0x1] =	stream.indirect_vreg.gather [hbm4b:s5+s2], $0x80, v4, vm0, $0xb8;
	[tilespmem:$0x10400] =	vst v63  }
0x29: {  	s8 =	rddreg [dreg:$0x4];
	v3 =	vadd.s32 v1, v3  }
0x2a: {  	[tilespmem:s8], [sflag:$0x1] =	stream.indirect_vreg.gather [hbm4b:s6+s2], $0x80, v4, vm0, $0xb8;
	[tilespmem:$0x10400] =	vst v63  }
0x2b: {  	s4 =	rddreg [dreg:$0x5]  }
0x2c: {  	[tilespmem:s4], [sflag:$0x1] =	stream.indirect_vreg.gather [hbm4b:s7+s2], $0x80, v4, vm0, $0xb8;
	[tilespmem:$0x10400] =	vst v63  }
0x2d: {  	s8 =	rddreg [dreg:$0x6]  }
0x2e: {  	[tilespmem:s8], [sflag:$0x1] =	stream.indirect_vreg.gather [hbm4b:s3+s2], $0x80, v3, vm0, $0xb8;
	[tilespmem:$0x10400] =	vst v63  }
0x2f: {  	s4 =	rddreg [dreg:$0x7]  }
0x30: {  	[tilespmem:s4], [sflag:$0x1] =	stream.indirect_vreg.gather [hbm4b:s5+s2], $0x80, v3, vm0, $0xb8;
	[tilespmem:$0x10400] =	vst v63  }
0x31: {  	s8 =	rddreg [dreg:$0x8]  }
0x32: {  	[tilespmem:s8], [sflag:$0x1] =	stream.indirect_vreg.gather [hbm4b:s6+s2], $0x80, v3, vm0, $0xb8;
	[tilespmem:$0x10400] =	vst v63  }
0x33: {  	s4 =	rddreg [dreg:$0x9]  }
0x34: {  	[tilespmem:s4], [sflag:$0x1] =	stream.indirect_vreg.gather [hbm4b:s7+s2], $0x80, v3, vm0, $0xb8;
	[tilespmem:$0x10400] =	vst v63  }
0x35: {  	v3 =	vld [tilespmem:s1+$0xFFFFFFF0];
	_ =	sdelay $0x4  }
0x36: {  	v61 =	vshll.u32 v3, $0x3  }
0x37: {  	v3 =	vand.u32 $0x7, v3;
	v4 =	vand.u32 $0xFFFFFFC0, v61  }
0x38: {  	v3 =	vor.u32 v3, v4  }
0x39: {  	v4 =	vperm.xlane v3, v0;
	_ =	sdelay $0x1  }
0x3a: {  	v4 =	vadd.s32 v1, v4;
	_ =	sdelay $0x3  }
0x3b: {  	s4 =	rddreg [dreg:$0xa]  }
0x3c: {  	[tilespmem:s4], [sflag:$0x1] =	stream.indirect_vreg.gather [hbm4b:s3+s2], $0x80, v4, vm0, $0xb8;
	[tilespmem:$0x10400] =	vst v63  }
0x3d: {  	s8 =	rddreg [dreg:$0xb];
	v3 =	vperm.xlane v3, v2  }
0x3e: {  	[tilespmem:s8], [sflag:$0x1] =	stream.indirect_vreg.gather [hbm4b:s5+s2], $0x80, v4, vm0, $0xb8;
	[tilespmem:$0x10400] =	vst v63  }
0x3f: {  	v3 =	vadd.s32 v1, v3;
	s4 =	rddreg [dreg:$0xc]  }
0x40: {  	[tilespmem:s4], [sflag:$0x1] =	stream.indirect_vreg.gather [hbm4b:s6+s2], $0x80, v4, vm0, $0xb8;
	[tilespmem:$0x10400] =	vst v63  }
0x41: {  	s8 =	rddreg [dreg:$0xd]  }
0x42: {  	[tilespmem:s8], [sflag:$0x1] =	stream.indirect_vreg.gather [hbm4b:s7+s2], $0x80, v4, vm0, $0xb8;
	[tilespmem:$0x10400] =	vst v63  }
0x43: {  	s4 =	rddreg [dreg:$0xe]  }
0x44: {  	[tilespmem:s4], [sflag:$0x1] =	stream.indirect_vreg.gather [hbm4b:s3+s2], $0x80, v3, vm0, $0xb8;
	[tilespmem:$0x10400] =	vst v63  }
0x45: {  	s8 =	rddreg [dreg:$0xf]  }
0x46: {  	[tilespmem:s8], [sflag:$0x1] =	stream.indirect_vreg.gather [hbm4b:s5+s2], $0x80, v3, vm0, $0xb8;
	[tilespmem:$0x10400] =	vst v63  }
0x47: {  	_ = 	snop  }
0x48: {  	[tilespmem:s11], [sflag:$0x1] =	stream.indirect_vreg.gather [hbm4b:s6+s2], $0x80, v3, vm0, $0xb8;
	[tilespmem:$0x10400] =	vst v63  }
0x49: {  	_ = 	snop  }
0x4a: {  	[tilespmem:s12], [sflag:$0x1] =	stream.indirect_vreg.gather [hbm4b:s7+s2], $0x80, v3, vm0, $0xb8;
	[tilespmem:$0x10400] =	vst v63  }
0x4b: {  	v3 =	vld [tilespmem:s1+$0x0];
	_ =	sdelay $0x4  }
0x4c: {  	v62 =	vshll.u32 v3, $0x3  }
0x4d: {  	v3 =	vand.u32 $0x7, v3;
	v4 =	vand.u32 $0xFFFFFFC0, v62  }
0x4e: {  	v3 =	vor.u32 v3, v4  }
0x4f: {  	v4 =	vperm.xlane v3, v0;
	_ =	sdelay $0x1  }
0x50: {  	v4 =	vadd.s32 v1, v4;
	_ =	sdelay $0x4  }
0x51: {  	[tilespmem:s13], [sflag:$0x1] =	stream.indirect_vreg.gather [hbm4b:s3+s2], $0x80, v4, vm0, $0xb8;
	[tilespmem:$0x10400] =	vst v63  }
0x52: {  	v3 =	vperm.xlane v3, v2  }
0x53: {  	[tilespmem:s14], [sflag:$0x1] =	stream.indirect_vreg.gather [hbm4b:s5+s2], $0x80, v4, vm0, $0xb8;
	[tilespmem:$0x10400] =	vst v63  }
0x54: {  	v3 =	vadd.s32 v1, v3  }
0x55: {  	[tilespmem:s15], [sflag:$0x1] =	stream.indirect_vreg.gather [hbm4b:s6+s2], $0x80, v4, vm0, $0xb8;
	[tilespmem:$0x10400] =	vst v63  }
0x56: {  	_ = 	snop  }
0x57: {  	[tilespmem:s16], [sflag:$0x1] =	stream.indirect_vreg.gather [hbm4b:s7+s2], $0x80, v4, vm0, $0xb8;
	[tilespmem:$0x10400] =	vst v63  }
0x58: {  	_ = 	snop  }
0x59: {  	[tilespmem:s17], [sflag:$0x1] =	stream.indirect_vreg.gather [hbm4b:s3+s2], $0x80, v3, vm0, $0xb8;
	[tilespmem:$0x10400] =	vst v63  }
0x5a: {  	_ = 	snop  }
0x5b: {  	[tilespmem:s18], [sflag:$0x1] =	stream.indirect_vreg.gather [hbm4b:s5+s2], $0x80, v3, vm0, $0xb8;
	[tilespmem:$0x10400] =	vst v63  }
0x5c: {  	_ = 	snop  }
0x5d: {  	[tilespmem:s19], [sflag:$0x1] =	stream.indirect_vreg.gather [hbm4b:s6+s2], $0x80, v3, vm0, $0xb8;
	[tilespmem:$0x10400] =	vst v63  }
0x5e: {  	_ = 	snop  }
0x5f: {  	[tilespmem:s20], [sflag:$0x1] =	stream.indirect_vreg.gather [hbm4b:s7+s2], $0x80, v3, vm0, $0xb8;
	[tilespmem:$0x10400] =	vst v63  }
0x60: {  	v3 =	vld [tilespmem:s1+$0x10];
	_ =	sdelay $0x4  }
0x61: {  	v63 =	vshll.u32 v3, $0x3  }
0x62: {  	v3 =	vand.u32 $0x7, v3;
	v4 =	vand.u32 $0xFFFFFFC0, v63  }
0x63: {  	v3 =	vor.u32 v3, v4  }
0x64: {  	v4 =	vperm.xlane v3, v0;
	_ =	sdelay $0x1  }
0x65: {  	v4 =	vadd.s32 v1, v4;
	_ =	sdelay $0x4  }
0x66: {  	[tilespmem:s21], [sflag:$0x1] =	stream.indirect_vreg.gather [hbm4b:s3+s2], $0x80, v4, vm0, $0xb8;
	[tilespmem:$0x10400] =	vst v63  }
0x67: {  	v3 =	vperm.xlane v3, v2  }
0x68: {  	[tilespmem:s22], [sflag:$0x1] =	stream.indirect_vreg.gather [hbm4b:s5+s2], $0x80, v4, vm0, $0xb8;
	[tilespmem:$0x10400] =	vst v63  }
0x69: {  	v3 =	vadd.s32 v1, v3  }
0x6a: {  	[tilespmem:s23], [sflag:$0x1] =	stream.indirect_vreg.gather [hbm4b:s6+s2], $0x80, v4, vm0, $0xb8;
	[tilespmem:$0x10400] =	vst v63  }
0x6b: {  	_ = 	snop  }
0x6c: {  	[tilespmem:s24], [sflag:$0x1] =	stream.indirect_vreg.gather [hbm4b:s7+s2], $0x80, v4, vm0, $0xb8;
	[tilespmem:$0x10400] =	vst v63  }
0x6d: {  	_ = 	snop  }
0x6e: {  	[tilespmem:s25], [sflag:$0x1] =	stream.indirect_vreg.gather [hbm4b:s3+s2], $0x80, v3, vm0, $0xb8;
	[tilespmem:$0x10400] =	vst v63  }
0x6f: {  	_ = 	snop  }
0x70: {  	[tilespmem:s26], [sflag:$0x1] =	stream.indirect_vreg.gather [hbm4b:s5+s2], $0x80, v3, vm0, $0xb8;
	[tilespmem:$0x10400] =	vst v63  }
0x71: {  	_ = 	snop  }
0x72: {  	[tilespmem:s28], [sflag:$0x1] =	stream.indirect_vreg.gather [hbm4b:s6+s2], $0x80, v3, vm0, $0xb8;
	[tilespmem:$0x10400] =	vst v63  }
0x73: {  	_ = 	snop  }
0x74: {  	[tilespmem:s29], [sflag:$0x1] =	stream.indirect_vreg.gather [hbm4b:s7+s2], $0x80, v3, vm0, $0xb8;
	[tilespmem:$0x10400] =	vst v63  }
0x75: {  	_ =	swait.ge [sflag:s30], $0x10000  }
0x76: {  	p0 =	sne.s32 s0, $0x1C000;
	s8 =	rddreg [dreg:$0x2];
	[sflag:s30] =	ssyncset.done $0x0  }
.Ltmp0:
0x77: {  	[sflag:s30] =	ssyncadd.s32 $0xFFFF0000;
	s4 =	sadd.s32 s0, s8;
	(pc) =	sbr.rel @p0 .LBB2_2-.Ltmp0, $4  }
0x78: {  	[hbm4b:s4+s2] =	stream.linear.scatter [tilespmem:s10], [sflag:$0x2], $0x10000, $0x38;
	[tilespmem:$0x10400] =	vst v63  }
0x79: {  	_ =	swait.ge [sflag:s9], $0x10000  }
0x7a: {  	[sflag:s9] =	ssyncset.done $0x0  }
0x7b: {  	s1 =	sadd.s32 $0x40, s1;
	s0 =	sadd.s32 $0x2000, s0;
	[sflag:s9] =	ssyncadd.s32 $0xFFFF0000  }
0x7c: {  	s31 =	sadd.s32 $0x1, s31;
	s0 =	rddreg [dreg:$0x11]  }
0x7d: {  	p0 =	sne.s32 s31, s0  }
.Ltmp1:
0x7e: {  	_ = 	snop;
	(pc) =	sbr.rel @p0 .LBB2_1-.Ltmp1, $1  }
0x7f: {  	_ =	sdelay $0x3  }
0x80: {  	_ =	sfence.sel $0x180000  }
0x81: {  	[bflag:$0x0] =	sbarrier.arrive $0xFFFF  }
0x82: {  	_ =	strace $0x9000005F  }
0x83: {  	s0 =	stileid.u32;
	[bflag:$0x2] =	sbarrier.arrive $0xFFFF  }
0x84: {  	p0 =	sne.s32 s0, $0x0;
	s0 =	rddreg [dreg:$0x1]  }
0x85: {  	s0 =	sadd.s32 @!p0 $0x100000, s0  }
0x86: {  	[sflag:s0] =	ssyncadd.tile.s32 @!p0 $0x1;
	_ =	shalt  }
.Lfunc_end2:
_tile_overlayer_lowered:
.L_overlay_start_2:
0x87: {  	(tag) =	ssettag $0x2  }
0x88: {  	s0 =	rddreg [dreg:$0x0];
	s2 =	stileid.u32  }
0x89: {  	s1 =	rddreg [dreg:$0x1];
	p0 =	sne.s32 s2, $0x0  }
0x8a: {  	s3 =	rddreg [dreg:$0x2];
	[bflag:$0x3] =	sbarrier.arrive $0xFFFF;
	s2 =	simm.s32 @!p0 $0x1C02  }
0x8b: {  	[timem:s3], [sflag:s2] =	dma.local @!p0 [hbm:s0], s1  }
0x8c: {  	s0 =	simm.s32 @!p0 $0x2  }
0x8d: {  	_ =	swait.ge @!p0 [sflag:s0], s1  }
0x8e: {  	s1 =	ssub.s32 @!p0 $0x0, s1;
	[sflag:s0] =	ssyncset.done @!p0 $0x0  }
0x8f: {  	[sflag:s0] =	ssyncadd.s32 @!p0 s1  }
0x90: {  	[bflag:$0x3] =	sbarrier.arrive $0xFFFF  }
0x91: {  	_ =	shalt  }

// kernel: kernel.50.cloned.1.call-start
scs
__scs_entry_jumppad:
0x0: {  	(pc) =	sbr.rel $0x88, $3  }
0x1: {  	(tag) =	ssettag $0x0;
	lr =	simm.s32 $0x1  }
0x2: {  	[smem:$0x3F9D] =	sst lr;
	_ =	strace $0xD0000000  }
0x3: {  	_ = 	snop  }
0x4: {  	_ = 	snop  }
0x5: {  	_ = 	snop  }
0x6: {  	_ = 	snop  }
0x7: {  	_ = 	snop  }
__scs_overlays_trampoline_lowered:
0x8: {  	[smem:$0x3FAC] =	sst s0  }
0x9: {  	[smem:$0x3FAD] =	sst s1  }
0xa: {  	[smem:$0x3FAE] =	sst s2  }
0xb: {  	[smem:$0x3FAF] =	sst s3  }
0xc: {  	[smem:$0x3FB0] =	sst s4  }
0xd: {  	[smem:$0x3FB1] =	sst s5  }
0xe: {  	[smem:$0x3FB2] =	sst s6  }
0xf: {  	[smem:$0x3FB3] =	sst s7  }
0x10: {  	[smem:$0x3FB4] =	sst s8  }
0x11: {  	[smem:$0x3FB5] =	sst s9;
	s0 =	simm.s32 @!p0 $0x0  }
0x12: {  	s1 =	sld [smem:$0x3F9B];
	s0 =	simm.s32 @p0 $0x1  }
0x13: {  	[smem:$0x3FB6] =	sst s0;
	s0 =	simm.s32 @!p1 $0x0  }
0x14: {  	s2 =	sld [smem:$0x3F9A];
	s0 =	simm.s32 @p1 $0x1  }
0x15: {  	[smem:$0x3FB7] =	sst s0;
	s0 =	simm.s32 @!p2 $0x0  }
0x16: {  	s3 =	sld [smem:$0x3FDB];
	s0 =	simm.s32 @p2 $0x1  }
0x17: {  	s4 =	simm.s32 $0x1BF5;
	[smem:$0x3FB9] =	sst s0  }
0x18: {  	s0 =	sld [smem:$0x3F9C];
	_ =	swait.ge [sflag:s4], $0x0  }
0x19: {  	s7 =	sld [smem:$0x3F9D]  }
0x1a: {  	s8 =	sadd.s32 $0xFFFFE003, lr  }
0x1b: {  	s9 =	sadd.s32 $0xFFFFFEF7, lr;
	s5 =	simm.s32 $0xFFFFFFFF;
	p2 =	slt.u32 s8, $0xFFFFF086  }
0x1c: {  	p1 =	slt.u32 s9, $0xF7A;
	s5 =	simm.s32 @!p2 $0x0  }
0x1d: {  	s5 =	simm.s32 @p1 $0x1;
	p0 =	seq.s32 s7, s2  }
0x1e: {  	s7 =	smul.u32 @!p0 $0xF7A, s2;
	p2 =	seq.s32 @!p0 s5, $0x0  }
0x1f: {  	s9 =	smul.u32 $0xF7A, s1;
	s8 =	simm.s32 @!p0 $0x1BF5;
	p2 =	por !p2, p0  }
0x20: {  	[sflag:s8] =	ssyncset.s32 @!p0 $0xFFFFF086;
	s6 =	sadd.s32 @!p0 s3, s7;
	s7 =	simm.s32 @!p0 $0x108  }
0x21: {  	s3 =	sadd.s32 s3, s9;
	s6 =	sadd.s32 @!p0 $0x88, s6;
	s7 =	simm.s32 @p2 $0x1082  }
0x22: {  	[simem:s7], [sflag:s8] =	dma.local @!p0 [hbm:s6], $0xF7A  }
0x23: {  	s9 =	sor.u32 $0xD0000000, s2;
	s6 =	simm.s32 $0x108;
	_ =	swait.ge @!p0 [sflag:s8], $0x0  }
0x24: {  	s3 =	sadd.s32 $0x88, s3;
	s6 =	simm.s32 @!p1 $0x1082;
	[sflag:s4] =	ssyncset.s32 $0xFFFFF086  }
0x25: {  	[simem:s6], [sflag:s4] =	dma.local [hbm:s3], $0xF7A  }
0x26: {  	[smem:$0x3F9D] =	sst s1;
	(tag) =	ssettag s2;
	_ =	strace s9  }
0x27: {  	s1 =	sld [smem:$0x3FAD]  }
0x28: {  	s2 =	sld [smem:$0x3FAE]  }
0x29: {  	s4 =	sld [smem:$0x3FB0]  }
0x2a: {  	p0 =	seq.s32 s5, $0x0;
	s5 =	sld [smem:$0x3FB1]  }
0x2b: {  	s6 =	sld [smem:$0x3FB2]  }
0x2c: {  	s7 =	sld [smem:$0x3FB3]  }
0x2d: {  	s3 =	simm.s32 $0x108;
	s8 =	sld [smem:$0x3FB4]  }
0x2e: {  	s3 =	simm.s32 @!p0 $0x1082;
	s9 =	sld [smem:$0x3FB5]  }
0x2f: {  	lr =	sadd.s32 s0, s3;
	s0 =	sld [smem:$0x3FAC]  }
0x30: {  	s3 =	sld [smem:$0x3FAF]  }
0x31: {  	[smem:$0x3FB8] =	sst s10  }
0x32: {  	s10 =	sld [smem:$0x3FB6];
	_ =	sdelay $0x3  }
0x33: {  	p0 =	seq.s32 s10, $0x1;
	s10 =	sld [smem:$0x3FB8];
	_ =	sdelay $0x3  }
0x34: {  	[smem:$0x3FB8] =	sst s10  }
0x35: {  	s10 =	sld [smem:$0x3FB7];
	_ =	sdelay $0x3  }
0x36: {  	p1 =	seq.s32 s10, $0x1;
	s10 =	sld [smem:$0x3FB8];
	_ =	sdelay $0x3  }
0x37: {  	[smem:$0x3FB8] =	sst s10  }
0x38: {  	s10 =	sld [smem:$0x3FB9]  }
0x39: {  	_ = 	snop;
	(pc) =	sbr.ind lr, $3  }
0x3a: {  	_ = 	snop  }
0x3b: {  	_ = 	snop  }
0x3c: {  	p2 =	seq.s32 s10, $0x1;
	s10 =	sld [smem:$0x3FB8]  }
0x3d: {  	_ =	shalt  }
0x3e: {  	_ =	shalt  }
0x3f: {  	_ =	shalt  }
0x40: {  	_ =	shalt  }
0x41: {  	_ =	shalt  }
0x42: {  	_ =	shalt  }
0x43: {  	_ =	shalt  }
0x44: {  	_ =	shalt  }
0x45: {  	_ =	shalt  }
0x46: {  	_ =	shalt  }
0x47: {  	_ =	shalt  }
0x48: {  	_ =	shalt  }
0x49: {  	_ =	shalt  }
0x4a: {  	_ =	shalt  }
0x4b: {  	_ =	shalt  }
0x4c: {  	_ =	shalt  }
0x4d: {  	_ =	shalt  }
0x4e: {  	_ =	shalt  }
0x4f: {  	_ =	shalt  }
0x50: {  	_ =	shalt  }
0x51: {  	_ =	shalt  }
0x52: {  	_ =	shalt  }
0x53: {  	_ =	shalt  }
0x54: {  	_ =	shalt  }
0x55: {  	_ =	shalt  }
0x56: {  	_ =	shalt  }
0x57: {  	_ =	shalt  }
0x58: {  	_ =	shalt  }
0x59: {  	_ =	shalt  }
0x5a: {  	_ =	shalt  }
0x5b: {  	_ =	shalt  }
0x5c: {  	_ =	shalt  }
0x5d: {  	_ =	shalt  }
0x5e: {  	_ =	shalt  }
0x5f: {  	_ =	shalt  }
0x60: {  	_ =	shalt  }
0x61: {  	_ =	shalt  }
0x62: {  	_ =	shalt  }
0x63: {  	_ =	shalt  }
0x64: {  	_ =	shalt  }
0x65: {  	_ =	shalt  }
0x66: {  	_ =	shalt  }
0x67: {  	_ =	shalt  }
0x68: {  	_ =	shalt  }
0x69: {  	_ =	shalt  }
0x6a: {  	_ =	shalt  }
0x6b: {  	_ =	shalt  }
0x6c: {  	_ =	shalt  }
0x6d: {  	_ =	shalt  }
0x6e: {  	_ =	shalt  }
0x6f: {  	_ =	shalt  }
0x70: {  	_ =	shalt  }
0x71: {  	_ =	shalt  }
0x72: {  	_ =	shalt  }
0x73: {  	_ =	shalt  }
0x74: {  	_ =	shalt  }
0x75: {  	_ =	shalt  }
0x76: {  	_ =	shalt  }
0x77: {  	_ =	shalt  }
0x78: {  	_ =	shalt  }
0x79: {  	_ =	shalt  }
0x7a: {  	_ =	shalt  }
0x7b: {  	_ =	shalt  }
0x7c: {  	_ =	shalt  }
0x7d: {  	_ =	shalt  }
0x7e: {  	_ =	shalt  }
0x7f: {  	_ =	shalt  }
0x80: {  	_ =	shalt  }
0x81: {  	_ =	shalt  }
0x82: {  	_ =	shalt  }
0x83: {  	_ =	shalt  }
0x84: {  	_ =	shalt  }
0x85: {  	_ =	shalt  }
0x86: {  	_ =	shalt  }
0x87: {  	_ =	shalt  }
.Lfunc_end0:
.L_simem_size_0:
called_computation.9_lowered:
.L_overlay_start_0:
0x88: {  	s2 =	sld [smem:$0x3FD9]  }
0x89: {  	s3 =	sld [smem:$0x3FFE];
	_ =	sdelay $0x1  }
0x8a: {  	s1 =	srdreg.scid  }
0x8b: {  	s0 =	sand.u32 $0x1, s1  }
0x8c: {  	s16 =	sshll.u32 s0, $0xA;
	s2 =	sadd.s32 s3, s2  }
0x8d: {  	s2 =	sadd.s32 s2, s16  }
0x8e: {  	[smem:$0x3FC4] =	sst s2  }
0x8f: {  	_ = 	snop  }
0x90: {  	(tm) =	ssettm $0x1  }
0x91: {  	s17 =	sld [smem:$0x3FFB];
	_ =	sdelay $0x3  }
0x92: {  	_ =	strace s17  }
0x93: {  	s2 =	sld [smem:$0x3FFC];
	_ =	sdelay $0x3  }
0x94: {  	_ =	strace s2  }
0x95: {  	s2 =	sld [smem:$0x3FFD];
	_ =	sdelay $0x3  }
0x96: {  	_ =	strace s2  }
0x97: {  	_ =	strace $0x8FFFFFFF  }
0x98: {  	s18 =	sld [smem:$0x3FDB];
	_ =	sdelay $0x1  }
0x99: {  	s19 =	simm.s32 $_scs_section_size  }
0x9a: {  	s4 =	simm.s32 $_size__tile_overlayer_lowered;
	s5 =	simm.s32 $_tile_overlayer_lowered  }
0x9b: {  	s22 =	simm.s32 $0x1BFF;
	s21 =	sshll.u32 s5, $0x1;
	s2 =	sadd.s32 s19, s18  }
0x9c: {  	s6 =	simm.s32 $0x0;
	s20 =	sshll.u32 s4, $0x1;
	s4 =	sadd.s32 s21, s2  }
0x9d: {  	[timem:s6], [sflag:s22] =	dma.local [hbm:s4], s20  }
0x9e: {  	_ =	swait.ge [sflag:s22], s20  }
0x9f: {  	s3 =	ssub.s32 $0x0, s20;
	[sflag:s22] =	ssyncset.done $0x0  }
0xa0: {  	[sflag:s22] =	ssyncadd.s32 s3;
	_ =	sdelay $0x1  }
0xa1: {  	s23 =	simm.s32 $0x1B8B  }
0xa2: {  	_ =	swait.ge [sflag:s23], $0x1  }
0xa3: {  	[sflag:s23] =	ssyncset.done $0x0  }
0xa4: {  	s25 =	simm.s32 $0x1B8E;
	s24 =	sld [smem:$0x3FFE];
	[sflag:s23] =	ssyncadd.s32 $0xFFFFFFFF  }
0xa5: {  	s26 =	simm.s32 $execute0_lowered;
	[smem:$0x3FD2] =	sst s25  }
0xa6: {  	s4 =	sshll.u32 s26, $0x1;
	_ =	strace $0x80000061;
	[dreg:$0x1] =	wrdreg $0xFFFFFFFF  }
0xa7: {  	s28 =	simm.s32 $_size_execute0_lowered;
	s2 =	sadd.s32 s2, s4;
	[dreg:$0x0] =	wrdreg $0x0  }
0xa8: {  	s4 =	sshll.u32 s28, $0x1;
	[dreg:$0x2] =	wrdreg s2  }
0xa9: {  	[dreg:$0x3] =	wrdreg s4  }
0xaa: {  	[dreg:$0x4] =	wrdreg $0xC0  }
0xab: {  	_ =	task [dreg:s6], $0x5FFFF  }
0xac: {  	[dreg:$0x1] =	wrdreg $0xFFFFFFFF  }
0xad: {  	[dreg:$0x0] =	wrdreg $0x60  }
0xae: {  	[dreg:$0x2] =	wrdreg s24  }
0xaf: {  	[dreg:$0x3] =	wrdreg $0x9  }
0xb0: {  	_ =	task.clear_ibuf [dreg:s6], $0x4FFFF;
	_ =	strace $0x90000061  }
0xb1: {  	s29 =	simm.s32 $0x9;
	_ =	strace $0x80000063  }
0xb2: {  	_ =	swait.ge [sflag:s29], $0x1  }
0xb3: {  	[sflag:s29] =	ssyncadd.s32 $0xFFFFFFFF  }
0xb4: {  	_ =	strace $0x90000063  }
0xb5: {  	_ =	sfence  }
0xb6: {  	s30 =	sld [smem:$0x0];
	_ =	sdelay $0x2  }
0xb7: {  	s31 =	sshll.u32 s1, $0xD;
	s1 =	sshrl.u32 s1, $0x2  }
0xb8: {  	s3 =	sand.u32 $0x4000, s31;
	s1 =	sadd.s32 s1, s30  }
0xb9: {  	s0 =	sor.u32 s3, s0;
	s1 =	sshll.u32 s1, $0x11  }
0xba: {  	s0 =	sor.u32 s1, s0  }
0xbb: {  	s0 =	sadd.s32 $0x8F2B, s0  }
0xbc: {  	[sflag:s0] =	ssyncadd.remote.s32 $0x1  }
0xbd: {  	_ =	sfence.sel $0xFFFF  }
0xbe: {  	[dreg:$0x0] =	wrdreg $0xFFFFFFFF;
	(pc) =	sbr.abs _section_cstart, $3  }
0xbf: {  	[dreg:$0x1] =	wrdreg $0xFFFFFFFF  }
0xc0: {  	_ =	task.clear_ibuf [dreg:s6], $0x2FFFF;
	_ =	strace $0x9FFFFFFF  }
0xc1: {  	(tm) =	ssettm $0x7FFFFFFF  }
tec
execute0_lowered:
.L_overlay_start_1:
0x0: {  	(tag) =	ssettag $0x1  }
0x1: {  	s0 =	srdreg.scid;
	s5 =	stileid.u32  }
0x2: {  	s1 =	rddreg [dreg:$0x0];
	s2 =	simm.s32 $0x0;
	s16 =	simm.s32 $0xC00  }
0x3: {  	s17 =	simm.s32 $0x1400;
	s18 =	simm.s32 $0x1C00;
	s19 =	simm.s32 $0x2400  }
0x4: {  	s20 =	simm.s32 $0x2C00;
	s21 =	simm.s32 $0x3400;
	[smem:$0x7FF] =	sst s2  }
0x5: {  	s22 =	simm.s32 $0x3C00;
	_ =	strace $0x80000062;
	[dreg:$0x3] =	wrdreg s16  }
0x6: {  	s7 =	simm.s32 $0x4400;
	s8 =	simm.s32 $0x4C00;
	[dreg:$0x4] =	wrdreg s17  }
0x7: {  	s23 =	simm.s32 $0x5400;
	s24 =	simm.s32 $0x5C00;
	[dreg:$0x5] =	wrdreg s18  }
0x8: {  	s9 =	simm.s32 $0x2;
	s25 =	simm.s32 $0x6400;
	[dreg:$0x6] =	wrdreg s19  }
0x9: {  	s10 =	simm.s32 $0x400;
	s26 =	simm.s32 $0x6C00;
	[dreg:$0x7] =	wrdreg s20  }
0xa: {  	s11 =	simm.s32 $0x7400;
	s12 =	simm.s32 $0x7C00;
	[dreg:$0x8] =	wrdreg s21  }
0xb: {  	s13 =	simm.s32 $0x8400;
	s28 =	simm.s32 $0xF400;
	[dreg:$0x9] =	wrdreg s22  }
0xc: {  	s29 =	simm.s32 $0xFC00;
	s30 =	simm.s32 $0x1;
	[dreg:$0xa] =	wrdreg s7  }
0xd: {  	s31 =	simm.s32 $0x0;
	s0 =	sand.u32 $0x1, s0;
	[dreg:$0xb] =	wrdreg s8  }
0xe: {  	s3 =	smul.u32 $0x3C000, s5;
	s5 =	sshll.u32 s5, $0x1;
	[dreg:$0xc] =	wrdreg s23  }
0xf: {  	s4 =	smul.u32 $0x1E000, s0;
	s5 =	sor.u32 s0, s5;
	[dreg:$0xd] =	wrdreg s24  }
0x10: {  	s0 =	ssub.s32 $0x2, s0;
	s7 =	sadd.s32 $0x3700, s1;
	[dreg:$0xe] =	wrdreg s25  }
0x11: {  	[dreg:$0xf] =	wrdreg s26;
	s16 =	simm.s32 $0x9C00;
	s17 =	simm.s32 $0xA400  }
0x12: {  	s18 =	simm.s32 $0xAC00;
	s19 =	simm.s32 $0xB400;
	s20 =	simm.s32 $0xBC00  }
0x13: {  	s21 =	simm.s32 $0xC400;
	s22 =	simm.s32 $0xCC00;
	s23 =	simm.s32 $0xD400  }
0x14: {  	s24 =	simm.s32 $0xDC00;
	s25 =	simm.s32 $0xE400;
	s26 =	simm.s32 $0xEC00  }
0x15: {  	s3 =	sadd.s32 s3, s1;
	s14 =	smul.u32 $0x3C0, s5;
	s6 =	sshrl.u32 s0, $0x1  }
0x16: {  	s5 =	sadd.s32 $0x3500, s1;
	s3 =	sadd.s32 s4, s3;
	s0 =	ssub.s32 s0, s6  }
0x17: {  	s6 =	sadd.s32 $0x3600, s1;
	s15 =	sadd.s32 $0x3C3400, s3;
	s4 =	sshrl.u32 s14, $0x3  }
0x18: {  	v2 =	vlaneseq.u32;
	s0 =	smax.u32 s0, $0x1;
	[dreg:$0x2] =	wrdreg s15;
	s4 =	sadd.s32 s4, s1  }
0x19: {  	vm0 =	vmmov $0xffff;
	v1 =	vshrl.u32 v2, $0x3;
	s3 =	sadd.s32 $0x3400, s1;
	[dreg:$0x11] =	wrdreg s0;
	s4 =	sadd.s32 $0x2400, s4  }
0x1a: {  	v0 =	vand.u32 $0x7, v2;
	v2 =	vor.u32 $0x8, v2;
	v1 =	vmul.u32 $0x8, v1;
	s14 =	simm.s32 $0x8C00;
	s15 =	simm.s32 $0x9400;
	[dreg:$0x10] =	wrdreg s4  }
.LBB2_1:
0x1b: {  	s0 =	rddreg [dreg:$0x10]  }
0x1c: {  	[tilespmem:s2], [sflag:$0x2] =	stream.linear.gather [hbm4b:s0+s2], $0x3C0, $0x38;
	[tilespmem:$0x10400] =	vst v63  }
0x1d: {  	_ =	swait.ge [sflag:s9], $0x3C0  }
0x1e: {  	[sflag:s9] =	ssyncset.done $0x0  }
0x1f: {  	s1 =	simm.s32 $0x20;
	s0 =	simm.s32 $0x0;
	[sflag:s9] =	ssyncadd.s32 $0xFFFFFC40  }
.LBB2_2:
0x20: {  	v3 =	vld [tilespmem:s1+$0xFFFFFFE0];
	_ =	sdelay $0x4  }
0x21: {  	v4 =	vshll.u32 v3, $0x3  }
0x22: {  	v3 =	vand.u32 $0x7, v3;
	v4 =	vand.u32 $0xFFFFFFC0, v4  }
0x23: {  	v3 =	vor.u32 v3, v4  }
0x24: {  	v4 =	vperm.xlane v3, v0;
	_ =	sdelay $0x1  }
0x25: {  	v4 =	vadd.s32 v1, v4;
	_ =	sdelay $0x4  }
0x26: {  	[tilespmem:s10], [sflag:$0x1] =	stream.indirect_vreg.gather [hbm4b:s3+s2], $0x80, v4, vm0, $0xb8;
	[tilespmem:$0x10400] =	vst v63  }
0x27: {  	s4 =	rddreg [dreg:$0x3];
	v3 =	vperm.xlane v3, v2  }
0x28: {  	[tilespmem:s4], [sflag:$0x1] =	stream.indirect_vreg.gather [hbm4b:s5+s2], $0x80, v4, vm0, $0xb8;
	[tilespmem:$0x10400] =	vst v63  }
0x29: {  	s8 =	rddreg [dreg:$0x4];
	v3 =	vadd.s32 v1, v3  }
0x2a: {  	[tilespmem:s8], [sflag:$0x1] =	stream.indirect_vreg.gather [hbm4b:s6+s2], $0x80, v4, vm0, $0xb8;
	[tilespmem:$0x10400] =	vst v63  }
0x2b: {  	s4 =	rddreg [dreg:$0x5]  }
0x2c: {  	[tilespmem:s4], [sflag:$0x1] =	stream.indirect_vreg.gather [hbm4b:s7+s2], $0x80, v4, vm0, $0xb8;
	[tilespmem:$0x10400] =	vst v63  }
0x2d: {  	s8 =	rddreg [dreg:$0x6]  }
0x2e: {  	[tilespmem:s8], [sflag:$0x1] =	stream.indirect_vreg.gather [hbm4b:s3+s2], $0x80, v3, vm0, $0xb8;
	[tilespmem:$0x10400] =	vst v63  }
0x2f: {  	s4 =	rddreg [dreg:$0x7]  }
0x30: {  	[tilespmem:s4], [sflag:$0x1] =	stream.indirect_vreg.gather [hbm4b:s5+s2], $0x80, v3, vm0, $0xb8;
	[tilespmem:$0x10400] =	vst v63  }
0x31: {  	s8 =	rddreg [dreg:$0x8]  }
0x32: {  	[tilespmem:s8], [sflag:$0x1] =	stream.indirect_vreg.gather [hbm4b:s6+s2], $0x80, v3, vm0, $0xb8;
	[tilespmem:$0x10400] =	vst v63  }
0x33: {  	s4 =	rddreg [dreg:$0x9]  }
0x34: {  	[tilespmem:s4], [sflag:$0x1] =	stream.indirect_vreg.gather [hbm4b:s7+s2], $0x80, v3, vm0, $0xb8;
	[tilespmem:$0x10400] =	vst v63  }
0x35: {  	v3 =	vld [tilespmem:s1+$0xFFFFFFF0];
	_ =	sdelay $0x4  }
0x36: {  	v61 =	vshll.u32 v3, $0x3  }
0x37: {  	v3 =	vand.u32 $0x7, v3;
	v4 =	vand.u32 $0xFFFFFFC0, v61  }
0x38: {  	v3 =	vor.u32 v3, v4  }
0x39: {  	v4 =	vperm.xlane v3, v0;
	_ =	sdelay $0x1  }
0x3a: {  	v4 =	vadd.s32 v1, v4;
	_ =	sdelay $0x3  }
0x3b: {  	s4 =	rddreg [dreg:$0xa]  }
0x3c: {  	[tilespmem:s4], [sflag:$0x1] =	stream.indirect_vreg.gather [hbm4b:s3+s2], $0x80, v4, vm0, $0xb8;
	[tilespmem:$0x10400] =	vst v63  }
0x3d: {  	s8 =	rddreg [dreg:$0xb];
	v3 =	vperm.xlane v3, v2  }
0x3e: {  	[tilespmem:s8], [sflag:$0x1] =	stream.indirect_vreg.gather [hbm4b:s5+s2], $0x80, v4, vm0, $0xb8;
	[tilespmem:$0x10400] =	vst v63  }
0x3f: {  	v3 =	vadd.s32 v1, v3;
	s4 =	rddreg [dreg:$0xc]  }
0x40: {  	[tilespmem:s4], [sflag:$0x1] =	stream.indirect_vreg.gather [hbm4b:s6+s2], $0x80, v4, vm0, $0xb8;
	[tilespmem:$0x10400] =	vst v63  }
0x41: {  	s8 =	rddreg [dreg:$0xd]  }
0x42: {  	[tilespmem:s8], [sflag:$0x1] =	stream.indirect_vreg.gather [hbm4b:s7+s2], $0x80, v4, vm0, $0xb8;
	[tilespmem:$0x10400] =	vst v63  }
0x43: {  	s4 =	rddreg [dreg:$0xe]  }
0x44: {  	[tilespmem:s4], [sflag:$0x1] =	stream.indirect_vreg.gather [hbm4b:s3+s2], $0x80, v3, vm0, $0xb8;
	[tilespmem:$0x10400] =	vst v63  }
0x45: {  	s8 =	rddreg [dreg:$0xf]  }
0x46: {  	[tilespmem:s8], [sflag:$0x1] =	stream.indirect_vreg.gather [hbm4b:s5+s2], $0x80, v3, vm0, $0xb8;
	[tilespmem:$0x10400] =	vst v63  }
0x47: {  	_ = 	snop  }
0x48: {  	[tilespmem:s11], [sflag:$0x1] =	stream.indirect_vreg.gather [hbm4b:s6+s2], $0x80, v3, vm0, $0xb8;
	[tilespmem:$0x10400] =	vst v63  }
0x49: {  	_ = 	snop  }
0x4a: {  	[tilespmem:s12], [sflag:$0x1] =	stream.indirect_vreg.gather [hbm4b:s7+s2], $0x80, v3, vm0, $0xb8;
	[tilespmem:$0x10400] =	vst v63  }
0x4b: {  	v3 =	vld [tilespmem:s1+$0x0];
	_ =	sdelay $0x4  }
0x4c: {  	v62 =	vshll.u32 v3, $0x3  }
0x4d: {  	v3 =	vand.u32 $0x7, v3;
	v4 =	vand.u32 $0xFFFFFFC0, v62  }
0x4e: {  	v3 =	vor.u32 v3, v4  }
0x4f: {  	v4 =	vperm.xlane v3, v0;
	_ =	sdelay $0x1  }
0x50: {  	v4 =	vadd.s32 v1, v4;
	_ =	sdelay $0x4  }
0x51: {  	[tilespmem:s13], [sflag:$0x1] =	stream.indirect_vreg.gather [hbm4b:s3+s2], $0x80, v4, vm0, $0xb8;
	[tilespmem:$0x10400] =	vst v63  }
0x52: {  	v3 =	vperm.xlane v3, v2  }
0x53: {  	[tilespmem:s14], [sflag:$0x1] =	stream.indirect_vreg.gather [hbm4b:s5+s2], $0x80, v4, vm0, $0xb8;
	[tilespmem:$0x10400] =	vst v63  }
0x54: {  	v3 =	vadd.s32 v1, v3  }
0x55: {  	[tilespmem:s15], [sflag:$0x1] =	stream.indirect_vreg.gather [hbm4b:s6+s2], $0x80, v4, vm0, $0xb8;
	[tilespmem:$0x10400] =	vst v63  }
0x56: {  	_ = 	snop  }
0x57: {  	[tilespmem:s16], [sflag:$0x1] =	stream.indirect_vreg.gather [hbm4b:s7+s2], $0x80, v4, vm0, $0xb8;
	[tilespmem:$0x10400] =	vst v63  }
0x58: {  	_ = 	snop  }
0x59: {  	[tilespmem:s17], [sflag:$0x1] =	stream.indirect_vreg.gather [hbm4b:s3+s2], $0x80, v3, vm0, $0xb8;
	[tilespmem:$0x10400] =	vst v63  }
0x5a: {  	_ = 	snop  }
0x5b: {  	[tilespmem:s18], [sflag:$0x1] =	stream.indirect_vreg.gather [hbm4b:s5+s2], $0x80, v3, vm0, $0xb8;
	[tilespmem:$0x10400] =	vst v63  }
0x5c: {  	_ = 	snop  }
0x5d: {  	[tilespmem:s19], [sflag:$0x1] =	stream.indirect_vreg.gather [hbm4b:s6+s2], $0x80, v3, vm0, $0xb8;
	[tilespmem:$0x10400] =	vst v63  }
0x5e: {  	_ = 	snop  }
0x5f: {  	[tilespmem:s20], [sflag:$0x1] =	stream.indirect_vreg.gather [hbm4b:s7+s2], $0x80, v3, vm0, $0xb8;
	[tilespmem:$0x10400] =	vst v63  }
0x60: {  	v3 =	vld [tilespmem:s1+$0x10];
	_ =	sdelay $0x4  }
0x61: {  	v63 =	vshll.u32 v3, $0x3  }
0x62: {  	v3 =	vand.u32 $0x7, v3;
	v4 =	vand.u32 $0xFFFFFFC0, v63  }
0x63: {  	v3 =	vor.u32 v3, v4  }
0x64: {  	v4 =	vperm.xlane v3, v0;
	_ =	sdelay $0x1  }
0x65: {  	v4 =	vadd.s32 v1, v4;
	_ =	sdelay $0x4  }
0x66: {  	[tilespmem:s21], [sflag:$0x1] =	stream.indirect_vreg.gather [hbm4b:s3+s2], $0x80, v4, vm0, $0xb8;
	[tilespmem:$0x10400] =	vst v63  }
0x67: {  	v3 =	vperm.xlane v3, v2  }
0x68: {  	[tilespmem:s22], [sflag:$0x1] =	stream.indirect_vreg.gather [hbm4b:s5+s2], $0x80, v4, vm0, $0xb8;
	[tilespmem:$0x10400] =	vst v63  }
0x69: {  	v3 =	vadd.s32 v1, v3  }
0x6a: {  	[tilespmem:s23], [sflag:$0x1] =	stream.indirect_vreg.gather [hbm4b:s6+s2], $0x80, v4, vm0, $0xb8;
	[tilespmem:$0x10400] =	vst v63  }
0x6b: {  	_ = 	snop  }
0x6c: {  	[tilespmem:s24], [sflag:$0x1] =	stream.indirect_vreg.gather [hbm4b:s7+s2], $0x80, v4, vm0, $0xb8;
	[tilespmem:$0x10400] =	vst v63  }
0x6d: {  	_ = 	snop  }
0x6e: {  	[tilespmem:s25], [sflag:$0x1] =	stream.indirect_vreg.gather [hbm4b:s3+s2], $0x80, v3, vm0, $0xb8;
	[tilespmem:$0x10400] =	vst v63  }
0x6f: {  	_ = 	snop  }
0x70: {  	[tilespmem:s26], [sflag:$0x1] =	stream.indirect_vreg.gather [hbm4b:s5+s2], $0x80, v3, vm0, $0xb8;
	[tilespmem:$0x10400] =	vst v63  }
0x71: {  	_ = 	snop  }
0x72: {  	[tilespmem:s28], [sflag:$0x1] =	stream.indirect_vreg.gather [hbm4b:s6+s2], $0x80, v3, vm0, $0xb8;
	[tilespmem:$0x10400] =	vst v63  }
0x73: {  	_ = 	snop  }
0x74: {  	[tilespmem:s29], [sflag:$0x1] =	stream.indirect_vreg.gather [hbm4b:s7+s2], $0x80, v3, vm0, $0xb8;
	[tilespmem:$0x10400] =	vst v63  }
0x75: {  	_ =	swait.ge [sflag:s30], $0x10000  }
0x76: {  	p0 =	sne.s32 s0, $0x1C000;
	s8 =	rddreg [dreg:$0x2];
	[sflag:s30] =	ssyncset.done $0x0  }
.Ltmp0:
0x77: {  	[sflag:s30] =	ssyncadd.s32 $0xFFFF0000;
	s4 =	sadd.s32 s0, s8;
	(pc) =	sbr.rel @p0 .LBB2_2-.Ltmp0, $4  }
0x78: {  	[hbm4b:s4+s2] =	stream.linear.scatter [tilespmem:s10], [sflag:$0x2], $0x10000, $0x38;
	[tilespmem:$0x10400] =	vst v63  }
0x79: {  	_ =	swait.ge [sflag:s9], $0x10000  }
0x7a: {  	[sflag:s9] =	ssyncset.done $0x0  }
0x7b: {  	s1 =	sadd.s32 $0x40, s1;
	s0 =	sadd.s32 $0x2000, s0;
	[sflag:s9] =	ssyncadd.s32 $0xFFFF0000  }
0x7c: {  	s31 =	sadd.s32 $0x1, s31;
	s0 =	rddreg [dreg:$0x11]  }
0x7d: {  	p0 =	sne.s32 s31, s0  }
.Ltmp1:
0x7e: {  	_ = 	snop;
	(pc) =	sbr.rel @p0 .LBB2_1-.Ltmp1, $1  }
0x7f: {  	_ =	sdelay $0x3  }
0x80: {  	_ =	sfence.sel $0x180000  }
0x81: {  	[bflag:$0x0] =	sbarrier.arrive $0xFFFF  }
0x82: {  	_ =	strace $0x90000062  }
0x83: {  	s0 =	stileid.u32;
	[bflag:$0x2] =	sbarrier.arrive $0xFFFF  }
0x84: {  	p0 =	sne.s32 s0, $0x0;
	s0 =	rddreg [dreg:$0x1]  }
0x85: {  	s0 =	sadd.s32 @!p0 $0x100000, s0  }
0x86: {  	[sflag:s0] =	ssyncadd.tile.s32 @!p0 $0x1;
	_ =	shalt  }
.Lfunc_end2:
_tile_overlayer_lowered:
.L_overlay_start_2:
0x87: {  	(tag) =	ssettag $0x2  }
0x88: {  	s0 =	rddreg [dreg:$0x0];
	s2 =	stileid.u32  }
0x89: {  	s1 =	rddreg [dreg:$0x1];
	p0 =	sne.s32 s2, $0x0  }
0x8a: {  	s3 =	rddreg [dreg:$0x2];
	[bflag:$0x3] =	sbarrier.arrive $0xFFFF;
	s2 =	simm.s32 @!p0 $0x1C02  }
0x8b: {  	[timem:s3], [sflag:s2] =	dma.local @!p0 [hbm:s0], s1  }
0x8c: {  	s0 =	simm.s32 @!p0 $0x2  }
0x8d: {  	_ =	swait.ge @!p0 [sflag:s0], s1  }
0x8e: {  	s1 =	ssub.s32 @!p0 $0x0, s1;
	[sflag:s0] =	ssyncset.done @!p0 $0x0  }
0x8f: {  	[sflag:s0] =	ssyncadd.s32 @!p0 s1  }
0x90: {  	[bflag:$0x3] =	sbarrier.arrive $0xFFFF  }
0x91: {  	_ =	shalt  }

</sc_bundles>
